<compile_context>
chip_gen: v7x
topology: tpu7x:2x2x1
jax: 0.10.2.dev20260603
libtpu: 0.0.44.dev20260713+nightly
codegen_flags: <defaults>
</compile_context>

<pallas_src>
import functools

import jax
import jax.numpy as jnp
from jax import lax
from jax.experimental import pallas as pl
from jax.experimental.pallas import tpu as pltpu
from jax.experimental.pallas import tpu_sc as plsc

N = 10000
E = 320000
DIN = 128
H1 = 8
F1 = 16
D1 = H1 * F1
NCLS = 40

RA1 = 144
RA2 = 48

NSC = 2
NTEC = 16
NW = NSC * NTEC
NPAD = 10240
ROWS = NPAD // NTEC
CB = 80
NBR = E // NW // CB
NBLK = 128
NDUM = NBLK - NBR

BLK = 2048
GRID = NPAD // BLK
BLK5 = 2000
GRID5 = N // BLK5

_f32 = jnp.float32


def _bcast_lane(v, k):
    idx = jnp.full((16, 1), k, jnp.int32)
    dn = lax.GatherDimensionNumbers(
        offset_dims=(), collapsed_slice_dims=(0,), start_index_map=(0,))
    return lax.gather(v, idx, dn, (1,),
                      mode=lax.GatherScatterMode.PROMISE_IN_BOUNDS)


def _s1_body(x_ref, w_ref, as_ref, ad_ref, tabA_ref, tabB_ref, mx_ref):
    i = pl.program_id(0)
    h = jnp.dot(x_ref[...], w_ref[...], preferred_element_type=_f32)
    row = i * BLK + lax.broadcasted_iota(jnp.int32, (BLK, 1), 0)
    h = jnp.where(row < N, h, 0.0)
    asrc = jnp.dot(h, as_ref[...], preferred_element_type=_f32)
    adst = jnp.dot(h, ad_ref[...], preferred_element_type=_f32)
    z = jnp.zeros((BLK, 8), _f32)
    tabA_ref[...] = jnp.concatenate([h, asrc, z], axis=1)
    tabB_ref[...] = jnp.concatenate([adst, z], axis=1)
    m = jnp.concatenate([jnp.max(asrc, axis=0, keepdims=True),
                         jnp.max(adst, axis=0, keepdims=True)], axis=1)

    @pl.when(i == 0)
    def _():
        mx_ref[...] = m

    @pl.when(i > 0)
    def _():
        mx_ref[...] = jnp.maximum(mx_ref[...], m)


def _stage1(x, W1, As, Ad):
    return pl.pallas_call(
        _s1_body,
        grid=(GRID,),
        in_specs=[
            pl.BlockSpec((BLK, DIN), lambda i: (i, 0)),
            pl.BlockSpec((DIN, D1), lambda i: (0, 0)),
            pl.BlockSpec((DIN, H1), lambda i: (0, 0)),
            pl.BlockSpec((DIN, H1), lambda i: (0, 0)),
        ],
        out_specs=[
            pl.BlockSpec((BLK, RA1), lambda i: (i, 0)),
            pl.BlockSpec((BLK, 16), lambda i: (i, 0)),
            pl.BlockSpec((1, 16), lambda i: (0, 0)),
        ],
        out_shape=[
            jax.ShapeDtypeStruct((NPAD, RA1), _f32),
            jax.ShapeDtypeStruct((NPAD, 16), _f32),
            jax.ShapeDtypeStruct((1, 16), _f32),
        ],
    )(x, W1, As, Ad)


def _edge_kernel_body(row_w, head_slots, tabA, tabB, ereal, edum, zrows, mvec,
                      out,
                      ei0, ei1, ei2, ei3, rowA0, rowA1, rowB0, rowB1, mv, acc,
                      semI0, semI1, semI2, semI3,
                      semA0, semA1, semB0, semB1, semS0, semS1):
    c = lax.axis_index("c")
    s = lax.axis_index("s")
    w = c * NTEC + s
    pltpu.sync_copy(zrows, acc.at[pl.ds(s * ROWS, ROWS)])
    pltpu.sync_copy(mvec, mv)
    plsc.subcore_barrier()
    mvv = mv[...]
    asl = row_w - 16

    ei = (ei0, ei1, ei2, ei3)
    semI = (semI0, semI1, semI2, semI3)
    rowA = (rowA0, rowA1)
    rowB = (rowB0, rowB1)
    semA = (semA0, semA1)
    semB = (semB0, semB1)
    semS = (semS0, semS1)

    def idx_start(b, j):
        @pl.when(b < NBR)
        def _():
            pltpu.async_copy(ereal.at[0, w, b], ei[j].at[0], semI[j])
            pltpu.async_copy(ereal.at[1, w, b], ei[j].at[1], semI[j])

        @pl.when(b >= NBR)
        def _():
            pltpu.async_copy(edum.at[0, b - NBR], ei[j].at[0], semI[j])
            pltpu.async_copy(edum.at[1, b - NBR], ei[j].at[1], semI[j])

    def idx_wait(j):
        pltpu.make_async_copy(edum.at[0, 0], ei[j].at[0], semI[j]).wait()
        pltpu.make_async_copy(edum.at[1, 0], ei[j].at[1], semI[j]).wait()

    def gatherA(b, p, j):
        return pltpu.make_async_copy(tabA.at[ei[j].at[0]], rowA[p], semA[p])

    def gatherB(b, p, j):
        return pltpu.make_async_copy(tabB.at[ei[j].at[1]], rowB[p], semB[p])

    def scatter(b, p, j):
        return pltpu.make_async_copy(rowA[p], acc.at[ei[j].at[1]], semS[p])

    def compute(p):
        ra_ref = rowA[p]
        rb_ref = rowB[p]

        nh = (row_w - 16) // 16

        @plsc.parallel_loop(0, CB, step=1, unroll=8 if head_slots == 1 else 2)
        def edge(e):
            ra = ra_ref[e, pl.ds(asl, 16)]
            rb = rb_ref[e, pl.ds(0, 16)]
            hv = [ra_ref[e, pl.ds(k * 16, 16)] for k in range(nh)]
            sv = ra + rb
            al = jnp.where(sv > 0, sv, 0.2 * sv)
            p_ = jnp.exp(al - mvv)
            if head_slots == 8:
                ra_ref[e, pl.ds(asl, 16)] = p_
                for k in range(nh):
                    pk = _bcast_lane(p_, k)
                    ra_ref[e, pl.ds(k * 16, 16)] = hv[k] * pk
            else:
                pk = _bcast_lane(p_, 9)
                ra_ref[e, pl.ds(asl, 16)] = ra * pk
                for k in range(nh):
                    ra_ref[e, pl.ds(k * 16, 16)] = hv[k] * pk

    idx_start(0, 0)
    idx_start(1, 1)
    idx_wait(0)
    gatherA(0, 0, 0).start()
    gatherB(0, 0, 0).start()

    def quad(i, carry):
        for u in range(4):
            b = 4 * i + u
            p = u % 2
            j = u
            jn = (u + 1) % 4
            jp = (u + 2) % 4
            jq = (u + 3) % 4

            @pl.when(b >= 1)
            def _(b=b, p=p, jq=jq):
                scatter(b - 1, 1 - p, jq).wait()

            @pl.when(b + 2 < NBLK)
            def _(b=b, jp=jp):
                idx_start(b + 2, jp)

            @pl.when(b + 1 < NBLK)
            def _(b=b, p=p, jn=jn):
                idx_wait(jn)
                gatherA(b + 1, 1 - p, jn).start()
                gatherB(b + 1, 1 - p, jn).start()

            gatherA(b, p, j).wait()
            gatherB(b, p, j).wait()
            compute(p)
            pltpu.async_copy(rowA[p], acc.at[ei[j].at[1]], semS[p], add=True)
        return carry

    lax.fori_loop(0, NBLK // 4, quad, 0)
    scatter(NBLK - 1, 1, 3).wait()
    plsc.subcore_barrier()
    pltpu.sync_copy(acc.at[pl.ds(s * ROWS, ROWS)],
                    out.at[c, pl.ds(s * ROWS, ROWS)])


def _edge_pass(row_w, head_slots, tabA, tabB, ereal, edum, zrows, mvec):
    mesh = plsc.VectorSubcoreMesh(core_axis_name="c", subcore_axis_name="s",
                                  num_cores=NSC, num_subcores=NTEC)
    body = functools.partial(_edge_kernel_body, row_w, head_slots)
    return pl.kernel(
        body,
        out_type=jax.ShapeDtypeStruct((NSC, NPAD, row_w), _f32),
        mesh=mesh,
        scratch_types=[
            pltpu.VMEM((2, CB), jnp.int32),
            pltpu.VMEM((2, CB), jnp.int32),
            pltpu.VMEM((2, CB), jnp.int32),
            pltpu.VMEM((2, CB), jnp.int32),
            pltpu.VMEM((CB, row_w), _f32),
            pltpu.VMEM((CB, row_w), _f32),
            pltpu.VMEM((CB, 16), _f32),
            pltpu.VMEM((CB, 16), _f32),
            pltpu.VMEM((16,), _f32),
            pltpu.VMEM_SHARED((NPAD, row_w), _f32),
            pltpu.SemaphoreType.DMA,
            pltpu.SemaphoreType.DMA,
            pltpu.SemaphoreType.DMA,
            pltpu.SemaphoreType.DMA,
            pltpu.SemaphoreType.DMA,
            pltpu.SemaphoreType.DMA,
            pltpu.SemaphoreType.DMA,
            pltpu.SemaphoreType.DMA,
            pltpu.SemaphoreType.DMA,
            pltpu.SemaphoreType.DMA,
        ],
        compiler_params=pltpu.CompilerParams(use_tc_tiling_on_sc=False),
    )(tabA, tabB, ereal, edum, zrows, mvec)


def _s3_body(acc_ref, b1_ref, r_ref, w2_ref, s2_ref, d2_ref,
             tabA_ref, tabB_ref, mx_ref):
    i = pl.program_id(0)
    num = acc_ref[0] + acc_ref[1]
    den = num[:, D1:D1 + H1]
    dw = jnp.dot(den, r_ref[...], preferred_element_type=_f32)
    o1 = num[:, :D1] / (dw + 1e-16) + b1_ref[...]
    o1 = jnp.where(o1 > 0, o1, jnp.exp(o1) - 1.0)
    h2 = jnp.dot(o1, w2_ref[...], preferred_element_type=_f32)
    a2s = jnp.dot(h2, s2_ref[...], preferred_element_type=_f32)
    a2d = jnp.dot(h2, d2_ref[...], preferred_element_type=_f32)
    one = jnp.ones((BLK, 1), _f32)
    z6 = jnp.zeros((BLK, 6), _f32)
    z9 = jnp.zeros((BLK, 9), _f32)
    tabA_ref[...] = jnp.concatenate([h2, one, a2s, z6], axis=1)
    tabB_ref[...] = jnp.concatenate([z9, a2d, z6], axis=1)
    m = jnp.concatenate(
        [jnp.max(a2s, axis=0, keepdims=True),
         jnp.max(a2d, axis=0, keepdims=True),
         jnp.zeros((1, 14), _f32)], axis=1)

    @pl.when(i == 0)
    def _():
        mx_ref[...] = m

    @pl.when(i > 0)
    def _():
        mx_ref[...] = jnp.maximum(mx_ref[...], m)


def _stage3(acc1, b1, R, W2, s2, d2):
    return pl.pallas_call(
        _s3_body,
        grid=(GRID,),
        in_specs=[
            pl.BlockSpec((NSC, BLK, RA1), lambda i: (0, i, 0)),
            pl.BlockSpec((1, D1), lambda i: (0, 0)),
            pl.BlockSpec((H1, D1), lambda i: (0, 0)),
            pl.BlockSpec((D1, NCLS), lambda i: (0, 0)),
            pl.BlockSpec((NCLS, 1), lambda i: (0, 0)),
            pl.BlockSpec((NCLS, 1), lambda i: (0, 0)),
        ],
        out_specs=[
            pl.BlockSpec((BLK, RA2), lambda i: (i, 0)),
            pl.BlockSpec((BLK, 16), lambda i: (i, 0)),
            pl.BlockSpec((1, 16), lambda i: (0, 0)),
        ],
        out_shape=[
            jax.ShapeDtypeStruct((NPAD, RA2), _f32),
            jax.ShapeDtypeStruct((NPAD, 16), _f32),
            jax.ShapeDtypeStruct((1, 16), _f32),
        ],
    )(acc1, b1, R, W2, s2, d2)


def _s5_body(acc_ref, b2_ref, out_ref):
    num = acc_ref[0] + acc_ref[1]
    den = num[:, NCLS:NCLS + 1]
    lg = num[:, :NCLS] / (den + 1e-16) + b2_ref[...]
    m = jnp.max(lg, axis=1, keepdims=True)
    ls = lg - m
    out_ref[...] = ls - jnp.log(jnp.sum(jnp.exp(ls), axis=1, keepdims=True))


def _stage5(acc2, b2):
    return pl.pallas_call(
        _s5_body,
        grid=(GRID5,),
        in_specs=[
            pl.BlockSpec((NSC, BLK5, RA2), lambda i: (0, i, 0)),
            pl.BlockSpec((1, NCLS), lambda i: (0, 0)),
        ],
        out_specs=pl.BlockSpec((BLK5, NCLS), lambda i: (i, 0)),
        out_shape=jax.ShapeDtypeStruct((N, NCLS), _f32),
    )(acc2, b2)


def kernel(x, edge_index, W1, att_src1, att_dst1, b1, W2, att_src2, att_dst2,
           b2):
    edge_index = edge_index.astype(jnp.int32)
    ereal = edge_index.reshape(2, NW, NBR, CB)
    padrow = N + jnp.arange(NDUM * CB, dtype=jnp.int32) % (NPAD - N)
    edum = jnp.broadcast_to(padrow.reshape(NDUM, CB), (2, NDUM, CB))

    eye = jnp.eye(H1, dtype=_f32)
    As = (att_src1[:, :, None] * eye[:, None, :]).reshape(D1, H1)
    Ad = (att_dst1[:, :, None] * eye[:, None, :]).reshape(D1, H1)
    R = jnp.repeat(eye, F1, axis=1)

    tabA1, tabB1, mx1 = _stage1(x, W1, As, Ad)
    m1 = jnp.maximum(mx1[0, :H1] + mx1[0, H1:], 0.0)
    mvec1 = jnp.concatenate([m1, jnp.zeros((8,), _f32)])
    zrows1 = jnp.zeros((ROWS, RA1), _f32)

    acc1 = _edge_pass(RA1, H1, tabA1, tabB1, ereal, edum, zrows1, mvec1)

    tabA2, tabB2, mx2 = _stage3(acc1, b1.reshape(1, D1), R, W2,
                                att_src2.reshape(NCLS, 1),
                                att_dst2.reshape(NCLS, 1))
    m2 = jnp.maximum(mx2[0, 0] + mx2[0, 1], 0.0)
    mvec2 = jnp.zeros((16,), _f32).at[9].set(m2)
    zrows2 = jnp.zeros((ROWS, RA2), _f32)

    acc2 = _edge_pass(RA2, 1, tabA2, tabB2, ereal, edum, zrows2, mvec2)

    return _stage5(acc2, b2.reshape(1, NCLS))

# --- scband reference (transcript-rebuilt; emitter-appended) ---
"""Pipeline reference for scband-gat-54520314855454 (READ-ONLY COPY).

The authoritative reference and input builder live on the scoring server;
editing this copy changes nothing except your own understanding.
"""

import jax, jax.numpy as jnp
import numpy as np

N_NODES = 10000
N_EDGES = 320000
D_IN = 128
HEADS1 = 8
OUT1 = 16
NUM_CLASSES = 40


def gat_conv(x, edge_index, W, att_src, att_dst, bias, heads, out_dim, negative_slope=0.2):
    # PyG-style GATConv with add_self_loops=False, bias=True, concat over heads
    N = x.shape[0]
    h = (x @ W).reshape(N, heads, out_dim)  # [N, H, F]
    alpha_src = (h * att_src[None, :, :]).sum(-1)  # [N, H]
    alpha_dst = (h * att_dst[None, :, :]).sum(-1)  # [N, H]
    src = edge_index[0]
    dst = edge_index[1]
    alpha = jax.nn.leaky_relu(alpha_src[src] + alpha_dst[dst], negative_slope)  # [E, H]
    # numerically-stable softmax over edges grouped by dst node
    amax = jax.ops.segment_max(alpha, dst, num_segments=N)  # [N, H]
    amax = jnp.where(jnp.isfinite(amax), amax, 0.0)
    ex = jnp.exp(alpha - amax[dst])  # [E, H]
    denom = jax.ops.segment_sum(ex, dst, num_segments=N)  # [N, H]
    attn = ex / (denom[dst] + 1e-16)  # [E, H]
    msg = h[src] * attn[:, :, None]  # [E, H, F]
    out = jax.ops.segment_sum(msg, dst, num_segments=N)  # [N, H, F]
    return out.reshape(N, heads * out_dim) + bias


def setup_inputs(seed: int = 0) -> dict:
    key = jax.random.key(seed)
    ks = jax.random.split(key, 12)
    x = jax.random.normal(ks[0], (N_NODES, D_IN), dtype=jnp.float32)
    edge_index = jax.random.randint(ks[1], (2, N_EDGES), 0, N_NODES, dtype=jnp.int64 if jax.config.jax_enable_x64 else jnp.int32)
    s1 = 1.0 / np.sqrt(D_IN)
    W1 = jax.random.uniform(ks[2], (D_IN, HEADS1 * OUT1), minval=-s1, maxval=s1, dtype=jnp.float32)
    att_src1 = jax.random.uniform(ks[3], (HEADS1, OUT1), minval=-s1, maxval=s1, dtype=jnp.float32)
    att_dst1 = jax.random.uniform(ks[4], (HEADS1, OUT1), minval=-s1, maxval=s1, dtype=jnp.float32)
    b1 = jnp.zeros((HEADS1 * OUT1,), dtype=jnp.float32)
    d2 = HEADS1 * OUT1
    s2 = 1.0 / np.sqrt(d2)
    W2 = jax.random.uniform(ks[5], (d2, NUM_CLASSES), minval=-s2, maxval=s2, dtype=jnp.float32)
    att_src2 = jax.random.uniform(ks[6], (1, NUM_CLASSES), minval=-s2, maxval=s2, dtype=jnp.float32)
    att_dst2 = jax.random.uniform(ks[7], (1, NUM_CLASSES), minval=-s2, maxval=s2, dtype=jnp.float32)
    b2 = jnp.zeros((NUM_CLASSES,), dtype=jnp.float32)
    return {
        "x": x, "edge_index": edge_index,
        "W1": W1, "att_src1": att_src1, "att_dst1": att_dst1, "b1": b1,
        "W2": W2, "att_src2": att_src2, "att_dst2": att_dst2, "b2": b2,
    }


def reference(x, edge_index, W1, att_src1, att_dst1, b1, W2, att_src2, att_dst2, b2):
    h = gat_conv(x, edge_index, W1, att_src1, att_dst1, b1, HEADS1, OUT1)
    h = jax.nn.elu(h)
    h = gat_conv(h, edge_index, W2, att_src2, att_dst2, b2, 1, NUM_CLASSES)
    return jax.nn.log_softmax(h, axis=1)

if __name__ == "__main__":
    import jax
    _d = setup_inputs()
    print(jax.jit(kernel)(*tuple(_d.values())))

</pallas_src>

<mosaic_0001>
#map = affine_map<(d0, d1) -> (0, 0)>
#map1 = affine_map<(d0, d1) -> (0, 0, 0, 0)>
#map2 = affine_map<(d0, d1) -> (0, 0, 0)>
#map3 = affine_map<(d0, d1) -> (0)>
module attributes {stable_mosaic.version = 14 : i64} {
  func.func @_edge_kernel_body(%arg0: i32, %arg1: i32, %arg2: memref<10240x144xf32, #tpu.memory_space<hbm>>, %arg3: memref<10240x16xf32, #tpu.memory_space<hbm>>, %arg4: memref<2x32x125x80xi32, #tpu.memory_space<hbm>>, %arg5: memref<2x3x80xi32, #tpu.memory_space<hbm>>, %arg6: memref<640x144xf32, #tpu.memory_space<hbm>>, %arg7: memref<16xf32, #tpu.memory_space<hbm>>, %arg8: memref<2x10240x144xf32, #tpu.memory_space<hbm>>, %arg9: memref<2x80xi32, #tpu.memory_space<vmem>>, %arg10: memref<2x80xi32, #tpu.memory_space<vmem>>, %arg11: memref<2x80xi32, #tpu.memory_space<vmem>>, %arg12: memref<2x80xi32, #tpu.memory_space<vmem>>, %arg13: memref<80x144xf32, #tpu.memory_space<vmem>>, %arg14: memref<80x144xf32, #tpu.memory_space<vmem>>, %arg15: memref<80x16xf32, #tpu.memory_space<vmem>>, %arg16: memref<80x16xf32, #tpu.memory_space<vmem>>, %arg17: memref<16xf32, #tpu.memory_space<vmem>>, %arg18: memref<10240x144xf32, #tpu.memory_space<vmem_shared>>, %arg19: memref<!tpu.dma_semaphore, #tpu.memory_space<semaphore_mem>>, %arg20: memref<!tpu.dma_semaphore, #tpu.memory_space<semaphore_mem>>, %arg21: memref<!tpu.dma_semaphore, #tpu.memory_space<semaphore_mem>>, %arg22: memref<!tpu.dma_semaphore, #tpu.memory_space<semaphore_mem>>, %arg23: memref<!tpu.dma_semaphore, #tpu.memory_space<semaphore_mem>>, %arg24: memref<!tpu.dma_semaphore, #tpu.memory_space<semaphore_mem>>, %arg25: memref<!tpu.dma_semaphore, #tpu.memory_space<semaphore_mem>>, %arg26: memref<!tpu.dma_semaphore, #tpu.memory_space<semaphore_mem>>, %arg27: memref<!tpu.dma_semaphore, #tpu.memory_space<semaphore_mem>>, %arg28: memref<!tpu.dma_semaphore, #tpu.memory_space<semaphore_mem>>) attributes {dimension_semantics = [#tpu.dimension_semantics<core_parallel>, #tpu.dimension_semantics<subcore_parallel>], iteration_bounds = array<i64: 2, 16>, scalar_prefetch = 0 : i64, scratch_operands = 20 : i64, tpu.core_type = #tpu.core_type<sc_vector_subcore>, window_params = [{transform_indices = #map}, {transform_indices = #map}, {transform_indices = #map1}, {transform_indices = #map2}, {transform_indices = #map}, {transform_indices = #map3}, {transform_indices = #map2}]} {
    %mul3A = arith.constant 16 : i32
    %mul3A_0 = arith.muli %arg0, %mul3A : i32
    %add3A = arith.addi %mul3A_0, %arg1 : i32
    %mul3A_1 = arith.constant 640 : i32
    %mul3A_2 = arith.muli %arg1, %mul3A_1 : i32
    "tpu.region"() ({
      %run_scoped3A = tpu.sem_alloc : memref<!tpu.dma_semaphore, #tpu.memory_space<semaphore_mem>>
      %dma_start3A_124 = arith.constant 0 : i32
      %dma_start3A_125 = tpu.memref_slice %arg18[%mul3A_2, %dma_start3A_124] : memref<10240x144xf32, #tpu.memory_space<vmem_shared>> -> memref<640x144xf32, #tpu.memory_space<vmem_shared>>
      tpu.enqueue_dma source(%arg6 : memref<640x144xf32, #tpu.memory_space<hbm>>) target(%dma_start3A_125 : memref<640x144xf32, #tpu.memory_space<vmem_shared>>) target_semaphore(%run_scoped3A : memref<!tpu.dma_semaphore, #tpu.memory_space<semaphore_mem>>)
      %dma_wait3A_126 = arith.constant 0 : i32
      %dma_wait3A_127 = tpu.memref_slice %arg18[%mul3A_2, %dma_wait3A_126] : memref<10240x144xf32, #tpu.memory_space<vmem_shared>> -> memref<640x144xf32, #tpu.memory_space<vmem_shared>>
      tpu.wait_dma2 semaphore(%run_scoped3A : memref<!tpu.dma_semaphore, #tpu.memory_space<semaphore_mem>>) src(%arg6 : memref<640x144xf32, #tpu.memory_space<hbm>>) dst(%dma_wait3A_127 : memref<640x144xf32, #tpu.memory_space<vmem_shared>>)
      tpu.yield
    }) : () -> ()
    "tpu.region"() ({
      %run_scoped3A = tpu.sem_alloc : memref<!tpu.dma_semaphore, #tpu.memory_space<semaphore_mem>>
      tpu.enqueue_dma source(%arg7 : memref<16xf32, #tpu.memory_space<hbm>>) target(%arg17 : memref<16xf32, #tpu.memory_space<vmem>>) target_semaphore(%run_scoped3A : memref<!tpu.dma_semaphore, #tpu.memory_space<semaphore_mem>>)
      tpu.wait_dma2 semaphore(%run_scoped3A : memref<!tpu.dma_semaphore, #tpu.memory_space<semaphore_mem>>) src(%arg7 : memref<16xf32, #tpu.memory_space<hbm>>) dst(%arg17 : memref<16xf32, #tpu.memory_space<vmem>>)
      tpu.yield
    }) : () -> ()
    %barrier3A = arith.constant 0 : index
    tpu.barrier barrier_id(%barrier3A)
    %get3A = arith.constant 0 : index
    %get3A_3 = tpu.vector_load %arg17[%get3A] {strides = array<i32>} : memref<16xf32, #tpu.memory_space<vmem>>, vector<16xf32>,
    %get3A_4 = vector.shape_cast %get3A_3 : vector<16xf32> to vector<16xf32>
    %dma_start3A = arith.constant 0 : i32
    %dma_start3A_5 = arith.constant 0 : i32
    %dma_start3A_6 = arith.constant 0 : i32
    %dma_start3A_7 = arith.constant 0 : i32
    %dma_start3A_8 = tpu.memref_slice %arg9[%dma_start3A_6, %dma_start3A_7] : memref<2x80xi32, #tpu.memory_space<vmem>> -> memref<1x80xi32, #tpu.memory_space<vmem>>
    %dma_start3A_9 = tpu.memref_squeeze %dma_start3A_8 : memref<1x80xi32, #tpu.memory_space<vmem>> -> memref<80xi32, #tpu.memory_space<vmem>>
    %dma_start3A_10 = arith.constant 0 : i32
    %dma_start3A_11 = tpu.memref_slice %arg4[%dma_start3A, %add3A, %dma_start3A_5, %dma_start3A_10] : memref<2x32x125x80xi32, #tpu.memory_space<hbm>> -> memref<1x1x1x80xi32, #tpu.memory_space<hbm>>
    %dma_start3A_12 = tpu.memref_squeeze %dma_start3A_11 : memref<1x1x1x80xi32, #tpu.memory_space<hbm>> -> memref<80xi32, #tpu.memory_space<hbm>>
    %dma_start3A_13 = arith.constant 0 : i32
    %dma_start3A_14 = tpu.memref_slice %arg9[%dma_start3A_6, %dma_start3A_13] : memref<2x80xi32, #tpu.memory_space<vmem>> -> memref<1x80xi32, #tpu.memory_space<vmem>>
    %dma_start3A_15 = tpu.memref_squeeze %dma_start3A_14 : memref<1x80xi32, #tpu.memory_space<vmem>> -> memref<80xi32, #tpu.memory_space<vmem>>
    %dma_start3A_16 = arith.constant 0 : i32
    %dma_start3A_17 = tpu.memref_slice %arg4[%dma_start3A, %add3A, %dma_start3A_5, %dma_start3A_16] : memref<2x32x125x80xi32, #tpu.memory_space<hbm>> -> memref<1x1x1x80xi32, #tpu.memory_space<hbm>>
    %dma_start3A_18 = tpu.memref_squeeze %dma_start3A_17 : memref<1x1x1x80xi32, #tpu.memory_space<hbm>> -> memref<80xi32, #tpu.memory_space<hbm>>
    tpu.enqueue_dma source(%dma_start3A_18 : memref<80xi32, #tpu.memory_space<hbm>>) target(%dma_start3A_15 : memref<80xi32, #tpu.memory_space<vmem>>) target_semaphore(%arg19 : memref<!tpu.dma_semaphore, #tpu.memory_space<semaphore_mem>>)
    %dma_start3A_19 = arith.constant 1 : i32
    %dma_start3A_20 = arith.constant 0 : i32
    %dma_start3A_21 = arith.constant 1 : i32
    %dma_start3A_22 = arith.constant 0 : i32
    %dma_start3A_23 = tpu.memref_slice %arg9[%dma_start3A_21, %dma_start3A_22] : memref<2x80xi32, #tpu.memory_space<vmem>> -> memref<1x80xi32, #tpu.memory_space<vmem>>
    %dma_start3A_24 = tpu.memref_squeeze %dma_start3A_23 : memref<1x80xi32, #tpu.memory_space<vmem>> -> memref<80xi32, #tpu.memory_space<vmem>>
    %dma_start3A_25 = arith.constant 0 : i32
    %dma_start3A_26 = tpu.memref_slice %arg4[%dma_start3A_19, %add3A, %dma_start3A_20, %dma_start3A_25] : memref<2x32x125x80xi32, #tpu.memory_space<hbm>> -> memref<1x1x1x80xi32, #tpu.memory_space<hbm>>
    %dma_start3A_27 = tpu.memref_squeeze %dma_start3A_26 : memref<1x1x1x80xi32, #tpu.memory_space<hbm>> -> memref<80xi32, #tpu.memory_space<hbm>>
    %dma_start3A_28 = arith.constant 0 : i32
    %dma_start3A_29 = tpu.memref_slice %arg9[%dma_start3A_21, %dma_start3A_28] : memref<2x80xi32, #tpu.memory_space<vmem>> -> memref<1x80xi32, #tpu.memory_space<vmem>>
    %dma_start3A_30 = tpu.memref_squeeze %dma_start3A_29 : memref<1x80xi32, #tpu.memory_space<vmem>> -> memref<80xi32, #tpu.memory_space<vmem>>
    %dma_start3A_31 = arith.constant 0 : i32
    %dma_start3A_32 = tpu.memref_slice %arg4[%dma_start3A_19, %add3A, %dma_start3A_20, %dma_start3A_31] : memref<2x32x125x80xi32, #tpu.memory_space<hbm>> -> memref<1x1x1x80xi32, #tpu.memory_space<hbm>>
    %dma_start3A_33 = tpu.memref_squeeze %dma_start3A_32 : memref<1x1x1x80xi32, #tpu.memory_space<hbm>> -> memref<80xi32, #tpu.memory_space<hbm>>
    tpu.enqueue_dma source(%dma_start3A_33 : memref<80xi32, #tpu.memory_space<hbm>>) target(%dma_start3A_30 : memref<80xi32, #tpu.memory_space<vmem>>) target_semaphore(%arg19 : memref<!tpu.dma_semaphore, #tpu.memory_space<semaphore_mem>>)
    %dma_start3A_34 = arith.constant 0 : i32
    %dma_start3A_35 = arith.constant 1 : i32
    %dma_start3A_36 = arith.constant 0 : i32
    %dma_start3A_37 = arith.constant 0 : i32
    %dma_start3A_38 = tpu.memref_slice %arg10[%dma_start3A_36, %dma_start3A_37] : memref<2x80xi32, #tpu.memory_space<vmem>> -> memref<1x80xi32, #tpu.memory_space<vmem>>
    %dma_start3A_39 = tpu.memref_squeeze %dma_start3A_38 : memref<1x80xi32, #tpu.memory_space<vmem>> -> memref<80xi32, #tpu.memory_space<vmem>>
    %dma_start3A_40 = arith.constant 0 : i32
    %dma_start3A_41 = tpu.memref_slice %arg4[%dma_start3A_34, %add3A, %dma_start3A_35, %dma_start3A_40] : memref<2x32x125x80xi32, #tpu.memory_space<hbm>> -> memref<1x1x1x80xi32, #tpu.memory_space<hbm>>
    %dma_start3A_42 = tpu.memref_squeeze %dma_start3A_41 : memref<1x1x1x80xi32, #tpu.memory_space<hbm>> -> memref<80xi32, #tpu.memory_space<hbm>>
    %dma_start3A_43 = arith.constant 0 : i32
    %dma_start3A_44 = tpu.memref_slice %arg10[%dma_start3A_36, %dma_start3A_43] : memref<2x80xi32, #tpu.memory_space<vmem>> -> memref<1x80xi32, #tpu.memory_space<vmem>>
    %dma_start3A_45 = tpu.memref_squeeze %dma_start3A_44 : memref<1x80xi32, #tpu.memory_space<vmem>> -> memref<80xi32, #tpu.memory_space<vmem>>
    %dma_start3A_46 = arith.constant 0 : i32
    %dma_start3A_47 = tpu.memref_slice %arg4[%dma_start3A_34, %add3A, %dma_start3A_35, %dma_start3A_46] : memref<2x32x125x80xi32, #tpu.memory_space<hbm>> -> memref<1x1x1x80xi32, #tpu.memory_space<hbm>>
    %dma_start3A_48 = tpu.memref_squeeze %dma_start3A_47 : memref<1x1x1x80xi32, #tpu.memory_space<hbm>> -> memref<80xi32, #tpu.memory_space<hbm>>
    tpu.enqueue_dma source(%dma_start3A_48 : memref<80xi32, #tpu.memory_space<hbm>>) target(%dma_start3A_45 : memref<80xi32, #tpu.memory_space<vmem>>) target_semaphore(%arg20 : memref<!tpu.dma_semaphore, #tpu.memory_space<semaphore_mem>>)
    %dma_start3A_49 = arith.constant 1 : i32
    %dma_start3A_50 = arith.constant 1 : i32
    %dma_start3A_51 = arith.constant 1 : i32
    %dma_start3A_52 = arith.constant 0 : i32
    %dma_start3A_53 = tpu.memref_slice %arg10[%dma_start3A_51, %dma_start3A_52] : memref<2x80xi32, #tpu.memory_space<vmem>> -> memref<1x80xi32, #tpu.memory_space<vmem>>
    %dma_start3A_54 = tpu.memref_squeeze %dma_start3A_53 : memref<1x80xi32, #tpu.memory_space<vmem>> -> memref<80xi32, #tpu.memory_space<vmem>>
    %dma_start3A_55 = arith.constant 0 : i32
    %dma_start3A_56 = tpu.memref_slice %arg4[%dma_start3A_49, %add3A, %dma_start3A_50, %dma_start3A_55] : memref<2x32x125x80xi32, #tpu.memory_space<hbm>> -> memref<1x1x1x80xi32, #tpu.memory_space<hbm>>
    %dma_start3A_57 = tpu.memref_squeeze %dma_start3A_56 : memref<1x1x1x80xi32, #tpu.memory_space<hbm>> -> memref<80xi32, #tpu.memory_space<hbm>>
    %dma_start3A_58 = arith.constant 0 : i32
    %dma_start3A_59 = tpu.memref_slice %arg10[%dma_start3A_51, %dma_start3A_58] : memref<2x80xi32, #tpu.memory_space<vmem>> -> memref<1x80xi32, #tpu.memory_space<vmem>>
    %dma_start3A_60 = tpu.memref_squeeze %dma_start3A_59 : memref<1x80xi32, #tpu.memory_space<vmem>> -> memref<80xi32, #tpu.memory_space<vmem>>
    %dma_start3A_61 = arith.constant 0 : i32
    %dma_start3A_62 = tpu.memref_slice %arg4[%dma_start3A_49, %add3A, %dma_start3A_50, %dma_start3A_61] : memref<2x32x125x80xi32, #tpu.memory_space<hbm>> -> memref<1x1x1x80xi32, #tpu.memory_space<hbm>>
    %dma_start3A_63 = tpu.memref_squeeze %dma_start3A_62 : memref<1x1x1x80xi32, #tpu.memory_space<hbm>> -> memref<80xi32, #tpu.memory_space<hbm>>
    tpu.enqueue_dma source(%dma_start3A_63 : memref<80xi32, #tpu.memory_space<hbm>>) target(%dma_start3A_60 : memref<80xi32, #tpu.memory_space<vmem>>) target_semaphore(%arg20 : memref<!tpu.dma_semaphore, #tpu.memory_space<semaphore_mem>>)
    %dma_wait3A = arith.constant 0 : i32
    %dma_wait3A_64 = arith.constant 0 : i32
    %dma_wait3A_65 = arith.constant 0 : i32
    %dma_wait3A_66 = arith.constant 0 : i32
    %dma_wait3A_67 = tpu.memref_slice %arg9[%dma_wait3A_65, %dma_wait3A_66] : memref<2x80xi32, #tpu.memory_space<vmem>> -> memref<1x80xi32, #tpu.memory_space<vmem>>
    %dma_wait3A_68 = tpu.memref_squeeze %dma_wait3A_67 : memref<1x80xi32, #tpu.memory_space<vmem>> -> memref<80xi32, #tpu.memory_space<vmem>>
    %dma_wait3A_69 = arith.constant 0 : i32
    %dma_wait3A_70 = tpu.memref_slice %arg5[%dma_wait3A, %dma_wait3A_64, %dma_wait3A_69] : memref<2x3x80xi32, #tpu.memory_space<hbm>> -> memref<1x1x80xi32, #tpu.memory_space<hbm>>
    %dma_wait3A_71 = tpu.memref_squeeze %dma_wait3A_70 : memref<1x1x80xi32, #tpu.memory_space<hbm>> -> memref<80xi32, #tpu.memory_space<hbm>>
    %dma_wait3A_72 = arith.constant 0 : i32
    %dma_wait3A_73 = tpu.memref_slice %arg9[%dma_wait3A_65, %dma_wait3A_72] : memref<2x80xi32, #tpu.memory_space<vmem>> -> memref<1x80xi32, #tpu.memory_space<vmem>>
    %dma_wait3A_74 = tpu.memref_squeeze %dma_wait3A_73 : memref<1x80xi32, #tpu.memory_space<vmem>> -> memref<80xi32, #tpu.memory_space<vmem>>
    %dma_wait3A_75 = arith.constant 0 : i32
    %dma_wait3A_76 = tpu.memref_slice %arg5[%dma_wait3A, %dma_wait3A_64, %dma_wait3A_75] : memref<2x3x80xi32, #tpu.memory_space<hbm>> -> memref<1x1x80xi32, #tpu.memory_space<hbm>>
    %dma_wait3A_77 = tpu.memref_squeeze %dma_wait3A_76 : memref<1x1x80xi32, #tpu.memory_space<hbm>> -> memref<80xi32, #tpu.memory_space<hbm>>
    tpu.wait_dma2 semaphore(%arg19 : memref<!tpu.dma_semaphore, #tpu.memory_space<semaphore_mem>>) src(%dma_wait3A_77 : memref<80xi32, #tpu.memory_space<hbm>>) dst(%dma_wait3A_74 : memref<80xi32, #tpu.memory_space<vmem>>)
    %dma_wait3A_78 = arith.constant 1 : i32
    %dma_wait3A_79 = arith.constant 0 : i32
    %dma_wait3A_80 = arith.constant 1 : i32
    %dma_wait3A_81 = arith.constant 0 : i32
    %dma_wait3A_82 = tpu.memref_slice %arg9[%dma_wait3A_80, %dma_wait3A_81] : memref<2x80xi32, #tpu.memory_space<vmem>> -> memref<1x80xi32, #tpu.memory_space<vmem>>
    %dma_wait3A_83 = tpu.memref_squeeze %dma_wait3A_82 : memref<1x80xi32, #tpu.memory_space<vmem>> -> memref<80xi32, #tpu.memory_space<vmem>>
    %dma_wait3A_84 = arith.constant 0 : i32
    %dma_wait3A_85 = tpu.memref_slice %arg5[%dma_wait3A_78, %dma_wait3A_79, %dma_wait3A_84] : memref<2x3x80xi32, #tpu.memory_space<hbm>> -> memref<1x1x80xi32, #tpu.memory_space<hbm>>
    %dma_wait3A_86 = tpu.memref_squeeze %dma_wait3A_85 : memref<1x1x80xi32, #tpu.memory_space<hbm>> -> memref<80xi32, #tpu.memory_space<hbm>>
    %dma_wait3A_87 = arith.constant 0 : i32
    %dma_wait3A_88 = tpu.memref_slice %arg9[%dma_wait3A_80, %dma_wait3A_87] : memref<2x80xi32, #tpu.memory_space<vmem>> -> memref<1x80xi32, #tpu.memory_space<vmem>>
    %dma_wait3A_89 = tpu.memref_squeeze %dma_wait3A_88 : memref<1x80xi32, #tpu.memory_space<vmem>> -> memref<80xi32, #tpu.memory_space<vmem>>
    %dma_wait3A_90 = arith.constant 0 : i32
    %dma_wait3A_91 = tpu.memref_slice %arg5[%dma_wait3A_78, %dma_wait3A_79, %dma_wait3A_90] : memref<2x3x80xi32, #tpu.memory_space<hbm>> -> memref<1x1x80xi32, #tpu.memory_space<hbm>>
    %dma_wait3A_92 = tpu.memref_squeeze %dma_wait3A_91 : memref<1x1x80xi32, #tpu.memory_space<hbm>> -> memref<80xi32, #tpu.memory_space<hbm>>
    tpu.wait_dma2 semaphore(%arg19 : memref<!tpu.dma_semaphore, #tpu.memory_space<semaphore_mem>>) src(%dma_wait3A_92 : memref<80xi32, #tpu.memory_space<hbm>>) dst(%dma_wait3A_89 : memref<80xi32, #tpu.memory_space<vmem>>)
    %dma_start3A_93 = arith.constant 0 : i32
    %dma_start3A_94 = arith.constant 0 : i32
    %dma_start3A_95 = tpu.memref_slice %arg9[%dma_start3A_93, %dma_start3A_94] : memref<2x80xi32, #tpu.memory_space<vmem>> -> memref<1x80xi32, #tpu.memory_space<vmem>>
    %dma_start3A_96 = tpu.memref_squeeze %dma_start3A_95 : memref<1x80xi32, #tpu.memory_space<vmem>> -> memref<80xi32, #tpu.memory_space<vmem>>
    %dma_start3A_97 = arith.constant 0 : i32
    %dma_start3A_98 = arith.constant 0 : i32
    %dma_start3A_99 = tpu.memref_slice %arg2[%dma_start3A_97, %dma_start3A_98] : memref<10240x144xf32, #tpu.memory_space<hbm>> -> memref<10240x144xf32, #tpu.memory_space<hbm>>
    tpu.enqueue_indirect_dma source(%dma_start3A_99 : memref<10240x144xf32, #tpu.memory_space<hbm>>) target(%arg13 : memref<80x144xf32, #tpu.memory_space<vmem>>) offsets(%dma_start3A_96 : memref<80xi32, #tpu.memory_space<vmem>>) semaphore(%arg23 : memref<!tpu.dma_semaphore, #tpu.memory_space<semaphore_mem>>)
    %dma_start3A_100 = arith.constant 1 : i32
    %dma_start3A_101 = arith.constant 0 : i32
    %dma_start3A_102 = tpu.memref_slice %arg9[%dma_start3A_100, %dma_start3A_101] : memref<2x80xi32, #tpu.memory_space<vmem>> -> memref<1x80xi32, #tpu.memory_space<vmem>>
    %dma_start3A_103 = tpu.memref_squeeze %dma_start3A_102 : memref<1x80xi32, #tpu.memory_space<vmem>> -> memref<80xi32, #tpu.memory_space<vmem>>
    %dma_start3A_104 = arith.constant 0 : i32
    %dma_start3A_105 = arith.constant 0 : i32
    %dma_start3A_106 = tpu.memref_slice %arg3[%dma_start3A_104, %dma_start3A_105] : memref<10240x16xf32, #tpu.memory_space<hbm>> -> memref<10240x16xf32, #tpu.memory_space<hbm>>
    tpu.enqueue_indirect_dma source(%dma_start3A_106 : memref<10240x16xf32, #tpu.memory_space<hbm>>) target(%arg15 : memref<80x16xf32, #tpu.memory_space<vmem>>) offsets(%dma_start3A_103 : memref<80xi32, #tpu.memory_space<vmem>>) semaphore(%arg25 : memref<!tpu.dma_semaphore, #tpu.memory_space<semaphore_mem>>)
    %scan3A = arith.constant 0 : i32
    %scan3A_107 = arith.constant 0 : i32
    %scan3A_108 = arith.constant 32 : i32
    %scan3A_109 = arith.addi %scan3A_107, %scan3A_108 : i32
    %scan3A_110 = arith.constant 1 : i32
    scf.for %scan3A_124 = %scan3A_107 to %scan3A_109 step %scan3A_110  : i32 {
      %mul3A_125 = arith.constant 4 : i32
      %mul3A_126 = arith.muli %mul3A_125, %scan3A_124 : i32
      %add3A_127 = arith.constant 0 : i32
      %add3A_128 = arith.addi %mul3A_126, %add3A_127 : i32
      %ge3A = arith.constant 1 : i32
      %ge3A_129 = arith.cmpi sge, %add3A_128, %ge3A : i32
      %convert_element_type3A = arith.extui %ge3A_129 : i1 to i32
      %cond3A = arith.constant 0 : i32
      %cond3A_130 = arith.cmpi ne, %convert_element_type3A, %cond3A : i32
      scf.if %cond3A_130 {
        %sub3A = arith.constant 1 : i32
        %sub3A_308 = arith.subi %add3A_128, %sub3A : i32
        %dma_wait3A_309 = arith.constant 1 : i32
        %dma_wait3A_310 = arith.constant 0 : i32
        %dma_wait3A_311 = tpu.memref_slice %arg12[%dma_wait3A_309, %dma_wait3A_310] : memref<2x80xi32, #tpu.memory_space<vmem>> -> memref<1x80xi32, #tpu.memory_space<vmem>>
        %dma_wait3A_312 = tpu.memref_squeeze %dma_wait3A_311 : memref<1x80xi32, #tpu.memory_space<vmem>> -> memref<80xi32, #tpu.memory_space<vmem>>
        %dma_wait3A_313 = arith.constant 0 : i32
        %dma_wait3A_314 = arith.constant 0 : i32
        %dma_wait3A_315 = tpu.memref_slice %arg18[%dma_wait3A_313, %dma_wait3A_314] : memref<10240x144xf32, #tpu.memory_space<vmem_shared>> -> memref<10240x144xf32, #tpu.memory_space<vmem_shared>>
        tpu.wait_indirect_dma semaphore(%arg28 : memref<!tpu.dma_semaphore, #tpu.memory_space<semaphore_mem>>) src(%arg14 : memref<80x144xf32, #tpu.memory_space<vmem>>) dst(%dma_wait3A_315 : memref<10240x144xf32, #tpu.memory_space<vmem_shared>>)
      } else {
      }
      %add3A_131 = arith.constant 2 : i32
      %add3A_132 = arith.addi %add3A_128, %add3A_131 : i32
      %lt3A = arith.constant 128 : i32
      %lt3A_133 = arith.cmpi slt, %add3A_132, %lt3A : i32
      %convert_element_type3A_134 = arith.extui %lt3A_133 : i1 to i32
      %cond3A_135 = arith.constant 0 : i32
      %cond3A_136 = arith.cmpi ne, %convert_element_type3A_134, %cond3A_135 : i32
      scf.if %cond3A_136 {
        %add3A_308 = arith.constant 2 : i32
        %add3A_309 = arith.addi %add3A_128, %add3A_308 : i32
        %lt3A_310 = arith.constant 125 : i32
        %lt3A_311 = arith.cmpi slt, %add3A_309, %lt3A_310 : i32
        %convert_element_type3A_312 = arith.extui %lt3A_311 : i1 to i32
        %cond3A_313 = arith.constant 0 : i32
        %cond3A_314 = arith.cmpi ne, %convert_element_type3A_312, %cond3A_313 : i32
        scf.if %cond3A_314 {
          %dma_start3A_320 = arith.constant 0 : i32
          %dma_start3A_321 = arith.constant 0 : i32
          %dma_start3A_322 = arith.constant 0 : i32
          %dma_start3A_323 = tpu.memref_slice %arg11[%dma_start3A_321, %dma_start3A_322] : memref<2x80xi32, #tpu.memory_space<vmem>> -> memref<1x80xi32, #tpu.memory_space<vmem>>
          %dma_start3A_324 = tpu.memref_squeeze %dma_start3A_323 : memref<1x80xi32, #tpu.memory_space<vmem>> -> memref<80xi32, #tpu.memory_space<vmem>>
          %dma_start3A_325 = arith.constant 0 : i32
          %dma_start3A_326 = tpu.memref_slice %arg4[%dma_start3A_320, %add3A, %add3A_309, %dma_start3A_325] : memref<2x32x125x80xi32, #tpu.memory_space<hbm>> -> memref<1x1x1x80xi32, #tpu.memory_space<hbm>>
          %dma_start3A_327 = tpu.memref_squeeze %dma_start3A_326 : memref<1x1x1x80xi32, #tpu.memory_space<hbm>> -> memref<80xi32, #tpu.memory_space<hbm>>
          %dma_start3A_328 = arith.constant 0 : i32
          %dma_start3A_329 = tpu.memref_slice %arg11[%dma_start3A_321, %dma_start3A_328] : memref<2x80xi32, #tpu.memory_space<vmem>> -> memref<1x80xi32, #tpu.memory_space<vmem>>
          %dma_start3A_330 = tpu.memref_squeeze %dma_start3A_329 : memref<1x80xi32, #tpu.memory_space<vmem>> -> memref<80xi32, #tpu.memory_space<vmem>>
          %dma_start3A_331 = arith.constant 0 : i32
          %dma_start3A_332 = tpu.memref_slice %arg4[%dma_start3A_320, %add3A, %add3A_309, %dma_start3A_331] : memref<2x32x125x80xi32, #tpu.memory_space<hbm>> -> memref<1x1x1x80xi32, #tpu.memory_space<hbm>>
          %dma_start3A_333 = tpu.memref_squeeze %dma_start3A_332 : memref<1x1x1x80xi32, #tpu.memory_space<hbm>> -> memref<80xi32, #tpu.memory_space<hbm>>
          tpu.enqueue_dma source(%dma_start3A_333 : memref<80xi32, #tpu.memory_space<hbm>>) target(%dma_start3A_330 : memref<80xi32, #tpu.memory_space<vmem>>) target_semaphore(%arg21 : memref<!tpu.dma_semaphore, #tpu.memory_space<semaphore_mem>>)
          %dma_start3A_334 = arith.constant 1 : i32
          %dma_start3A_335 = arith.constant 1 : i32
          %dma_start3A_336 = arith.constant 0 : i32
          %dma_start3A_337 = tpu.memref_slice %arg11[%dma_start3A_335, %dma_start3A_336] : memref<2x80xi32, #tpu.memory_space<vmem>> -> memref<1x80xi32, #tpu.memory_space<vmem>>
          %dma_start3A_338 = tpu.memref_squeeze %dma_start3A_337 : memref<1x80xi32, #tpu.memory_space<vmem>> -> memref<80xi32, #tpu.memory_space<vmem>>
          %dma_start3A_339 = arith.constant 0 : i32
          %dma_start3A_340 = tpu.memref_slice %arg4[%dma_start3A_334, %add3A, %add3A_309, %dma_start3A_339] : memref<2x32x125x80xi32, #tpu.memory_space<hbm>> -> memref<1x1x1x80xi32, #tpu.memory_space<hbm>>
          %dma_start3A_341 = tpu.memref_squeeze %dma_start3A_340 : memref<1x1x1x80xi32, #tpu.memory_space<hbm>> -> memref<80xi32, #tpu.memory_space<hbm>>
          %dma_start3A_342 = arith.constant 0 : i32
          %dma_start3A_343 = tpu.memref_slice %arg11[%dma_start3A_335, %dma_start3A_342] : memref<2x80xi32, #tpu.memory_space<vmem>> -> memref<1x80xi32, #tpu.memory_space<vmem>>
          %dma_start3A_344 = tpu.memref_squeeze %dma_start3A_343 : memref<1x80xi32, #tpu.memory_space<vmem>> -> memref<80xi32, #tpu.memory_space<vmem>>
          %dma_start3A_345 = arith.constant 0 : i32
          %dma_start3A_346 = tpu.memref_slice %arg4[%dma_start3A_334, %add3A, %add3A_309, %dma_start3A_345] : memref<2x32x125x80xi32, #tpu.memory_space<hbm>> -> memref<1x1x1x80xi32, #tpu.memory_space<hbm>>
          %dma_start3A_347 = tpu.memref_squeeze %dma_start3A_346 : memref<1x1x1x80xi32, #tpu.memory_space<hbm>> -> memref<80xi32, #tpu.memory_space<hbm>>
          tpu.enqueue_dma source(%dma_start3A_347 : memref<80xi32, #tpu.memory_space<hbm>>) target(%dma_start3A_344 : memref<80xi32, #tpu.memory_space<vmem>>) target_semaphore(%arg21 : memref<!tpu.dma_semaphore, #tpu.memory_space<semaphore_mem>>)
        } else {
        }
        %ge3A_315 = arith.constant 125 : i32
        %ge3A_316 = arith.cmpi sge, %add3A_309, %ge3A_315 : i32
        %convert_element_type3A_317 = arith.extui %ge3A_316 : i1 to i32
        %cond3A_318 = arith.constant 0 : i32
        %cond3A_319 = arith.cmpi ne, %convert_element_type3A_317, %cond3A_318 : i32
        scf.if %cond3A_319 {
          %sub3A = arith.constant 125 : i32
          %sub3A_320 = arith.subi %add3A_309, %sub3A : i32
          %dma_start3A_321 = arith.constant 0 : i32
          %dma_start3A_322 = arith.constant 0 : i32
          %dma_start3A_323 = arith.constant 0 : i32
          %dma_start3A_324 = tpu.memref_slice %arg11[%dma_start3A_322, %dma_start3A_323] : memref<2x80xi32, #tpu.memory_space<vmem>> -> memref<1x80xi32, #tpu.memory_space<vmem>>
          %dma_start3A_325 = tpu.memref_squeeze %dma_start3A_324 : memref<1x80xi32, #tpu.memory_space<vmem>> -> memref<80xi32, #tpu.memory_space<vmem>>
          %dma_start3A_326 = arith.constant 0 : i32
          %dma_start3A_327 = tpu.memref_slice %arg5[%dma_start3A_321, %sub3A_320, %dma_start3A_326] : memref<2x3x80xi32, #tpu.memory_space<hbm>> -> memref<1x1x80xi32, #tpu.memory_space<hbm>>
          %dma_start3A_328 = tpu.memref_squeeze %dma_start3A_327 : memref<1x1x80xi32, #tpu.memory_space<hbm>> -> memref<80xi32, #tpu.memory_space<hbm>>
          %dma_start3A_329 = arith.constant 0 : i32
          %dma_start3A_330 = tpu.memref_slice %arg11[%dma_start3A_322, %dma_start3A_329] : memref<2x80xi32, #tpu.memory_space<vmem>> -> memref<1x80xi32, #tpu.memory_space<vmem>>
          %dma_start3A_331 = tpu.memref_squeeze %dma_start3A_330 : memref<1x80xi32, #tpu.memory_space<vmem>> -> memref<80xi32, #tpu.memory_space<vmem>>
          %dma_start3A_332 = arith.constant 0 : i32
          %dma_start3A_333 = tpu.memref_slice %arg5[%dma_start3A_321, %sub3A_320, %dma_start3A_332] : memref<2x3x80xi32, #tpu.memory_space<hbm>> -> memref<1x1x80xi32, #tpu.memory_space<hbm>>
          %dma_start3A_334 = tpu.memref_squeeze %dma_start3A_333 : memref<1x1x80xi32, #tpu.memory_space<hbm>> -> memref<80xi32, #tpu.memory_space<hbm>>
          tpu.enqueue_dma source(%dma_start3A_334 : memref<80xi32, #tpu.memory_space<hbm>>) target(%dma_start3A_331 : memref<80xi32, #tpu.memory_space<vmem>>) target_semaphore(%arg21 : memref<!tpu.dma_semaphore, #tpu.memory_space<semaphore_mem>>)
          %sub3A_335 = arith.constant 125 : i32
          %sub3A_336 = arith.subi %add3A_309, %sub3A_335 : i32
          %dma_start3A_337 = arith.constant 1 : i32
          %dma_start3A_338 = arith.constant 1 : i32
          %dma_start3A_339 = arith.constant 0 : i32
          %dma_start3A_340 = tpu.memref_slice %arg11[%dma_start3A_338, %dma_start3A_339] : memref<2x80xi32, #tpu.memory_space<vmem>> -> memref<1x80xi32, #tpu.memory_space<vmem>>
          %dma_start3A_341 = tpu.memref_squeeze %dma_start3A_340 : memref<1x80xi32, #tpu.memory_space<vmem>> -> memref<80xi32, #tpu.memory_space<vmem>>
          %dma_start3A_342 = arith.constant 0 : i32
          %dma_start3A_343 = tpu.memref_slice %arg5[%dma_start3A_337, %sub3A_336, %dma_start3A_342] : memref<2x3x80xi32, #tpu.memory_space<hbm>> -> memref<1x1x80xi32, #tpu.memory_space<hbm>>
          %dma_start3A_344 = tpu.memref_squeeze %dma_start3A_343 : memref<1x1x80xi32, #tpu.memory_space<hbm>> -> memref<80xi32, #tpu.memory_space<hbm>>
          %dma_start3A_345 = arith.constant 0 : i32
          %dma_start3A_346 = tpu.memref_slice %arg11[%dma_start3A_338, %dma_start3A_345] : memref<2x80xi32, #tpu.memory_space<vmem>> -> memref<1x80xi32, #tpu.memory_space<vmem>>
          %dma_start3A_347 = tpu.memref_squeeze %dma_start3A_346 : memref<1x80xi32, #tpu.memory_space<vmem>> -> memref<80xi32, #tpu.memory_space<vmem>>
          %dma_start3A_348 = arith.constant 0 : i32
          %dma_start3A_349 = tpu.memref_slice %arg5[%dma_start3A_337, %sub3A_336, %dma_start3A_348] : memref<2x3x80xi32, #tpu.memory_space<hbm>> -> memref<1x1x80xi32, #tpu.memory_space<hbm>>
          %dma_start3A_350 = tpu.memref_squeeze %dma_start3A_349 : memref<1x1x80xi32, #tpu.memory_space<hbm>> -> memref<80xi32, #tpu.memory_space<hbm>>
          tpu.enqueue_dma source(%dma_start3A_350 : memref<80xi32, #tpu.memory_space<hbm>>) target(%dma_start3A_347 : memref<80xi32, #tpu.memory_space<vmem>>) target_semaphore(%arg21 : memref<!tpu.dma_semaphore, #tpu.memory_space<semaphore_mem>>)
        } else {
        }
      } else {
      }
      %add3A_137 = arith.constant 1 : i32
      %add3A_138 = arith.addi %add3A_128, %add3A_137 : i32
      %lt3A_139 = arith.constant 128 : i32
      %lt3A_140 = arith.cmpi slt, %add3A_138, %lt3A_139 : i32
      %convert_element_type3A_141 = arith.extui %lt3A_140 : i1 to i32
      %cond3A_142 = arith.constant 0 : i32
      %cond3A_143 = arith.cmpi ne, %convert_element_type3A_141, %cond3A_142 : i32
      scf.if %cond3A_143 {
        %dma_wait3A_308 = arith.constant 0 : i32
        %dma_wait3A_309 = arith.constant 0 : i32
        %dma_wait3A_310 = arith.constant 0 : i32
        %dma_wait3A_311 = arith.constant 0 : i32
        %dma_wait3A_312 = tpu.memref_slice %arg10[%dma_wait3A_310, %dma_wait3A_311] : memref<2x80xi32, #tpu.memory_space<vmem>> -> memref<1x80xi32, #tpu.memory_space<vmem>>
        %dma_wait3A_313 = tpu.memref_squeeze %dma_wait3A_312 : memref<1x80xi32, #tpu.memory_space<vmem>> -> memref<80xi32, #tpu.memory_space<vmem>>
        %dma_wait3A_314 = arith.constant 0 : i32
        %dma_wait3A_315 = tpu.memref_slice %arg5[%dma_wait3A_308, %dma_wait3A_309, %dma_wait3A_314] : memref<2x3x80xi32, #tpu.memory_space<hbm>> -> memref<1x1x80xi32, #tpu.memory_space<hbm>>
        %dma_wait3A_316 = tpu.memref_squeeze %dma_wait3A_315 : memref<1x1x80xi32, #tpu.memory_space<hbm>> -> memref<80xi32, #tpu.memory_space<hbm>>
        %dma_wait3A_317 = arith.constant 0 : i32
        %dma_wait3A_318 = tpu.memref_slice %arg10[%dma_wait3A_310, %dma_wait3A_317] : memref<2x80xi32, #tpu.memory_space<vmem>> -> memref<1x80xi32, #tpu.memory_space<vmem>>
        %dma_wait3A_319 = tpu.memref_squeeze %dma_wait3A_318 : memref<1x80xi32, #tpu.memory_space<vmem>> -> memref<80xi32, #tpu.memory_space<vmem>>
        %dma_wait3A_320 = arith.constant 0 : i32
        %dma_wait3A_321 = tpu.memref_slice %arg5[%dma_wait3A_308, %dma_wait3A_309, %dma_wait3A_320] : memref<2x3x80xi32, #tpu.memory_space<hbm>> -> memref<1x1x80xi32, #tpu.memory_space<hbm>>
        %dma_wait3A_322 = tpu.memref_squeeze %dma_wait3A_321 : memref<1x1x80xi32, #tpu.memory_space<hbm>> -> memref<80xi32, #tpu.memory_space<hbm>>
        tpu.wait_dma2 semaphore(%arg20 : memref<!tpu.dma_semaphore, #tpu.memory_space<semaphore_mem>>) src(%dma_wait3A_322 : memref<80xi32, #tpu.memory_space<hbm>>) dst(%dma_wait3A_319 : memref<80xi32, #tpu.memory_space<vmem>>)
        %dma_wait3A_323 = arith.constant 1 : i32
        %dma_wait3A_324 = arith.constant 0 : i32
        %dma_wait3A_325 = arith.constant 1 : i32
        %dma_wait3A_326 = arith.constant 0 : i32
        %dma_wait3A_327 = tpu.memref_slice %arg10[%dma_wait3A_325, %dma_wait3A_326] : memref<2x80xi32, #tpu.memory_space<vmem>> -> memref<1x80xi32, #tpu.memory_space<vmem>>
        %dma_wait3A_328 = tpu.memref_squeeze %dma_wait3A_327 : memref<1x80xi32, #tpu.memory_space<vmem>> -> memref<80xi32, #tpu.memory_space<vmem>>
        %dma_wait3A_329 = arith.constant 0 : i32
        %dma_wait3A_330 = tpu.memref_slice %arg5[%dma_wait3A_323, %dma_wait3A_324, %dma_wait3A_329] : memref<2x3x80xi32, #tpu.memory_space<hbm>> -> memref<1x1x80xi32, #tpu.memory_space<hbm>>
        %dma_wait3A_331 = tpu.memref_squeeze %dma_wait3A_330 : memref<1x1x80xi32, #tpu.memory_space<hbm>> -> memref<80xi32, #tpu.memory_space<hbm>>
        %dma_wait3A_332 = arith.constant 0 : i32
        %dma_wait3A_333 = tpu.memref_slice %arg10[%dma_wait3A_325, %dma_wait3A_332] : memref<2x80xi32, #tpu.memory_space<vmem>> -> memref<1x80xi32, #tpu.memory_space<vmem>>
        %dma_wait3A_334 = tpu.memref_squeeze %dma_wait3A_333 : memref<1x80xi32, #tpu.memory_space<vmem>> -> memref<80xi32, #tpu.memory_space<vmem>>
        %dma_wait3A_335 = arith.constant 0 : i32
        %dma_wait3A_336 = tpu.memref_slice %arg5[%dma_wait3A_323, %dma_wait3A_324, %dma_wait3A_335] : memref<2x3x80xi32, #tpu.memory_space<hbm>> -> memref<1x1x80xi32, #tpu.memory_space<hbm>>
        %dma_wait3A_337 = tpu.memref_squeeze %dma_wait3A_336 : memref<1x1x80xi32, #tpu.memory_space<hbm>> -> memref<80xi32, #tpu.memory_space<hbm>>
        tpu.wait_dma2 semaphore(%arg20 : memref<!tpu.dma_semaphore, #tpu.memory_space<semaphore_mem>>) src(%dma_wait3A_337 : memref<80xi32, #tpu.memory_space<hbm>>) dst(%dma_wait3A_334 : memref<80xi32, #tpu.memory_space<vmem>>)
        %add3A_338 = arith.constant 1 : i32
        %add3A_339 = arith.addi %add3A_128, %add3A_338 : i32
        %dma_start3A_340 = arith.constant 0 : i32
        %dma_start3A_341 = arith.constant 0 : i32
        %dma_start3A_342 = tpu.memref_slice %arg10[%dma_start3A_340, %dma_start3A_341] : memref<2x80xi32, #tpu.memory_space<vmem>> -> memref<1x80xi32, #tpu.memory_space<vmem>>
        %dma_start3A_343 = tpu.memref_squeeze %dma_start3A_342 : memref<1x80xi32, #tpu.memory_space<vmem>> -> memref<80xi32, #tpu.memory_space<vmem>>
        %dma_start3A_344 = arith.constant 0 : i32
        %dma_start3A_345 = arith.constant 0 : i32
        %dma_start3A_346 = tpu.memref_slice %arg2[%dma_start3A_344, %dma_start3A_345] : memref<10240x144xf32, #tpu.memory_space<hbm>> -> memref<10240x144xf32, #tpu.memory_space<hbm>>
        tpu.enqueue_indirect_dma source(%dma_start3A_346 : memref<10240x144xf32, #tpu.memory_space<hbm>>) target(%arg14 : memref<80x144xf32, #tpu.memory_space<vmem>>) offsets(%dma_start3A_343 : memref<80xi32, #tpu.memory_space<vmem>>) semaphore(%arg24 : memref<!tpu.dma_semaphore, #tpu.memory_space<semaphore_mem>>)
        %add3A_347 = arith.constant 1 : i32
        %add3A_348 = arith.addi %add3A_128, %add3A_347 : i32
        %dma_start3A_349 = arith.constant 1 : i32
        %dma_start3A_350 = arith.constant 0 : i32
        %dma_start3A_351 = tpu.memref_slice %arg10[%dma_start3A_349, %dma_start3A_350] : memref<2x80xi32, #tpu.memory_space<vmem>> -> memref<1x80xi32, #tpu.memory_space<vmem>>
        %dma_start3A_352 = tpu.memref_squeeze %dma_start3A_351 : memref<1x80xi32, #tpu.memory_space<vmem>> -> memref<80xi32, #tpu.memory_space<vmem>>
        %dma_start3A_353 = arith.constant 0 : i32
        %dma_start3A_354 = arith.constant 0 : i32
        %dma_start3A_355 = tpu.memref_slice %arg3[%dma_start3A_353, %dma_start3A_354] : memref<10240x16xf32, #tpu.memory_space<hbm>> -> memref<10240x16xf32, #tpu.memory_space<hbm>>
        tpu.enqueue_indirect_dma source(%dma_start3A_355 : memref<10240x16xf32, #tpu.memory_space<hbm>>) target(%arg16 : memref<80x16xf32, #tpu.memory_space<vmem>>) offsets(%dma_start3A_352 : memref<80xi32, #tpu.memory_space<vmem>>) semaphore(%arg26 : memref<!tpu.dma_semaphore, #tpu.memory_space<semaphore_mem>>)
      } else {
      }
      %dma_wait3A_144 = arith.constant 0 : i32
      %dma_wait3A_145 = arith.constant 0 : i32
      %dma_wait3A_146 = tpu.memref_slice %arg9[%dma_wait3A_144, %dma_wait3A_145] : memref<2x80xi32, #tpu.memory_space<vmem>> -> memref<1x80xi32, #tpu.memory_space<vmem>>
      %dma_wait3A_147 = tpu.memref_squeeze %dma_wait3A_146 : memref<1x80xi32, #tpu.memory_space<vmem>> -> memref<80xi32, #tpu.memory_space<vmem>>
      %dma_wait3A_148 = arith.constant 0 : i32
      %dma_wait3A_149 = arith.constant 0 : i32
      %dma_wait3A_150 = tpu.memref_slice %arg2[%dma_wait3A_148, %dma_wait3A_149] : memref<10240x144xf32, #tpu.memory_space<hbm>> -> memref<10240x144xf32, #tpu.memory_space<hbm>>
      tpu.wait_indirect_dma semaphore(%arg23 : memref<!tpu.dma_semaphore, #tpu.memory_space<semaphore_mem>>) src(%dma_wait3A_150 : memref<10240x144xf32, #tpu.memory_space<hbm>>) dst(%arg13 : memref<80x144xf32, #tpu.memory_space<vmem>>)
      %dma_wait3A_151 = arith.constant 1 : i32
      %dma_wait3A_152 = arith.constant 0 : i32
      %dma_wait3A_153 = tpu.memref_slice %arg9[%dma_wait3A_151, %dma_wait3A_152] : memref<2x80xi32, #tpu.memory_space<vmem>> -> memref<1x80xi32, #tpu.memory_space<vmem>>
      %dma_wait3A_154 = tpu.memref_squeeze %dma_wait3A_153 : memref<1x80xi32, #tpu.memory_space<vmem>> -> memref<80xi32, #tpu.memory_space<vmem>>
      %dma_wait3A_155 = arith.constant 0 : i32
      %dma_wait3A_156 = arith.constant 0 : i32
      %dma_wait3A_157 = tpu.memref_slice %arg3[%dma_wait3A_155, %dma_wait3A_156] : memref<10240x16xf32, #tpu.memory_space<hbm>> -> memref<10240x16xf32, #tpu.memory_space<hbm>>
      tpu.wait_indirect_dma semaphore(%arg25 : memref<!tpu.dma_semaphore, #tpu.memory_space<semaphore_mem>>) src(%dma_wait3A_157 : memref<10240x16xf32, #tpu.memory_space<hbm>>) dst(%arg15 : memref<80x16xf32, #tpu.memory_space<vmem>>)
      %parallel_loop3A = arith.constant 0 : i32
      %parallel_loop3A_158 = arith.constant 80 : i32
      %parallel_loop3A_159 = arith.constant 1 : i32
      scf.for %parallel_loop3A_308 = %parallel_loop3A to %parallel_loop3A_158 step %parallel_loop3A_159  : i32 {
        %parallel_loop3A_309 = arith.index_cast %parallel_loop3A_308 : i32 to index
        %parallel_loop3A_310 = arith.constant 128 : index
        %parallel_loop3A_311 = tpu.vector_load %arg13[%parallel_loop3A_309, %parallel_loop3A_310] {strides = array<i32>} : memref<80x144xf32, #tpu.memory_space<vmem>>, vector<1x16xf32>,
        %parallel_loop3A_312 = vector.shape_cast %parallel_loop3A_311 : vector<1x16xf32> to vector<16xf32>
        %parallel_loop3A_313 = arith.index_cast %parallel_loop3A_308 : i32 to index
        %parallel_loop3A_314 = arith.constant 0 : index
        %parallel_loop3A_315 = tpu.vector_load %arg15[%parallel_loop3A_313, %parallel_loop3A_314] {strides = array<i32>} : memref<80x16xf32, #tpu.memory_space<vmem>>, vector<1x16xf32>,
        %parallel_loop3A_316 = vector.shape_cast %parallel_loop3A_315 : vector<1x16xf32> to vector<16xf32>
        %parallel_loop3A_317 = arith.index_cast %parallel_loop3A_308 : i32 to index
        %parallel_loop3A_318 = arith.constant 0 : index
        %parallel_loop3A_319 = tpu.vector_load %arg13[%parallel_loop3A_317, %parallel_loop3A_318] {strides = array<i32>} : memref<80x144xf32, #tpu.memory_space<vmem>>, vector<1x16xf32>,
        %parallel_loop3A_320 = vector.shape_cast %parallel_loop3A_319 : vector<1x16xf32> to vector<16xf32>
        %parallel_loop3A_321 = arith.index_cast %parallel_loop3A_308 : i32 to index
        %parallel_loop3A_322 = arith.constant 16 : index
        %parallel_loop3A_323 = tpu.vector_load %arg13[%parallel_loop3A_321, %parallel_loop3A_322] {strides = array<i32>} : memref<80x144xf32, #tpu.memory_space<vmem>>, vector<1x16xf32>,
        %parallel_loop3A_324 = vector.shape_cast %parallel_loop3A_323 : vector<1x16xf32> to vector<16xf32>
        %parallel_loop3A_325 = arith.index_cast %parallel_loop3A_308 : i32 to index
        %parallel_loop3A_326 = arith.constant 32 : index
        %parallel_loop3A_327 = tpu.vector_load %arg13[%parallel_loop3A_325, %parallel_loop3A_326] {strides = array<i32>} : memref<80x144xf32, #tpu.memory_space<vmem>>, vector<1x16xf32>,
        %parallel_loop3A_328 = vector.shape_cast %parallel_loop3A_327 : vector<1x16xf32> to vector<16xf32>
        %parallel_loop3A_329 = arith.index_cast %parallel_loop3A_308 : i32 to index
        %parallel_loop3A_330 = arith.constant 48 : index
        %parallel_loop3A_331 = tpu.vector_load %arg13[%parallel_loop3A_329, %parallel_loop3A_330] {strides = array<i32>} : memref<80x144xf32, #tpu.memory_space<vmem>>, vector<1x16xf32>,
        %parallel_loop3A_332 = vector.shape_cast %parallel_loop3A_331 : vector<1x16xf32> to vector<16xf32>
        %parallel_loop3A_333 = arith.index_cast %parallel_loop3A_308 : i32 to index
        %parallel_loop3A_334 = arith.constant 64 : index
        %parallel_loop3A_335 = tpu.vector_load %arg13[%parallel_loop3A_333, %parallel_loop3A_334] {strides = array<i32>} : memref<80x144xf32, #tpu.memory_space<vmem>>, vector<1x16xf32>,
        %parallel_loop3A_336 = vector.shape_cast %parallel_loop3A_335 : vector<1x16xf32> to vector<16xf32>
        %parallel_loop3A_337 = arith.index_cast %parallel_loop3A_308 : i32 to index
        %parallel_loop3A_338 = arith.constant 80 : index
        %parallel_loop3A_339 = tpu.vector_load %arg13[%parallel_loop3A_337, %parallel_loop3A_338] {strides = array<i32>} : memref<80x144xf32, #tpu.memory_space<vmem>>, vector<1x16xf32>,
        %parallel_loop3A_340 = vector.shape_cast %parallel_loop3A_339 : vector<1x16xf32> to vector<16xf32>
        %parallel_loop3A_341 = arith.index_cast %parallel_loop3A_308 : i32 to index
        %parallel_loop3A_342 = arith.constant 96 : index
        %parallel_loop3A_343 = tpu.vector_load %arg13[%parallel_loop3A_341, %parallel_loop3A_342] {strides = array<i32>} : memref<80x144xf32, #tpu.memory_space<vmem>>, vector<1x16xf32>,
        %parallel_loop3A_344 = vector.shape_cast %parallel_loop3A_343 : vector<1x16xf32> to vector<16xf32>
        %parallel_loop3A_345 = arith.index_cast %parallel_loop3A_308 : i32 to index
        %parallel_loop3A_346 = arith.constant 112 : index
        %parallel_loop3A_347 = tpu.vector_load %arg13[%parallel_loop3A_345, %parallel_loop3A_346] {strides = array<i32>} : memref<80x144xf32, #tpu.memory_space<vmem>>, vector<1x16xf32>,
        %parallel_loop3A_348 = vector.shape_cast %parallel_loop3A_347 : vector<1x16xf32> to vector<16xf32>
        %parallel_loop3A_349 = arith.addf %parallel_loop3A_312, %parallel_loop3A_316 : vector<16xf32>
        %parallel_loop3A_350 = arith.constant 0.000000e+00 : f32
        %parallel_loop3A_351 = vector.broadcast %parallel_loop3A_350 : f32 to vector<16xf32>
        %parallel_loop3A_352 = arith.cmpf ogt, %parallel_loop3A_349, %parallel_loop3A_351 : vector<16xf32>
        %parallel_loop3A_353 = arith.constant 2.000000e-01 : f32
        %parallel_loop3A_354 = vector.broadcast %parallel_loop3A_353 : f32 to vector<16xf32>
        %parallel_loop3A_355 = arith.mulf %parallel_loop3A_354, %parallel_loop3A_349 : vector<16xf32>
        %parallel_loop3A_356 = arith.select %parallel_loop3A_352, %parallel_loop3A_349, %parallel_loop3A_355 : vector<16xi1>, vector<16xf32>
        %parallel_loop3A_357 = arith.subf %parallel_loop3A_356, %get3A_4 : vector<16xf32>
        %parallel_loop3A_358 = math.exp %parallel_loop3A_357 : vector<16xf32>
        %parallel_loop3A_359 = arith.index_cast %parallel_loop3A_308 : i32 to index
        %parallel_loop3A_360 = arith.constant 128 : index
        %parallel_loop3A_361 = tpu.vector_load %arg13[%parallel_loop3A_359, %parallel_loop3A_360] {strides = array<i32>} : memref<80x144xf32, #tpu.memory_space<vmem>>, vector<1x16xf32>,
        %parallel_loop3A_362 = vector.shape_cast %parallel_loop3A_361 : vector<1x16xf32> to vector<16xf32>
        %parallel_loop3A_363 = vector.shape_cast %parallel_loop3A_358 : vector<16xf32> to vector<1x16xf32>
        tpu.vector_store %arg13[%parallel_loop3A_359, %parallel_loop3A_360], %parallel_loop3A_363 {strides = array<i32>} : memref<80x144xf32, #tpu.memory_space<vmem>>, vector<1x16xf32>,
        %parallel_loop3A_364 = arith.constant 0 : i32
        %parallel_loop3A_365 = vector.broadcast %parallel_loop3A_364 : i32 to vector<16x1xi32>
        %parallel_loop3A_366 = vector.shape_cast %parallel_loop3A_365 : vector<16x1xi32> to vector<16xi32>
        %parallel_loop3A_367 = tpu.dynamic_gather %parallel_loop3A_358[%parallel_loop3A_366] in [0] : vector<16xf32>, vector<16xi32> -> vector<16xf32>
        %parallel_loop3A_368 = arith.mulf %parallel_loop3A_320, %parallel_loop3A_367 : vector<16xf32>
        %parallel_loop3A_369 = arith.index_cast %parallel_loop3A_308 : i32 to index
        %parallel_loop3A_370 = arith.constant 0 : index
        %parallel_loop3A_371 = tpu.vector_load %arg13[%parallel_loop3A_369, %parallel_loop3A_370] {strides = array<i32>} : memref<80x144xf32, #tpu.memory_space<vmem>>, vector<1x16xf32>,
        %parallel_loop3A_372 = vector.shape_cast %parallel_loop3A_371 : vector<1x16xf32> to vector<16xf32>
        %parallel_loop3A_373 = vector.shape_cast %parallel_loop3A_368 : vector<16xf32> to vector<1x16xf32>
        tpu.vector_store %arg13[%parallel_loop3A_369, %parallel_loop3A_370], %parallel_loop3A_373 {strides = array<i32>} : memref<80x144xf32, #tpu.memory_space<vmem>>, vector<1x16xf32>,
        %parallel_loop3A_374 = arith.constant 1 : i32
        %parallel_loop3A_375 = vector.broadcast %parallel_loop3A_374 : i32 to vector<16x1xi32>
        %parallel_loop3A_376 = vector.shape_cast %parallel_loop3A_375 : vector<16x1xi32> to vector<16xi32>
        %parallel_loop3A_377 = tpu.dynamic_gather %parallel_loop3A_358[%parallel_loop3A_376] in [0] : vector<16xf32>, vector<16xi32> -> vector<16xf32>
        %parallel_loop3A_378 = arith.mulf %parallel_loop3A_324, %parallel_loop3A_377 : vector<16xf32>
        %parallel_loop3A_379 = arith.index_cast %parallel_loop3A_308 : i32 to index
        %parallel_loop3A_380 = arith.constant 16 : index
        %parallel_loop3A_381 = tpu.vector_load %arg13[%parallel_loop3A_379, %parallel_loop3A_380] {strides = array<i32>} : memref<80x144xf32, #tpu.memory_space<vmem>>, vector<1x16xf32>,
        %parallel_loop3A_382 = vector.shape_cast %parallel_loop3A_381 : vector<1x16xf32> to vector<16xf32>
        %parallel_loop3A_383 = vector.shape_cast %parallel_loop3A_378 : vector<16xf32> to vector<1x16xf32>
        tpu.vector_store %arg13[%parallel_loop3A_379, %parallel_loop3A_380], %parallel_loop3A_383 {strides = array<i32>} : memref<80x144xf32, #tpu.memory_space<vmem>>, vector<1x16xf32>,
        %parallel_loop3A_384 = arith.constant 2 : i32
        %parallel_loop3A_385 = vector.broadcast %parallel_loop3A_384 : i32 to vector<16x1xi32>
        %parallel_loop3A_386 = vector.shape_cast %parallel_loop3A_385 : vector<16x1xi32> to vector<16xi32>
        %parallel_loop3A_387 = tpu.dynamic_gather %parallel_loop3A_358[%parallel_loop3A_386] in [0] : vector<16xf32>, vector<16xi32> -> vector<16xf32>
        %parallel_loop3A_388 = arith.mulf %parallel_loop3A_328, %parallel_loop3A_387 : vector<16xf32>
        %parallel_loop3A_389 = arith.index_cast %parallel_loop3A_308 : i32 to index
        %parallel_loop3A_390 = arith.constant 32 : index
        %parallel_loop3A_391 = tpu.vector_load %arg13[%parallel_loop3A_389, %parallel_loop3A_390] {strides = array<i32>} : memref<80x144xf32, #tpu.memory_space<vmem>>, vector<1x16xf32>,
        %parallel_loop3A_392 = vector.shape_cast %parallel_loop3A_391 : vector<1x16xf32> to vector<16xf32>
        %parallel_loop3A_393 = vector.shape_cast %parallel_loop3A_388 : vector<16xf32> to vector<1x16xf32>
        tpu.vector_store %arg13[%parallel_loop3A_389, %parallel_loop3A_390], %parallel_loop3A_393 {strides = array<i32>} : memref<80x144xf32, #tpu.memory_space<vmem>>, vector<1x16xf32>,
        %parallel_loop3A_394 = arith.constant 3 : i32
        %parallel_loop3A_395 = vector.broadcast %parallel_loop3A_394 : i32 to vector<16x1xi32>
        %parallel_loop3A_396 = vector.shape_cast %parallel_loop3A_395 : vector<16x1xi32> to vector<16xi32>
        %parallel_loop3A_397 = tpu.dynamic_gather %parallel_loop3A_358[%parallel_loop3A_396] in [0] : vector<16xf32>, vector<16xi32> -> vector<16xf32>
        %parallel_loop3A_398 = arith.mulf %parallel_loop3A_332, %parallel_loop3A_397 : vector<16xf32>
        %parallel_loop3A_399 = arith.index_cast %parallel_loop3A_308 : i32 to index
        %parallel_loop3A_400 = arith.constant 48 : index
        %parallel_loop3A_401 = tpu.vector_load %arg13[%parallel_loop3A_399, %parallel_loop3A_400] {strides = array<i32>} : memref<80x144xf32, #tpu.memory_space<vmem>>, vector<1x16xf32>,
        %parallel_loop3A_402 = vector.shape_cast %parallel_loop3A_401 : vector<1x16xf32> to vector<16xf32>
        %parallel_loop3A_403 = vector.shape_cast %parallel_loop3A_398 : vector<16xf32> to vector<1x16xf32>
        tpu.vector_store %arg13[%parallel_loop3A_399, %parallel_loop3A_400], %parallel_loop3A_403 {strides = array<i32>} : memref<80x144xf32, #tpu.memory_space<vmem>>, vector<1x16xf32>,
        %parallel_loop3A_404 = arith.constant 4 : i32
        %parallel_loop3A_405 = vector.broadcast %parallel_loop3A_404 : i32 to vector<16x1xi32>
        %parallel_loop3A_406 = vector.shape_cast %parallel_loop3A_405 : vector<16x1xi32> to vector<16xi32>
        %parallel_loop3A_407 = tpu.dynamic_gather %parallel_loop3A_358[%parallel_loop3A_406] in [0] : vector<16xf32>, vector<16xi32> -> vector<16xf32>
        %parallel_loop3A_408 = arith.mulf %parallel_loop3A_336, %parallel_loop3A_407 : vector<16xf32>
        %parallel_loop3A_409 = arith.index_cast %parallel_loop3A_308 : i32 to index
        %parallel_loop3A_410 = arith.constant 64 : index
        %parallel_loop3A_411 = tpu.vector_load %arg13[%parallel_loop3A_409, %parallel_loop3A_410] {strides = array<i32>} : memref<80x144xf32, #tpu.memory_space<vmem>>, vector<1x16xf32>,
        %parallel_loop3A_412 = vector.shape_cast %parallel_loop3A_411 : vector<1x16xf32> to vector<16xf32>
        %parallel_loop3A_413 = vector.shape_cast %parallel_loop3A_408 : vector<16xf32> to vector<1x16xf32>
        tpu.vector_store %arg13[%parallel_loop3A_409, %parallel_loop3A_410], %parallel_loop3A_413 {strides = array<i32>} : memref<80x144xf32, #tpu.memory_space<vmem>>, vector<1x16xf32>,
        %parallel_loop3A_414 = arith.constant 5 : i32
        %parallel_loop3A_415 = vector.broadcast %parallel_loop3A_414 : i32 to vector<16x1xi32>
        %parallel_loop3A_416 = vector.shape_cast %parallel_loop3A_415 : vector<16x1xi32> to vector<16xi32>
        %parallel_loop3A_417 = tpu.dynamic_gather %parallel_loop3A_358[%parallel_loop3A_416] in [0] : vector<16xf32>, vector<16xi32> -> vector<16xf32>
        %parallel_loop3A_418 = arith.mulf %parallel_loop3A_340, %parallel_loop3A_417 : vector<16xf32>
        %parallel_loop3A_419 = arith.index_cast %parallel_loop3A_308 : i32 to index
        %parallel_loop3A_420 = arith.constant 80 : index
        %parallel_loop3A_421 = tpu.vector_load %arg13[%parallel_loop3A_419, %parallel_loop3A_420] {strides = array<i32>} : memref<80x144xf32, #tpu.memory_space<vmem>>, vector<1x16xf32>,
        %parallel_loop3A_422 = vector.shape_cast %parallel_loop3A_421 : vector<1x16xf32> to vector<16xf32>
        %parallel_loop3A_423 = vector.shape_cast %parallel_loop3A_418 : vector<16xf32> to vector<1x16xf32>
        tpu.vector_store %arg13[%parallel_loop3A_419, %parallel_loop3A_420], %parallel_loop3A_423 {strides = array<i32>} : memref<80x144xf32, #tpu.memory_space<vmem>>, vector<1x16xf32>,
        %parallel_loop3A_424 = arith.constant 6 : i32
        %parallel_loop3A_425 = vector.broadcast %parallel_loop3A_424 : i32 to vector<16x1xi32>
        %parallel_loop3A_426 = vector.shape_cast %parallel_loop3A_425 : vector<16x1xi32> to vector<16xi32>
        %parallel_loop3A_427 = tpu.dynamic_gather %parallel_loop3A_358[%parallel_loop3A_426] in [0] : vector<16xf32>, vector<16xi32> -> vector<16xf32>
        %parallel_loop3A_428 = arith.mulf %parallel_loop3A_344, %parallel_loop3A_427 : vector<16xf32>
        %parallel_loop3A_429 = arith.index_cast %parallel_loop3A_308 : i32 to index
        %parallel_loop3A_430 = arith.constant 96 : index
        %parallel_loop3A_431 = tpu.vector_load %arg13[%parallel_loop3A_429, %parallel_loop3A_430] {strides = array<i32>} : memref<80x144xf32, #tpu.memory_space<vmem>>, vector<1x16xf32>,
        %parallel_loop3A_432 = vector.shape_cast %parallel_loop3A_431 : vector<1x16xf32> to vector<16xf32>
        %parallel_loop3A_433 = vector.shape_cast %parallel_loop3A_428 : vector<16xf32> to vector<1x16xf32>
        tpu.vector_store %arg13[%parallel_loop3A_429, %parallel_loop3A_430], %parallel_loop3A_433 {strides = array<i32>} : memref<80x144xf32, #tpu.memory_space<vmem>>, vector<1x16xf32>,
        %parallel_loop3A_434 = arith.constant 7 : i32
        %parallel_loop3A_435 = vector.broadcast %parallel_loop3A_434 : i32 to vector<16x1xi32>
        %parallel_loop3A_436 = vector.shape_cast %parallel_loop3A_435 : vector<16x1xi32> to vector<16xi32>
        %parallel_loop3A_437 = tpu.dynamic_gather %parallel_loop3A_358[%parallel_loop3A_436] in [0] : vector<16xf32>, vector<16xi32> -> vector<16xf32>
        %parallel_loop3A_438 = arith.mulf %parallel_loop3A_348, %parallel_loop3A_437 : vector<16xf32>
        %parallel_loop3A_439 = arith.index_cast %parallel_loop3A_308 : i32 to index
        %parallel_loop3A_440 = arith.constant 112 : index
        %parallel_loop3A_441 = tpu.vector_load %arg13[%parallel_loop3A_439, %parallel_loop3A_440] {strides = array<i32>} : memref<80x144xf32, #tpu.memory_space<vmem>>, vector<1x16xf32>,
        %parallel_loop3A_442 = vector.shape_cast %parallel_loop3A_441 : vector<1x16xf32> to vector<16xf32>
        %parallel_loop3A_443 = vector.shape_cast %parallel_loop3A_438 : vector<16xf32> to vector<1x16xf32>
        tpu.vector_store %arg13[%parallel_loop3A_439, %parallel_loop3A_440], %parallel_loop3A_443 {strides = array<i32>} : memref<80x144xf32, #tpu.memory_space<vmem>>, vector<1x16xf32>,
      } {sc.loop_unroll_factor = 2 : i64, sc.parallel_access}
      %dma_start3A_160 = arith.constant 1 : i32
      %dma_start3A_161 = arith.constant 0 : i32
      %dma_start3A_162 = tpu.memref_slice %arg9[%dma_start3A_160, %dma_start3A_161] : memref<2x80xi32, #tpu.memory_space<vmem>> -> memref<1x80xi32, #tpu.memory_space<vmem>>
      %dma_start3A_163 = tpu.memref_squeeze %dma_start3A_162 : memref<1x80xi32, #tpu.memory_space<vmem>> -> memref<80xi32, #tpu.memory_space<vmem>>
      %dma_start3A_164 = arith.constant 0 : i32
      %dma_start3A_165 = arith.constant 0 : i32
      %dma_start3A_166 = tpu.memref_slice %arg18[%dma_start3A_164, %dma_start3A_165] : memref<10240x144xf32, #tpu.memory_space<vmem_shared>> -> memref<10240x144xf32, #tpu.memory_space<vmem_shared>>
      tpu.enqueue_indirect_dma source(%arg13 : memref<80x144xf32, #tpu.memory_space<vmem>>) target(%dma_start3A_166 : memref<10240x144xf32, #tpu.memory_space<vmem_shared>>) offsets(%dma_start3A_163 : memref<80xi32, #tpu.memory_space<vmem>>) semaphore(%arg27 : memref<!tpu.dma_semaphore, #tpu.memory_space<semaphore_mem>>) {add = true}
      %mul3A_167 = arith.constant 4 : i32
      %mul3A_168 = arith.muli %mul3A_167, %scan3A_124 : i32
      %add3A_169 = arith.constant 1 : i32
      %add3A_170 = arith.addi %mul3A_168, %add3A_169 : i32
      %ge3A_171 = arith.constant 1 : i32
      %ge3A_172 = arith.cmpi sge, %add3A_170, %ge3A_171 : i32
      %convert_element_type3A_173 = arith.extui %ge3A_172 : i1 to i32
      %cond3A_174 = arith.constant 0 : i32
      %cond3A_175 = arith.cmpi ne, %convert_element_type3A_173, %cond3A_174 : i32
      scf.if %cond3A_175 {
        %sub3A = arith.constant 1 : i32
        %sub3A_308 = arith.subi %add3A_170, %sub3A : i32
        %dma_wait3A_309 = arith.constant 1 : i32
        %dma_wait3A_310 = arith.constant 0 : i32
        %dma_wait3A_311 = tpu.memref_slice %arg9[%dma_wait3A_309, %dma_wait3A_310] : memref<2x80xi32, #tpu.memory_space<vmem>> -> memref<1x80xi32, #tpu.memory_space<vmem>>
        %dma_wait3A_312 = tpu.memref_squeeze %dma_wait3A_311 : memref<1x80xi32, #tpu.memory_space<vmem>> -> memref<80xi32, #tpu.memory_space<vmem>>
        %dma_wait3A_313 = arith.constant 0 : i32
        %dma_wait3A_314 = arith.constant 0 : i32
        %dma_wait3A_315 = tpu.memref_slice %arg18[%dma_wait3A_313, %dma_wait3A_314] : memref<10240x144xf32, #tpu.memory_space<vmem_shared>> -> memref<10240x144xf32, #tpu.memory_space<vmem_shared>>
        tpu.wait_indirect_dma semaphore(%arg27 : memref<!tpu.dma_semaphore, #tpu.memory_space<semaphore_mem>>) src(%arg13 : memref<80x144xf32, #tpu.memory_space<vmem>>) dst(%dma_wait3A_315 : memref<10240x144xf32, #tpu.memory_space<vmem_shared>>)
      } else {
      }
      %add3A_176 = arith.constant 2 : i32
      %add3A_177 = arith.addi %add3A_170, %add3A_176 : i32
      %lt3A_178 = arith.constant 128 : i32
      %lt3A_179 = arith.cmpi slt, %add3A_177, %lt3A_178 : i32
      %convert_element_type3A_180 = arith.extui %lt3A_179 : i1 to i32
      %cond3A_181 = arith.constant 0 : i32
      %cond3A_182 = arith.cmpi ne, %convert_element_type3A_180, %cond3A_181 : i32
      scf.if %cond3A_182 {
        %add3A_308 = arith.constant 2 : i32
        %add3A_309 = arith.addi %add3A_170, %add3A_308 : i32
        %lt3A_310 = arith.constant 125 : i32
        %lt3A_311 = arith.cmpi slt, %add3A_309, %lt3A_310 : i32
        %convert_element_type3A_312 = arith.extui %lt3A_311 : i1 to i32
        %cond3A_313 = arith.constant 0 : i32
        %cond3A_314 = arith.cmpi ne, %convert_element_type3A_312, %cond3A_313 : i32
        scf.if %cond3A_314 {
          %dma_start3A_320 = arith.constant 0 : i32
          %dma_start3A_321 = arith.constant 0 : i32
          %dma_start3A_322 = arith.constant 0 : i32
          %dma_start3A_323 = tpu.memref_slice %arg12[%dma_start3A_321, %dma_start3A_322] : memref<2x80xi32, #tpu.memory_space<vmem>> -> memref<1x80xi32, #tpu.memory_space<vmem>>
          %dma_start3A_324 = tpu.memref_squeeze %dma_start3A_323 : memref<1x80xi32, #tpu.memory_space<vmem>> -> memref<80xi32, #tpu.memory_space<vmem>>
          %dma_start3A_325 = arith.constant 0 : i32
          %dma_start3A_326 = tpu.memref_slice %arg4[%dma_start3A_320, %add3A, %add3A_309, %dma_start3A_325] : memref<2x32x125x80xi32, #tpu.memory_space<hbm>> -> memref<1x1x1x80xi32, #tpu.memory_space<hbm>>
          %dma_start3A_327 = tpu.memref_squeeze %dma_start3A_326 : memref<1x1x1x80xi32, #tpu.memory_space<hbm>> -> memref<80xi32, #tpu.memory_space<hbm>>
          %dma_start3A_328 = arith.constant 0 : i32
          %dma_start3A_329 = tpu.memref_slice %arg12[%dma_start3A_321, %dma_start3A_328] : memref<2x80xi32, #tpu.memory_space<vmem>> -> memref<1x80xi32, #tpu.memory_space<vmem>>
          %dma_start3A_330 = tpu.memref_squeeze %dma_start3A_329 : memref<1x80xi32, #tpu.memory_space<vmem>> -> memref<80xi32, #tpu.memory_space<vmem>>
          %dma_start3A_331 = arith.constant 0 : i32
          %dma_start3A_332 = tpu.memref_slice %arg4[%dma_start3A_320, %add3A, %add3A_309, %dma_start3A_331] : memref<2x32x125x80xi32, #tpu.memory_space<hbm>> -> memref<1x1x1x80xi32, #tpu.memory_space<hbm>>
          %dma_start3A_333 = tpu.memref_squeeze %dma_start3A_332 : memref<1x1x1x80xi32, #tpu.memory_space<hbm>> -> memref<80xi32, #tpu.memory_space<hbm>>
          tpu.enqueue_dma source(%dma_start3A_333 : memref<80xi32, #tpu.memory_space<hbm>>) target(%dma_start3A_330 : memref<80xi32, #tpu.memory_space<vmem>>) target_semaphore(%arg22 : memref<!tpu.dma_semaphore, #tpu.memory_space<semaphore_mem>>)
          %dma_start3A_334 = arith.constant 1 : i32
          %dma_start3A_335 = arith.constant 1 : i32
          %dma_start3A_336 = arith.constant 0 : i32
          %dma_start3A_337 = tpu.memref_slice %arg12[%dma_start3A_335, %dma_start3A_336] : memref<2x80xi32, #tpu.memory_space<vmem>> -> memref<1x80xi32, #tpu.memory_space<vmem>>
          %dma_start3A_338 = tpu.memref_squeeze %dma_start3A_337 : memref<1x80xi32, #tpu.memory_space<vmem>> -> memref<80xi32, #tpu.memory_space<vmem>>
          %dma_start3A_339 = arith.constant 0 : i32
          %dma_start3A_340 = tpu.memref_slice %arg4[%dma_start3A_334, %add3A, %add3A_309, %dma_start3A_339] : memref<2x32x125x80xi32, #tpu.memory_space<hbm>> -> memref<1x1x1x80xi32, #tpu.memory_space<hbm>>
          %dma_start3A_341 = tpu.memref_squeeze %dma_start3A_340 : memref<1x1x1x80xi32, #tpu.memory_space<hbm>> -> memref<80xi32, #tpu.memory_space<hbm>>
          %dma_start3A_342 = arith.constant 0 : i32
          %dma_start3A_343 = tpu.memref_slice %arg12[%dma_start3A_335, %dma_start3A_342] : memref<2x80xi32, #tpu.memory_space<vmem>> -> memref<1x80xi32, #tpu.memory_space<vmem>>
          %dma_start3A_344 = tpu.memref_squeeze %dma_start3A_343 : memref<1x80xi32, #tpu.memory_space<vmem>> -> memref<80xi32, #tpu.memory_space<vmem>>
          %dma_start3A_345 = arith.constant 0 : i32
          %dma_start3A_346 = tpu.memref_slice %arg4[%dma_start3A_334, %add3A, %add3A_309, %dma_start3A_345] : memref<2x32x125x80xi32, #tpu.memory_space<hbm>> -> memref<1x1x1x80xi32, #tpu.memory_space<hbm>>
          %dma_start3A_347 = tpu.memref_squeeze %dma_start3A_346 : memref<1x1x1x80xi32, #tpu.memory_space<hbm>> -> memref<80xi32, #tpu.memory_space<hbm>>
          tpu.enqueue_dma source(%dma_start3A_347 : memref<80xi32, #tpu.memory_space<hbm>>) target(%dma_start3A_344 : memref<80xi32, #tpu.memory_space<vmem>>) target_semaphore(%arg22 : memref<!tpu.dma_semaphore, #tpu.memory_space<semaphore_mem>>)
        } else {
        }
        %ge3A_315 = arith.constant 125 : i32
        %ge3A_316 = arith.cmpi sge, %add3A_309, %ge3A_315 : i32
        %convert_element_type3A_317 = arith.extui %ge3A_316 : i1 to i32
        %cond3A_318 = arith.constant 0 : i32
        %cond3A_319 = arith.cmpi ne, %convert_element_type3A_317, %cond3A_318 : i32
        scf.if %cond3A_319 {
          %sub3A = arith.constant 125 : i32
          %sub3A_320 = arith.subi %add3A_309, %sub3A : i32
          %dma_start3A_321 = arith.constant 0 : i32
          %dma_start3A_322 = arith.constant 0 : i32
          %dma_start3A_323 = arith.constant 0 : i32
          %dma_start3A_324 = tpu.memref_slice %arg12[%dma_start3A_322, %dma_start3A_323] : memref<2x80xi32, #tpu.memory_space<vmem>> -> memref<1x80xi32, #tpu.memory_space<vmem>>
          %dma_start3A_325 = tpu.memref_squeeze %dma_start3A_324 : memref<1x80xi32, #tpu.memory_space<vmem>> -> memref<80xi32, #tpu.memory_space<vmem>>
          %dma_start3A_326 = arith.constant 0 : i32
          %dma_start3A_327 = tpu.memref_slice %arg5[%dma_start3A_321, %sub3A_320, %dma_start3A_326] : memref<2x3x80xi32, #tpu.memory_space<hbm>> -> memref<1x1x80xi32, #tpu.memory_space<hbm>>
          %dma_start3A_328 = tpu.memref_squeeze %dma_start3A_327 : memref<1x1x80xi32, #tpu.memory_space<hbm>> -> memref<80xi32, #tpu.memory_space<hbm>>
          %dma_start3A_329 = arith.constant 0 : i32
          %dma_start3A_330 = tpu.memref_slice %arg12[%dma_start3A_322, %dma_start3A_329] : memref<2x80xi32, #tpu.memory_space<vmem>> -> memref<1x80xi32, #tpu.memory_space<vmem>>
          %dma_start3A_331 = tpu.memref_squeeze %dma_start3A_330 : memref<1x80xi32, #tpu.memory_space<vmem>> -> memref<80xi32, #tpu.memory_space<vmem>>
          %dma_start3A_332 = arith.constant 0 : i32
          %dma_start3A_333 = tpu.memref_slice %arg5[%dma_start3A_321, %sub3A_320, %dma_start3A_332] : memref<2x3x80xi32, #tpu.memory_space<hbm>> -> memref<1x1x80xi32, #tpu.memory_space<hbm>>
          %dma_start3A_334 = tpu.memref_squeeze %dma_start3A_333 : memref<1x1x80xi32, #tpu.memory_space<hbm>> -> memref<80xi32, #tpu.memory_space<hbm>>
          tpu.enqueue_dma source(%dma_start3A_334 : memref<80xi32, #tpu.memory_space<hbm>>) target(%dma_start3A_331 : memref<80xi32, #tpu.memory_space<vmem>>) target_semaphore(%arg22 : memref<!tpu.dma_semaphore, #tpu.memory_space<semaphore_mem>>)
          %sub3A_335 = arith.constant 125 : i32
          %sub3A_336 = arith.subi %add3A_309, %sub3A_335 : i32
          %dma_start3A_337 = arith.constant 1 : i32
          %dma_start3A_338 = arith.constant 1 : i32
          %dma_start3A_339 = arith.constant 0 : i32
          %dma_start3A_340 = tpu.memref_slice %arg12[%dma_start3A_338, %dma_start3A_339] : memref<2x80xi32, #tpu.memory_space<vmem>> -> memref<1x80xi32, #tpu.memory_space<vmem>>
          %dma_start3A_341 = tpu.memref_squeeze %dma_start3A_340 : memref<1x80xi32, #tpu.memory_space<vmem>> -> memref<80xi32, #tpu.memory_space<vmem>>
          %dma_start3A_342 = arith.constant 0 : i32
          %dma_start3A_343 = tpu.memref_slice %arg5[%dma_start3A_337, %sub3A_336, %dma_start3A_342] : memref<2x3x80xi32, #tpu.memory_space<hbm>> -> memref<1x1x80xi32, #tpu.memory_space<hbm>>
          %dma_start3A_344 = tpu.memref_squeeze %dma_start3A_343 : memref<1x1x80xi32, #tpu.memory_space<hbm>> -> memref<80xi32, #tpu.memory_space<hbm>>
          %dma_start3A_345 = arith.constant 0 : i32
          %dma_start3A_346 = tpu.memref_slice %arg12[%dma_start3A_338, %dma_start3A_345] : memref<2x80xi32, #tpu.memory_space<vmem>> -> memref<1x80xi32, #tpu.memory_space<vmem>>
          %dma_start3A_347 = tpu.memref_squeeze %dma_start3A_346 : memref<1x80xi32, #tpu.memory_space<vmem>> -> memref<80xi32, #tpu.memory_space<vmem>>
          %dma_start3A_348 = arith.constant 0 : i32
          %dma_start3A_349 = tpu.memref_slice %arg5[%dma_start3A_337, %sub3A_336, %dma_start3A_348] : memref<2x3x80xi32, #tpu.memory_space<hbm>> -> memref<1x1x80xi32, #tpu.memory_space<hbm>>
          %dma_start3A_350 = tpu.memref_squeeze %dma_start3A_349 : memref<1x1x80xi32, #tpu.memory_space<hbm>> -> memref<80xi32, #tpu.memory_space<hbm>>
          tpu.enqueue_dma source(%dma_start3A_350 : memref<80xi32, #tpu.memory_space<hbm>>) target(%dma_start3A_347 : memref<80xi32, #tpu.memory_space<vmem>>) target_semaphore(%arg22 : memref<!tpu.dma_semaphore, #tpu.memory_space<semaphore_mem>>)
        } else {
        }
      } else {
      }
      %add3A_183 = arith.constant 1 : i32
      %add3A_184 = arith.addi %add3A_170, %add3A_183 : i32
      %lt3A_185 = arith.constant 128 : i32
      %lt3A_186 = arith.cmpi slt, %add3A_184, %lt3A_185 : i32
      %convert_element_type3A_187 = arith.extui %lt3A_186 : i1 to i32
      %cond3A_188 = arith.constant 0 : i32
      %cond3A_189 = arith.cmpi ne, %convert_element_type3A_187, %cond3A_188 : i32
      scf.if %cond3A_189 {
        %dma_wait3A_308 = arith.constant 0 : i32
        %dma_wait3A_309 = arith.constant 0 : i32
        %dma_wait3A_310 = arith.constant 0 : i32
        %dma_wait3A_311 = arith.constant 0 : i32
        %dma_wait3A_312 = tpu.memref_slice %arg11[%dma_wait3A_310, %dma_wait3A_311] : memref<2x80xi32, #tpu.memory_space<vmem>> -> memref<1x80xi32, #tpu.memory_space<vmem>>
        %dma_wait3A_313 = tpu.memref_squeeze %dma_wait3A_312 : memref<1x80xi32, #tpu.memory_space<vmem>> -> memref<80xi32, #tpu.memory_space<vmem>>
        %dma_wait3A_314 = arith.constant 0 : i32
        %dma_wait3A_315 = tpu.memref_slice %arg5[%dma_wait3A_308, %dma_wait3A_309, %dma_wait3A_314] : memref<2x3x80xi32, #tpu.memory_space<hbm>> -> memref<1x1x80xi32, #tpu.memory_space<hbm>>
        %dma_wait3A_316 = tpu.memref_squeeze %dma_wait3A_315 : memref<1x1x80xi32, #tpu.memory_space<hbm>> -> memref<80xi32, #tpu.memory_space<hbm>>
        %dma_wait3A_317 = arith.constant 0 : i32
        %dma_wait3A_318 = tpu.memref_slice %arg11[%dma_wait3A_310, %dma_wait3A_317] : memref<2x80xi32, #tpu.memory_space<vmem>> -> memref<1x80xi32, #tpu.memory_space<vmem>>
        %dma_wait3A_319 = tpu.memref_squeeze %dma_wait3A_318 : memref<1x80xi32, #tpu.memory_space<vmem>> -> memref<80xi32, #tpu.memory_space<vmem>>
        %dma_wait3A_320 = arith.constant 0 : i32
        %dma_wait3A_321 = tpu.memref_slice %arg5[%dma_wait3A_308, %dma_wait3A_309, %dma_wait3A_320] : memref<2x3x80xi32, #tpu.memory_space<hbm>> -> memref<1x1x80xi32, #tpu.memory_space<hbm>>
        %dma_wait3A_322 = tpu.memref_squeeze %dma_wait3A_321 : memref<1x1x80xi32, #tpu.memory_space<hbm>> -> memref<80xi32, #tpu.memory_space<hbm>>
        tpu.wait_dma2 semaphore(%arg21 : memref<!tpu.dma_semaphore, #tpu.memory_space<semaphore_mem>>) src(%dma_wait3A_322 : memref<80xi32, #tpu.memory_space<hbm>>) dst(%dma_wait3A_319 : memref<80xi32, #tpu.memory_space<vmem>>)
        %dma_wait3A_323 = arith.constant 1 : i32
        %dma_wait3A_324 = arith.constant 0 : i32
        %dma_wait3A_325 = arith.constant 1 : i32
        %dma_wait3A_326 = arith.constant 0 : i32
        %dma_wait3A_327 = tpu.memref_slice %arg11[%dma_wait3A_325, %dma_wait3A_326] : memref<2x80xi32, #tpu.memory_space<vmem>> -> memref<1x80xi32, #tpu.memory_space<vmem>>
        %dma_wait3A_328 = tpu.memref_squeeze %dma_wait3A_327 : memref<1x80xi32, #tpu.memory_space<vmem>> -> memref<80xi32, #tpu.memory_space<vmem>>
        %dma_wait3A_329 = arith.constant 0 : i32
        %dma_wait3A_330 = tpu.memref_slice %arg5[%dma_wait3A_323, %dma_wait3A_324, %dma_wait3A_329] : memref<2x3x80xi32, #tpu.memory_space<hbm>> -> memref<1x1x80xi32, #tpu.memory_space<hbm>>
        %dma_wait3A_331 = tpu.memref_squeeze %dma_wait3A_330 : memref<1x1x80xi32, #tpu.memory_space<hbm>> -> memref<80xi32, #tpu.memory_space<hbm>>
        %dma_wait3A_332 = arith.constant 0 : i32
        %dma_wait3A_333 = tpu.memref_slice %arg11[%dma_wait3A_325, %dma_wait3A_332] : memref<2x80xi32, #tpu.memory_space<vmem>> -> memref<1x80xi32, #tpu.memory_space<vmem>>
        %dma_wait3A_334 = tpu.memref_squeeze %dma_wait3A_333 : memref<1x80xi32, #tpu.memory_space<vmem>> -> memref<80xi32, #tpu.memory_space<vmem>>
        %dma_wait3A_335 = arith.constant 0 : i32
        %dma_wait3A_336 = tpu.memref_slice %arg5[%dma_wait3A_323, %dma_wait3A_324, %dma_wait3A_335] : memref<2x3x80xi32, #tpu.memory_space<hbm>> -> memref<1x1x80xi32, #tpu.memory_space<hbm>>
        %dma_wait3A_337 = tpu.memref_squeeze %dma_wait3A_336 : memref<1x1x80xi32, #tpu.memory_space<hbm>> -> memref<80xi32, #tpu.memory_space<hbm>>
        tpu.wait_dma2 semaphore(%arg21 : memref<!tpu.dma_semaphore, #tpu.memory_space<semaphore_mem>>) src(%dma_wait3A_337 : memref<80xi32, #tpu.memory_space<hbm>>) dst(%dma_wait3A_334 : memref<80xi32, #tpu.memory_space<vmem>>)
        %add3A_338 = arith.constant 1 : i32
        %add3A_339 = arith.addi %add3A_170, %add3A_338 : i32
        %dma_start3A_340 = arith.constant 0 : i32
        %dma_start3A_341 = arith.constant 0 : i32
        %dma_start3A_342 = tpu.memref_slice %arg11[%dma_start3A_340, %dma_start3A_341] : memref<2x80xi32, #tpu.memory_space<vmem>> -> memref<1x80xi32, #tpu.memory_space<vmem>>
        %dma_start3A_343 = tpu.memref_squeeze %dma_start3A_342 : memref<1x80xi32, #tpu.memory_space<vmem>> -> memref<80xi32, #tpu.memory_space<vmem>>
        %dma_start3A_344 = arith.constant 0 : i32
        %dma_start3A_345 = arith.constant 0 : i32
        %dma_start3A_346 = tpu.memref_slice %arg2[%dma_start3A_344, %dma_start3A_345] : memref<10240x144xf32, #tpu.memory_space<hbm>> -> memref<10240x144xf32, #tpu.memory_space<hbm>>
        tpu.enqueue_indirect_dma source(%dma_start3A_346 : memref<10240x144xf32, #tpu.memory_space<hbm>>) target(%arg13 : memref<80x144xf32, #tpu.memory_space<vmem>>) offsets(%dma_start3A_343 : memref<80xi32, #tpu.memory_space<vmem>>) semaphore(%arg23 : memref<!tpu.dma_semaphore, #tpu.memory_space<semaphore_mem>>)
        %add3A_347 = arith.constant 1 : i32
        %add3A_348 = arith.addi %add3A_170, %add3A_347 : i32
        %dma_start3A_349 = arith.constant 1 : i32
        %dma_start3A_350 = arith.constant 0 : i32
        %dma_start3A_351 = tpu.memref_slice %arg11[%dma_start3A_349, %dma_start3A_350] : memref<2x80xi32, #tpu.memory_space<vmem>> -> memref<1x80xi32, #tpu.memory_space<vmem>>
        %dma_start3A_352 = tpu.memref_squeeze %dma_start3A_351 : memref<1x80xi32, #tpu.memory_space<vmem>> -> memref<80xi32, #tpu.memory_space<vmem>>
        %dma_start3A_353 = arith.constant 0 : i32
        %dma_start3A_354 = arith.constant 0 : i32
        %dma_start3A_355 = tpu.memref_slice %arg3[%dma_start3A_353, %dma_start3A_354] : memref<10240x16xf32, #tpu.memory_space<hbm>> -> memref<10240x16xf32, #tpu.memory_space<hbm>>
        tpu.enqueue_indirect_dma source(%dma_start3A_355 : memref<10240x16xf32, #tpu.memory_space<hbm>>) target(%arg15 : memref<80x16xf32, #tpu.memory_space<vmem>>) offsets(%dma_start3A_352 : memref<80xi32, #tpu.memory_space<vmem>>) semaphore(%arg25 : memref<!tpu.dma_semaphore, #tpu.memory_space<semaphore_mem>>)
      } else {
      }
      %dma_wait3A_190 = arith.constant 0 : i32
      %dma_wait3A_191 = arith.constant 0 : i32
      %dma_wait3A_192 = tpu.memref_slice %arg10[%dma_wait3A_190, %dma_wait3A_191] : memref<2x80xi32, #tpu.memory_space<vmem>> -> memref<1x80xi32, #tpu.memory_space<vmem>>
      %dma_wait3A_193 = tpu.memref_squeeze %dma_wait3A_192 : memref<1x80xi32, #tpu.memory_space<vmem>> -> memref<80xi32, #tpu.memory_space<vmem>>
      %dma_wait3A_194 = arith.constant 0 : i32
      %dma_wait3A_195 = arith.constant 0 : i32
      %dma_wait3A_196 = tpu.memref_slice %arg2[%dma_wait3A_194, %dma_wait3A_195] : memref<10240x144xf32, #tpu.memory_space<hbm>> -> memref<10240x144xf32, #tpu.memory_space<hbm>>
      tpu.wait_indirect_dma semaphore(%arg24 : memref<!tpu.dma_semaphore, #tpu.memory_space<semaphore_mem>>) src(%dma_wait3A_196 : memref<10240x144xf32, #tpu.memory_space<hbm>>) dst(%arg14 : memref<80x144xf32, #tpu.memory_space<vmem>>)
      %dma_wait3A_197 = arith.constant 1 : i32
      %dma_wait3A_198 = arith.constant 0 : i32
      %dma_wait3A_199 = tpu.memref_slice %arg10[%dma_wait3A_197, %dma_wait3A_198] : memref<2x80xi32, #tpu.memory_space<vmem>> -> memref<1x80xi32, #tpu.memory_space<vmem>>
      %dma_wait3A_200 = tpu.memref_squeeze %dma_wait3A_199 : memref<1x80xi32, #tpu.memory_space<vmem>> -> memref<80xi32, #tpu.memory_space<vmem>>
      %dma_wait3A_201 = arith.constant 0 : i32
      %dma_wait3A_202 = arith.constant 0 : i32
      %dma_wait3A_203 = tpu.memref_slice %arg3[%dma_wait3A_201, %dma_wait3A_202] : memref<10240x16xf32, #tpu.memory_space<hbm>> -> memref<10240x16xf32, #tpu.memory_space<hbm>>
      tpu.wait_indirect_dma semaphore(%arg26 : memref<!tpu.dma_semaphore, #tpu.memory_space<semaphore_mem>>) src(%dma_wait3A_203 : memref<10240x16xf32, #tpu.memory_space<hbm>>) dst(%arg16 : memref<80x16xf32, #tpu.memory_space<vmem>>)
      %parallel_loop3A_204 = arith.constant 0 : i32
      %parallel_loop3A_205 = arith.constant 80 : i32
      %parallel_loop3A_206 = arith.constant 1 : i32
      scf.for %parallel_loop3A_308 = %parallel_loop3A_204 to %parallel_loop3A_205 step %parallel_loop3A_206  : i32 {
        %parallel_loop3A_309 = arith.index_cast %parallel_loop3A_308 : i32 to index
        %parallel_loop3A_310 = arith.constant 128 : index
        %parallel_loop3A_311 = tpu.vector_load %arg14[%parallel_loop3A_309, %parallel_loop3A_310] {strides = array<i32>} : memref<80x144xf32, #tpu.memory_space<vmem>>, vector<1x16xf32>,
        %parallel_loop3A_312 = vector.shape_cast %parallel_loop3A_311 : vector<1x16xf32> to vector<16xf32>
        %parallel_loop3A_313 = arith.index_cast %parallel_loop3A_308 : i32 to index
        %parallel_loop3A_314 = arith.constant 0 : index
        %parallel_loop3A_315 = tpu.vector_load %arg16[%parallel_loop3A_313, %parallel_loop3A_314] {strides = array<i32>} : memref<80x16xf32, #tpu.memory_space<vmem>>, vector<1x16xf32>,
        %parallel_loop3A_316 = vector.shape_cast %parallel_loop3A_315 : vector<1x16xf32> to vector<16xf32>
        %parallel_loop3A_317 = arith.index_cast %parallel_loop3A_308 : i32 to index
        %parallel_loop3A_318 = arith.constant 0 : index
        %parallel_loop3A_319 = tpu.vector_load %arg14[%parallel_loop3A_317, %parallel_loop3A_318] {strides = array<i32>} : memref<80x144xf32, #tpu.memory_space<vmem>>, vector<1x16xf32>,
        %parallel_loop3A_320 = vector.shape_cast %parallel_loop3A_319 : vector<1x16xf32> to vector<16xf32>
        %parallel_loop3A_321 = arith.index_cast %parallel_loop3A_308 : i32 to index
        %parallel_loop3A_322 = arith.constant 16 : index
        %parallel_loop3A_323 = tpu.vector_load %arg14[%parallel_loop3A_321, %parallel_loop3A_322] {strides = array<i32>} : memref<80x144xf32, #tpu.memory_space<vmem>>, vector<1x16xf32>,
        %parallel_loop3A_324 = vector.shape_cast %parallel_loop3A_323 : vector<1x16xf32> to vector<16xf32>
        %parallel_loop3A_325 = arith.index_cast %parallel_loop3A_308 : i32 to index
        %parallel_loop3A_326 = arith.constant 32 : index
        %parallel_loop3A_327 = tpu.vector_load %arg14[%parallel_loop3A_325, %parallel_loop3A_326] {strides = array<i32>} : memref<80x144xf32, #tpu.memory_space<vmem>>, vector<1x16xf32>,
        %parallel_loop3A_328 = vector.shape_cast %parallel_loop3A_327 : vector<1x16xf32> to vector<16xf32>
        %parallel_loop3A_329 = arith.index_cast %parallel_loop3A_308 : i32 to index
        %parallel_loop3A_330 = arith.constant 48 : index
        %parallel_loop3A_331 = tpu.vector_load %arg14[%parallel_loop3A_329, %parallel_loop3A_330] {strides = array<i32>} : memref<80x144xf32, #tpu.memory_space<vmem>>, vector<1x16xf32>,
        %parallel_loop3A_332 = vector.shape_cast %parallel_loop3A_331 : vector<1x16xf32> to vector<16xf32>
        %parallel_loop3A_333 = arith.index_cast %parallel_loop3A_308 : i32 to index
        %parallel_loop3A_334 = arith.constant 64 : index
        %parallel_loop3A_335 = tpu.vector_load %arg14[%parallel_loop3A_333, %parallel_loop3A_334] {strides = array<i32>} : memref<80x144xf32, #tpu.memory_space<vmem>>, vector<1x16xf32>,
        %parallel_loop3A_336 = vector.shape_cast %parallel_loop3A_335 : vector<1x16xf32> to vector<16xf32>
        %parallel_loop3A_337 = arith.index_cast %parallel_loop3A_308 : i32 to index
        %parallel_loop3A_338 = arith.constant 80 : index
        %parallel_loop3A_339 = tpu.vector_load %arg14[%parallel_loop3A_337, %parallel_loop3A_338] {strides = array<i32>} : memref<80x144xf32, #tpu.memory_space<vmem>>, vector<1x16xf32>,
        %parallel_loop3A_340 = vector.shape_cast %parallel_loop3A_339 : vector<1x16xf32> to vector<16xf32>
        %parallel_loop3A_341 = arith.index_cast %parallel_loop3A_308 : i32 to index
        %parallel_loop3A_342 = arith.constant 96 : index
        %parallel_loop3A_343 = tpu.vector_load %arg14[%parallel_loop3A_341, %parallel_loop3A_342] {strides = array<i32>} : memref<80x144xf32, #tpu.memory_space<vmem>>, vector<1x16xf32>,
        %parallel_loop3A_344 = vector.shape_cast %parallel_loop3A_343 : vector<1x16xf32> to vector<16xf32>
        %parallel_loop3A_345 = arith.index_cast %parallel_loop3A_308 : i32 to index
        %parallel_loop3A_346 = arith.constant 112 : index
        %parallel_loop3A_347 = tpu.vector_load %arg14[%parallel_loop3A_345, %parallel_loop3A_346] {strides = array<i32>} : memref<80x144xf32, #tpu.memory_space<vmem>>, vector<1x16xf32>,
        %parallel_loop3A_348 = vector.shape_cast %parallel_loop3A_347 : vector<1x16xf32> to vector<16xf32>
        %parallel_loop3A_349 = arith.addf %parallel_loop3A_312, %parallel_loop3A_316 : vector<16xf32>
        %parallel_loop3A_350 = arith.constant 0.000000e+00 : f32
        %parallel_loop3A_351 = vector.broadcast %parallel_loop3A_350 : f32 to vector<16xf32>
        %parallel_loop3A_352 = arith.cmpf ogt, %parallel_loop3A_349, %parallel_loop3A_351 : vector<16xf32>
        %parallel_loop3A_353 = arith.constant 2.000000e-01 : f32
        %parallel_loop3A_354 = vector.broadcast %parallel_loop3A_353 : f32 to vector<16xf32>
        %parallel_loop3A_355 = arith.mulf %parallel_loop3A_354, %parallel_loop3A_349 : vector<16xf32>
        %parallel_loop3A_356 = arith.select %parallel_loop3A_352, %parallel_loop3A_349, %parallel_loop3A_355 : vector<16xi1>, vector<16xf32>
        %parallel_loop3A_357 = arith.subf %parallel_loop3A_356, %get3A_4 : vector<16xf32>
        %parallel_loop3A_358 = math.exp %parallel_loop3A_357 : vector<16xf32>
        %parallel_loop3A_359 = arith.index_cast %parallel_loop3A_308 : i32 to index
        %parallel_loop3A_360 = arith.constant 128 : index
        %parallel_loop3A_361 = tpu.vector_load %arg14[%parallel_loop3A_359, %parallel_loop3A_360] {strides = array<i32>} : memref<80x144xf32, #tpu.memory_space<vmem>>, vector<1x16xf32>,
        %parallel_loop3A_362 = vector.shape_cast %parallel_loop3A_361 : vector<1x16xf32> to vector<16xf32>
        %parallel_loop3A_363 = vector.shape_cast %parallel_loop3A_358 : vector<16xf32> to vector<1x16xf32>
        tpu.vector_store %arg14[%parallel_loop3A_359, %parallel_loop3A_360], %parallel_loop3A_363 {strides = array<i32>} : memref<80x144xf32, #tpu.memory_space<vmem>>, vector<1x16xf32>,
        %parallel_loop3A_364 = arith.constant 0 : i32
        %parallel_loop3A_365 = vector.broadcast %parallel_loop3A_364 : i32 to vector<16x1xi32>
        %parallel_loop3A_366 = vector.shape_cast %parallel_loop3A_365 : vector<16x1xi32> to vector<16xi32>
        %parallel_loop3A_367 = tpu.dynamic_gather %parallel_loop3A_358[%parallel_loop3A_366] in [0] : vector<16xf32>, vector<16xi32> -> vector<16xf32>
        %parallel_loop3A_368 = arith.mulf %parallel_loop3A_320, %parallel_loop3A_367 : vector<16xf32>
        %parallel_loop3A_369 = arith.index_cast %parallel_loop3A_308 : i32 to index
        %parallel_loop3A_370 = arith.constant 0 : index
        %parallel_loop3A_371 = tpu.vector_load %arg14[%parallel_loop3A_369, %parallel_loop3A_370] {strides = array<i32>} : memref<80x144xf32, #tpu.memory_space<vmem>>, vector<1x16xf32>,
        %parallel_loop3A_372 = vector.shape_cast %parallel_loop3A_371 : vector<1x16xf32> to vector<16xf32>
        %parallel_loop3A_373 = vector.shape_cast %parallel_loop3A_368 : vector<16xf32> to vector<1x16xf32>
        tpu.vector_store %arg14[%parallel_loop3A_369, %parallel_loop3A_370], %parallel_loop3A_373 {strides = array<i32>} : memref<80x144xf32, #tpu.memory_space<vmem>>, vector<1x16xf32>,
        %parallel_loop3A_374 = arith.constant 1 : i32
        %parallel_loop3A_375 = vector.broadcast %parallel_loop3A_374 : i32 to vector<16x1xi32>
        %parallel_loop3A_376 = vector.shape_cast %parallel_loop3A_375 : vector<16x1xi32> to vector<16xi32>
        %parallel_loop3A_377 = tpu.dynamic_gather %parallel_loop3A_358[%parallel_loop3A_376] in [0] : vector<16xf32>, vector<16xi32> -> vector<16xf32>
        %parallel_loop3A_378 = arith.mulf %parallel_loop3A_324, %parallel_loop3A_377 : vector<16xf32>
        %parallel_loop3A_379 = arith.index_cast %parallel_loop3A_308 : i32 to index
        %parallel_loop3A_380 = arith.constant 16 : index
        %parallel_loop3A_381 = tpu.vector_load %arg14[%parallel_loop3A_379, %parallel_loop3A_380] {strides = array<i32>} : memref<80x144xf32, #tpu.memory_space<vmem>>, vector<1x16xf32>,
        %parallel_loop3A_382 = vector.shape_cast %parallel_loop3A_381 : vector<1x16xf32> to vector<16xf32>
        %parallel_loop3A_383 = vector.shape_cast %parallel_loop3A_378 : vector<16xf32> to vector<1x16xf32>
        tpu.vector_store %arg14[%parallel_loop3A_379, %parallel_loop3A_380], %parallel_loop3A_383 {strides = array<i32>} : memref<80x144xf32, #tpu.memory_space<vmem>>, vector<1x16xf32>,
        %parallel_loop3A_384 = arith.constant 2 : i32
        %parallel_loop3A_385 = vector.broadcast %parallel_loop3A_384 : i32 to vector<16x1xi32>
        %parallel_loop3A_386 = vector.shape_cast %parallel_loop3A_385 : vector<16x1xi32> to vector<16xi32>
        %parallel_loop3A_387 = tpu.dynamic_gather %parallel_loop3A_358[%parallel_loop3A_386] in [0] : vector<16xf32>, vector<16xi32> -> vector<16xf32>
        %parallel_loop3A_388 = arith.mulf %parallel_loop3A_328, %parallel_loop3A_387 : vector<16xf32>
        %parallel_loop3A_389 = arith.index_cast %parallel_loop3A_308 : i32 to index
        %parallel_loop3A_390 = arith.constant 32 : index
        %parallel_loop3A_391 = tpu.vector_load %arg14[%parallel_loop3A_389, %parallel_loop3A_390] {strides = array<i32>} : memref<80x144xf32, #tpu.memory_space<vmem>>, vector<1x16xf32>,
        %parallel_loop3A_392 = vector.shape_cast %parallel_loop3A_391 : vector<1x16xf32> to vector<16xf32>
        %parallel_loop3A_393 = vector.shape_cast %parallel_loop3A_388 : vector<16xf32> to vector<1x16xf32>
        tpu.vector_store %arg14[%parallel_loop3A_389, %parallel_loop3A_390], %parallel_loop3A_393 {strides = array<i32>} : memref<80x144xf32, #tpu.memory_space<vmem>>, vector<1x16xf32>,
        %parallel_loop3A_394 = arith.constant 3 : i32
        %parallel_loop3A_395 = vector.broadcast %parallel_loop3A_394 : i32 to vector<16x1xi32>
        %parallel_loop3A_396 = vector.shape_cast %parallel_loop3A_395 : vector<16x1xi32> to vector<16xi32>
        %parallel_loop3A_397 = tpu.dynamic_gather %parallel_loop3A_358[%parallel_loop3A_396] in [0] : vector<16xf32>, vector<16xi32> -> vector<16xf32>
        %parallel_loop3A_398 = arith.mulf %parallel_loop3A_332, %parallel_loop3A_397 : vector<16xf32>
        %parallel_loop3A_399 = arith.index_cast %parallel_loop3A_308 : i32 to index
        %parallel_loop3A_400 = arith.constant 48 : index
        %parallel_loop3A_401 = tpu.vector_load %arg14[%parallel_loop3A_399, %parallel_loop3A_400] {strides = array<i32>} : memref<80x144xf32, #tpu.memory_space<vmem>>, vector<1x16xf32>,
        %parallel_loop3A_402 = vector.shape_cast %parallel_loop3A_401 : vector<1x16xf32> to vector<16xf32>
        %parallel_loop3A_403 = vector.shape_cast %parallel_loop3A_398 : vector<16xf32> to vector<1x16xf32>
        tpu.vector_store %arg14[%parallel_loop3A_399, %parallel_loop3A_400], %parallel_loop3A_403 {strides = array<i32>} : memref<80x144xf32, #tpu.memory_space<vmem>>, vector<1x16xf32>,
        %parallel_loop3A_404 = arith.constant 4 : i32
        %parallel_loop3A_405 = vector.broadcast %parallel_loop3A_404 : i32 to vector<16x1xi32>
        %parallel_loop3A_406 = vector.shape_cast %parallel_loop3A_405 : vector<16x1xi32> to vector<16xi32>
        %parallel_loop3A_407 = tpu.dynamic_gather %parallel_loop3A_358[%parallel_loop3A_406] in [0] : vector<16xf32>, vector<16xi32> -> vector<16xf32>
        %parallel_loop3A_408 = arith.mulf %parallel_loop3A_336, %parallel_loop3A_407 : vector<16xf32>
        %parallel_loop3A_409 = arith.index_cast %parallel_loop3A_308 : i32 to index
        %parallel_loop3A_410 = arith.constant 64 : index
        %parallel_loop3A_411 = tpu.vector_load %arg14[%parallel_loop3A_409, %parallel_loop3A_410] {strides = array<i32>} : memref<80x144xf32, #tpu.memory_space<vmem>>, vector<1x16xf32>,
        %parallel_loop3A_412 = vector.shape_cast %parallel_loop3A_411 : vector<1x16xf32> to vector<16xf32>
        %parallel_loop3A_413 = vector.shape_cast %parallel_loop3A_408 : vector<16xf32> to vector<1x16xf32>
        tpu.vector_store %arg14[%parallel_loop3A_409, %parallel_loop3A_410], %parallel_loop3A_413 {strides = array<i32>} : memref<80x144xf32, #tpu.memory_space<vmem>>, vector<1x16xf32>,
        %parallel_loop3A_414 = arith.constant 5 : i32
        %parallel_loop3A_415 = vector.broadcast %parallel_loop3A_414 : i32 to vector<16x1xi32>
        %parallel_loop3A_416 = vector.shape_cast %parallel_loop3A_415 : vector<16x1xi32> to vector<16xi32>
        %parallel_loop3A_417 = tpu.dynamic_gather %parallel_loop3A_358[%parallel_loop3A_416] in [0] : vector<16xf32>, vector<16xi32> -> vector<16xf32>
        %parallel_loop3A_418 = arith.mulf %parallel_loop3A_340, %parallel_loop3A_417 : vector<16xf32>
        %parallel_loop3A_419 = arith.index_cast %parallel_loop3A_308 : i32 to index
        %parallel_loop3A_420 = arith.constant 80 : index
        %parallel_loop3A_421 = tpu.vector_load %arg14[%parallel_loop3A_419, %parallel_loop3A_420] {strides = array<i32>} : memref<80x144xf32, #tpu.memory_space<vmem>>, vector<1x16xf32>,
        %parallel_loop3A_422 = vector.shape_cast %parallel_loop3A_421 : vector<1x16xf32> to vector<16xf32>
        %parallel_loop3A_423 = vector.shape_cast %parallel_loop3A_418 : vector<16xf32> to vector<1x16xf32>
        tpu.vector_store %arg14[%parallel_loop3A_419, %parallel_loop3A_420], %parallel_loop3A_423 {strides = array<i32>} : memref<80x144xf32, #tpu.memory_space<vmem>>, vector<1x16xf32>,
        %parallel_loop3A_424 = arith.constant 6 : i32
        %parallel_loop3A_425 = vector.broadcast %parallel_loop3A_424 : i32 to vector<16x1xi32>
        %parallel_loop3A_426 = vector.shape_cast %parallel_loop3A_425 : vector<16x1xi32> to vector<16xi32>
        %parallel_loop3A_427 = tpu.dynamic_gather %parallel_loop3A_358[%parallel_loop3A_426] in [0] : vector<16xf32>, vector<16xi32> -> vector<16xf32>
        %parallel_loop3A_428 = arith.mulf %parallel_loop3A_344, %parallel_loop3A_427 : vector<16xf32>
        %parallel_loop3A_429 = arith.index_cast %parallel_loop3A_308 : i32 to index
        %parallel_loop3A_430 = arith.constant 96 : index
        %parallel_loop3A_431 = tpu.vector_load %arg14[%parallel_loop3A_429, %parallel_loop3A_430] {strides = array<i32>} : memref<80x144xf32, #tpu.memory_space<vmem>>, vector<1x16xf32>,
        %parallel_loop3A_432 = vector.shape_cast %parallel_loop3A_431 : vector<1x16xf32> to vector<16xf32>
        %parallel_loop3A_433 = vector.shape_cast %parallel_loop3A_428 : vector<16xf32> to vector<1x16xf32>
        tpu.vector_store %arg14[%parallel_loop3A_429, %parallel_loop3A_430], %parallel_loop3A_433 {strides = array<i32>} : memref<80x144xf32, #tpu.memory_space<vmem>>, vector<1x16xf32>,
        %parallel_loop3A_434 = arith.constant 7 : i32
        %parallel_loop3A_435 = vector.broadcast %parallel_loop3A_434 : i32 to vector<16x1xi32>
        %parallel_loop3A_436 = vector.shape_cast %parallel_loop3A_435 : vector<16x1xi32> to vector<16xi32>
        %parallel_loop3A_437 = tpu.dynamic_gather %parallel_loop3A_358[%parallel_loop3A_436] in [0] : vector<16xf32>, vector<16xi32> -> vector<16xf32>
        %parallel_loop3A_438 = arith.mulf %parallel_loop3A_348, %parallel_loop3A_437 : vector<16xf32>
        %parallel_loop3A_439 = arith.index_cast %parallel_loop3A_308 : i32 to index
        %parallel_loop3A_440 = arith.constant 112 : index
        %parallel_loop3A_441 = tpu.vector_load %arg14[%parallel_loop3A_439, %parallel_loop3A_440] {strides = array<i32>} : memref<80x144xf32, #tpu.memory_space<vmem>>, vector<1x16xf32>,
        %parallel_loop3A_442 = vector.shape_cast %parallel_loop3A_441 : vector<1x16xf32> to vector<16xf32>
        %parallel_loop3A_443 = vector.shape_cast %parallel_loop3A_438 : vector<16xf32> to vector<1x16xf32>
        tpu.vector_store %arg14[%parallel_loop3A_439, %parallel_loop3A_440], %parallel_loop3A_443 {strides = array<i32>} : memref<80x144xf32, #tpu.memory_space<vmem>>, vector<1x16xf32>,
      } {sc.loop_unroll_factor = 2 : i64, sc.parallel_access}
      %dma_start3A_207 = arith.constant 1 : i32
      %dma_start3A_208 = arith.constant 0 : i32
      %dma_start3A_209 = tpu.memref_slice %arg10[%dma_start3A_207, %dma_start3A_208] : memref<2x80xi32, #tpu.memory_space<vmem>> -> memref<1x80xi32, #tpu.memory_space<vmem>>
      %dma_start3A_210 = tpu.memref_squeeze %dma_start3A_209 : memref<1x80xi32, #tpu.memory_space<vmem>> -> memref<80xi32, #tpu.memory_space<vmem>>
      %dma_start3A_211 = arith.constant 0 : i32
      %dma_start3A_212 = arith.constant 0 : i32
      %dma_start3A_213 = tpu.memref_slice %arg18[%dma_start3A_211, %dma_start3A_212] : memref<10240x144xf32, #tpu.memory_space<vmem_shared>> -> memref<10240x144xf32, #tpu.memory_space<vmem_shared>>
      tpu.enqueue_indirect_dma source(%arg14 : memref<80x144xf32, #tpu.memory_space<vmem>>) target(%dma_start3A_213 : memref<10240x144xf32, #tpu.memory_space<vmem_shared>>) offsets(%dma_start3A_210 : memref<80xi32, #tpu.memory_space<vmem>>) semaphore(%arg28 : memref<!tpu.dma_semaphore, #tpu.memory_space<semaphore_mem>>) {add = true}
      %mul3A_214 = arith.constant 4 : i32
      %mul3A_215 = arith.muli %mul3A_214, %scan3A_124 : i32
      %add3A_216 = arith.constant 2 : i32
      %add3A_217 = arith.addi %mul3A_215, %add3A_216 : i32
      %ge3A_218 = arith.constant 1 : i32
      %ge3A_219 = arith.cmpi sge, %add3A_217, %ge3A_218 : i32
      %convert_element_type3A_220 = arith.extui %ge3A_219 : i1 to i32
      %cond3A_221 = arith.constant 0 : i32
      %cond3A_222 = arith.cmpi ne, %convert_element_type3A_220, %cond3A_221 : i32
      scf.if %cond3A_222 {
        %sub3A = arith.constant 1 : i32
        %sub3A_308 = arith.subi %add3A_217, %sub3A : i32
        %dma_wait3A_309 = arith.constant 1 : i32
        %dma_wait3A_310 = arith.constant 0 : i32
        %dma_wait3A_311 = tpu.memref_slice %arg10[%dma_wait3A_309, %dma_wait3A_310] : memref<2x80xi32, #tpu.memory_space<vmem>> -> memref<1x80xi32, #tpu.memory_space<vmem>>
        %dma_wait3A_312 = tpu.memref_squeeze %dma_wait3A_311 : memref<1x80xi32, #tpu.memory_space<vmem>> -> memref<80xi32, #tpu.memory_space<vmem>>
        %dma_wait3A_313 = arith.constant 0 : i32
        %dma_wait3A_314 = arith.constant 0 : i32
        %dma_wait3A_315 = tpu.memref_slice %arg18[%dma_wait3A_313, %dma_wait3A_314] : memref<10240x144xf32, #tpu.memory_space<vmem_shared>> -> memref<10240x144xf32, #tpu.memory_space<vmem_shared>>
        tpu.wait_indirect_dma semaphore(%arg28 : memref<!tpu.dma_semaphore, #tpu.memory_space<semaphore_mem>>) src(%arg14 : memref<80x144xf32, #tpu.memory_space<vmem>>) dst(%dma_wait3A_315 : memref<10240x144xf32, #tpu.memory_space<vmem_shared>>)
      } else {
      }
      %add3A_223 = arith.constant 2 : i32
      %add3A_224 = arith.addi %add3A_217, %add3A_223 : i32
      %lt3A_225 = arith.constant 128 : i32
      %lt3A_226 = arith.cmpi slt, %add3A_224, %lt3A_225 : i32
      %convert_element_type3A_227 = arith.extui %lt3A_226 : i1 to i32
      %cond3A_228 = arith.constant 0 : i32
      %cond3A_229 = arith.cmpi ne, %convert_element_type3A_227, %cond3A_228 : i32
      scf.if %cond3A_229 {
        %add3A_308 = arith.constant 2 : i32
        %add3A_309 = arith.addi %add3A_217, %add3A_308 : i32
        %lt3A_310 = arith.constant 125 : i32
        %lt3A_311 = arith.cmpi slt, %add3A_309, %lt3A_310 : i32
        %convert_element_type3A_312 = arith.extui %lt3A_311 : i1 to i32
        %cond3A_313 = arith.constant 0 : i32
        %cond3A_314 = arith.cmpi ne, %convert_element_type3A_312, %cond3A_313 : i32
        scf.if %cond3A_314 {
          %dma_start3A_320 = arith.constant 0 : i32
          %dma_start3A_321 = arith.constant 0 : i32
          %dma_start3A_322 = arith.constant 0 : i32
          %dma_start3A_323 = tpu.memref_slice %arg9[%dma_start3A_321, %dma_start3A_322] : memref<2x80xi32, #tpu.memory_space<vmem>> -> memref<1x80xi32, #tpu.memory_space<vmem>>
          %dma_start3A_324 = tpu.memref_squeeze %dma_start3A_323 : memref<1x80xi32, #tpu.memory_space<vmem>> -> memref<80xi32, #tpu.memory_space<vmem>>
          %dma_start3A_325 = arith.constant 0 : i32
          %dma_start3A_326 = tpu.memref_slice %arg4[%dma_start3A_320, %add3A, %add3A_309, %dma_start3A_325] : memref<2x32x125x80xi32, #tpu.memory_space<hbm>> -> memref<1x1x1x80xi32, #tpu.memory_space<hbm>>
          %dma_start3A_327 = tpu.memref_squeeze %dma_start3A_326 : memref<1x1x1x80xi32, #tpu.memory_space<hbm>> -> memref<80xi32, #tpu.memory_space<hbm>>
          %dma_start3A_328 = arith.constant 0 : i32
          %dma_start3A_329 = tpu.memref_slice %arg9[%dma_start3A_321, %dma_start3A_328] : memref<2x80xi32, #tpu.memory_space<vmem>> -> memref<1x80xi32, #tpu.memory_space<vmem>>
          %dma_start3A_330 = tpu.memref_squeeze %dma_start3A_329 : memref<1x80xi32, #tpu.memory_space<vmem>> -> memref<80xi32, #tpu.memory_space<vmem>>
          %dma_start3A_331 = arith.constant 0 : i32
          %dma_start3A_332 = tpu.memref_slice %arg4[%dma_start3A_320, %add3A, %add3A_309, %dma_start3A_331] : memref<2x32x125x80xi32, #tpu.memory_space<hbm>> -> memref<1x1x1x80xi32, #tpu.memory_space<hbm>>
          %dma_start3A_333 = tpu.memref_squeeze %dma_start3A_332 : memref<1x1x1x80xi32, #tpu.memory_space<hbm>> -> memref<80xi32, #tpu.memory_space<hbm>>
          tpu.enqueue_dma source(%dma_start3A_333 : memref<80xi32, #tpu.memory_space<hbm>>) target(%dma_start3A_330 : memref<80xi32, #tpu.memory_space<vmem>>) target_semaphore(%arg19 : memref<!tpu.dma_semaphore, #tpu.memory_space<semaphore_mem>>)
          %dma_start3A_334 = arith.constant 1 : i32
          %dma_start3A_335 = arith.constant 1 : i32
          %dma_start3A_336 = arith.constant 0 : i32
          %dma_start3A_337 = tpu.memref_slice %arg9[%dma_start3A_335, %dma_start3A_336] : memref<2x80xi32, #tpu.memory_space<vmem>> -> memref<1x80xi32, #tpu.memory_space<vmem>>
          %dma_start3A_338 = tpu.memref_squeeze %dma_start3A_337 : memref<1x80xi32, #tpu.memory_space<vmem>> -> memref<80xi32, #tpu.memory_space<vmem>>
          %dma_start3A_339 = arith.constant 0 : i32
          %dma_start3A_340 = tpu.memref_slice %arg4[%dma_start3A_334, %add3A, %add3A_309, %dma_start3A_339] : memref<2x32x125x80xi32, #tpu.memory_space<hbm>> -> memref<1x1x1x80xi32, #tpu.memory_space<hbm>>
          %dma_start3A_341 = tpu.memref_squeeze %dma_start3A_340 : memref<1x1x1x80xi32, #tpu.memory_space<hbm>> -> memref<80xi32, #tpu.memory_space<hbm>>
          %dma_start3A_342 = arith.constant 0 : i32
          %dma_start3A_343 = tpu.memref_slice %arg9[%dma_start3A_335, %dma_start3A_342] : memref<2x80xi32, #tpu.memory_space<vmem>> -> memref<1x80xi32, #tpu.memory_space<vmem>>
          %dma_start3A_344 = tpu.memref_squeeze %dma_start3A_343 : memref<1x80xi32, #tpu.memory_space<vmem>> -> memref<80xi32, #tpu.memory_space<vmem>>
          %dma_start3A_345 = arith.constant 0 : i32
          %dma_start3A_346 = tpu.memref_slice %arg4[%dma_start3A_334, %add3A, %add3A_309, %dma_start3A_345] : memref<2x32x125x80xi32, #tpu.memory_space<hbm>> -> memref<1x1x1x80xi32, #tpu.memory_space<hbm>>
          %dma_start3A_347 = tpu.memref_squeeze %dma_start3A_346 : memref<1x1x1x80xi32, #tpu.memory_space<hbm>> -> memref<80xi32, #tpu.memory_space<hbm>>
          tpu.enqueue_dma source(%dma_start3A_347 : memref<80xi32, #tpu.memory_space<hbm>>) target(%dma_start3A_344 : memref<80xi32, #tpu.memory_space<vmem>>) target_semaphore(%arg19 : memref<!tpu.dma_semaphore, #tpu.memory_space<semaphore_mem>>)
        } else {
        }
        %ge3A_315 = arith.constant 125 : i32
        %ge3A_316 = arith.cmpi sge, %add3A_309, %ge3A_315 : i32
        %convert_element_type3A_317 = arith.extui %ge3A_316 : i1 to i32
        %cond3A_318 = arith.constant 0 : i32
        %cond3A_319 = arith.cmpi ne, %convert_element_type3A_317, %cond3A_318 : i32
        scf.if %cond3A_319 {
          %sub3A = arith.constant 125 : i32
          %sub3A_320 = arith.subi %add3A_309, %sub3A : i32
          %dma_start3A_321 = arith.constant 0 : i32
          %dma_start3A_322 = arith.constant 0 : i32
          %dma_start3A_323 = arith.constant 0 : i32
          %dma_start3A_324 = tpu.memref_slice %arg9[%dma_start3A_322, %dma_start3A_323] : memref<2x80xi32, #tpu.memory_space<vmem>> -> memref<1x80xi32, #tpu.memory_space<vmem>>
          %dma_start3A_325 = tpu.memref_squeeze %dma_start3A_324 : memref<1x80xi32, #tpu.memory_space<vmem>> -> memref<80xi32, #tpu.memory_space<vmem>>
          %dma_start3A_326 = arith.constant 0 : i32
          %dma_start3A_327 = tpu.memref_slice %arg5[%dma_start3A_321, %sub3A_320, %dma_start3A_326] : memref<2x3x80xi32, #tpu.memory_space<hbm>> -> memref<1x1x80xi32, #tpu.memory_space<hbm>>
          %dma_start3A_328 = tpu.memref_squeeze %dma_start3A_327 : memref<1x1x80xi32, #tpu.memory_space<hbm>> -> memref<80xi32, #tpu.memory_space<hbm>>
          %dma_start3A_329 = arith.constant 0 : i32
          %dma_start3A_330 = tpu.memref_slice %arg9[%dma_start3A_322, %dma_start3A_329] : memref<2x80xi32, #tpu.memory_space<vmem>> -> memref<1x80xi32, #tpu.memory_space<vmem>>
          %dma_start3A_331 = tpu.memref_squeeze %dma_start3A_330 : memref<1x80xi32, #tpu.memory_space<vmem>> -> memref<80xi32, #tpu.memory_space<vmem>>
          %dma_start3A_332 = arith.constant 0 : i32
          %dma_start3A_333 = tpu.memref_slice %arg5[%dma_start3A_321, %sub3A_320, %dma_start3A_332] : memref<2x3x80xi32, #tpu.memory_space<hbm>> -> memref<1x1x80xi32, #tpu.memory_space<hbm>>
          %dma_start3A_334 = tpu.memref_squeeze %dma_start3A_333 : memref<1x1x80xi32, #tpu.memory_space<hbm>> -> memref<80xi32, #tpu.memory_space<hbm>>
          tpu.enqueue_dma source(%dma_start3A_334 : memref<80xi32, #tpu.memory_space<hbm>>) target(%dma_start3A_331 : memref<80xi32, #tpu.memory_space<vmem>>) target_semaphore(%arg19 : memref<!tpu.dma_semaphore, #tpu.memory_space<semaphore_mem>>)
          %sub3A_335 = arith.constant 125 : i32
          %sub3A_336 = arith.subi %add3A_309, %sub3A_335 : i32
          %dma_start3A_337 = arith.constant 1 : i32
          %dma_start3A_338 = arith.constant 1 : i32
          %dma_start3A_339 = arith.constant 0 : i32
          %dma_start3A_340 = tpu.memref_slice %arg9[%dma_start3A_338, %dma_start3A_339] : memref<2x80xi32, #tpu.memory_space<vmem>> -> memref<1x80xi32, #tpu.memory_space<vmem>>
          %dma_start3A_341 = tpu.memref_squeeze %dma_start3A_340 : memref<1x80xi32, #tpu.memory_space<vmem>> -> memref<80xi32, #tpu.memory_space<vmem>>
          %dma_start3A_342 = arith.constant 0 : i32
          %dma_start3A_343 = tpu.memref_slice %arg5[%dma_start3A_337, %sub3A_336, %dma_start3A_342] : memref<2x3x80xi32, #tpu.memory_space<hbm>> -> memref<1x1x80xi32, #tpu.memory_space<hbm>>
          %dma_start3A_344 = tpu.memref_squeeze %dma_start3A_343 : memref<1x1x80xi32, #tpu.memory_space<hbm>> -> memref<80xi32, #tpu.memory_space<hbm>>
          %dma_start3A_345 = arith.constant 0 : i32
          %dma_start3A_346 = tpu.memref_slice %arg9[%dma_start3A_338, %dma_start3A_345] : memref<2x80xi32, #tpu.memory_space<vmem>> -> memref<1x80xi32, #tpu.memory_space<vmem>>
          %dma_start3A_347 = tpu.memref_squeeze %dma_start3A_346 : memref<1x80xi32, #tpu.memory_space<vmem>> -> memref<80xi32, #tpu.memory_space<vmem>>
          %dma_start3A_348 = arith.constant 0 : i32
          %dma_start3A_349 = tpu.memref_slice %arg5[%dma_start3A_337, %sub3A_336, %dma_start3A_348] : memref<2x3x80xi32, #tpu.memory_space<hbm>> -> memref<1x1x80xi32, #tpu.memory_space<hbm>>
          %dma_start3A_350 = tpu.memref_squeeze %dma_start3A_349 : memref<1x1x80xi32, #tpu.memory_space<hbm>> -> memref<80xi32, #tpu.memory_space<hbm>>
          tpu.enqueue_dma source(%dma_start3A_350 : memref<80xi32, #tpu.memory_space<hbm>>) target(%dma_start3A_347 : memref<80xi32, #tpu.memory_space<vmem>>) target_semaphore(%arg19 : memref<!tpu.dma_semaphore, #tpu.memory_space<semaphore_mem>>)
        } else {
        }
      } else {
      }
      %add3A_230 = arith.constant 1 : i32
      %add3A_231 = arith.addi %add3A_217, %add3A_230 : i32
      %lt3A_232 = arith.constant 128 : i32
      %lt3A_233 = arith.cmpi slt, %add3A_231, %lt3A_232 : i32
      %convert_element_type3A_234 = arith.extui %lt3A_233 : i1 to i32
      %cond3A_235 = arith.constant 0 : i32
      %cond3A_236 = arith.cmpi ne, %convert_element_type3A_234, %cond3A_235 : i32
      scf.if %cond3A_236 {
        %dma_wait3A_308 = arith.constant 0 : i32
        %dma_wait3A_309 = arith.constant 0 : i32
        %dma_wait3A_310 = arith.constant 0 : i32
        %dma_wait3A_311 = arith.constant 0 : i32
        %dma_wait3A_312 = tpu.memref_slice %arg12[%dma_wait3A_310, %dma_wait3A_311] : memref<2x80xi32, #tpu.memory_space<vmem>> -> memref<1x80xi32, #tpu.memory_space<vmem>>
        %dma_wait3A_313 = tpu.memref_squeeze %dma_wait3A_312 : memref<1x80xi32, #tpu.memory_space<vmem>> -> memref<80xi32, #tpu.memory_space<vmem>>
        %dma_wait3A_314 = arith.constant 0 : i32
        %dma_wait3A_315 = tpu.memref_slice %arg5[%dma_wait3A_308, %dma_wait3A_309, %dma_wait3A_314] : memref<2x3x80xi32, #tpu.memory_space<hbm>> -> memref<1x1x80xi32, #tpu.memory_space<hbm>>
        %dma_wait3A_316 = tpu.memref_squeeze %dma_wait3A_315 : memref<1x1x80xi32, #tpu.memory_space<hbm>> -> memref<80xi32, #tpu.memory_space<hbm>>
        %dma_wait3A_317 = arith.constant 0 : i32
        %dma_wait3A_318 = tpu.memref_slice %arg12[%dma_wait3A_310, %dma_wait3A_317] : memref<2x80xi32, #tpu.memory_space<vmem>> -> memref<1x80xi32, #tpu.memory_space<vmem>>
        %dma_wait3A_319 = tpu.memref_squeeze %dma_wait3A_318 : memref<1x80xi32, #tpu.memory_space<vmem>> -> memref<80xi32, #tpu.memory_space<vmem>>
        %dma_wait3A_320 = arith.constant 0 : i32
        %dma_wait3A_321 = tpu.memref_slice %arg5[%dma_wait3A_308, %dma_wait3A_309, %dma_wait3A_320] : memref<2x3x80xi32, #tpu.memory_space<hbm>> -> memref<1x1x80xi32, #tpu.memory_space<hbm>>
        %dma_wait3A_322 = tpu.memref_squeeze %dma_wait3A_321 : memref<1x1x80xi32, #tpu.memory_space<hbm>> -> memref<80xi32, #tpu.memory_space<hbm>>
        tpu.wait_dma2 semaphore(%arg22 : memref<!tpu.dma_semaphore, #tpu.memory_space<semaphore_mem>>) src(%dma_wait3A_322 : memref<80xi32, #tpu.memory_space<hbm>>) dst(%dma_wait3A_319 : memref<80xi32, #tpu.memory_space<vmem>>)
        %dma_wait3A_323 = arith.constant 1 : i32
        %dma_wait3A_324 = arith.constant 0 : i32
        %dma_wait3A_325 = arith.constant 1 : i32
        %dma_wait3A_326 = arith.constant 0 : i32
        %dma_wait3A_327 = tpu.memref_slice %arg12[%dma_wait3A_325, %dma_wait3A_326] : memref<2x80xi32, #tpu.memory_space<vmem>> -> memref<1x80xi32, #tpu.memory_space<vmem>>
        %dma_wait3A_328 = tpu.memref_squeeze %dma_wait3A_327 : memref<1x80xi32, #tpu.memory_space<vmem>> -> memref<80xi32, #tpu.memory_space<vmem>>
        %dma_wait3A_329 = arith.constant 0 : i32
        %dma_wait3A_330 = tpu.memref_slice %arg5[%dma_wait3A_323, %dma_wait3A_324, %dma_wait3A_329] : memref<2x3x80xi32, #tpu.memory_space<hbm>> -> memref<1x1x80xi32, #tpu.memory_space<hbm>>
        %dma_wait3A_331 = tpu.memref_squeeze %dma_wait3A_330 : memref<1x1x80xi32, #tpu.memory_space<hbm>> -> memref<80xi32, #tpu.memory_space<hbm>>
        %dma_wait3A_332 = arith.constant 0 : i32
        %dma_wait3A_333 = tpu.memref_slice %arg12[%dma_wait3A_325, %dma_wait3A_332] : memref<2x80xi32, #tpu.memory_space<vmem>> -> memref<1x80xi32, #tpu.memory_space<vmem>>
        %dma_wait3A_334 = tpu.memref_squeeze %dma_wait3A_333 : memref<1x80xi32, #tpu.memory_space<vmem>> -> memref<80xi32, #tpu.memory_space<vmem>>
        %dma_wait3A_335 = arith.constant 0 : i32
        %dma_wait3A_336 = tpu.memref_slice %arg5[%dma_wait3A_323, %dma_wait3A_324, %dma_wait3A_335] : memref<2x3x80xi32, #tpu.memory_space<hbm>> -> memref<1x1x80xi32, #tpu.memory_space<hbm>>
        %dma_wait3A_337 = tpu.memref_squeeze %dma_wait3A_336 : memref<1x1x80xi32, #tpu.memory_space<hbm>> -> memref<80xi32, #tpu.memory_space<hbm>>
        tpu.wait_dma2 semaphore(%arg22 : memref<!tpu.dma_semaphore, #tpu.memory_space<semaphore_mem>>) src(%dma_wait3A_337 : memref<80xi32, #tpu.memory_space<hbm>>) dst(%dma_wait3A_334 : memref<80xi32, #tpu.memory_space<vmem>>)
        %add3A_338 = arith.constant 1 : i32
        %add3A_339 = arith.addi %add3A_217, %add3A_338 : i32
        %dma_start3A_340 = arith.constant 0 : i32
        %dma_start3A_341 = arith.constant 0 : i32
        %dma_start3A_342 = tpu.memref_slice %arg12[%dma_start3A_340, %dma_start3A_341] : memref<2x80xi32, #tpu.memory_space<vmem>> -> memref<1x80xi32, #tpu.memory_space<vmem>>
        %dma_start3A_343 = tpu.memref_squeeze %dma_start3A_342 : memref<1x80xi32, #tpu.memory_space<vmem>> -> memref<80xi32, #tpu.memory_space<vmem>>
        %dma_start3A_344 = arith.constant 0 : i32
        %dma_start3A_345 = arith.constant 0 : i32
        %dma_start3A_346 = tpu.memref_slice %arg2[%dma_start3A_344, %dma_start3A_345] : memref<10240x144xf32, #tpu.memory_space<hbm>> -> memref<10240x144xf32, #tpu.memory_space<hbm>>
        tpu.enqueue_indirect_dma source(%dma_start3A_346 : memref<10240x144xf32, #tpu.memory_space<hbm>>) target(%arg14 : memref<80x144xf32, #tpu.memory_space<vmem>>) offsets(%dma_start3A_343 : memref<80xi32, #tpu.memory_space<vmem>>) semaphore(%arg24 : memref<!tpu.dma_semaphore, #tpu.memory_space<semaphore_mem>>)
        %add3A_347 = arith.constant 1 : i32
        %add3A_348 = arith.addi %add3A_217, %add3A_347 : i32
        %dma_start3A_349 = arith.constant 1 : i32
        %dma_start3A_350 = arith.constant 0 : i32
        %dma_start3A_351 = tpu.memref_slice %arg12[%dma_start3A_349, %dma_start3A_350] : memref<2x80xi32, #tpu.memory_space<vmem>> -> memref<1x80xi32, #tpu.memory_space<vmem>>
        %dma_start3A_352 = tpu.memref_squeeze %dma_start3A_351 : memref<1x80xi32, #tpu.memory_space<vmem>> -> memref<80xi32, #tpu.memory_space<vmem>>
        %dma_start3A_353 = arith.constant 0 : i32
        %dma_start3A_354 = arith.constant 0 : i32
        %dma_start3A_355 = tpu.memref_slice %arg3[%dma_start3A_353, %dma_start3A_354] : memref<10240x16xf32, #tpu.memory_space<hbm>> -> memref<10240x16xf32, #tpu.memory_space<hbm>>
        tpu.enqueue_indirect_dma source(%dma_start3A_355 : memref<10240x16xf32, #tpu.memory_space<hbm>>) target(%arg16 : memref<80x16xf32, #tpu.memory_space<vmem>>) offsets(%dma_start3A_352 : memref<80xi32, #tpu.memory_space<vmem>>) semaphore(%arg26 : memref<!tpu.dma_semaphore, #tpu.memory_space<semaphore_mem>>)
      } else {
      }
      %dma_wait3A_237 = arith.constant 0 : i32
      %dma_wait3A_238 = arith.constant 0 : i32
      %dma_wait3A_239 = tpu.memref_slice %arg11[%dma_wait3A_237, %dma_wait3A_238] : memref<2x80xi32, #tpu.memory_space<vmem>> -> memref<1x80xi32, #tpu.memory_space<vmem>>
      %dma_wait3A_240 = tpu.memref_squeeze %dma_wait3A_239 : memref<1x80xi32, #tpu.memory_space<vmem>> -> memref<80xi32, #tpu.memory_space<vmem>>
      %dma_wait3A_241 = arith.constant 0 : i32
      %dma_wait3A_242 = arith.constant 0 : i32
      %dma_wait3A_243 = tpu.memref_slice %arg2[%dma_wait3A_241, %dma_wait3A_242] : memref<10240x144xf32, #tpu.memory_space<hbm>> -> memref<10240x144xf32, #tpu.memory_space<hbm>>
      tpu.wait_indirect_dma semaphore(%arg23 : memref<!tpu.dma_semaphore, #tpu.memory_space<semaphore_mem>>) src(%dma_wait3A_243 : memref<10240x144xf32, #tpu.memory_space<hbm>>) dst(%arg13 : memref<80x144xf32, #tpu.memory_space<vmem>>)
      %dma_wait3A_244 = arith.constant 1 : i32
      %dma_wait3A_245 = arith.constant 0 : i32
      %dma_wait3A_246 = tpu.memref_slice %arg11[%dma_wait3A_244, %dma_wait3A_245] : memref<2x80xi32, #tpu.memory_space<vmem>> -> memref<1x80xi32, #tpu.memory_space<vmem>>
      %dma_wait3A_247 = tpu.memref_squeeze %dma_wait3A_246 : memref<1x80xi32, #tpu.memory_space<vmem>> -> memref<80xi32, #tpu.memory_space<vmem>>
      %dma_wait3A_248 = arith.constant 0 : i32
      %dma_wait3A_249 = arith.constant 0 : i32
      %dma_wait3A_250 = tpu.memref_slice %arg3[%dma_wait3A_248, %dma_wait3A_249] : memref<10240x16xf32, #tpu.memory_space<hbm>> -> memref<10240x16xf32, #tpu.memory_space<hbm>>
      tpu.wait_indirect_dma semaphore(%arg25 : memref<!tpu.dma_semaphore, #tpu.memory_space<semaphore_mem>>) src(%dma_wait3A_250 : memref<10240x16xf32, #tpu.memory_space<hbm>>) dst(%arg15 : memref<80x16xf32, #tpu.memory_space<vmem>>)
      %parallel_loop3A_251 = arith.constant 0 : i32
      %parallel_loop3A_252 = arith.constant 80 : i32
      %parallel_loop3A_253 = arith.constant 1 : i32
      scf.for %parallel_loop3A_308 = %parallel_loop3A_251 to %parallel_loop3A_252 step %parallel_loop3A_253  : i32 {
        %parallel_loop3A_309 = arith.index_cast %parallel_loop3A_308 : i32 to index
        %parallel_loop3A_310 = arith.constant 128 : index
        %parallel_loop3A_311 = tpu.vector_load %arg13[%parallel_loop3A_309, %parallel_loop3A_310] {strides = array<i32>} : memref<80x144xf32, #tpu.memory_space<vmem>>, vector<1x16xf32>,
        %parallel_loop3A_312 = vector.shape_cast %parallel_loop3A_311 : vector<1x16xf32> to vector<16xf32>
        %parallel_loop3A_313 = arith.index_cast %parallel_loop3A_308 : i32 to index
        %parallel_loop3A_314 = arith.constant 0 : index
        %parallel_loop3A_315 = tpu.vector_load %arg15[%parallel_loop3A_313, %parallel_loop3A_314] {strides = array<i32>} : memref<80x16xf32, #tpu.memory_space<vmem>>, vector<1x16xf32>,
        %parallel_loop3A_316 = vector.shape_cast %parallel_loop3A_315 : vector<1x16xf32> to vector<16xf32>
        %parallel_loop3A_317 = arith.index_cast %parallel_loop3A_308 : i32 to index
        %parallel_loop3A_318 = arith.constant 0 : index
        %parallel_loop3A_319 = tpu.vector_load %arg13[%parallel_loop3A_317, %parallel_loop3A_318] {strides = array<i32>} : memref<80x144xf32, #tpu.memory_space<vmem>>, vector<1x16xf32>,
        %parallel_loop3A_320 = vector.shape_cast %parallel_loop3A_319 : vector<1x16xf32> to vector<16xf32>
        %parallel_loop3A_321 = arith.index_cast %parallel_loop3A_308 : i32 to index
        %parallel_loop3A_322 = arith.constant 16 : index
        %parallel_loop3A_323 = tpu.vector_load %arg13[%parallel_loop3A_321, %parallel_loop3A_322] {strides = array<i32>} : memref<80x144xf32, #tpu.memory_space<vmem>>, vector<1x16xf32>,
        %parallel_loop3A_324 = vector.shape_cast %parallel_loop3A_323 : vector<1x16xf32> to vector<16xf32>
        %parallel_loop3A_325 = arith.index_cast %parallel_loop3A_308 : i32 to index
        %parallel_loop3A_326 = arith.constant 32 : index
        %parallel_loop3A_327 = tpu.vector_load %arg13[%parallel_loop3A_325, %parallel_loop3A_326] {strides = array<i32>} : memref<80x144xf32, #tpu.memory_space<vmem>>, vector<1x16xf32>,
        %parallel_loop3A_328 = vector.shape_cast %parallel_loop3A_327 : vector<1x16xf32> to vector<16xf32>
        %parallel_loop3A_329 = arith.index_cast %parallel_loop3A_308 : i32 to index
        %parallel_loop3A_330 = arith.constant 48 : index
        %parallel_loop3A_331 = tpu.vector_load %arg13[%parallel_loop3A_329, %parallel_loop3A_330] {strides = array<i32>} : memref<80x144xf32, #tpu.memory_space<vmem>>, vector<1x16xf32>,
        %parallel_loop3A_332 = vector.shape_cast %parallel_loop3A_331 : vector<1x16xf32> to vector<16xf32>
        %parallel_loop3A_333 = arith.index_cast %parallel_loop3A_308 : i32 to index
        %parallel_loop3A_334 = arith.constant 64 : index
        %parallel_loop3A_335 = tpu.vector_load %arg13[%parallel_loop3A_333, %parallel_loop3A_334] {strides = array<i32>} : memref<80x144xf32, #tpu.memory_space<vmem>>, vector<1x16xf32>,
        %parallel_loop3A_336 = vector.shape_cast %parallel_loop3A_335 : vector<1x16xf32> to vector<16xf32>
        %parallel_loop3A_337 = arith.index_cast %parallel_loop3A_308 : i32 to index
        %parallel_loop3A_338 = arith.constant 80 : index
        %parallel_loop3A_339 = tpu.vector_load %arg13[%parallel_loop3A_337, %parallel_loop3A_338] {strides = array<i32>} : memref<80x144xf32, #tpu.memory_space<vmem>>, vector<1x16xf32>,
        %parallel_loop3A_340 = vector.shape_cast %parallel_loop3A_339 : vector<1x16xf32> to vector<16xf32>
        %parallel_loop3A_341 = arith.index_cast %parallel_loop3A_308 : i32 to index
        %parallel_loop3A_342 = arith.constant 96 : index
        %parallel_loop3A_343 = tpu.vector_load %arg13[%parallel_loop3A_341, %parallel_loop3A_342] {strides = array<i32>} : memref<80x144xf32, #tpu.memory_space<vmem>>, vector<1x16xf32>,
        %parallel_loop3A_344 = vector.shape_cast %parallel_loop3A_343 : vector<1x16xf32> to vector<16xf32>
        %parallel_loop3A_345 = arith.index_cast %parallel_loop3A_308 : i32 to index
        %parallel_loop3A_346 = arith.constant 112 : index
        %parallel_loop3A_347 = tpu.vector_load %arg13[%parallel_loop3A_345, %parallel_loop3A_346] {strides = array<i32>} : memref<80x144xf32, #tpu.memory_space<vmem>>, vector<1x16xf32>,
        %parallel_loop3A_348 = vector.shape_cast %parallel_loop3A_347 : vector<1x16xf32> to vector<16xf32>
        %parallel_loop3A_349 = arith.addf %parallel_loop3A_312, %parallel_loop3A_316 : vector<16xf32>
        %parallel_loop3A_350 = arith.constant 0.000000e+00 : f32
        %parallel_loop3A_351 = vector.broadcast %parallel_loop3A_350 : f32 to vector<16xf32>
        %parallel_loop3A_352 = arith.cmpf ogt, %parallel_loop3A_349, %parallel_loop3A_351 : vector<16xf32>
        %parallel_loop3A_353 = arith.constant 2.000000e-01 : f32
        %parallel_loop3A_354 = vector.broadcast %parallel_loop3A_353 : f32 to vector<16xf32>
        %parallel_loop3A_355 = arith.mulf %parallel_loop3A_354, %parallel_loop3A_349 : vector<16xf32>
        %parallel_loop3A_356 = arith.select %parallel_loop3A_352, %parallel_loop3A_349, %parallel_loop3A_355 : vector<16xi1>, vector<16xf32>
        %parallel_loop3A_357 = arith.subf %parallel_loop3A_356, %get3A_4 : vector<16xf32>
        %parallel_loop3A_358 = math.exp %parallel_loop3A_357 : vector<16xf32>
        %parallel_loop3A_359 = arith.index_cast %parallel_loop3A_308 : i32 to index
        %parallel_loop3A_360 = arith.constant 128 : index
        %parallel_loop3A_361 = tpu.vector_load %arg13[%parallel_loop3A_359, %parallel_loop3A_360] {strides = array<i32>} : memref<80x144xf32, #tpu.memory_space<vmem>>, vector<1x16xf32>,
        %parallel_loop3A_362 = vector.shape_cast %parallel_loop3A_361 : vector<1x16xf32> to vector<16xf32>
        %parallel_loop3A_363 = vector.shape_cast %parallel_loop3A_358 : vector<16xf32> to vector<1x16xf32>
        tpu.vector_store %arg13[%parallel_loop3A_359, %parallel_loop3A_360], %parallel_loop3A_363 {strides = array<i32>} : memref<80x144xf32, #tpu.memory_space<vmem>>, vector<1x16xf32>,
        %parallel_loop3A_364 = arith.constant 0 : i32
        %parallel_loop3A_365 = vector.broadcast %parallel_loop3A_364 : i32 to vector<16x1xi32>
        %parallel_loop3A_366 = vector.shape_cast %parallel_loop3A_365 : vector<16x1xi32> to vector<16xi32>
        %parallel_loop3A_367 = tpu.dynamic_gather %parallel_loop3A_358[%parallel_loop3A_366] in [0] : vector<16xf32>, vector<16xi32> -> vector<16xf32>
        %parallel_loop3A_368 = arith.mulf %parallel_loop3A_320, %parallel_loop3A_367 : vector<16xf32>
        %parallel_loop3A_369 = arith.index_cast %parallel_loop3A_308 : i32 to index
        %parallel_loop3A_370 = arith.constant 0 : index
        %parallel_loop3A_371 = tpu.vector_load %arg13[%parallel_loop3A_369, %parallel_loop3A_370] {strides = array<i32>} : memref<80x144xf32, #tpu.memory_space<vmem>>, vector<1x16xf32>,
        %parallel_loop3A_372 = vector.shape_cast %parallel_loop3A_371 : vector<1x16xf32> to vector<16xf32>
        %parallel_loop3A_373 = vector.shape_cast %parallel_loop3A_368 : vector<16xf32> to vector<1x16xf32>
        tpu.vector_store %arg13[%parallel_loop3A_369, %parallel_loop3A_370], %parallel_loop3A_373 {strides = array<i32>} : memref<80x144xf32, #tpu.memory_space<vmem>>, vector<1x16xf32>,
        %parallel_loop3A_374 = arith.constant 1 : i32
        %parallel_loop3A_375 = vector.broadcast %parallel_loop3A_374 : i32 to vector<16x1xi32>
        %parallel_loop3A_376 = vector.shape_cast %parallel_loop3A_375 : vector<16x1xi32> to vector<16xi32>
        %parallel_loop3A_377 = tpu.dynamic_gather %parallel_loop3A_358[%parallel_loop3A_376] in [0] : vector<16xf32>, vector<16xi32> -> vector<16xf32>
        %parallel_loop3A_378 = arith.mulf %parallel_loop3A_324, %parallel_loop3A_377 : vector<16xf32>
        %parallel_loop3A_379 = arith.index_cast %parallel_loop3A_308 : i32 to index
        %parallel_loop3A_380 = arith.constant 16 : index
        %parallel_loop3A_381 = tpu.vector_load %arg13[%parallel_loop3A_379, %parallel_loop3A_380] {strides = array<i32>} : memref<80x144xf32, #tpu.memory_space<vmem>>, vector<1x16xf32>,
        %parallel_loop3A_382 = vector.shape_cast %parallel_loop3A_381 : vector<1x16xf32> to vector<16xf32>
        %parallel_loop3A_383 = vector.shape_cast %parallel_loop3A_378 : vector<16xf32> to vector<1x16xf32>
        tpu.vector_store %arg13[%parallel_loop3A_379, %parallel_loop3A_380], %parallel_loop3A_383 {strides = array<i32>} : memref<80x144xf32, #tpu.memory_space<vmem>>, vector<1x16xf32>,
        %parallel_loop3A_384 = arith.constant 2 : i32
        %parallel_loop3A_385 = vector.broadcast %parallel_loop3A_384 : i32 to vector<16x1xi32>
        %parallel_loop3A_386 = vector.shape_cast %parallel_loop3A_385 : vector<16x1xi32> to vector<16xi32>
        %parallel_loop3A_387 = tpu.dynamic_gather %parallel_loop3A_358[%parallel_loop3A_386] in [0] : vector<16xf32>, vector<16xi32> -> vector<16xf32>
        %parallel_loop3A_388 = arith.mulf %parallel_loop3A_328, %parallel_loop3A_387 : vector<16xf32>
        %parallel_loop3A_389 = arith.index_cast %parallel_loop3A_308 : i32 to index
        %parallel_loop3A_390 = arith.constant 32 : index
        %parallel_loop3A_391 = tpu.vector_load %arg13[%parallel_loop3A_389, %parallel_loop3A_390] {strides = array<i32>} : memref<80x144xf32, #tpu.memory_space<vmem>>, vector<1x16xf32>,
        %parallel_loop3A_392 = vector.shape_cast %parallel_loop3A_391 : vector<1x16xf32> to vector<16xf32>
        %parallel_loop3A_393 = vector.shape_cast %parallel_loop3A_388 : vector<16xf32> to vector<1x16xf32>
        tpu.vector_store %arg13[%parallel_loop3A_389, %parallel_loop3A_390], %parallel_loop3A_393 {strides = array<i32>} : memref<80x144xf32, #tpu.memory_space<vmem>>, vector<1x16xf32>,
        %parallel_loop3A_394 = arith.constant 3 : i32
        %parallel_loop3A_395 = vector.broadcast %parallel_loop3A_394 : i32 to vector<16x1xi32>
        %parallel_loop3A_396 = vector.shape_cast %parallel_loop3A_395 : vector<16x1xi32> to vector<16xi32>
        %parallel_loop3A_397 = tpu.dynamic_gather %parallel_loop3A_358[%parallel_loop3A_396] in [0] : vector<16xf32>, vector<16xi32> -> vector<16xf32>
        %parallel_loop3A_398 = arith.mulf %parallel_loop3A_332, %parallel_loop3A_397 : vector<16xf32>
        %parallel_loop3A_399 = arith.index_cast %parallel_loop3A_308 : i32 to index
        %parallel_loop3A_400 = arith.constant 48 : index
        %parallel_loop3A_401 = tpu.vector_load %arg13[%parallel_loop3A_399, %parallel_loop3A_400] {strides = array<i32>} : memref<80x144xf32, #tpu.memory_space<vmem>>, vector<1x16xf32>,
        %parallel_loop3A_402 = vector.shape_cast %parallel_loop3A_401 : vector<1x16xf32> to vector<16xf32>
        %parallel_loop3A_403 = vector.shape_cast %parallel_loop3A_398 : vector<16xf32> to vector<1x16xf32>
        tpu.vector_store %arg13[%parallel_loop3A_399, %parallel_loop3A_400], %parallel_loop3A_403 {strides = array<i32>} : memref<80x144xf32, #tpu.memory_space<vmem>>, vector<1x16xf32>,
        %parallel_loop3A_404 = arith.constant 4 : i32
        %parallel_loop3A_405 = vector.broadcast %parallel_loop3A_404 : i32 to vector<16x1xi32>
        %parallel_loop3A_406 = vector.shape_cast %parallel_loop3A_405 : vector<16x1xi32> to vector<16xi32>
        %parallel_loop3A_407 = tpu.dynamic_gather %parallel_loop3A_358[%parallel_loop3A_406] in [0] : vector<16xf32>, vector<16xi32> -> vector<16xf32>
        %parallel_loop3A_408 = arith.mulf %parallel_loop3A_336, %parallel_loop3A_407 : vector<16xf32>
        %parallel_loop3A_409 = arith.index_cast %parallel_loop3A_308 : i32 to index
        %parallel_loop3A_410 = arith.constant 64 : index
        %parallel_loop3A_411 = tpu.vector_load %arg13[%parallel_loop3A_409, %parallel_loop3A_410] {strides = array<i32>} : memref<80x144xf32, #tpu.memory_space<vmem>>, vector<1x16xf32>,
        %parallel_loop3A_412 = vector.shape_cast %parallel_loop3A_411 : vector<1x16xf32> to vector<16xf32>
        %parallel_loop3A_413 = vector.shape_cast %parallel_loop3A_408 : vector<16xf32> to vector<1x16xf32>
        tpu.vector_store %arg13[%parallel_loop3A_409, %parallel_loop3A_410], %parallel_loop3A_413 {strides = array<i32>} : memref<80x144xf32, #tpu.memory_space<vmem>>, vector<1x16xf32>,
        %parallel_loop3A_414 = arith.constant 5 : i32
        %parallel_loop3A_415 = vector.broadcast %parallel_loop3A_414 : i32 to vector<16x1xi32>
        %parallel_loop3A_416 = vector.shape_cast %parallel_loop3A_415 : vector<16x1xi32> to vector<16xi32>
        %parallel_loop3A_417 = tpu.dynamic_gather %parallel_loop3A_358[%parallel_loop3A_416] in [0] : vector<16xf32>, vector<16xi32> -> vector<16xf32>
        %parallel_loop3A_418 = arith.mulf %parallel_loop3A_340, %parallel_loop3A_417 : vector<16xf32>
        %parallel_loop3A_419 = arith.index_cast %parallel_loop3A_308 : i32 to index
        %parallel_loop3A_420 = arith.constant 80 : index
        %parallel_loop3A_421 = tpu.vector_load %arg13[%parallel_loop3A_419, %parallel_loop3A_420] {strides = array<i32>} : memref<80x144xf32, #tpu.memory_space<vmem>>, vector<1x16xf32>,
        %parallel_loop3A_422 = vector.shape_cast %parallel_loop3A_421 : vector<1x16xf32> to vector<16xf32>
        %parallel_loop3A_423 = vector.shape_cast %parallel_loop3A_418 : vector<16xf32> to vector<1x16xf32>
        tpu.vector_store %arg13[%parallel_loop3A_419, %parallel_loop3A_420], %parallel_loop3A_423 {strides = array<i32>} : memref<80x144xf32, #tpu.memory_space<vmem>>, vector<1x16xf32>,
        %parallel_loop3A_424 = arith.constant 6 : i32
        %parallel_loop3A_425 = vector.broadcast %parallel_loop3A_424 : i32 to vector<16x1xi32>
        %parallel_loop3A_426 = vector.shape_cast %parallel_loop3A_425 : vector<16x1xi32> to vector<16xi32>
        %parallel_loop3A_427 = tpu.dynamic_gather %parallel_loop3A_358[%parallel_loop3A_426] in [0] : vector<16xf32>, vector<16xi32> -> vector<16xf32>
        %parallel_loop3A_428 = arith.mulf %parallel_loop3A_344, %parallel_loop3A_427 : vector<16xf32>
        %parallel_loop3A_429 = arith.index_cast %parallel_loop3A_308 : i32 to index
        %parallel_loop3A_430 = arith.constant 96 : index
        %parallel_loop3A_431 = tpu.vector_load %arg13[%parallel_loop3A_429, %parallel_loop3A_430] {strides = array<i32>} : memref<80x144xf32, #tpu.memory_space<vmem>>, vector<1x16xf32>,
        %parallel_loop3A_432 = vector.shape_cast %parallel_loop3A_431 : vector<1x16xf32> to vector<16xf32>
        %parallel_loop3A_433 = vector.shape_cast %parallel_loop3A_428 : vector<16xf32> to vector<1x16xf32>
        tpu.vector_store %arg13[%parallel_loop3A_429, %parallel_loop3A_430], %parallel_loop3A_433 {strides = array<i32>} : memref<80x144xf32, #tpu.memory_space<vmem>>, vector<1x16xf32>,
        %parallel_loop3A_434 = arith.constant 7 : i32
        %parallel_loop3A_435 = vector.broadcast %parallel_loop3A_434 : i32 to vector<16x1xi32>
        %parallel_loop3A_436 = vector.shape_cast %parallel_loop3A_435 : vector<16x1xi32> to vector<16xi32>
        %parallel_loop3A_437 = tpu.dynamic_gather %parallel_loop3A_358[%parallel_loop3A_436] in [0] : vector<16xf32>, vector<16xi32> -> vector<16xf32>
        %parallel_loop3A_438 = arith.mulf %parallel_loop3A_348, %parallel_loop3A_437 : vector<16xf32>
        %parallel_loop3A_439 = arith.index_cast %parallel_loop3A_308 : i32 to index
        %parallel_loop3A_440 = arith.constant 112 : index
        %parallel_loop3A_441 = tpu.vector_load %arg13[%parallel_loop3A_439, %parallel_loop3A_440] {strides = array<i32>} : memref<80x144xf32, #tpu.memory_space<vmem>>, vector<1x16xf32>,
        %parallel_loop3A_442 = vector.shape_cast %parallel_loop3A_441 : vector<1x16xf32> to vector<16xf32>
        %parallel_loop3A_443 = vector.shape_cast %parallel_loop3A_438 : vector<16xf32> to vector<1x16xf32>
        tpu.vector_store %arg13[%parallel_loop3A_439, %parallel_loop3A_440], %parallel_loop3A_443 {strides = array<i32>} : memref<80x144xf32, #tpu.memory_space<vmem>>, vector<1x16xf32>,
      } {sc.loop_unroll_factor = 2 : i64, sc.parallel_access}
      %dma_start3A_254 = arith.constant 1 : i32
      %dma_start3A_255 = arith.constant 0 : i32
      %dma_start3A_256 = tpu.memref_slice %arg11[%dma_start3A_254, %dma_start3A_255] : memref<2x80xi32, #tpu.memory_space<vmem>> -> memref<1x80xi32, #tpu.memory_space<vmem>>
      %dma_start3A_257 = tpu.memref_squeeze %dma_start3A_256 : memref<1x80xi32, #tpu.memory_space<vmem>> -> memref<80xi32, #tpu.memory_space<vmem>>
      %dma_start3A_258 = arith.constant 0 : i32
      %dma_start3A_259 = arith.constant 0 : i32
      %dma_start3A_260 = tpu.memref_slice %arg18[%dma_start3A_258, %dma_start3A_259] : memref<10240x144xf32, #tpu.memory_space<vmem_shared>> -> memref<10240x144xf32, #tpu.memory_space<vmem_shared>>
      tpu.enqueue_indirect_dma source(%arg13 : memref<80x144xf32, #tpu.memory_space<vmem>>) target(%dma_start3A_260 : memref<10240x144xf32, #tpu.memory_space<vmem_shared>>) offsets(%dma_start3A_257 : memref<80xi32, #tpu.memory_space<vmem>>) semaphore(%arg27 : memref<!tpu.dma_semaphore, #tpu.memory_space<semaphore_mem>>) {add = true}
      %mul3A_261 = arith.constant 4 : i32
      %mul3A_262 = arith.muli %mul3A_261, %scan3A_124 : i32
      %add3A_263 = arith.constant 3 : i32
      %add3A_264 = arith.addi %mul3A_262, %add3A_263 : i32
      %ge3A_265 = arith.constant 1 : i32
      %ge3A_266 = arith.cmpi sge, %add3A_264, %ge3A_265 : i32
      %convert_element_type3A_267 = arith.extui %ge3A_266 : i1 to i32
      %cond3A_268 = arith.constant 0 : i32
      %cond3A_269 = arith.cmpi ne, %convert_element_type3A_267, %cond3A_268 : i32
      scf.if %cond3A_269 {
        %sub3A = arith.constant 1 : i32
        %sub3A_308 = arith.subi %add3A_264, %sub3A : i32
        %dma_wait3A_309 = arith.constant 1 : i32
        %dma_wait3A_310 = arith.constant 0 : i32
        %dma_wait3A_311 = tpu.memref_slice %arg11[%dma_wait3A_309, %dma_wait3A_310] : memref<2x80xi32, #tpu.memory_space<vmem>> -> memref<1x80xi32, #tpu.memory_space<vmem>>
        %dma_wait3A_312 = tpu.memref_squeeze %dma_wait3A_311 : memref<1x80xi32, #tpu.memory_space<vmem>> -> memref<80xi32, #tpu.memory_space<vmem>>
        %dma_wait3A_313 = arith.constant 0 : i32
        %dma_wait3A_314 = arith.constant 0 : i32
        %dma_wait3A_315 = tpu.memref_slice %arg18[%dma_wait3A_313, %dma_wait3A_314] : memref<10240x144xf32, #tpu.memory_space<vmem_shared>> -> memref<10240x144xf32, #tpu.memory_space<vmem_shared>>
        tpu.wait_indirect_dma semaphore(%arg27 : memref<!tpu.dma_semaphore, #tpu.memory_space<semaphore_mem>>) src(%arg13 : memref<80x144xf32, #tpu.memory_space<vmem>>) dst(%dma_wait3A_315 : memref<10240x144xf32, #tpu.memory_space<vmem_shared>>)
      } else {
      }
      %add3A_270 = arith.constant 2 : i32
      %add3A_271 = arith.addi %add3A_264, %add3A_270 : i32
      %lt3A_272 = arith.constant 128 : i32
      %lt3A_273 = arith.cmpi slt, %add3A_271, %lt3A_272 : i32
      %convert_element_type3A_274 = arith.extui %lt3A_273 : i1 to i32
      %cond3A_275 = arith.constant 0 : i32
      %cond3A_276 = arith.cmpi ne, %convert_element_type3A_274, %cond3A_275 : i32
      scf.if %cond3A_276 {
        %add3A_308 = arith.constant 2 : i32
        %add3A_309 = arith.addi %add3A_264, %add3A_308 : i32
        %lt3A_310 = arith.constant 125 : i32
        %lt3A_311 = arith.cmpi slt, %add3A_309, %lt3A_310 : i32
        %convert_element_type3A_312 = arith.extui %lt3A_311 : i1 to i32
        %cond3A_313 = arith.constant 0 : i32
        %cond3A_314 = arith.cmpi ne, %convert_element_type3A_312, %cond3A_313 : i32
        scf.if %cond3A_314 {
          %dma_start3A_320 = arith.constant 0 : i32
          %dma_start3A_321 = arith.constant 0 : i32
          %dma_start3A_322 = arith.constant 0 : i32
          %dma_start3A_323 = tpu.memref_slice %arg10[%dma_start3A_321, %dma_start3A_322] : memref<2x80xi32, #tpu.memory_space<vmem>> -> memref<1x80xi32, #tpu.memory_space<vmem>>
          %dma_start3A_324 = tpu.memref_squeeze %dma_start3A_323 : memref<1x80xi32, #tpu.memory_space<vmem>> -> memref<80xi32, #tpu.memory_space<vmem>>
          %dma_start3A_325 = arith.constant 0 : i32
          %dma_start3A_326 = tpu.memref_slice %arg4[%dma_start3A_320, %add3A, %add3A_309, %dma_start3A_325] : memref<2x32x125x80xi32, #tpu.memory_space<hbm>> -> memref<1x1x1x80xi32, #tpu.memory_space<hbm>>
          %dma_start3A_327 = tpu.memref_squeeze %dma_start3A_326 : memref<1x1x1x80xi32, #tpu.memory_space<hbm>> -> memref<80xi32, #tpu.memory_space<hbm>>
          %dma_start3A_328 = arith.constant 0 : i32
          %dma_start3A_329 = tpu.memref_slice %arg10[%dma_start3A_321, %dma_start3A_328] : memref<2x80xi32, #tpu.memory_space<vmem>> -> memref<1x80xi32, #tpu.memory_space<vmem>>
          %dma_start3A_330 = tpu.memref_squeeze %dma_start3A_329 : memref<1x80xi32, #tpu.memory_space<vmem>> -> memref<80xi32, #tpu.memory_space<vmem>>
          %dma_start3A_331 = arith.constant 0 : i32
          %dma_start3A_332 = tpu.memref_slice %arg4[%dma_start3A_320, %add3A, %add3A_309, %dma_start3A_331] : memref<2x32x125x80xi32, #tpu.memory_space<hbm>> -> memref<1x1x1x80xi32, #tpu.memory_space<hbm>>
          %dma_start3A_333 = tpu.memref_squeeze %dma_start3A_332 : memref<1x1x1x80xi32, #tpu.memory_space<hbm>> -> memref<80xi32, #tpu.memory_space<hbm>>
          tpu.enqueue_dma source(%dma_start3A_333 : memref<80xi32, #tpu.memory_space<hbm>>) target(%dma_start3A_330 : memref<80xi32, #tpu.memory_space<vmem>>) target_semaphore(%arg20 : memref<!tpu.dma_semaphore, #tpu.memory_space<semaphore_mem>>)
          %dma_start3A_334 = arith.constant 1 : i32
          %dma_start3A_335 = arith.constant 1 : i32
          %dma_start3A_336 = arith.constant 0 : i32
          %dma_start3A_337 = tpu.memref_slice %arg10[%dma_start3A_335, %dma_start3A_336] : memref<2x80xi32, #tpu.memory_space<vmem>> -> memref<1x80xi32, #tpu.memory_space<vmem>>
          %dma_start3A_338 = tpu.memref_squeeze %dma_start3A_337 : memref<1x80xi32, #tpu.memory_space<vmem>> -> memref<80xi32, #tpu.memory_space<vmem>>
          %dma_start3A_339 = arith.constant 0 : i32
          %dma_start3A_340 = tpu.memref_slice %arg4[%dma_start3A_334, %add3A, %add3A_309, %dma_start3A_339] : memref<2x32x125x80xi32, #tpu.memory_space<hbm>> -> memref<1x1x1x80xi32, #tpu.memory_space<hbm>>
          %dma_start3A_341 = tpu.memref_squeeze %dma_start3A_340 : memref<1x1x1x80xi32, #tpu.memory_space<hbm>> -> memref<80xi32, #tpu.memory_space<hbm>>
          %dma_start3A_342 = arith.constant 0 : i32
          %dma_start3A_343 = tpu.memref_slice %arg10[%dma_start3A_335, %dma_start3A_342] : memref<2x80xi32, #tpu.memory_space<vmem>> -> memref<1x80xi32, #tpu.memory_space<vmem>>
          %dma_start3A_344 = tpu.memref_squeeze %dma_start3A_343 : memref<1x80xi32, #tpu.memory_space<vmem>> -> memref<80xi32, #tpu.memory_space<vmem>>
          %dma_start3A_345 = arith.constant 0 : i32
          %dma_start3A_346 = tpu.memref_slice %arg4[%dma_start3A_334, %add3A, %add3A_309, %dma_start3A_345] : memref<2x32x125x80xi32, #tpu.memory_space<hbm>> -> memref<1x1x1x80xi32, #tpu.memory_space<hbm>>
          %dma_start3A_347 = tpu.memref_squeeze %dma_start3A_346 : memref<1x1x1x80xi32, #tpu.memory_space<hbm>> -> memref<80xi32, #tpu.memory_space<hbm>>
          tpu.enqueue_dma source(%dma_start3A_347 : memref<80xi32, #tpu.memory_space<hbm>>) target(%dma_start3A_344 : memref<80xi32, #tpu.memory_space<vmem>>) target_semaphore(%arg20 : memref<!tpu.dma_semaphore, #tpu.memory_space<semaphore_mem>>)
        } else {
        }
        %ge3A_315 = arith.constant 125 : i32
        %ge3A_316 = arith.cmpi sge, %add3A_309, %ge3A_315 : i32
        %convert_element_type3A_317 = arith.extui %ge3A_316 : i1 to i32
        %cond3A_318 = arith.constant 0 : i32
        %cond3A_319 = arith.cmpi ne, %convert_element_type3A_317, %cond3A_318 : i32
        scf.if %cond3A_319 {
          %sub3A = arith.constant 125 : i32
          %sub3A_320 = arith.subi %add3A_309, %sub3A : i32
          %dma_start3A_321 = arith.constant 0 : i32
          %dma_start3A_322 = arith.constant 0 : i32
          %dma_start3A_323 = arith.constant 0 : i32
          %dma_start3A_324 = tpu.memref_slice %arg10[%dma_start3A_322, %dma_start3A_323] : memref<2x80xi32, #tpu.memory_space<vmem>> -> memref<1x80xi32, #tpu.memory_space<vmem>>
          %dma_start3A_325 = tpu.memref_squeeze %dma_start3A_324 : memref<1x80xi32, #tpu.memory_space<vmem>> -> memref<80xi32, #tpu.memory_space<vmem>>
          %dma_start3A_326 = arith.constant 0 : i32
          %dma_start3A_327 = tpu.memref_slice %arg5[%dma_start3A_321, %sub3A_320, %dma_start3A_326] : memref<2x3x80xi32, #tpu.memory_space<hbm>> -> memref<1x1x80xi32, #tpu.memory_space<hbm>>
          %dma_start3A_328 = tpu.memref_squeeze %dma_start3A_327 : memref<1x1x80xi32, #tpu.memory_space<hbm>> -> memref<80xi32, #tpu.memory_space<hbm>>
          %dma_start3A_329 = arith.constant 0 : i32
          %dma_start3A_330 = tpu.memref_slice %arg10[%dma_start3A_322, %dma_start3A_329] : memref<2x80xi32, #tpu.memory_space<vmem>> -> memref<1x80xi32, #tpu.memory_space<vmem>>
          %dma_start3A_331 = tpu.memref_squeeze %dma_start3A_330 : memref<1x80xi32, #tpu.memory_space<vmem>> -> memref<80xi32, #tpu.memory_space<vmem>>
          %dma_start3A_332 = arith.constant 0 : i32
          %dma_start3A_333 = tpu.memref_slice %arg5[%dma_start3A_321, %sub3A_320, %dma_start3A_332] : memref<2x3x80xi32, #tpu.memory_space<hbm>> -> memref<1x1x80xi32, #tpu.memory_space<hbm>>
          %dma_start3A_334 = tpu.memref_squeeze %dma_start3A_333 : memref<1x1x80xi32, #tpu.memory_space<hbm>> -> memref<80xi32, #tpu.memory_space<hbm>>
          tpu.enqueue_dma source(%dma_start3A_334 : memref<80xi32, #tpu.memory_space<hbm>>) target(%dma_start3A_331 : memref<80xi32, #tpu.memory_space<vmem>>) target_semaphore(%arg20 : memref<!tpu.dma_semaphore, #tpu.memory_space<semaphore_mem>>)
          %sub3A_335 = arith.constant 125 : i32
          %sub3A_336 = arith.subi %add3A_309, %sub3A_335 : i32
          %dma_start3A_337 = arith.constant 1 : i32
          %dma_start3A_338 = arith.constant 1 : i32
          %dma_start3A_339 = arith.constant 0 : i32
          %dma_start3A_340 = tpu.memref_slice %arg10[%dma_start3A_338, %dma_start3A_339] : memref<2x80xi32, #tpu.memory_space<vmem>> -> memref<1x80xi32, #tpu.memory_space<vmem>>
          %dma_start3A_341 = tpu.memref_squeeze %dma_start3A_340 : memref<1x80xi32, #tpu.memory_space<vmem>> -> memref<80xi32, #tpu.memory_space<vmem>>
          %dma_start3A_342 = arith.constant 0 : i32
          %dma_start3A_343 = tpu.memref_slice %arg5[%dma_start3A_337, %sub3A_336, %dma_start3A_342] : memref<2x3x80xi32, #tpu.memory_space<hbm>> -> memref<1x1x80xi32, #tpu.memory_space<hbm>>
          %dma_start3A_344 = tpu.memref_squeeze %dma_start3A_343 : memref<1x1x80xi32, #tpu.memory_space<hbm>> -> memref<80xi32, #tpu.memory_space<hbm>>
          %dma_start3A_345 = arith.constant 0 : i32
          %dma_start3A_346 = tpu.memref_slice %arg10[%dma_start3A_338, %dma_start3A_345] : memref<2x80xi32, #tpu.memory_space<vmem>> -> memref<1x80xi32, #tpu.memory_space<vmem>>
          %dma_start3A_347 = tpu.memref_squeeze %dma_start3A_346 : memref<1x80xi32, #tpu.memory_space<vmem>> -> memref<80xi32, #tpu.memory_space<vmem>>
          %dma_start3A_348 = arith.constant 0 : i32
          %dma_start3A_349 = tpu.memref_slice %arg5[%dma_start3A_337, %sub3A_336, %dma_start3A_348] : memref<2x3x80xi32, #tpu.memory_space<hbm>> -> memref<1x1x80xi32, #tpu.memory_space<hbm>>
          %dma_start3A_350 = tpu.memref_squeeze %dma_start3A_349 : memref<1x1x80xi32, #tpu.memory_space<hbm>> -> memref<80xi32, #tpu.memory_space<hbm>>
          tpu.enqueue_dma source(%dma_start3A_350 : memref<80xi32, #tpu.memory_space<hbm>>) target(%dma_start3A_347 : memref<80xi32, #tpu.memory_space<vmem>>) target_semaphore(%arg20 : memref<!tpu.dma_semaphore, #tpu.memory_space<semaphore_mem>>)
        } else {
        }
      } else {
      }
      %add3A_277 = arith.constant 1 : i32
      %add3A_278 = arith.addi %add3A_264, %add3A_277 : i32
      %lt3A_279 = arith.constant 128 : i32
      %lt3A_280 = arith.cmpi slt, %add3A_278, %lt3A_279 : i32
      %convert_element_type3A_281 = arith.extui %lt3A_280 : i1 to i32
      %cond3A_282 = arith.constant 0 : i32
      %cond3A_283 = arith.cmpi ne, %convert_element_type3A_281, %cond3A_282 : i32
      scf.if %cond3A_283 {
        %dma_wait3A_308 = arith.constant 0 : i32
        %dma_wait3A_309 = arith.constant 0 : i32
        %dma_wait3A_310 = arith.constant 0 : i32
        %dma_wait3A_311 = arith.constant 0 : i32
        %dma_wait3A_312 = tpu.memref_slice %arg9[%dma_wait3A_310, %dma_wait3A_311] : memref<2x80xi32, #tpu.memory_space<vmem>> -> memref<1x80xi32, #tpu.memory_space<vmem>>
        %dma_wait3A_313 = tpu.memref_squeeze %dma_wait3A_312 : memref<1x80xi32, #tpu.memory_space<vmem>> -> memref<80xi32, #tpu.memory_space<vmem>>
        %dma_wait3A_314 = arith.constant 0 : i32
        %dma_wait3A_315 = tpu.memref_slice %arg5[%dma_wait3A_308, %dma_wait3A_309, %dma_wait3A_314] : memref<2x3x80xi32, #tpu.memory_space<hbm>> -> memref<1x1x80xi32, #tpu.memory_space<hbm>>
        %dma_wait3A_316 = tpu.memref_squeeze %dma_wait3A_315 : memref<1x1x80xi32, #tpu.memory_space<hbm>> -> memref<80xi32, #tpu.memory_space<hbm>>
        %dma_wait3A_317 = arith.constant 0 : i32
        %dma_wait3A_318 = tpu.memref_slice %arg9[%dma_wait3A_310, %dma_wait3A_317] : memref<2x80xi32, #tpu.memory_space<vmem>> -> memref<1x80xi32, #tpu.memory_space<vmem>>
        %dma_wait3A_319 = tpu.memref_squeeze %dma_wait3A_318 : memref<1x80xi32, #tpu.memory_space<vmem>> -> memref<80xi32, #tpu.memory_space<vmem>>
        %dma_wait3A_320 = arith.constant 0 : i32
        %dma_wait3A_321 = tpu.memref_slice %arg5[%dma_wait3A_308, %dma_wait3A_309, %dma_wait3A_320] : memref<2x3x80xi32, #tpu.memory_space<hbm>> -> memref<1x1x80xi32, #tpu.memory_space<hbm>>
        %dma_wait3A_322 = tpu.memref_squeeze %dma_wait3A_321 : memref<1x1x80xi32, #tpu.memory_space<hbm>> -> memref<80xi32, #tpu.memory_space<hbm>>
        tpu.wait_dma2 semaphore(%arg19 : memref<!tpu.dma_semaphore, #tpu.memory_space<semaphore_mem>>) src(%dma_wait3A_322 : memref<80xi32, #tpu.memory_space<hbm>>) dst(%dma_wait3A_319 : memref<80xi32, #tpu.memory_space<vmem>>)
        %dma_wait3A_323 = arith.constant 1 : i32
        %dma_wait3A_324 = arith.constant 0 : i32
        %dma_wait3A_325 = arith.constant 1 : i32
        %dma_wait3A_326 = arith.constant 0 : i32
        %dma_wait3A_327 = tpu.memref_slice %arg9[%dma_wait3A_325, %dma_wait3A_326] : memref<2x80xi32, #tpu.memory_space<vmem>> -> memref<1x80xi32, #tpu.memory_space<vmem>>
        %dma_wait3A_328 = tpu.memref_squeeze %dma_wait3A_327 : memref<1x80xi32, #tpu.memory_space<vmem>> -> memref<80xi32, #tpu.memory_space<vmem>>
        %dma_wait3A_329 = arith.constant 0 : i32
        %dma_wait3A_330 = tpu.memref_slice %arg5[%dma_wait3A_323, %dma_wait3A_324, %dma_wait3A_329] : memref<2x3x80xi32, #tpu.memory_space<hbm>> -> memref<1x1x80xi32, #tpu.memory_space<hbm>>
        %dma_wait3A_331 = tpu.memref_squeeze %dma_wait3A_330 : memref<1x1x80xi32, #tpu.memory_space<hbm>> -> memref<80xi32, #tpu.memory_space<hbm>>
        %dma_wait3A_332 = arith.constant 0 : i32
        %dma_wait3A_333 = tpu.memref_slice %arg9[%dma_wait3A_325, %dma_wait3A_332] : memref<2x80xi32, #tpu.memory_space<vmem>> -> memref<1x80xi32, #tpu.memory_space<vmem>>
        %dma_wait3A_334 = tpu.memref_squeeze %dma_wait3A_333 : memref<1x80xi32, #tpu.memory_space<vmem>> -> memref<80xi32, #tpu.memory_space<vmem>>
        %dma_wait3A_335 = arith.constant 0 : i32
        %dma_wait3A_336 = tpu.memref_slice %arg5[%dma_wait3A_323, %dma_wait3A_324, %dma_wait3A_335] : memref<2x3x80xi32, #tpu.memory_space<hbm>> -> memref<1x1x80xi32, #tpu.memory_space<hbm>>
        %dma_wait3A_337 = tpu.memref_squeeze %dma_wait3A_336 : memref<1x1x80xi32, #tpu.memory_space<hbm>> -> memref<80xi32, #tpu.memory_space<hbm>>
        tpu.wait_dma2 semaphore(%arg19 : memref<!tpu.dma_semaphore, #tpu.memory_space<semaphore_mem>>) src(%dma_wait3A_337 : memref<80xi32, #tpu.memory_space<hbm>>) dst(%dma_wait3A_334 : memref<80xi32, #tpu.memory_space<vmem>>)
        %add3A_338 = arith.constant 1 : i32
        %add3A_339 = arith.addi %add3A_264, %add3A_338 : i32
        %dma_start3A_340 = arith.constant 0 : i32
        %dma_start3A_341 = arith.constant 0 : i32
        %dma_start3A_342 = tpu.memref_slice %arg9[%dma_start3A_340, %dma_start3A_341] : memref<2x80xi32, #tpu.memory_space<vmem>> -> memref<1x80xi32, #tpu.memory_space<vmem>>
        %dma_start3A_343 = tpu.memref_squeeze %dma_start3A_342 : memref<1x80xi32, #tpu.memory_space<vmem>> -> memref<80xi32, #tpu.memory_space<vmem>>
        %dma_start3A_344 = arith.constant 0 : i32
        %dma_start3A_345 = arith.constant 0 : i32
        %dma_start3A_346 = tpu.memref_slice %arg2[%dma_start3A_344, %dma_start3A_345] : memref<10240x144xf32, #tpu.memory_space<hbm>> -> memref<10240x144xf32, #tpu.memory_space<hbm>>
        tpu.enqueue_indirect_dma source(%dma_start3A_346 : memref<10240x144xf32, #tpu.memory_space<hbm>>) target(%arg13 : memref<80x144xf32, #tpu.memory_space<vmem>>) offsets(%dma_start3A_343 : memref<80xi32, #tpu.memory_space<vmem>>) semaphore(%arg23 : memref<!tpu.dma_semaphore, #tpu.memory_space<semaphore_mem>>)
        %add3A_347 = arith.constant 1 : i32
        %add3A_348 = arith.addi %add3A_264, %add3A_347 : i32
        %dma_start3A_349 = arith.constant 1 : i32
        %dma_start3A_350 = arith.constant 0 : i32
        %dma_start3A_351 = tpu.memref_slice %arg9[%dma_start3A_349, %dma_start3A_350] : memref<2x80xi32, #tpu.memory_space<vmem>> -> memref<1x80xi32, #tpu.memory_space<vmem>>
        %dma_start3A_352 = tpu.memref_squeeze %dma_start3A_351 : memref<1x80xi32, #tpu.memory_space<vmem>> -> memref<80xi32, #tpu.memory_space<vmem>>
        %dma_start3A_353 = arith.constant 0 : i32
        %dma_start3A_354 = arith.constant 0 : i32
        %dma_start3A_355 = tpu.memref_slice %arg3[%dma_start3A_353, %dma_start3A_354] : memref<10240x16xf32, #tpu.memory_space<hbm>> -> memref<10240x16xf32, #tpu.memory_space<hbm>>
        tpu.enqueue_indirect_dma source(%dma_start3A_355 : memref<10240x16xf32, #tpu.memory_space<hbm>>) target(%arg15 : memref<80x16xf32, #tpu.memory_space<vmem>>) offsets(%dma_start3A_352 : memref<80xi32, #tpu.memory_space<vmem>>) semaphore(%arg25 : memref<!tpu.dma_semaphore, #tpu.memory_space<semaphore_mem>>)
      } else {
      }
      %dma_wait3A_284 = arith.constant 0 : i32
      %dma_wait3A_285 = arith.constant 0 : i32
      %dma_wait3A_286 = tpu.memref_slice %arg12[%dma_wait3A_284, %dma_wait3A_285] : memref<2x80xi32, #tpu.memory_space<vmem>> -> memref<1x80xi32, #tpu.memory_space<vmem>>
      %dma_wait3A_287 = tpu.memref_squeeze %dma_wait3A_286 : memref<1x80xi32, #tpu.memory_space<vmem>> -> memref<80xi32, #tpu.memory_space<vmem>>
      %dma_wait3A_288 = arith.constant 0 : i32
      %dma_wait3A_289 = arith.constant 0 : i32
      %dma_wait3A_290 = tpu.memref_slice %arg2[%dma_wait3A_288, %dma_wait3A_289] : memref<10240x144xf32, #tpu.memory_space<hbm>> -> memref<10240x144xf32, #tpu.memory_space<hbm>>
      tpu.wait_indirect_dma semaphore(%arg24 : memref<!tpu.dma_semaphore, #tpu.memory_space<semaphore_mem>>) src(%dma_wait3A_290 : memref<10240x144xf32, #tpu.memory_space<hbm>>) dst(%arg14 : memref<80x144xf32, #tpu.memory_space<vmem>>)
      %dma_wait3A_291 = arith.constant 1 : i32
      %dma_wait3A_292 = arith.constant 0 : i32
      %dma_wait3A_293 = tpu.memref_slice %arg12[%dma_wait3A_291, %dma_wait3A_292] : memref<2x80xi32, #tpu.memory_space<vmem>> -> memref<1x80xi32, #tpu.memory_space<vmem>>
      %dma_wait3A_294 = tpu.memref_squeeze %dma_wait3A_293 : memref<1x80xi32, #tpu.memory_space<vmem>> -> memref<80xi32, #tpu.memory_space<vmem>>
      %dma_wait3A_295 = arith.constant 0 : i32
      %dma_wait3A_296 = arith.constant 0 : i32
      %dma_wait3A_297 = tpu.memref_slice %arg3[%dma_wait3A_295, %dma_wait3A_296] : memref<10240x16xf32, #tpu.memory_space<hbm>> -> memref<10240x16xf32, #tpu.memory_space<hbm>>
      tpu.wait_indirect_dma semaphore(%arg26 : memref<!tpu.dma_semaphore, #tpu.memory_space<semaphore_mem>>) src(%dma_wait3A_297 : memref<10240x16xf32, #tpu.memory_space<hbm>>) dst(%arg16 : memref<80x16xf32, #tpu.memory_space<vmem>>)
      %parallel_loop3A_298 = arith.constant 0 : i32
      %parallel_loop3A_299 = arith.constant 80 : i32
      %parallel_loop3A_300 = arith.constant 1 : i32
      scf.for %parallel_loop3A_308 = %parallel_loop3A_298 to %parallel_loop3A_299 step %parallel_loop3A_300  : i32 {
        %parallel_loop3A_309 = arith.index_cast %parallel_loop3A_308 : i32 to index
        %parallel_loop3A_310 = arith.constant 128 : index
        %parallel_loop3A_311 = tpu.vector_load %arg14[%parallel_loop3A_309, %parallel_loop3A_310] {strides = array<i32>} : memref<80x144xf32, #tpu.memory_space<vmem>>, vector<1x16xf32>,
        %parallel_loop3A_312 = vector.shape_cast %parallel_loop3A_311 : vector<1x16xf32> to vector<16xf32>
        %parallel_loop3A_313 = arith.index_cast %parallel_loop3A_308 : i32 to index
        %parallel_loop3A_314 = arith.constant 0 : index
        %parallel_loop3A_315 = tpu.vector_load %arg16[%parallel_loop3A_313, %parallel_loop3A_314] {strides = array<i32>} : memref<80x16xf32, #tpu.memory_space<vmem>>, vector<1x16xf32>,
        %parallel_loop3A_316 = vector.shape_cast %parallel_loop3A_315 : vector<1x16xf32> to vector<16xf32>
        %parallel_loop3A_317 = arith.index_cast %parallel_loop3A_308 : i32 to index
        %parallel_loop3A_318 = arith.constant 0 : index
        %parallel_loop3A_319 = tpu.vector_load %arg14[%parallel_loop3A_317, %parallel_loop3A_318] {strides = array<i32>} : memref<80x144xf32, #tpu.memory_space<vmem>>, vector<1x16xf32>,
        %parallel_loop3A_320 = vector.shape_cast %parallel_loop3A_319 : vector<1x16xf32> to vector<16xf32>
        %parallel_loop3A_321 = arith.index_cast %parallel_loop3A_308 : i32 to index
        %parallel_loop3A_322 = arith.constant 16 : index
        %parallel_loop3A_323 = tpu.vector_load %arg14[%parallel_loop3A_321, %parallel_loop3A_322] {strides = array<i32>} : memref<80x144xf32, #tpu.memory_space<vmem>>, vector<1x16xf32>,
        %parallel_loop3A_324 = vector.shape_cast %parallel_loop3A_323 : vector<1x16xf32> to vector<16xf32>
        %parallel_loop3A_325 = arith.index_cast %parallel_loop3A_308 : i32 to index
        %parallel_loop3A_326 = arith.constant 32 : index
        %parallel_loop3A_327 = tpu.vector_load %arg14[%parallel_loop3A_325, %parallel_loop3A_326] {strides = array<i32>} : memref<80x144xf32, #tpu.memory_space<vmem>>, vector<1x16xf32>,
        %parallel_loop3A_328 = vector.shape_cast %parallel_loop3A_327 : vector<1x16xf32> to vector<16xf32>
        %parallel_loop3A_329 = arith.index_cast %parallel_loop3A_308 : i32 to index
        %parallel_loop3A_330 = arith.constant 48 : index
        %parallel_loop3A_331 = tpu.vector_load %arg14[%parallel_loop3A_329, %parallel_loop3A_330] {strides = array<i32>} : memref<80x144xf32, #tpu.memory_space<vmem>>, vector<1x16xf32>,
        %parallel_loop3A_332 = vector.shape_cast %parallel_loop3A_331 : vector<1x16xf32> to vector<16xf32>
        %parallel_loop3A_333 = arith.index_cast %parallel_loop3A_308 : i32 to index
        %parallel_loop3A_334 = arith.constant 64 : index
        %parallel_loop3A_335 = tpu.vector_load %arg14[%parallel_loop3A_333, %parallel_loop3A_334] {strides = array<i32>} : memref<80x144xf32, #tpu.memory_space<vmem>>, vector<1x16xf32>,
        %parallel_loop3A_336 = vector.shape_cast %parallel_loop3A_335 : vector<1x16xf32> to vector<16xf32>
        %parallel_loop3A_337 = arith.index_cast %parallel_loop3A_308 : i32 to index
        %parallel_loop3A_338 = arith.constant 80 : index
        %parallel_loop3A_339 = tpu.vector_load %arg14[%parallel_loop3A_337, %parallel_loop3A_338] {strides = array<i32>} : memref<80x144xf32, #tpu.memory_space<vmem>>, vector<1x16xf32>,
        %parallel_loop3A_340 = vector.shape_cast %parallel_loop3A_339 : vector<1x16xf32> to vector<16xf32>
        %parallel_loop3A_341 = arith.index_cast %parallel_loop3A_308 : i32 to index
        %parallel_loop3A_342 = arith.constant 96 : index
        %parallel_loop3A_343 = tpu.vector_load %arg14[%parallel_loop3A_341, %parallel_loop3A_342] {strides = array<i32>} : memref<80x144xf32, #tpu.memory_space<vmem>>, vector<1x16xf32>,
        %parallel_loop3A_344 = vector.shape_cast %parallel_loop3A_343 : vector<1x16xf32> to vector<16xf32>
        %parallel_loop3A_345 = arith.index_cast %parallel_loop3A_308 : i32 to index
        %parallel_loop3A_346 = arith.constant 112 : index
        %parallel_loop3A_347 = tpu.vector_load %arg14[%parallel_loop3A_345, %parallel_loop3A_346] {strides = array<i32>} : memref<80x144xf32, #tpu.memory_space<vmem>>, vector<1x16xf32>,
        %parallel_loop3A_348 = vector.shape_cast %parallel_loop3A_347 : vector<1x16xf32> to vector<16xf32>
        %parallel_loop3A_349 = arith.addf %parallel_loop3A_312, %parallel_loop3A_316 : vector<16xf32>
        %parallel_loop3A_350 = arith.constant 0.000000e+00 : f32
        %parallel_loop3A_351 = vector.broadcast %parallel_loop3A_350 : f32 to vector<16xf32>
        %parallel_loop3A_352 = arith.cmpf ogt, %parallel_loop3A_349, %parallel_loop3A_351 : vector<16xf32>
        %parallel_loop3A_353 = arith.constant 2.000000e-01 : f32
        %parallel_loop3A_354 = vector.broadcast %parallel_loop3A_353 : f32 to vector<16xf32>
        %parallel_loop3A_355 = arith.mulf %parallel_loop3A_354, %parallel_loop3A_349 : vector<16xf32>
        %parallel_loop3A_356 = arith.select %parallel_loop3A_352, %parallel_loop3A_349, %parallel_loop3A_355 : vector<16xi1>, vector<16xf32>
        %parallel_loop3A_357 = arith.subf %parallel_loop3A_356, %get3A_4 : vector<16xf32>
        %parallel_loop3A_358 = math.exp %parallel_loop3A_357 : vector<16xf32>
        %parallel_loop3A_359 = arith.index_cast %parallel_loop3A_308 : i32 to index
        %parallel_loop3A_360 = arith.constant 128 : index
        %parallel_loop3A_361 = tpu.vector_load %arg14[%parallel_loop3A_359, %parallel_loop3A_360] {strides = array<i32>} : memref<80x144xf32, #tpu.memory_space<vmem>>, vector<1x16xf32>,
        %parallel_loop3A_362 = vector.shape_cast %parallel_loop3A_361 : vector<1x16xf32> to vector<16xf32>
        %parallel_loop3A_363 = vector.shape_cast %parallel_loop3A_358 : vector<16xf32> to vector<1x16xf32>
        tpu.vector_store %arg14[%parallel_loop3A_359, %parallel_loop3A_360], %parallel_loop3A_363 {strides = array<i32>} : memref<80x144xf32, #tpu.memory_space<vmem>>, vector<1x16xf32>,
        %parallel_loop3A_364 = arith.constant 0 : i32
        %parallel_loop3A_365 = vector.broadcast %parallel_loop3A_364 : i32 to vector<16x1xi32>
        %parallel_loop3A_366 = vector.shape_cast %parallel_loop3A_365 : vector<16x1xi32> to vector<16xi32>
        %parallel_loop3A_367 = tpu.dynamic_gather %parallel_loop3A_358[%parallel_loop3A_366] in [0] : vector<16xf32>, vector<16xi32> -> vector<16xf32>
        %parallel_loop3A_368 = arith.mulf %parallel_loop3A_320, %parallel_loop3A_367 : vector<16xf32>
        %parallel_loop3A_369 = arith.index_cast %parallel_loop3A_308 : i32 to index
        %parallel_loop3A_370 = arith.constant 0 : index
        %parallel_loop3A_371 = tpu.vector_load %arg14[%parallel_loop3A_369, %parallel_loop3A_370] {strides = array<i32>} : memref<80x144xf32, #tpu.memory_space<vmem>>, vector<1x16xf32>,
        %parallel_loop3A_372 = vector.shape_cast %parallel_loop3A_371 : vector<1x16xf32> to vector<16xf32>
        %parallel_loop3A_373 = vector.shape_cast %parallel_loop3A_368 : vector<16xf32> to vector<1x16xf32>
        tpu.vector_store %arg14[%parallel_loop3A_369, %parallel_loop3A_370], %parallel_loop3A_373 {strides = array<i32>} : memref<80x144xf32, #tpu.memory_space<vmem>>, vector<1x16xf32>,
        %parallel_loop3A_374 = arith.constant 1 : i32
        %parallel_loop3A_375 = vector.broadcast %parallel_loop3A_374 : i32 to vector<16x1xi32>
        %parallel_loop3A_376 = vector.shape_cast %parallel_loop3A_375 : vector<16x1xi32> to vector<16xi32>
        %parallel_loop3A_377 = tpu.dynamic_gather %parallel_loop3A_358[%parallel_loop3A_376] in [0] : vector<16xf32>, vector<16xi32> -> vector<16xf32>
        %parallel_loop3A_378 = arith.mulf %parallel_loop3A_324, %parallel_loop3A_377 : vector<16xf32>
        %parallel_loop3A_379 = arith.index_cast %parallel_loop3A_308 : i32 to index
        %parallel_loop3A_380 = arith.constant 16 : index
        %parallel_loop3A_381 = tpu.vector_load %arg14[%parallel_loop3A_379, %parallel_loop3A_380] {strides = array<i32>} : memref<80x144xf32, #tpu.memory_space<vmem>>, vector<1x16xf32>,
        %parallel_loop3A_382 = vector.shape_cast %parallel_loop3A_381 : vector<1x16xf32> to vector<16xf32>
        %parallel_loop3A_383 = vector.shape_cast %parallel_loop3A_378 : vector<16xf32> to vector<1x16xf32>
        tpu.vector_store %arg14[%parallel_loop3A_379, %parallel_loop3A_380], %parallel_loop3A_383 {strides = array<i32>} : memref<80x144xf32, #tpu.memory_space<vmem>>, vector<1x16xf32>,
        %parallel_loop3A_384 = arith.constant 2 : i32
        %parallel_loop3A_385 = vector.broadcast %parallel_loop3A_384 : i32 to vector<16x1xi32>
        %parallel_loop3A_386 = vector.shape_cast %parallel_loop3A_385 : vector<16x1xi32> to vector<16xi32>
        %parallel_loop3A_387 = tpu.dynamic_gather %parallel_loop3A_358[%parallel_loop3A_386] in [0] : vector<16xf32>, vector<16xi32> -> vector<16xf32>
        %parallel_loop3A_388 = arith.mulf %parallel_loop3A_328, %parallel_loop3A_387 : vector<16xf32>
        %parallel_loop3A_389 = arith.index_cast %parallel_loop3A_308 : i32 to index
        %parallel_loop3A_390 = arith.constant 32 : index
        %parallel_loop3A_391 = tpu.vector_load %arg14[%parallel_loop3A_389, %parallel_loop3A_390] {strides = array<i32>} : memref<80x144xf32, #tpu.memory_space<vmem>>, vector<1x16xf32>,
        %parallel_loop3A_392 = vector.shape_cast %parallel_loop3A_391 : vector<1x16xf32> to vector<16xf32>
        %parallel_loop3A_393 = vector.shape_cast %parallel_loop3A_388 : vector<16xf32> to vector<1x16xf32>
        tpu.vector_store %arg14[%parallel_loop3A_389, %parallel_loop3A_390], %parallel_loop3A_393 {strides = array<i32>} : memref<80x144xf32, #tpu.memory_space<vmem>>, vector<1x16xf32>,
        %parallel_loop3A_394 = arith.constant 3 : i32
        %parallel_loop3A_395 = vector.broadcast %parallel_loop3A_394 : i32 to vector<16x1xi32>
        %parallel_loop3A_396 = vector.shape_cast %parallel_loop3A_395 : vector<16x1xi32> to vector<16xi32>
        %parallel_loop3A_397 = tpu.dynamic_gather %parallel_loop3A_358[%parallel_loop3A_396] in [0] : vector<16xf32>, vector<16xi32> -> vector<16xf32>
        %parallel_loop3A_398 = arith.mulf %parallel_loop3A_332, %parallel_loop3A_397 : vector<16xf32>
        %parallel_loop3A_399 = arith.index_cast %parallel_loop3A_308 : i32 to index
        %parallel_loop3A_400 = arith.constant 48 : index
        %parallel_loop3A_401 = tpu.vector_load %arg14[%parallel_loop3A_399, %parallel_loop3A_400] {strides = array<i32>} : memref<80x144xf32, #tpu.memory_space<vmem>>, vector<1x16xf32>,
        %parallel_loop3A_402 = vector.shape_cast %parallel_loop3A_401 : vector<1x16xf32> to vector<16xf32>
        %parallel_loop3A_403 = vector.shape_cast %parallel_loop3A_398 : vector<16xf32> to vector<1x16xf32>
        tpu.vector_store %arg14[%parallel_loop3A_399, %parallel_loop3A_400], %parallel_loop3A_403 {strides = array<i32>} : memref<80x144xf32, #tpu.memory_space<vmem>>, vector<1x16xf32>,
        %parallel_loop3A_404 = arith.constant 4 : i32
        %parallel_loop3A_405 = vector.broadcast %parallel_loop3A_404 : i32 to vector<16x1xi32>
        %parallel_loop3A_406 = vector.shape_cast %parallel_loop3A_405 : vector<16x1xi32> to vector<16xi32>
        %parallel_loop3A_407 = tpu.dynamic_gather %parallel_loop3A_358[%parallel_loop3A_406] in [0] : vector<16xf32>, vector<16xi32> -> vector<16xf32>
        %parallel_loop3A_408 = arith.mulf %parallel_loop3A_336, %parallel_loop3A_407 : vector<16xf32>
        %parallel_loop3A_409 = arith.index_cast %parallel_loop3A_308 : i32 to index
        %parallel_loop3A_410 = arith.constant 64 : index
        %parallel_loop3A_411 = tpu.vector_load %arg14[%parallel_loop3A_409, %parallel_loop3A_410] {strides = array<i32>} : memref<80x144xf32, #tpu.memory_space<vmem>>, vector<1x16xf32>,
        %parallel_loop3A_412 = vector.shape_cast %parallel_loop3A_411 : vector<1x16xf32> to vector<16xf32>
        %parallel_loop3A_413 = vector.shape_cast %parallel_loop3A_408 : vector<16xf32> to vector<1x16xf32>
        tpu.vector_store %arg14[%parallel_loop3A_409, %parallel_loop3A_410], %parallel_loop3A_413 {strides = array<i32>} : memref<80x144xf32, #tpu.memory_space<vmem>>, vector<1x16xf32>,
        %parallel_loop3A_414 = arith.constant 5 : i32
        %parallel_loop3A_415 = vector.broadcast %parallel_loop3A_414 : i32 to vector<16x1xi32>
        %parallel_loop3A_416 = vector.shape_cast %parallel_loop3A_415 : vector<16x1xi32> to vector<16xi32>
        %parallel_loop3A_417 = tpu.dynamic_gather %parallel_loop3A_358[%parallel_loop3A_416] in [0] : vector<16xf32>, vector<16xi32> -> vector<16xf32>
        %parallel_loop3A_418 = arith.mulf %parallel_loop3A_340, %parallel_loop3A_417 : vector<16xf32>
        %parallel_loop3A_419 = arith.index_cast %parallel_loop3A_308 : i32 to index
        %parallel_loop3A_420 = arith.constant 80 : index
        %parallel_loop3A_421 = tpu.vector_load %arg14[%parallel_loop3A_419, %parallel_loop3A_420] {strides = array<i32>} : memref<80x144xf32, #tpu.memory_space<vmem>>, vector<1x16xf32>,
        %parallel_loop3A_422 = vector.shape_cast %parallel_loop3A_421 : vector<1x16xf32> to vector<16xf32>
        %parallel_loop3A_423 = vector.shape_cast %parallel_loop3A_418 : vector<16xf32> to vector<1x16xf32>
        tpu.vector_store %arg14[%parallel_loop3A_419, %parallel_loop3A_420], %parallel_loop3A_423 {strides = array<i32>} : memref<80x144xf32, #tpu.memory_space<vmem>>, vector<1x16xf32>,
        %parallel_loop3A_424 = arith.constant 6 : i32
        %parallel_loop3A_425 = vector.broadcast %parallel_loop3A_424 : i32 to vector<16x1xi32>
        %parallel_loop3A_426 = vector.shape_cast %parallel_loop3A_425 : vector<16x1xi32> to vector<16xi32>
        %parallel_loop3A_427 = tpu.dynamic_gather %parallel_loop3A_358[%parallel_loop3A_426] in [0] : vector<16xf32>, vector<16xi32> -> vector<16xf32>
        %parallel_loop3A_428 = arith.mulf %parallel_loop3A_344, %parallel_loop3A_427 : vector<16xf32>
        %parallel_loop3A_429 = arith.index_cast %parallel_loop3A_308 : i32 to index
        %parallel_loop3A_430 = arith.constant 96 : index
        %parallel_loop3A_431 = tpu.vector_load %arg14[%parallel_loop3A_429, %parallel_loop3A_430] {strides = array<i32>} : memref<80x144xf32, #tpu.memory_space<vmem>>, vector<1x16xf32>,
        %parallel_loop3A_432 = vector.shape_cast %parallel_loop3A_431 : vector<1x16xf32> to vector<16xf32>
        %parallel_loop3A_433 = vector.shape_cast %parallel_loop3A_428 : vector<16xf32> to vector<1x16xf32>
        tpu.vector_store %arg14[%parallel_loop3A_429, %parallel_loop3A_430], %parallel_loop3A_433 {strides = array<i32>} : memref<80x144xf32, #tpu.memory_space<vmem>>, vector<1x16xf32>,
        %parallel_loop3A_434 = arith.constant 7 : i32
        %parallel_loop3A_435 = vector.broadcast %parallel_loop3A_434 : i32 to vector<16x1xi32>
        %parallel_loop3A_436 = vector.shape_cast %parallel_loop3A_435 : vector<16x1xi32> to vector<16xi32>
        %parallel_loop3A_437 = tpu.dynamic_gather %parallel_loop3A_358[%parallel_loop3A_436] in [0] : vector<16xf32>, vector<16xi32> -> vector<16xf32>
        %parallel_loop3A_438 = arith.mulf %parallel_loop3A_348, %parallel_loop3A_437 : vector<16xf32>
        %parallel_loop3A_439 = arith.index_cast %parallel_loop3A_308 : i32 to index
        %parallel_loop3A_440 = arith.constant 112 : index
        %parallel_loop3A_441 = tpu.vector_load %arg14[%parallel_loop3A_439, %parallel_loop3A_440] {strides = array<i32>} : memref<80x144xf32, #tpu.memory_space<vmem>>, vector<1x16xf32>,
        %parallel_loop3A_442 = vector.shape_cast %parallel_loop3A_441 : vector<1x16xf32> to vector<16xf32>
        %parallel_loop3A_443 = vector.shape_cast %parallel_loop3A_438 : vector<16xf32> to vector<1x16xf32>
        tpu.vector_store %arg14[%parallel_loop3A_439, %parallel_loop3A_440], %parallel_loop3A_443 {strides = array<i32>} : memref<80x144xf32, #tpu.memory_space<vmem>>, vector<1x16xf32>,
      } {sc.loop_unroll_factor = 2 : i64, sc.parallel_access}
      %dma_start3A_301 = arith.constant 1 : i32
      %dma_start3A_302 = arith.constant 0 : i32
      %dma_start3A_303 = tpu.memref_slice %arg12[%dma_start3A_301, %dma_start3A_302] : memref<2x80xi32, #tpu.memory_space<vmem>> -> memref<1x80xi32, #tpu.memory_space<vmem>>
      %dma_start3A_304 = tpu.memref_squeeze %dma_start3A_303 : memref<1x80xi32, #tpu.memory_space<vmem>> -> memref<80xi32, #tpu.memory_space<vmem>>
      %dma_start3A_305 = arith.constant 0 : i32
      %dma_start3A_306 = arith.constant 0 : i32
      %dma_start3A_307 = tpu.memref_slice %arg18[%dma_start3A_305, %dma_start3A_306] : memref<10240x144xf32, #tpu.memory_space<vmem_shared>> -> memref<10240x144xf32, #tpu.memory_space<vmem_shared>>
      tpu.enqueue_indirect_dma source(%arg14 : memref<80x144xf32, #tpu.memory_space<vmem>>) target(%dma_start3A_307 : memref<10240x144xf32, #tpu.memory_space<vmem_shared>>) offsets(%dma_start3A_304 : memref<80xi32, #tpu.memory_space<vmem>>) semaphore(%arg28 : memref<!tpu.dma_semaphore, #tpu.memory_space<semaphore_mem>>) {add = true}
    }
    %scan3A_111 = arith.constant 32 : i32
    %dma_wait3A_112 = arith.constant 1 : i32
    %dma_wait3A_113 = arith.constant 0 : i32
    %dma_wait3A_114 = tpu.memref_slice %arg12[%dma_wait3A_112, %dma_wait3A_113] : memref<2x80xi32, #tpu.memory_space<vmem>> -> memref<1x80xi32, #tpu.memory_space<vmem>>
    %dma_wait3A_115 = tpu.memref_squeeze %dma_wait3A_114 : memref<1x80xi32, #tpu.memory_space<vmem>> -> memref<80xi32, #tpu.memory_space<vmem>>
    %dma_wait3A_116 = arith.constant 0 : i32
    %dma_wait3A_117 = arith.constant 0 : i32
    %dma_wait3A_118 = tpu.memref_slice %arg18[%dma_wait3A_116, %dma_wait3A_117] : memref<10240x144xf32, #tpu.memory_space<vmem_shared>> -> memref<10240x144xf32, #tpu.memory_space<vmem_shared>>
    tpu.wait_indirect_dma semaphore(%arg28 : memref<!tpu.dma_semaphore, #tpu.memory_space<semaphore_mem>>) src(%arg14 : memref<80x144xf32, #tpu.memory_space<vmem>>) dst(%dma_wait3A_118 : memref<10240x144xf32, #tpu.memory_space<vmem_shared>>)
    %barrier3A_119 = arith.constant 0 : index
    tpu.barrier barrier_id(%barrier3A_119)
    %mul3A_120 = arith.constant 640 : i32
    %mul3A_121 = arith.muli %arg1, %mul3A_120 : i32
    %mul3A_122 = arith.constant 640 : i32
    %mul3A_123 = arith.muli %arg1, %mul3A_122 : i32
    "tpu.region"() ({
      %run_scoped3A = tpu.sem_alloc : memref<!tpu.dma_semaphore, #tpu.memory_space<semaphore_mem>>
      %dma_start3A_124 = arith.constant 0 : i32
      %dma_start3A_125 = tpu.memref_slice %arg8[%arg0, %mul3A_123, %dma_start3A_124] : memref<2x10240x144xf32, #tpu.memory_space<hbm>> -> memref<1x640x144xf32, #tpu.memory_space<hbm>>
      %dma_start3A_126 = tpu.memref_squeeze %dma_start3A_125 : memref<1x640x144xf32, #tpu.memory_space<hbm>> -> memref<640x144xf32, #tpu.memory_space<hbm>>
      %dma_start3A_127 = arith.constant 0 : i32
      %dma_start3A_128 = tpu.memref_slice %arg18[%mul3A_121, %dma_start3A_127] : memref<10240x144xf32, #tpu.memory_space<vmem_shared>> -> memref<640x144xf32, #tpu.memory_space<vmem_shared>>
      tpu.enqueue_dma source(%dma_start3A_128 : memref<640x144xf32, #tpu.memory_space<vmem_shared>>) target(%dma_start3A_126 : memref<640x144xf32, #tpu.memory_space<hbm>>) target_semaphore(%run_scoped3A : memref<!tpu.dma_semaphore, #tpu.memory_space<semaphore_mem>>)
      %dma_wait3A_129 = arith.constant 0 : i32
      %dma_wait3A_130 = tpu.memref_slice %arg8[%arg0, %mul3A_123, %dma_wait3A_129] : memref<2x10240x144xf32, #tpu.memory_space<hbm>> -> memref<1x640x144xf32, #tpu.memory_space<hbm>>
      %dma_wait3A_131 = tpu.memref_squeeze %dma_wait3A_130 : memref<1x640x144xf32, #tpu.memory_space<hbm>> -> memref<640x144xf32, #tpu.memory_space<hbm>>
      %dma_wait3A_132 = arith.constant 0 : i32
      %dma_wait3A_133 = tpu.memref_slice %arg18[%mul3A_121, %dma_wait3A_132] : memref<10240x144xf32, #tpu.memory_space<vmem_shared>> -> memref<640x144xf32, #tpu.memory_space<vmem_shared>>
      tpu.wait_dma2 semaphore(%run_scoped3A : memref<!tpu.dma_semaphore, #tpu.memory_space<semaphore_mem>>) src(%dma_wait3A_133 : memref<640x144xf32, #tpu.memory_space<vmem_shared>>) dst(%dma_wait3A_131 : memref<640x144xf32, #tpu.memory_space<hbm>>)
      tpu.yield
    }) : () -> ()
    return
  }
}

#map = affine_map<(d0, d1) -> (0, 0)>
#map1 = affine_map<(d0, d1) -> (0, 0, 0, 0)>
#map2 = affine_map<(d0, d1) -> (0, 0, 0)>
#map3 = affine_map<(d0, d1) -> (0)>
module attributes {stable_mosaic.version = 14 : i64} {
  func.func @_edge_kernel_body(%arg0: i32, %arg1: i32, %arg2: memref<10240x48xf32, #tpu.memory_space<hbm>>, %arg3: memref<10240x16xf32, #tpu.memory_space<hbm>>, %arg4: memref<2x32x125x80xi32, #tpu.memory_space<hbm>>, %arg5: memref<2x3x80xi32, #tpu.memory_space<hbm>>, %arg6: memref<640x48xf32, #tpu.memory_space<hbm>>, %arg7: memref<16xf32, #tpu.memory_space<hbm>>, %arg8: memref<2x10240x48xf32, #tpu.memory_space<hbm>>, %arg9: memref<2x80xi32, #tpu.memory_space<vmem>>, %arg10: memref<2x80xi32, #tpu.memory_space<vmem>>, %arg11: memref<2x80xi32, #tpu.memory_space<vmem>>, %arg12: memref<2x80xi32, #tpu.memory_space<vmem>>, %arg13: memref<80x48xf32, #tpu.memory_space<vmem>>, %arg14: memref<80x48xf32, #tpu.memory_space<vmem>>, %arg15: memref<80x16xf32, #tpu.memory_space<vmem>>, %arg16: memref<80x16xf32, #tpu.memory_space<vmem>>, %arg17: memref<16xf32, #tpu.memory_space<vmem>>, %arg18: memref<10240x48xf32, #tpu.memory_space<vmem_shared>>, %arg19: memref<!tpu.dma_semaphore, #tpu.memory_space<semaphore_mem>>, %arg20: memref<!tpu.dma_semaphore, #tpu.memory_space<semaphore_mem>>, %arg21: memref<!tpu.dma_semaphore, #tpu.memory_space<semaphore_mem>>, %arg22: memref<!tpu.dma_semaphore, #tpu.memory_space<semaphore_mem>>, %arg23: memref<!tpu.dma_semaphore, #tpu.memory_space<semaphore_mem>>, %arg24: memref<!tpu.dma_semaphore, #tpu.memory_space<semaphore_mem>>, %arg25: memref<!tpu.dma_semaphore, #tpu.memory_space<semaphore_mem>>, %arg26: memref<!tpu.dma_semaphore, #tpu.memory_space<semaphore_mem>>, %arg27: memref<!tpu.dma_semaphore, #tpu.memory_space<semaphore_mem>>, %arg28: memref<!tpu.dma_semaphore, #tpu.memory_space<semaphore_mem>>) attributes {dimension_semantics = [#tpu.dimension_semantics<core_parallel>, #tpu.dimension_semantics<subcore_parallel>], iteration_bounds = array<i64: 2, 16>, scalar_prefetch = 0 : i64, scratch_operands = 20 : i64, tpu.core_type = #tpu.core_type<sc_vector_subcore>, window_params = [{transform_indices = #map}, {transform_indices = #map}, {transform_indices = #map1}, {transform_indices = #map2}, {transform_indices = #map}, {transform_indices = #map3}, {transform_indices = #map2}]} {
    %mul3A = arith.constant 16 : i32
    %mul3A_0 = arith.muli %arg0, %mul3A : i32
    %add3A = arith.addi %mul3A_0, %arg1 : i32
    %mul3A_1 = arith.constant 640 : i32
    %mul3A_2 = arith.muli %arg1, %mul3A_1 : i32
    "tpu.region"() ({
      %run_scoped3A = tpu.sem_alloc : memref<!tpu.dma_semaphore, #tpu.memory_space<semaphore_mem>>
      %dma_start3A_124 = arith.constant 0 : i32
      %dma_start3A_125 = tpu.memref_slice %arg18[%mul3A_2, %dma_start3A_124] : memref<10240x48xf32, #tpu.memory_space<vmem_shared>> -> memref<640x48xf32, #tpu.memory_space<vmem_shared>>
      tpu.enqueue_dma source(%arg6 : memref<640x48xf32, #tpu.memory_space<hbm>>) target(%dma_start3A_125 : memref<640x48xf32, #tpu.memory_space<vmem_shared>>) target_semaphore(%run_scoped3A : memref<!tpu.dma_semaphore, #tpu.memory_space<semaphore_mem>>)
      %dma_wait3A_126 = arith.constant 0 : i32
      %dma_wait3A_127 = tpu.memref_slice %arg18[%mul3A_2, %dma_wait3A_126] : memref<10240x48xf32, #tpu.memory_space<vmem_shared>> -> memref<640x48xf32, #tpu.memory_space<vmem_shared>>
      tpu.wait_dma2 semaphore(%run_scoped3A : memref<!tpu.dma_semaphore, #tpu.memory_space<semaphore_mem>>) src(%arg6 : memref<640x48xf32, #tpu.memory_space<hbm>>) dst(%dma_wait3A_127 : memref<640x48xf32, #tpu.memory_space<vmem_shared>>)
      tpu.yield
    }) : () -> ()
    "tpu.region"() ({
      %run_scoped3A = tpu.sem_alloc : memref<!tpu.dma_semaphore, #tpu.memory_space<semaphore_mem>>
      tpu.enqueue_dma source(%arg7 : memref<16xf32, #tpu.memory_space<hbm>>) target(%arg17 : memref<16xf32, #tpu.memory_space<vmem>>) target_semaphore(%run_scoped3A : memref<!tpu.dma_semaphore, #tpu.memory_space<semaphore_mem>>)
      tpu.wait_dma2 semaphore(%run_scoped3A : memref<!tpu.dma_semaphore, #tpu.memory_space<semaphore_mem>>) src(%arg7 : memref<16xf32, #tpu.memory_space<hbm>>) dst(%arg17 : memref<16xf32, #tpu.memory_space<vmem>>)
      tpu.yield
    }) : () -> ()
    %barrier3A = arith.constant 0 : index
    tpu.barrier barrier_id(%barrier3A)
    %get3A = arith.constant 0 : index
    %get3A_3 = tpu.vector_load %arg17[%get3A] {strides = array<i32>} : memref<16xf32, #tpu.memory_space<vmem>>, vector<16xf32>,
    %get3A_4 = vector.shape_cast %get3A_3 : vector<16xf32> to vector<16xf32>
    %dma_start3A = arith.constant 0 : i32
    %dma_start3A_5 = arith.constant 0 : i32
    %dma_start3A_6 = arith.constant 0 : i32
    %dma_start3A_7 = arith.constant 0 : i32
    %dma_start3A_8 = tpu.memref_slice %arg9[%dma_start3A_6, %dma_start3A_7] : memref<2x80xi32, #tpu.memory_space<vmem>> -> memref<1x80xi32, #tpu.memory_space<vmem>>
    %dma_start3A_9 = tpu.memref_squeeze %dma_start3A_8 : memref<1x80xi32, #tpu.memory_space<vmem>> -> memref<80xi32, #tpu.memory_space<vmem>>
    %dma_start3A_10 = arith.constant 0 : i32
    %dma_start3A_11 = tpu.memref_slice %arg4[%dma_start3A, %add3A, %dma_start3A_5, %dma_start3A_10] : memref<2x32x125x80xi32, #tpu.memory_space<hbm>> -> memref<1x1x1x80xi32, #tpu.memory_space<hbm>>
    %dma_start3A_12 = tpu.memref_squeeze %dma_start3A_11 : memref<1x1x1x80xi32, #tpu.memory_space<hbm>> -> memref<80xi32, #tpu.memory_space<hbm>>
    %dma_start3A_13 = arith.constant 0 : i32
    %dma_start3A_14 = tpu.memref_slice %arg9[%dma_start3A_6, %dma_start3A_13] : memref<2x80xi32, #tpu.memory_space<vmem>> -> memref<1x80xi32, #tpu.memory_space<vmem>>
    %dma_start3A_15 = tpu.memref_squeeze %dma_start3A_14 : memref<1x80xi32, #tpu.memory_space<vmem>> -> memref<80xi32, #tpu.memory_space<vmem>>
    %dma_start3A_16 = arith.constant 0 : i32
    %dma_start3A_17 = tpu.memref_slice %arg4[%dma_start3A, %add3A, %dma_start3A_5, %dma_start3A_16] : memref<2x32x125x80xi32, #tpu.memory_space<hbm>> -> memref<1x1x1x80xi32, #tpu.memory_space<hbm>>
    %dma_start3A_18 = tpu.memref_squeeze %dma_start3A_17 : memref<1x1x1x80xi32, #tpu.memory_space<hbm>> -> memref<80xi32, #tpu.memory_space<hbm>>
    tpu.enqueue_dma source(%dma_start3A_18 : memref<80xi32, #tpu.memory_space<hbm>>) target(%dma_start3A_15 : memref<80xi32, #tpu.memory_space<vmem>>) target_semaphore(%arg19 : memref<!tpu.dma_semaphore, #tpu.memory_space<semaphore_mem>>)
    %dma_start3A_19 = arith.constant 1 : i32
    %dma_start3A_20 = arith.constant 0 : i32
    %dma_start3A_21 = arith.constant 1 : i32
    %dma_start3A_22 = arith.constant 0 : i32
    %dma_start3A_23 = tpu.memref_slice %arg9[%dma_start3A_21, %dma_start3A_22] : memref<2x80xi32, #tpu.memory_space<vmem>> -> memref<1x80xi32, #tpu.memory_space<vmem>>
    %dma_start3A_24 = tpu.memref_squeeze %dma_start3A_23 : memref<1x80xi32, #tpu.memory_space<vmem>> -> memref<80xi32, #tpu.memory_space<vmem>>
    %dma_start3A_25 = arith.constant 0 : i32
    %dma_start3A_26 = tpu.memref_slice %arg4[%dma_start3A_19, %add3A, %dma_start3A_20, %dma_start3A_25] : memref<2x32x125x80xi32, #tpu.memory_space<hbm>> -> memref<1x1x1x80xi32, #tpu.memory_space<hbm>>
    %dma_start3A_27 = tpu.memref_squeeze %dma_start3A_26 : memref<1x1x1x80xi32, #tpu.memory_space<hbm>> -> memref<80xi32, #tpu.memory_space<hbm>>
    %dma_start3A_28 = arith.constant 0 : i32
    %dma_start3A_29 = tpu.memref_slice %arg9[%dma_start3A_21, %dma_start3A_28] : memref<2x80xi32, #tpu.memory_space<vmem>> -> memref<1x80xi32, #tpu.memory_space<vmem>>
    %dma_start3A_30 = tpu.memref_squeeze %dma_start3A_29 : memref<1x80xi32, #tpu.memory_space<vmem>> -> memref<80xi32, #tpu.memory_space<vmem>>
    %dma_start3A_31 = arith.constant 0 : i32
    %dma_start3A_32 = tpu.memref_slice %arg4[%dma_start3A_19, %add3A, %dma_start3A_20, %dma_start3A_31] : memref<2x32x125x80xi32, #tpu.memory_space<hbm>> -> memref<1x1x1x80xi32, #tpu.memory_space<hbm>>
    %dma_start3A_33 = tpu.memref_squeeze %dma_start3A_32 : memref<1x1x1x80xi32, #tpu.memory_space<hbm>> -> memref<80xi32, #tpu.memory_space<hbm>>
    tpu.enqueue_dma source(%dma_start3A_33 : memref<80xi32, #tpu.memory_space<hbm>>) target(%dma_start3A_30 : memref<80xi32, #tpu.memory_space<vmem>>) target_semaphore(%arg19 : memref<!tpu.dma_semaphore, #tpu.memory_space<semaphore_mem>>)
    %dma_start3A_34 = arith.constant 0 : i32
    %dma_start3A_35 = arith.constant 1 : i32
    %dma_start3A_36 = arith.constant 0 : i32
    %dma_start3A_37 = arith.constant 0 : i32
    %dma_start3A_38 = tpu.memref_slice %arg10[%dma_start3A_36, %dma_start3A_37] : memref<2x80xi32, #tpu.memory_space<vmem>> -> memref<1x80xi32, #tpu.memory_space<vmem>>
    %dma_start3A_39 = tpu.memref_squeeze %dma_start3A_38 : memref<1x80xi32, #tpu.memory_space<vmem>> -> memref<80xi32, #tpu.memory_space<vmem>>
    %dma_start3A_40 = arith.constant 0 : i32
    %dma_start3A_41 = tpu.memref_slice %arg4[%dma_start3A_34, %add3A, %dma_start3A_35, %dma_start3A_40] : memref<2x32x125x80xi32, #tpu.memory_space<hbm>> -> memref<1x1x1x80xi32, #tpu.memory_space<hbm>>
    %dma_start3A_42 = tpu.memref_squeeze %dma_start3A_41 : memref<1x1x1x80xi32, #tpu.memory_space<hbm>> -> memref<80xi32, #tpu.memory_space<hbm>>
    %dma_start3A_43 = arith.constant 0 : i32
    %dma_start3A_44 = tpu.memref_slice %arg10[%dma_start3A_36, %dma_start3A_43] : memref<2x80xi32, #tpu.memory_space<vmem>> -> memref<1x80xi32, #tpu.memory_space<vmem>>
    %dma_start3A_45 = tpu.memref_squeeze %dma_start3A_44 : memref<1x80xi32, #tpu.memory_space<vmem>> -> memref<80xi32, #tpu.memory_space<vmem>>
    %dma_start3A_46 = arith.constant 0 : i32
    %dma_start3A_47 = tpu.memref_slice %arg4[%dma_start3A_34, %add3A, %dma_start3A_35, %dma_start3A_46] : memref<2x32x125x80xi32, #tpu.memory_space<hbm>> -> memref<1x1x1x80xi32, #tpu.memory_space<hbm>>
    %dma_start3A_48 = tpu.memref_squeeze %dma_start3A_47 : memref<1x1x1x80xi32, #tpu.memory_space<hbm>> -> memref<80xi32, #tpu.memory_space<hbm>>
    tpu.enqueue_dma source(%dma_start3A_48 : memref<80xi32, #tpu.memory_space<hbm>>) target(%dma_start3A_45 : memref<80xi32, #tpu.memory_space<vmem>>) target_semaphore(%arg20 : memref<!tpu.dma_semaphore, #tpu.memory_space<semaphore_mem>>)
    %dma_start3A_49 = arith.constant 1 : i32
    %dma_start3A_50 = arith.constant 1 : i32
    %dma_start3A_51 = arith.constant 1 : i32
    %dma_start3A_52 = arith.constant 0 : i32
    %dma_start3A_53 = tpu.memref_slice %arg10[%dma_start3A_51, %dma_start3A_52] : memref<2x80xi32, #tpu.memory_space<vmem>> -> memref<1x80xi32, #tpu.memory_space<vmem>>
    %dma_start3A_54 = tpu.memref_squeeze %dma_start3A_53 : memref<1x80xi32, #tpu.memory_space<vmem>> -> memref<80xi32, #tpu.memory_space<vmem>>
    %dma_start3A_55 = arith.constant 0 : i32
    %dma_start3A_56 = tpu.memref_slice %arg4[%dma_start3A_49, %add3A, %dma_start3A_50, %dma_start3A_55] : memref<2x32x125x80xi32, #tpu.memory_space<hbm>> -> memref<1x1x1x80xi32, #tpu.memory_space<hbm>>
    %dma_start3A_57 = tpu.memref_squeeze %dma_start3A_56 : memref<1x1x1x80xi32, #tpu.memory_space<hbm>> -> memref<80xi32, #tpu.memory_space<hbm>>
    %dma_start3A_58 = arith.constant 0 : i32
    %dma_start3A_59 = tpu.memref_slice %arg10[%dma_start3A_51, %dma_start3A_58] : memref<2x80xi32, #tpu.memory_space<vmem>> -> memref<1x80xi32, #tpu.memory_space<vmem>>
    %dma_start3A_60 = tpu.memref_squeeze %dma_start3A_59 : memref<1x80xi32, #tpu.memory_space<vmem>> -> memref<80xi32, #tpu.memory_space<vmem>>
    %dma_start3A_61 = arith.constant 0 : i32
    %dma_start3A_62 = tpu.memref_slice %arg4[%dma_start3A_49, %add3A, %dma_start3A_50, %dma_start3A_61] : memref<2x32x125x80xi32, #tpu.memory_space<hbm>> -> memref<1x1x1x80xi32, #tpu.memory_space<hbm>>
    %dma_start3A_63 = tpu.memref_squeeze %dma_start3A_62 : memref<1x1x1x80xi32, #tpu.memory_space<hbm>> -> memref<80xi32, #tpu.memory_space<hbm>>
    tpu.enqueue_dma source(%dma_start3A_63 : memref<80xi32, #tpu.memory_space<hbm>>) target(%dma_start3A_60 : memref<80xi32, #tpu.memory_space<vmem>>) target_semaphore(%arg20 : memref<!tpu.dma_semaphore, #tpu.memory_space<semaphore_mem>>)
    %dma_wait3A = arith.constant 0 : i32
    %dma_wait3A_64 = arith.constant 0 : i32
    %dma_wait3A_65 = arith.constant 0 : i32
    %dma_wait3A_66 = arith.constant 0 : i32
    %dma_wait3A_67 = tpu.memref_slice %arg9[%dma_wait3A_65, %dma_wait3A_66] : memref<2x80xi32, #tpu.memory_space<vmem>> -> memref<1x80xi32, #tpu.memory_space<vmem>>
    %dma_wait3A_68 = tpu.memref_squeeze %dma_wait3A_67 : memref<1x80xi32, #tpu.memory_space<vmem>> -> memref<80xi32, #tpu.memory_space<vmem>>
    %dma_wait3A_69 = arith.constant 0 : i32
    %dma_wait3A_70 = tpu.memref_slice %arg5[%dma_wait3A, %dma_wait3A_64, %dma_wait3A_69] : memref<2x3x80xi32, #tpu.memory_space<hbm>> -> memref<1x1x80xi32, #tpu.memory_space<hbm>>
    %dma_wait3A_71 = tpu.memref_squeeze %dma_wait3A_70 : memref<1x1x80xi32, #tpu.memory_space<hbm>> -> memref<80xi32, #tpu.memory_space<hbm>>
    %dma_wait3A_72 = arith.constant 0 : i32
    %dma_wait3A_73 = tpu.memref_slice %arg9[%dma_wait3A_65, %dma_wait3A_72] : memref<2x80xi32, #tpu.memory_space<vmem>> -> memref<1x80xi32, #tpu.memory_space<vmem>>
    %dma_wait3A_74 = tpu.memref_squeeze %dma_wait3A_73 : memref<1x80xi32, #tpu.memory_space<vmem>> -> memref<80xi32, #tpu.memory_space<vmem>>
    %dma_wait3A_75 = arith.constant 0 : i32
    %dma_wait3A_76 = tpu.memref_slice %arg5[%dma_wait3A, %dma_wait3A_64, %dma_wait3A_75] : memref<2x3x80xi32, #tpu.memory_space<hbm>> -> memref<1x1x80xi32, #tpu.memory_space<hbm>>
    %dma_wait3A_77 = tpu.memref_squeeze %dma_wait3A_76 : memref<1x1x80xi32, #tpu.memory_space<hbm>> -> memref<80xi32, #tpu.memory_space<hbm>>
    tpu.wait_dma2 semaphore(%arg19 : memref<!tpu.dma_semaphore, #tpu.memory_space<semaphore_mem>>) src(%dma_wait3A_77 : memref<80xi32, #tpu.memory_space<hbm>>) dst(%dma_wait3A_74 : memref<80xi32, #tpu.memory_space<vmem>>)
    %dma_wait3A_78 = arith.constant 1 : i32
    %dma_wait3A_79 = arith.constant 0 : i32
    %dma_wait3A_80 = arith.constant 1 : i32
    %dma_wait3A_81 = arith.constant 0 : i32
    %dma_wait3A_82 = tpu.memref_slice %arg9[%dma_wait3A_80, %dma_wait3A_81] : memref<2x80xi32, #tpu.memory_space<vmem>> -> memref<1x80xi32, #tpu.memory_space<vmem>>
    %dma_wait3A_83 = tpu.memref_squeeze %dma_wait3A_82 : memref<1x80xi32, #tpu.memory_space<vmem>> -> memref<80xi32, #tpu.memory_space<vmem>>
    %dma_wait3A_84 = arith.constant 0 : i32
    %dma_wait3A_85 = tpu.memref_slice %arg5[%dma_wait3A_78, %dma_wait3A_79, %dma_wait3A_84] : memref<2x3x80xi32, #tpu.memory_space<hbm>> -> memref<1x1x80xi32, #tpu.memory_space<hbm>>
    %dma_wait3A_86 = tpu.memref_squeeze %dma_wait3A_85 : memref<1x1x80xi32, #tpu.memory_space<hbm>> -> memref<80xi32, #tpu.memory_space<hbm>>
    %dma_wait3A_87 = arith.constant 0 : i32
    %dma_wait3A_88 = tpu.memref_slice %arg9[%dma_wait3A_80, %dma_wait3A_87] : memref<2x80xi32, #tpu.memory_space<vmem>> -> memref<1x80xi32, #tpu.memory_space<vmem>>
    %dma_wait3A_89 = tpu.memref_squeeze %dma_wait3A_88 : memref<1x80xi32, #tpu.memory_space<vmem>> -> memref<80xi32, #tpu.memory_space<vmem>>
    %dma_wait3A_90 = arith.constant 0 : i32
    %dma_wait3A_91 = tpu.memref_slice %arg5[%dma_wait3A_78, %dma_wait3A_79, %dma_wait3A_90] : memref<2x3x80xi32, #tpu.memory_space<hbm>> -> memref<1x1x80xi32, #tpu.memory_space<hbm>>
    %dma_wait3A_92 = tpu.memref_squeeze %dma_wait3A_91 : memref<1x1x80xi32, #tpu.memory_space<hbm>> -> memref<80xi32, #tpu.memory_space<hbm>>
    tpu.wait_dma2 semaphore(%arg19 : memref<!tpu.dma_semaphore, #tpu.memory_space<semaphore_mem>>) src(%dma_wait3A_92 : memref<80xi32, #tpu.memory_space<hbm>>) dst(%dma_wait3A_89 : memref<80xi32, #tpu.memory_space<vmem>>)
    %dma_start3A_93 = arith.constant 0 : i32
    %dma_start3A_94 = arith.constant 0 : i32
    %dma_start3A_95 = tpu.memref_slice %arg9[%dma_start3A_93, %dma_start3A_94] : memref<2x80xi32, #tpu.memory_space<vmem>> -> memref<1x80xi32, #tpu.memory_space<vmem>>
    %dma_start3A_96 = tpu.memref_squeeze %dma_start3A_95 : memref<1x80xi32, #tpu.memory_space<vmem>> -> memref<80xi32, #tpu.memory_space<vmem>>
    %dma_start3A_97 = arith.constant 0 : i32
    %dma_start3A_98 = arith.constant 0 : i32
    %dma_start3A_99 = tpu.memref_slice %arg2[%dma_start3A_97, %dma_start3A_98] : memref<10240x48xf32, #tpu.memory_space<hbm>> -> memref<10240x48xf32, #tpu.memory_space<hbm>>
    tpu.enqueue_indirect_dma source(%dma_start3A_99 : memref<10240x48xf32, #tpu.memory_space<hbm>>) target(%arg13 : memref<80x48xf32, #tpu.memory_space<vmem>>) offsets(%dma_start3A_96 : memref<80xi32, #tpu.memory_space<vmem>>) semaphore(%arg23 : memref<!tpu.dma_semaphore, #tpu.memory_space<semaphore_mem>>)
    %dma_start3A_100 = arith.constant 1 : i32
    %dma_start3A_101 = arith.constant 0 : i32
    %dma_start3A_102 = tpu.memref_slice %arg9[%dma_start3A_100, %dma_start3A_101] : memref<2x80xi32, #tpu.memory_space<vmem>> -> memref<1x80xi32, #tpu.memory_space<vmem>>
    %dma_start3A_103 = tpu.memref_squeeze %dma_start3A_102 : memref<1x80xi32, #tpu.memory_space<vmem>> -> memref<80xi32, #tpu.memory_space<vmem>>
    %dma_start3A_104 = arith.constant 0 : i32
    %dma_start3A_105 = arith.constant 0 : i32
    %dma_start3A_106 = tpu.memref_slice %arg3[%dma_start3A_104, %dma_start3A_105] : memref<10240x16xf32, #tpu.memory_space<hbm>> -> memref<10240x16xf32, #tpu.memory_space<hbm>>
    tpu.enqueue_indirect_dma source(%dma_start3A_106 : memref<10240x16xf32, #tpu.memory_space<hbm>>) target(%arg15 : memref<80x16xf32, #tpu.memory_space<vmem>>) offsets(%dma_start3A_103 : memref<80xi32, #tpu.memory_space<vmem>>) semaphore(%arg25 : memref<!tpu.dma_semaphore, #tpu.memory_space<semaphore_mem>>)
    %scan3A = arith.constant 0 : i32
    %scan3A_107 = arith.constant 0 : i32
    %scan3A_108 = arith.constant 32 : i32
    %scan3A_109 = arith.addi %scan3A_107, %scan3A_108 : i32
    %scan3A_110 = arith.constant 1 : i32
    scf.for %scan3A_124 = %scan3A_107 to %scan3A_109 step %scan3A_110  : i32 {
      %mul3A_125 = arith.constant 4 : i32
      %mul3A_126 = arith.muli %mul3A_125, %scan3A_124 : i32
      %add3A_127 = arith.constant 0 : i32
      %add3A_128 = arith.addi %mul3A_126, %add3A_127 : i32
      %ge3A = arith.constant 1 : i32
      %ge3A_129 = arith.cmpi sge, %add3A_128, %ge3A : i32
      %convert_element_type3A = arith.extui %ge3A_129 : i1 to i32
      %cond3A = arith.constant 0 : i32
      %cond3A_130 = arith.cmpi ne, %convert_element_type3A, %cond3A : i32
      scf.if %cond3A_130 {
        %sub3A = arith.constant 1 : i32
        %sub3A_308 = arith.subi %add3A_128, %sub3A : i32
        %dma_wait3A_309 = arith.constant 1 : i32
        %dma_wait3A_310 = arith.constant 0 : i32
        %dma_wait3A_311 = tpu.memref_slice %arg12[%dma_wait3A_309, %dma_wait3A_310] : memref<2x80xi32, #tpu.memory_space<vmem>> -> memref<1x80xi32, #tpu.memory_space<vmem>>
        %dma_wait3A_312 = tpu.memref_squeeze %dma_wait3A_311 : memref<1x80xi32, #tpu.memory_space<vmem>> -> memref<80xi32, #tpu.memory_space<vmem>>
        %dma_wait3A_313 = arith.constant 0 : i32
        %dma_wait3A_314 = arith.constant 0 : i32
        %dma_wait3A_315 = tpu.memref_slice %arg18[%dma_wait3A_313, %dma_wait3A_314] : memref<10240x48xf32, #tpu.memory_space<vmem_shared>> -> memref<10240x48xf32, #tpu.memory_space<vmem_shared>>
        tpu.wait_indirect_dma semaphore(%arg28 : memref<!tpu.dma_semaphore, #tpu.memory_space<semaphore_mem>>) src(%arg14 : memref<80x48xf32, #tpu.memory_space<vmem>>) dst(%dma_wait3A_315 : memref<10240x48xf32, #tpu.memory_space<vmem_shared>>)
      } else {
      }
      %add3A_131 = arith.constant 2 : i32
      %add3A_132 = arith.addi %add3A_128, %add3A_131 : i32
      %lt3A = arith.constant 128 : i32
      %lt3A_133 = arith.cmpi slt, %add3A_132, %lt3A : i32
      %convert_element_type3A_134 = arith.extui %lt3A_133 : i1 to i32
      %cond3A_135 = arith.constant 0 : i32
      %cond3A_136 = arith.cmpi ne, %convert_element_type3A_134, %cond3A_135 : i32
      scf.if %cond3A_136 {
        %add3A_308 = arith.constant 2 : i32
        %add3A_309 = arith.addi %add3A_128, %add3A_308 : i32
        %lt3A_310 = arith.constant 125 : i32
        %lt3A_311 = arith.cmpi slt, %add3A_309, %lt3A_310 : i32
        %convert_element_type3A_312 = arith.extui %lt3A_311 : i1 to i32
        %cond3A_313 = arith.constant 0 : i32
        %cond3A_314 = arith.cmpi ne, %convert_element_type3A_312, %cond3A_313 : i32
        scf.if %cond3A_314 {
          %dma_start3A_320 = arith.constant 0 : i32
          %dma_start3A_321 = arith.constant 0 : i32
          %dma_start3A_322 = arith.constant 0 : i32
          %dma_start3A_323 = tpu.memref_slice %arg11[%dma_start3A_321, %dma_start3A_322] : memref<2x80xi32, #tpu.memory_space<vmem>> -> memref<1x80xi32, #tpu.memory_space<vmem>>
          %dma_start3A_324 = tpu.memref_squeeze %dma_start3A_323 : memref<1x80xi32, #tpu.memory_space<vmem>> -> memref<80xi32, #tpu.memory_space<vmem>>
          %dma_start3A_325 = arith.constant 0 : i32
          %dma_start3A_326 = tpu.memref_slice %arg4[%dma_start3A_320, %add3A, %add3A_309, %dma_start3A_325] : memref<2x32x125x80xi32, #tpu.memory_space<hbm>> -> memref<1x1x1x80xi32, #tpu.memory_space<hbm>>
          %dma_start3A_327 = tpu.memref_squeeze %dma_start3A_326 : memref<1x1x1x80xi32, #tpu.memory_space<hbm>> -> memref<80xi32, #tpu.memory_space<hbm>>
          %dma_start3A_328 = arith.constant 0 : i32
          %dma_start3A_329 = tpu.memref_slice %arg11[%dma_start3A_321, %dma_start3A_328] : memref<2x80xi32, #tpu.memory_space<vmem>> -> memref<1x80xi32, #tpu.memory_space<vmem>>
          %dma_start3A_330 = tpu.memref_squeeze %dma_start3A_329 : memref<1x80xi32, #tpu.memory_space<vmem>> -> memref<80xi32, #tpu.memory_space<vmem>>
          %dma_start3A_331 = arith.constant 0 : i32
          %dma_start3A_332 = tpu.memref_slice %arg4[%dma_start3A_320, %add3A, %add3A_309, %dma_start3A_331] : memref<2x32x125x80xi32, #tpu.memory_space<hbm>> -> memref<1x1x1x80xi32, #tpu.memory_space<hbm>>
          %dma_start3A_333 = tpu.memref_squeeze %dma_start3A_332 : memref<1x1x1x80xi32, #tpu.memory_space<hbm>> -> memref<80xi32, #tpu.memory_space<hbm>>
          tpu.enqueue_dma source(%dma_start3A_333 : memref<80xi32, #tpu.memory_space<hbm>>) target(%dma_start3A_330 : memref<80xi32, #tpu.memory_space<vmem>>) target_semaphore(%arg21 : memref<!tpu.dma_semaphore, #tpu.memory_space<semaphore_mem>>)
          %dma_start3A_334 = arith.constant 1 : i32
          %dma_start3A_335 = arith.constant 1 : i32
          %dma_start3A_336 = arith.constant 0 : i32
          %dma_start3A_337 = tpu.memref_slice %arg11[%dma_start3A_335, %dma_start3A_336] : memref<2x80xi32, #tpu.memory_space<vmem>> -> memref<1x80xi32, #tpu.memory_space<vmem>>
          %dma_start3A_338 = tpu.memref_squeeze %dma_start3A_337 : memref<1x80xi32, #tpu.memory_space<vmem>> -> memref<80xi32, #tpu.memory_space<vmem>>
          %dma_start3A_339 = arith.constant 0 : i32
          %dma_start3A_340 = tpu.memref_slice %arg4[%dma_start3A_334, %add3A, %add3A_309, %dma_start3A_339] : memref<2x32x125x80xi32, #tpu.memory_space<hbm>> -> memref<1x1x1x80xi32, #tpu.memory_space<hbm>>
          %dma_start3A_341 = tpu.memref_squeeze %dma_start3A_340 : memref<1x1x1x80xi32, #tpu.memory_space<hbm>> -> memref<80xi32, #tpu.memory_space<hbm>>
          %dma_start3A_342 = arith.constant 0 : i32
          %dma_start3A_343 = tpu.memref_slice %arg11[%dma_start3A_335, %dma_start3A_342] : memref<2x80xi32, #tpu.memory_space<vmem>> -> memref<1x80xi32, #tpu.memory_space<vmem>>
          %dma_start3A_344 = tpu.memref_squeeze %dma_start3A_343 : memref<1x80xi32, #tpu.memory_space<vmem>> -> memref<80xi32, #tpu.memory_space<vmem>>
          %dma_start3A_345 = arith.constant 0 : i32
          %dma_start3A_346 = tpu.memref_slice %arg4[%dma_start3A_334, %add3A, %add3A_309, %dma_start3A_345] : memref<2x32x125x80xi32, #tpu.memory_space<hbm>> -> memref<1x1x1x80xi32, #tpu.memory_space<hbm>>
          %dma_start3A_347 = tpu.memref_squeeze %dma_start3A_346 : memref<1x1x1x80xi32, #tpu.memory_space<hbm>> -> memref<80xi32, #tpu.memory_space<hbm>>
          tpu.enqueue_dma source(%dma_start3A_347 : memref<80xi32, #tpu.memory_space<hbm>>) target(%dma_start3A_344 : memref<80xi32, #tpu.memory_space<vmem>>) target_semaphore(%arg21 : memref<!tpu.dma_semaphore, #tpu.memory_space<semaphore_mem>>)
        } else {
        }
        %ge3A_315 = arith.constant 125 : i32
        %ge3A_316 = arith.cmpi sge, %add3A_309, %ge3A_315 : i32
        %convert_element_type3A_317 = arith.extui %ge3A_316 : i1 to i32
        %cond3A_318 = arith.constant 0 : i32
        %cond3A_319 = arith.cmpi ne, %convert_element_type3A_317, %cond3A_318 : i32
        scf.if %cond3A_319 {
          %sub3A = arith.constant 125 : i32
          %sub3A_320 = arith.subi %add3A_309, %sub3A : i32
          %dma_start3A_321 = arith.constant 0 : i32
          %dma_start3A_322 = arith.constant 0 : i32
          %dma_start3A_323 = arith.constant 0 : i32
          %dma_start3A_324 = tpu.memref_slice %arg11[%dma_start3A_322, %dma_start3A_323] : memref<2x80xi32, #tpu.memory_space<vmem>> -> memref<1x80xi32, #tpu.memory_space<vmem>>
          %dma_start3A_325 = tpu.memref_squeeze %dma_start3A_324 : memref<1x80xi32, #tpu.memory_space<vmem>> -> memref<80xi32, #tpu.memory_space<vmem>>
          %dma_start3A_326 = arith.constant 0 : i32
          %dma_start3A_327 = tpu.memref_slice %arg5[%dma_start3A_321, %sub3A_320, %dma_start3A_326] : memref<2x3x80xi32, #tpu.memory_space<hbm>> -> memref<1x1x80xi32, #tpu.memory_space<hbm>>
          %dma_start3A_328 = tpu.memref_squeeze %dma_start3A_327 : memref<1x1x80xi32, #tpu.memory_space<hbm>> -> memref<80xi32, #tpu.memory_space<hbm>>
          %dma_start3A_329 = arith.constant 0 : i32
          %dma_start3A_330 = tpu.memref_slice %arg11[%dma_start3A_322, %dma_start3A_329] : memref<2x80xi32, #tpu.memory_space<vmem>> -> memref<1x80xi32, #tpu.memory_space<vmem>>
          %dma_start3A_331 = tpu.memref_squeeze %dma_start3A_330 : memref<1x80xi32, #tpu.memory_space<vmem>> -> memref<80xi32, #tpu.memory_space<vmem>>
          %dma_start3A_332 = arith.constant 0 : i32
          %dma_start3A_333 = tpu.memref_slice %arg5[%dma_start3A_321, %sub3A_320, %dma_start3A_332] : memref<2x3x80xi32, #tpu.memory_space<hbm>> -> memref<1x1x80xi32, #tpu.memory_space<hbm>>
          %dma_start3A_334 = tpu.memref_squeeze %dma_start3A_333 : memref<1x1x80xi32, #tpu.memory_space<hbm>> -> memref<80xi32, #tpu.memory_space<hbm>>
          tpu.enqueue_dma source(%dma_start3A_334 : memref<80xi32, #tpu.memory_space<hbm>>) target(%dma_start3A_331 : memref<80xi32, #tpu.memory_space<vmem>>) target_semaphore(%arg21 : memref<!tpu.dma_semaphore, #tpu.memory_space<semaphore_mem>>)
          %sub3A_335 = arith.constant 125 : i32
          %sub3A_336 = arith.subi %add3A_309, %sub3A_335 : i32
          %dma_start3A_337 = arith.constant 1 : i32
          %dma_start3A_338 = arith.constant 1 : i32
          %dma_start3A_339 = arith.constant 0 : i32
          %dma_start3A_340 = tpu.memref_slice %arg11[%dma_start3A_338, %dma_start3A_339] : memref<2x80xi32, #tpu.memory_space<vmem>> -> memref<1x80xi32, #tpu.memory_space<vmem>>
          %dma_start3A_341 = tpu.memref_squeeze %dma_start3A_340 : memref<1x80xi32, #tpu.memory_space<vmem>> -> memref<80xi32, #tpu.memory_space<vmem>>
          %dma_start3A_342 = arith.constant 0 : i32
          %dma_start3A_343 = tpu.memref_slice %arg5[%dma_start3A_337, %sub3A_336, %dma_start3A_342] : memref<2x3x80xi32, #tpu.memory_space<hbm>> -> memref<1x1x80xi32, #tpu.memory_space<hbm>>
          %dma_start3A_344 = tpu.memref_squeeze %dma_start3A_343 : memref<1x1x80xi32, #tpu.memory_space<hbm>> -> memref<80xi32, #tpu.memory_space<hbm>>
          %dma_start3A_345 = arith.constant 0 : i32
          %dma_start3A_346 = tpu.memref_slice %arg11[%dma_start3A_338, %dma_start3A_345] : memref<2x80xi32, #tpu.memory_space<vmem>> -> memref<1x80xi32, #tpu.memory_space<vmem>>
          %dma_start3A_347 = tpu.memref_squeeze %dma_start3A_346 : memref<1x80xi32, #tpu.memory_space<vmem>> -> memref<80xi32, #tpu.memory_space<vmem>>
          %dma_start3A_348 = arith.constant 0 : i32
          %dma_start3A_349 = tpu.memref_slice %arg5[%dma_start3A_337, %sub3A_336, %dma_start3A_348] : memref<2x3x80xi32, #tpu.memory_space<hbm>> -> memref<1x1x80xi32, #tpu.memory_space<hbm>>
          %dma_start3A_350 = tpu.memref_squeeze %dma_start3A_349 : memref<1x1x80xi32, #tpu.memory_space<hbm>> -> memref<80xi32, #tpu.memory_space<hbm>>
          tpu.enqueue_dma source(%dma_start3A_350 : memref<80xi32, #tpu.memory_space<hbm>>) target(%dma_start3A_347 : memref<80xi32, #tpu.memory_space<vmem>>) target_semaphore(%arg21 : memref<!tpu.dma_semaphore, #tpu.memory_space<semaphore_mem>>)
        } else {
        }
      } else {
      }
      %add3A_137 = arith.constant 1 : i32
      %add3A_138 = arith.addi %add3A_128, %add3A_137 : i32
      %lt3A_139 = arith.constant 128 : i32
      %lt3A_140 = arith.cmpi slt, %add3A_138, %lt3A_139 : i32
      %convert_element_type3A_141 = arith.extui %lt3A_140 : i1 to i32
      %cond3A_142 = arith.constant 0 : i32
      %cond3A_143 = arith.cmpi ne, %convert_element_type3A_141, %cond3A_142 : i32
      scf.if %cond3A_143 {
        %dma_wait3A_308 = arith.constant 0 : i32
        %dma_wait3A_309 = arith.constant 0 : i32
        %dma_wait3A_310 = arith.constant 0 : i32
        %dma_wait3A_311 = arith.constant 0 : i32
        %dma_wait3A_312 = tpu.memref_slice %arg10[%dma_wait3A_310, %dma_wait3A_311] : memref<2x80xi32, #tpu.memory_space<vmem>> -> memref<1x80xi32, #tpu.memory_space<vmem>>
        %dma_wait3A_313 = tpu.memref_squeeze %dma_wait3A_312 : memref<1x80xi32, #tpu.memory_space<vmem>> -> memref<80xi32, #tpu.memory_space<vmem>>
        %dma_wait3A_314 = arith.constant 0 : i32
        %dma_wait3A_315 = tpu.memref_slice %arg5[%dma_wait3A_308, %dma_wait3A_309, %dma_wait3A_314] : memref<2x3x80xi32, #tpu.memory_space<hbm>> -> memref<1x1x80xi32, #tpu.memory_space<hbm>>
        %dma_wait3A_316 = tpu.memref_squeeze %dma_wait3A_315 : memref<1x1x80xi32, #tpu.memory_space<hbm>> -> memref<80xi32, #tpu.memory_space<hbm>>
        %dma_wait3A_317 = arith.constant 0 : i32
        %dma_wait3A_318 = tpu.memref_slice %arg10[%dma_wait3A_310, %dma_wait3A_317] : memref<2x80xi32, #tpu.memory_space<vmem>> -> memref<1x80xi32, #tpu.memory_space<vmem>>
        %dma_wait3A_319 = tpu.memref_squeeze %dma_wait3A_318 : memref<1x80xi32, #tpu.memory_space<vmem>> -> memref<80xi32, #tpu.memory_space<vmem>>
        %dma_wait3A_320 = arith.constant 0 : i32
        %dma_wait3A_321 = tpu.memref_slice %arg5[%dma_wait3A_308, %dma_wait3A_309, %dma_wait3A_320] : memref<2x3x80xi32, #tpu.memory_space<hbm>> -> memref<1x1x80xi32, #tpu.memory_space<hbm>>
        %dma_wait3A_322 = tpu.memref_squeeze %dma_wait3A_321 : memref<1x1x80xi32, #tpu.memory_space<hbm>> -> memref<80xi32, #tpu.memory_space<hbm>>
        tpu.wait_dma2 semaphore(%arg20 : memref<!tpu.dma_semaphore, #tpu.memory_space<semaphore_mem>>) src(%dma_wait3A_322 : memref<80xi32, #tpu.memory_space<hbm>>) dst(%dma_wait3A_319 : memref<80xi32, #tpu.memory_space<vmem>>)
        %dma_wait3A_323 = arith.constant 1 : i32
        %dma_wait3A_324 = arith.constant 0 : i32
        %dma_wait3A_325 = arith.constant 1 : i32
        %dma_wait3A_326 = arith.constant 0 : i32
        %dma_wait3A_327 = tpu.memref_slice %arg10[%dma_wait3A_325, %dma_wait3A_326] : memref<2x80xi32, #tpu.memory_space<vmem>> -> memref<1x80xi32, #tpu.memory_space<vmem>>
        %dma_wait3A_328 = tpu.memref_squeeze %dma_wait3A_327 : memref<1x80xi32, #tpu.memory_space<vmem>> -> memref<80xi32, #tpu.memory_space<vmem>>
        %dma_wait3A_329 = arith.constant 0 : i32
        %dma_wait3A_330 = tpu.memref_slice %arg5[%dma_wait3A_323, %dma_wait3A_324, %dma_wait3A_329] : memref<2x3x80xi32, #tpu.memory_space<hbm>> -> memref<1x1x80xi32, #tpu.memory_space<hbm>>
        %dma_wait3A_331 = tpu.memref_squeeze %dma_wait3A_330 : memref<1x1x80xi32, #tpu.memory_space<hbm>> -> memref<80xi32, #tpu.memory_space<hbm>>
        %dma_wait3A_332 = arith.constant 0 : i32
        %dma_wait3A_333 = tpu.memref_slice %arg10[%dma_wait3A_325, %dma_wait3A_332] : memref<2x80xi32, #tpu.memory_space<vmem>> -> memref<1x80xi32, #tpu.memory_space<vmem>>
        %dma_wait3A_334 = tpu.memref_squeeze %dma_wait3A_333 : memref<1x80xi32, #tpu.memory_space<vmem>> -> memref<80xi32, #tpu.memory_space<vmem>>
        %dma_wait3A_335 = arith.constant 0 : i32
        %dma_wait3A_336 = tpu.memref_slice %arg5[%dma_wait3A_323, %dma_wait3A_324, %dma_wait3A_335] : memref<2x3x80xi32, #tpu.memory_space<hbm>> -> memref<1x1x80xi32, #tpu.memory_space<hbm>>
        %dma_wait3A_337 = tpu.memref_squeeze %dma_wait3A_336 : memref<1x1x80xi32, #tpu.memory_space<hbm>> -> memref<80xi32, #tpu.memory_space<hbm>>
        tpu.wait_dma2 semaphore(%arg20 : memref<!tpu.dma_semaphore, #tpu.memory_space<semaphore_mem>>) src(%dma_wait3A_337 : memref<80xi32, #tpu.memory_space<hbm>>) dst(%dma_wait3A_334 : memref<80xi32, #tpu.memory_space<vmem>>)
        %add3A_338 = arith.constant 1 : i32
        %add3A_339 = arith.addi %add3A_128, %add3A_338 : i32
        %dma_start3A_340 = arith.constant 0 : i32
        %dma_start3A_341 = arith.constant 0 : i32
        %dma_start3A_342 = tpu.memref_slice %arg10[%dma_start3A_340, %dma_start3A_341] : memref<2x80xi32, #tpu.memory_space<vmem>> -> memref<1x80xi32, #tpu.memory_space<vmem>>
        %dma_start3A_343 = tpu.memref_squeeze %dma_start3A_342 : memref<1x80xi32, #tpu.memory_space<vmem>> -> memref<80xi32, #tpu.memory_space<vmem>>
        %dma_start3A_344 = arith.constant 0 : i32
        %dma_start3A_345 = arith.constant 0 : i32
        %dma_start3A_346 = tpu.memref_slice %arg2[%dma_start3A_344, %dma_start3A_345] : memref<10240x48xf32, #tpu.memory_space<hbm>> -> memref<10240x48xf32, #tpu.memory_space<hbm>>
        tpu.enqueue_indirect_dma source(%dma_start3A_346 : memref<10240x48xf32, #tpu.memory_space<hbm>>) target(%arg14 : memref<80x48xf32, #tpu.memory_space<vmem>>) offsets(%dma_start3A_343 : memref<80xi32, #tpu.memory_space<vmem>>) semaphore(%arg24 : memref<!tpu.dma_semaphore, #tpu.memory_space<semaphore_mem>>)
        %add3A_347 = arith.constant 1 : i32
        %add3A_348 = arith.addi %add3A_128, %add3A_347 : i32
        %dma_start3A_349 = arith.constant 1 : i32
        %dma_start3A_350 = arith.constant 0 : i32
        %dma_start3A_351 = tpu.memref_slice %arg10[%dma_start3A_349, %dma_start3A_350] : memref<2x80xi32, #tpu.memory_space<vmem>> -> memref<1x80xi32, #tpu.memory_space<vmem>>
        %dma_start3A_352 = tpu.memref_squeeze %dma_start3A_351 : memref<1x80xi32, #tpu.memory_space<vmem>> -> memref<80xi32, #tpu.memory_space<vmem>>
        %dma_start3A_353 = arith.constant 0 : i32
        %dma_start3A_354 = arith.constant 0 : i32
        %dma_start3A_355 = tpu.memref_slice %arg3[%dma_start3A_353, %dma_start3A_354] : memref<10240x16xf32, #tpu.memory_space<hbm>> -> memref<10240x16xf32, #tpu.memory_space<hbm>>
        tpu.enqueue_indirect_dma source(%dma_start3A_355 : memref<10240x16xf32, #tpu.memory_space<hbm>>) target(%arg16 : memref<80x16xf32, #tpu.memory_space<vmem>>) offsets(%dma_start3A_352 : memref<80xi32, #tpu.memory_space<vmem>>) semaphore(%arg26 : memref<!tpu.dma_semaphore, #tpu.memory_space<semaphore_mem>>)
      } else {
      }
      %dma_wait3A_144 = arith.constant 0 : i32
      %dma_wait3A_145 = arith.constant 0 : i32
      %dma_wait3A_146 = tpu.memref_slice %arg9[%dma_wait3A_144, %dma_wait3A_145] : memref<2x80xi32, #tpu.memory_space<vmem>> -> memref<1x80xi32, #tpu.memory_space<vmem>>
      %dma_wait3A_147 = tpu.memref_squeeze %dma_wait3A_146 : memref<1x80xi32, #tpu.memory_space<vmem>> -> memref<80xi32, #tpu.memory_space<vmem>>
      %dma_wait3A_148 = arith.constant 0 : i32
      %dma_wait3A_149 = arith.constant 0 : i32
      %dma_wait3A_150 = tpu.memref_slice %arg2[%dma_wait3A_148, %dma_wait3A_149] : memref<10240x48xf32, #tpu.memory_space<hbm>> -> memref<10240x48xf32, #tpu.memory_space<hbm>>
      tpu.wait_indirect_dma semaphore(%arg23 : memref<!tpu.dma_semaphore, #tpu.memory_space<semaphore_mem>>) src(%dma_wait3A_150 : memref<10240x48xf32, #tpu.memory_space<hbm>>) dst(%arg13 : memref<80x48xf32, #tpu.memory_space<vmem>>)
      %dma_wait3A_151 = arith.constant 1 : i32
      %dma_wait3A_152 = arith.constant 0 : i32
      %dma_wait3A_153 = tpu.memref_slice %arg9[%dma_wait3A_151, %dma_wait3A_152] : memref<2x80xi32, #tpu.memory_space<vmem>> -> memref<1x80xi32, #tpu.memory_space<vmem>>
      %dma_wait3A_154 = tpu.memref_squeeze %dma_wait3A_153 : memref<1x80xi32, #tpu.memory_space<vmem>> -> memref<80xi32, #tpu.memory_space<vmem>>
      %dma_wait3A_155 = arith.constant 0 : i32
      %dma_wait3A_156 = arith.constant 0 : i32
      %dma_wait3A_157 = tpu.memref_slice %arg3[%dma_wait3A_155, %dma_wait3A_156] : memref<10240x16xf32, #tpu.memory_space<hbm>> -> memref<10240x16xf32, #tpu.memory_space<hbm>>
      tpu.wait_indirect_dma semaphore(%arg25 : memref<!tpu.dma_semaphore, #tpu.memory_space<semaphore_mem>>) src(%dma_wait3A_157 : memref<10240x16xf32, #tpu.memory_space<hbm>>) dst(%arg15 : memref<80x16xf32, #tpu.memory_space<vmem>>)
      %parallel_loop3A = arith.constant 0 : i32
      %parallel_loop3A_158 = arith.constant 80 : i32
      %parallel_loop3A_159 = arith.constant 1 : i32
      scf.for %parallel_loop3A_308 = %parallel_loop3A to %parallel_loop3A_158 step %parallel_loop3A_159  : i32 {
        %parallel_loop3A_309 = arith.index_cast %parallel_loop3A_308 : i32 to index
        %parallel_loop3A_310 = arith.constant 32 : index
        %parallel_loop3A_311 = tpu.vector_load %arg13[%parallel_loop3A_309, %parallel_loop3A_310] {strides = array<i32>} : memref<80x48xf32, #tpu.memory_space<vmem>>, vector<1x16xf32>,
        %parallel_loop3A_312 = vector.shape_cast %parallel_loop3A_311 : vector<1x16xf32> to vector<16xf32>
        %parallel_loop3A_313 = arith.index_cast %parallel_loop3A_308 : i32 to index
        %parallel_loop3A_314 = arith.constant 0 : index
        %parallel_loop3A_315 = tpu.vector_load %arg15[%parallel_loop3A_313, %parallel_loop3A_314] {strides = array<i32>} : memref<80x16xf32, #tpu.memory_space<vmem>>, vector<1x16xf32>,
        %parallel_loop3A_316 = vector.shape_cast %parallel_loop3A_315 : vector<1x16xf32> to vector<16xf32>
        %parallel_loop3A_317 = arith.index_cast %parallel_loop3A_308 : i32 to index
        %parallel_loop3A_318 = arith.constant 0 : index
        %parallel_loop3A_319 = tpu.vector_load %arg13[%parallel_loop3A_317, %parallel_loop3A_318] {strides = array<i32>} : memref<80x48xf32, #tpu.memory_space<vmem>>, vector<1x16xf32>,
        %parallel_loop3A_320 = vector.shape_cast %parallel_loop3A_319 : vector<1x16xf32> to vector<16xf32>
        %parallel_loop3A_321 = arith.index_cast %parallel_loop3A_308 : i32 to index
        %parallel_loop3A_322 = arith.constant 16 : index
        %parallel_loop3A_323 = tpu.vector_load %arg13[%parallel_loop3A_321, %parallel_loop3A_322] {strides = array<i32>} : memref<80x48xf32, #tpu.memory_space<vmem>>, vector<1x16xf32>,
        %parallel_loop3A_324 = vector.shape_cast %parallel_loop3A_323 : vector<1x16xf32> to vector<16xf32>
        %parallel_loop3A_325 = arith.addf %parallel_loop3A_312, %parallel_loop3A_316 : vector<16xf32>
        %parallel_loop3A_326 = arith.constant 0.000000e+00 : f32
        %parallel_loop3A_327 = vector.broadcast %parallel_loop3A_326 : f32 to vector<16xf32>
        %parallel_loop3A_328 = arith.cmpf ogt, %parallel_loop3A_325, %parallel_loop3A_327 : vector<16xf32>
        %parallel_loop3A_329 = arith.constant 2.000000e-01 : f32
        %parallel_loop3A_330 = vector.broadcast %parallel_loop3A_329 : f32 to vector<16xf32>
        %parallel_loop3A_331 = arith.mulf %parallel_loop3A_330, %parallel_loop3A_325 : vector<16xf32>
        %parallel_loop3A_332 = arith.select %parallel_loop3A_328, %parallel_loop3A_325, %parallel_loop3A_331 : vector<16xi1>, vector<16xf32>
        %parallel_loop3A_333 = arith.subf %parallel_loop3A_332, %get3A_4 : vector<16xf32>
        %parallel_loop3A_334 = math.exp %parallel_loop3A_333 : vector<16xf32>
        %parallel_loop3A_335 = arith.constant 9 : i32
        %parallel_loop3A_336 = vector.broadcast %parallel_loop3A_335 : i32 to vector<16x1xi32>
        %parallel_loop3A_337 = vector.shape_cast %parallel_loop3A_336 : vector<16x1xi32> to vector<16xi32>
        %parallel_loop3A_338 = tpu.dynamic_gather %parallel_loop3A_334[%parallel_loop3A_337] in [0] : vector<16xf32>, vector<16xi32> -> vector<16xf32>
        %parallel_loop3A_339 = arith.mulf %parallel_loop3A_312, %parallel_loop3A_338 : vector<16xf32>
        %parallel_loop3A_340 = arith.index_cast %parallel_loop3A_308 : i32 to index
        %parallel_loop3A_341 = arith.constant 32 : index
        %parallel_loop3A_342 = tpu.vector_load %arg13[%parallel_loop3A_340, %parallel_loop3A_341] {strides = array<i32>} : memref<80x48xf32, #tpu.memory_space<vmem>>, vector<1x16xf32>,
        %parallel_loop3A_343 = vector.shape_cast %parallel_loop3A_342 : vector<1x16xf32> to vector<16xf32>
        %parallel_loop3A_344 = vector.shape_cast %parallel_loop3A_339 : vector<16xf32> to vector<1x16xf32>
        tpu.vector_store %arg13[%parallel_loop3A_340, %parallel_loop3A_341], %parallel_loop3A_344 {strides = array<i32>} : memref<80x48xf32, #tpu.memory_space<vmem>>, vector<1x16xf32>,
        %parallel_loop3A_345 = arith.mulf %parallel_loop3A_320, %parallel_loop3A_338 : vector<16xf32>
        %parallel_loop3A_346 = arith.index_cast %parallel_loop3A_308 : i32 to index
        %parallel_loop3A_347 = arith.constant 0 : index
        %parallel_loop3A_348 = tpu.vector_load %arg13[%parallel_loop3A_346, %parallel_loop3A_347] {strides = array<i32>} : memref<80x48xf32, #tpu.memory_space<vmem>>, vector<1x16xf32>,
        %parallel_loop3A_349 = vector.shape_cast %parallel_loop3A_348 : vector<1x16xf32> to vector<16xf32>
        %parallel_loop3A_350 = vector.shape_cast %parallel_loop3A_345 : vector<16xf32> to vector<1x16xf32>
        tpu.vector_store %arg13[%parallel_loop3A_346, %parallel_loop3A_347], %parallel_loop3A_350 {strides = array<i32>} : memref<80x48xf32, #tpu.memory_space<vmem>>, vector<1x16xf32>,
        %parallel_loop3A_351 = arith.mulf %parallel_loop3A_324, %parallel_loop3A_338 : vector<16xf32>
        %parallel_loop3A_352 = arith.index_cast %parallel_loop3A_308 : i32 to index
        %parallel_loop3A_353 = arith.constant 16 : index
        %parallel_loop3A_354 = tpu.vector_load %arg13[%parallel_loop3A_352, %parallel_loop3A_353] {strides = array<i32>} : memref<80x48xf32, #tpu.memory_space<vmem>>, vector<1x16xf32>,
        %parallel_loop3A_355 = vector.shape_cast %parallel_loop3A_354 : vector<1x16xf32> to vector<16xf32>
        %parallel_loop3A_356 = vector.shape_cast %parallel_loop3A_351 : vector<16xf32> to vector<1x16xf32>
        tpu.vector_store %arg13[%parallel_loop3A_352, %parallel_loop3A_353], %parallel_loop3A_356 {strides = array<i32>} : memref<80x48xf32, #tpu.memory_space<vmem>>, vector<1x16xf32>,
      } {sc.loop_unroll_factor = 8 : i64, sc.parallel_access}
      %dma_start3A_160 = arith.constant 1 : i32
      %dma_start3A_161 = arith.constant 0 : i32
      %dma_start3A_162 = tpu.memref_slice %arg9[%dma_start3A_160, %dma_start3A_161] : memref<2x80xi32, #tpu.memory_space<vmem>> -> memref<1x80xi32, #tpu.memory_space<vmem>>
      %dma_start3A_163 = tpu.memref_squeeze %dma_start3A_162 : memref<1x80xi32, #tpu.memory_space<vmem>> -> memref<80xi32, #tpu.memory_space<vmem>>
      %dma_start3A_164 = arith.constant 0 : i32
      %dma_start3A_165 = arith.constant 0 : i32
      %dma_start3A_166 = tpu.memref_slice %arg18[%dma_start3A_164, %dma_start3A_165] : memref<10240x48xf32, #tpu.memory_space<vmem_shared>> -> memref<10240x48xf32, #tpu.memory_space<vmem_shared>>
      tpu.enqueue_indirect_dma source(%arg13 : memref<80x48xf32, #tpu.memory_space<vmem>>) target(%dma_start3A_166 : memref<10240x48xf32, #tpu.memory_space<vmem_shared>>) offsets(%dma_start3A_163 : memref<80xi32, #tpu.memory_space<vmem>>) semaphore(%arg27 : memref<!tpu.dma_semaphore, #tpu.memory_space<semaphore_mem>>) {add = true}
      %mul3A_167 = arith.constant 4 : i32
      %mul3A_168 = arith.muli %mul3A_167, %scan3A_124 : i32
      %add3A_169 = arith.constant 1 : i32
      %add3A_170 = arith.addi %mul3A_168, %add3A_169 : i32
      %ge3A_171 = arith.constant 1 : i32
      %ge3A_172 = arith.cmpi sge, %add3A_170, %ge3A_171 : i32
      %convert_element_type3A_173 = arith.extui %ge3A_172 : i1 to i32
      %cond3A_174 = arith.constant 0 : i32
      %cond3A_175 = arith.cmpi ne, %convert_element_type3A_173, %cond3A_174 : i32
      scf.if %cond3A_175 {
        %sub3A = arith.constant 1 : i32
        %sub3A_308 = arith.subi %add3A_170, %sub3A : i32
        %dma_wait3A_309 = arith.constant 1 : i32
        %dma_wait3A_310 = arith.constant 0 : i32
        %dma_wait3A_311 = tpu.memref_slice %arg9[%dma_wait3A_309, %dma_wait3A_310] : memref<2x80xi32, #tpu.memory_space<vmem>> -> memref<1x80xi32, #tpu.memory_space<vmem>>
        %dma_wait3A_312 = tpu.memref_squeeze %dma_wait3A_311 : memref<1x80xi32, #tpu.memory_space<vmem>> -> memref<80xi32, #tpu.memory_space<vmem>>
        %dma_wait3A_313 = arith.constant 0 : i32
        %dma_wait3A_314 = arith.constant 0 : i32
        %dma_wait3A_315 = tpu.memref_slice %arg18[%dma_wait3A_313, %dma_wait3A_314] : memref<10240x48xf32, #tpu.memory_space<vmem_shared>> -> memref<10240x48xf32, #tpu.memory_space<vmem_shared>>
        tpu.wait_indirect_dma semaphore(%arg27 : memref<!tpu.dma_semaphore, #tpu.memory_space<semaphore_mem>>) src(%arg13 : memref<80x48xf32, #tpu.memory_space<vmem>>) dst(%dma_wait3A_315 : memref<10240x48xf32, #tpu.memory_space<vmem_shared>>)
      } else {
      }
      %add3A_176 = arith.constant 2 : i32
      %add3A_177 = arith.addi %add3A_170, %add3A_176 : i32
      %lt3A_178 = arith.constant 128 : i32
      %lt3A_179 = arith.cmpi slt, %add3A_177, %lt3A_178 : i32
      %convert_element_type3A_180 = arith.extui %lt3A_179 : i1 to i32
      %cond3A_181 = arith.constant 0 : i32
      %cond3A_182 = arith.cmpi ne, %convert_element_type3A_180, %cond3A_181 : i32
      scf.if %cond3A_182 {
        %add3A_308 = arith.constant 2 : i32
        %add3A_309 = arith.addi %add3A_170, %add3A_308 : i32
        %lt3A_310 = arith.constant 125 : i32
        %lt3A_311 = arith.cmpi slt, %add3A_309, %lt3A_310 : i32
        %convert_element_type3A_312 = arith.extui %lt3A_311 : i1 to i32
        %cond3A_313 = arith.constant 0 : i32
        %cond3A_314 = arith.cmpi ne, %convert_element_type3A_312, %cond3A_313 : i32
        scf.if %cond3A_314 {
          %dma_start3A_320 = arith.constant 0 : i32
          %dma_start3A_321 = arith.constant 0 : i32
          %dma_start3A_322 = arith.constant 0 : i32
          %dma_start3A_323 = tpu.memref_slice %arg12[%dma_start3A_321, %dma_start3A_322] : memref<2x80xi32, #tpu.memory_space<vmem>> -> memref<1x80xi32, #tpu.memory_space<vmem>>
          %dma_start3A_324 = tpu.memref_squeeze %dma_start3A_323 : memref<1x80xi32, #tpu.memory_space<vmem>> -> memref<80xi32, #tpu.memory_space<vmem>>
          %dma_start3A_325 = arith.constant 0 : i32
          %dma_start3A_326 = tpu.memref_slice %arg4[%dma_start3A_320, %add3A, %add3A_309, %dma_start3A_325] : memref<2x32x125x80xi32, #tpu.memory_space<hbm>> -> memref<1x1x1x80xi32, #tpu.memory_space<hbm>>
          %dma_start3A_327 = tpu.memref_squeeze %dma_start3A_326 : memref<1x1x1x80xi32, #tpu.memory_space<hbm>> -> memref<80xi32, #tpu.memory_space<hbm>>
          %dma_start3A_328 = arith.constant 0 : i32
          %dma_start3A_329 = tpu.memref_slice %arg12[%dma_start3A_321, %dma_start3A_328] : memref<2x80xi32, #tpu.memory_space<vmem>> -> memref<1x80xi32, #tpu.memory_space<vmem>>
          %dma_start3A_330 = tpu.memref_squeeze %dma_start3A_329 : memref<1x80xi32, #tpu.memory_space<vmem>> -> memref<80xi32, #tpu.memory_space<vmem>>
          %dma_start3A_331 = arith.constant 0 : i32
          %dma_start3A_332 = tpu.memref_slice %arg4[%dma_start3A_320, %add3A, %add3A_309, %dma_start3A_331] : memref<2x32x125x80xi32, #tpu.memory_space<hbm>> -> memref<1x1x1x80xi32, #tpu.memory_space<hbm>>
          %dma_start3A_333 = tpu.memref_squeeze %dma_start3A_332 : memref<1x1x1x80xi32, #tpu.memory_space<hbm>> -> memref<80xi32, #tpu.memory_space<hbm>>
          tpu.enqueue_dma source(%dma_start3A_333 : memref<80xi32, #tpu.memory_space<hbm>>) target(%dma_start3A_330 : memref<80xi32, #tpu.memory_space<vmem>>) target_semaphore(%arg22 : memref<!tpu.dma_semaphore, #tpu.memory_space<semaphore_mem>>)
          %dma_start3A_334 = arith.constant 1 : i32
          %dma_start3A_335 = arith.constant 1 : i32
          %dma_start3A_336 = arith.constant 0 : i32
          %dma_start3A_337 = tpu.memref_slice %arg12[%dma_start3A_335, %dma_start3A_336] : memref<2x80xi32, #tpu.memory_space<vmem>> -> memref<1x80xi32, #tpu.memory_space<vmem>>
          %dma_start3A_338 = tpu.memref_squeeze %dma_start3A_337 : memref<1x80xi32, #tpu.memory_space<vmem>> -> memref<80xi32, #tpu.memory_space<vmem>>
          %dma_start3A_339 = arith.constant 0 : i32
          %dma_start3A_340 = tpu.memref_slice %arg4[%dma_start3A_334, %add3A, %add3A_309, %dma_start3A_339] : memref<2x32x125x80xi32, #tpu.memory_space<hbm>> -> memref<1x1x1x80xi32, #tpu.memory_space<hbm>>
          %dma_start3A_341 = tpu.memref_squeeze %dma_start3A_340 : memref<1x1x1x80xi32, #tpu.memory_space<hbm>> -> memref<80xi32, #tpu.memory_space<hbm>>
          %dma_start3A_342 = arith.constant 0 : i32
          %dma_start3A_343 = tpu.memref_slice %arg12[%dma_start3A_335, %dma_start3A_342] : memref<2x80xi32, #tpu.memory_space<vmem>> -> memref<1x80xi32, #tpu.memory_space<vmem>>
          %dma_start3A_344 = tpu.memref_squeeze %dma_start3A_343 : memref<1x80xi32, #tpu.memory_space<vmem>> -> memref<80xi32, #tpu.memory_space<vmem>>
          %dma_start3A_345 = arith.constant 0 : i32
          %dma_start3A_346 = tpu.memref_slice %arg4[%dma_start3A_334, %add3A, %add3A_309, %dma_start3A_345] : memref<2x32x125x80xi32, #tpu.memory_space<hbm>> -> memref<1x1x1x80xi32, #tpu.memory_space<hbm>>
          %dma_start3A_347 = tpu.memref_squeeze %dma_start3A_346 : memref<1x1x1x80xi32, #tpu.memory_space<hbm>> -> memref<80xi32, #tpu.memory_space<hbm>>
          tpu.enqueue_dma source(%dma_start3A_347 : memref<80xi32, #tpu.memory_space<hbm>>) target(%dma_start3A_344 : memref<80xi32, #tpu.memory_space<vmem>>) target_semaphore(%arg22 : memref<!tpu.dma_semaphore, #tpu.memory_space<semaphore_mem>>)
        } else {
        }
        %ge3A_315 = arith.constant 125 : i32
        %ge3A_316 = arith.cmpi sge, %add3A_309, %ge3A_315 : i32
        %convert_element_type3A_317 = arith.extui %ge3A_316 : i1 to i32
        %cond3A_318 = arith.constant 0 : i32
        %cond3A_319 = arith.cmpi ne, %convert_element_type3A_317, %cond3A_318 : i32
        scf.if %cond3A_319 {
          %sub3A = arith.constant 125 : i32
          %sub3A_320 = arith.subi %add3A_309, %sub3A : i32
          %dma_start3A_321 = arith.constant 0 : i32
          %dma_start3A_322 = arith.constant 0 : i32
          %dma_start3A_323 = arith.constant 0 : i32
          %dma_start3A_324 = tpu.memref_slice %arg12[%dma_start3A_322, %dma_start3A_323] : memref<2x80xi32, #tpu.memory_space<vmem>> -> memref<1x80xi32, #tpu.memory_space<vmem>>
          %dma_start3A_325 = tpu.memref_squeeze %dma_start3A_324 : memref<1x80xi32, #tpu.memory_space<vmem>> -> memref<80xi32, #tpu.memory_space<vmem>>
          %dma_start3A_326 = arith.constant 0 : i32
          %dma_start3A_327 = tpu.memref_slice %arg5[%dma_start3A_321, %sub3A_320, %dma_start3A_326] : memref<2x3x80xi32, #tpu.memory_space<hbm>> -> memref<1x1x80xi32, #tpu.memory_space<hbm>>
          %dma_start3A_328 = tpu.memref_squeeze %dma_start3A_327 : memref<1x1x80xi32, #tpu.memory_space<hbm>> -> memref<80xi32, #tpu.memory_space<hbm>>
          %dma_start3A_329 = arith.constant 0 : i32
          %dma_start3A_330 = tpu.memref_slice %arg12[%dma_start3A_322, %dma_start3A_329] : memref<2x80xi32, #tpu.memory_space<vmem>> -> memref<1x80xi32, #tpu.memory_space<vmem>>
          %dma_start3A_331 = tpu.memref_squeeze %dma_start3A_330 : memref<1x80xi32, #tpu.memory_space<vmem>> -> memref<80xi32, #tpu.memory_space<vmem>>
          %dma_start3A_332 = arith.constant 0 : i32
          %dma_start3A_333 = tpu.memref_slice %arg5[%dma_start3A_321, %sub3A_320, %dma_start3A_332] : memref<2x3x80xi32, #tpu.memory_space<hbm>> -> memref<1x1x80xi32, #tpu.memory_space<hbm>>
          %dma_start3A_334 = tpu.memref_squeeze %dma_start3A_333 : memref<1x1x80xi32, #tpu.memory_space<hbm>> -> memref<80xi32, #tpu.memory_space<hbm>>
          tpu.enqueue_dma source(%dma_start3A_334 : memref<80xi32, #tpu.memory_space<hbm>>) target(%dma_start3A_331 : memref<80xi32, #tpu.memory_space<vmem>>) target_semaphore(%arg22 : memref<!tpu.dma_semaphore, #tpu.memory_space<semaphore_mem>>)
          %sub3A_335 = arith.constant 125 : i32
          %sub3A_336 = arith.subi %add3A_309, %sub3A_335 : i32
          %dma_start3A_337 = arith.constant 1 : i32
          %dma_start3A_338 = arith.constant 1 : i32
          %dma_start3A_339 = arith.constant 0 : i32
          %dma_start3A_340 = tpu.memref_slice %arg12[%dma_start3A_338, %dma_start3A_339] : memref<2x80xi32, #tpu.memory_space<vmem>> -> memref<1x80xi32, #tpu.memory_space<vmem>>
          %dma_start3A_341 = tpu.memref_squeeze %dma_start3A_340 : memref<1x80xi32, #tpu.memory_space<vmem>> -> memref<80xi32, #tpu.memory_space<vmem>>
          %dma_start3A_342 = arith.constant 0 : i32
          %dma_start3A_343 = tpu.memref_slice %arg5[%dma_start3A_337, %sub3A_336, %dma_start3A_342] : memref<2x3x80xi32, #tpu.memory_space<hbm>> -> memref<1x1x80xi32, #tpu.memory_space<hbm>>
          %dma_start3A_344 = tpu.memref_squeeze %dma_start3A_343 : memref<1x1x80xi32, #tpu.memory_space<hbm>> -> memref<80xi32, #tpu.memory_space<hbm>>
          %dma_start3A_345 = arith.constant 0 : i32
          %dma_start3A_346 = tpu.memref_slice %arg12[%dma_start3A_338, %dma_start3A_345] : memref<2x80xi32, #tpu.memory_space<vmem>> -> memref<1x80xi32, #tpu.memory_space<vmem>>
          %dma_start3A_347 = tpu.memref_squeeze %dma_start3A_346 : memref<1x80xi32, #tpu.memory_space<vmem>> -> memref<80xi32, #tpu.memory_space<vmem>>
          %dma_start3A_348 = arith.constant 0 : i32
          %dma_start3A_349 = tpu.memref_slice %arg5[%dma_start3A_337, %sub3A_336, %dma_start3A_348] : memref<2x3x80xi32, #tpu.memory_space<hbm>> -> memref<1x1x80xi32, #tpu.memory_space<hbm>>
          %dma_start3A_350 = tpu.memref_squeeze %dma_start3A_349 : memref<1x1x80xi32, #tpu.memory_space<hbm>> -> memref<80xi32, #tpu.memory_space<hbm>>
          tpu.enqueue_dma source(%dma_start3A_350 : memref<80xi32, #tpu.memory_space<hbm>>) target(%dma_start3A_347 : memref<80xi32, #tpu.memory_space<vmem>>) target_semaphore(%arg22 : memref<!tpu.dma_semaphore, #tpu.memory_space<semaphore_mem>>)
        } else {
        }
      } else {
      }
      %add3A_183 = arith.constant 1 : i32
      %add3A_184 = arith.addi %add3A_170, %add3A_183 : i32
      %lt3A_185 = arith.constant 128 : i32
      %lt3A_186 = arith.cmpi slt, %add3A_184, %lt3A_185 : i32
      %convert_element_type3A_187 = arith.extui %lt3A_186 : i1 to i32
      %cond3A_188 = arith.constant 0 : i32
      %cond3A_189 = arith.cmpi ne, %convert_element_type3A_187, %cond3A_188 : i32
      scf.if %cond3A_189 {
        %dma_wait3A_308 = arith.constant 0 : i32
        %dma_wait3A_309 = arith.constant 0 : i32
        %dma_wait3A_310 = arith.constant 0 : i32
        %dma_wait3A_311 = arith.constant 0 : i32
        %dma_wait3A_312 = tpu.memref_slice %arg11[%dma_wait3A_310, %dma_wait3A_311] : memref<2x80xi32, #tpu.memory_space<vmem>> -> memref<1x80xi32, #tpu.memory_space<vmem>>
        %dma_wait3A_313 = tpu.memref_squeeze %dma_wait3A_312 : memref<1x80xi32, #tpu.memory_space<vmem>> -> memref<80xi32, #tpu.memory_space<vmem>>
        %dma_wait3A_314 = arith.constant 0 : i32
        %dma_wait3A_315 = tpu.memref_slice %arg5[%dma_wait3A_308, %dma_wait3A_309, %dma_wait3A_314] : memref<2x3x80xi32, #tpu.memory_space<hbm>> -> memref<1x1x80xi32, #tpu.memory_space<hbm>>
        %dma_wait3A_316 = tpu.memref_squeeze %dma_wait3A_315 : memref<1x1x80xi32, #tpu.memory_space<hbm>> -> memref<80xi32, #tpu.memory_space<hbm>>
        %dma_wait3A_317 = arith.constant 0 : i32
        %dma_wait3A_318 = tpu.memref_slice %arg11[%dma_wait3A_310, %dma_wait3A_317] : memref<2x80xi32, #tpu.memory_space<vmem>> -> memref<1x80xi32, #tpu.memory_space<vmem>>
        %dma_wait3A_319 = tpu.memref_squeeze %dma_wait3A_318 : memref<1x80xi32, #tpu.memory_space<vmem>> -> memref<80xi32, #tpu.memory_space<vmem>>
        %dma_wait3A_320 = arith.constant 0 : i32
        %dma_wait3A_321 = tpu.memref_slice %arg5[%dma_wait3A_308, %dma_wait3A_309, %dma_wait3A_320] : memref<2x3x80xi32, #tpu.memory_space<hbm>> -> memref<1x1x80xi32, #tpu.memory_space<hbm>>
        %dma_wait3A_322 = tpu.memref_squeeze %dma_wait3A_321 : memref<1x1x80xi32, #tpu.memory_space<hbm>> -> memref<80xi32, #tpu.memory_space<hbm>>
        tpu.wait_dma2 semaphore(%arg21 : memref<!tpu.dma_semaphore, #tpu.memory_space<semaphore_mem>>) src(%dma_wait3A_322 : memref<80xi32, #tpu.memory_space<hbm>>) dst(%dma_wait3A_319 : memref<80xi32, #tpu.memory_space<vmem>>)
        %dma_wait3A_323 = arith.constant 1 : i32
        %dma_wait3A_324 = arith.constant 0 : i32
        %dma_wait3A_325 = arith.constant 1 : i32
        %dma_wait3A_326 = arith.constant 0 : i32
        %dma_wait3A_327 = tpu.memref_slice %arg11[%dma_wait3A_325, %dma_wait3A_326] : memref<2x80xi32, #tpu.memory_space<vmem>> -> memref<1x80xi32, #tpu.memory_space<vmem>>
        %dma_wait3A_328 = tpu.memref_squeeze %dma_wait3A_327 : memref<1x80xi32, #tpu.memory_space<vmem>> -> memref<80xi32, #tpu.memory_space<vmem>>
        %dma_wait3A_329 = arith.constant 0 : i32
        %dma_wait3A_330 = tpu.memref_slice %arg5[%dma_wait3A_323, %dma_wait3A_324, %dma_wait3A_329] : memref<2x3x80xi32, #tpu.memory_space<hbm>> -> memref<1x1x80xi32, #tpu.memory_space<hbm>>
        %dma_wait3A_331 = tpu.memref_squeeze %dma_wait3A_330 : memref<1x1x80xi32, #tpu.memory_space<hbm>> -> memref<80xi32, #tpu.memory_space<hbm>>
        %dma_wait3A_332 = arith.constant 0 : i32
        %dma_wait3A_333 = tpu.memref_slice %arg11[%dma_wait3A_325, %dma_wait3A_332] : memref<2x80xi32, #tpu.memory_space<vmem>> -> memref<1x80xi32, #tpu.memory_space<vmem>>
        %dma_wait3A_334 = tpu.memref_squeeze %dma_wait3A_333 : memref<1x80xi32, #tpu.memory_space<vmem>> -> memref<80xi32, #tpu.memory_space<vmem>>
        %dma_wait3A_335 = arith.constant 0 : i32
        %dma_wait3A_336 = tpu.memref_slice %arg5[%dma_wait3A_323, %dma_wait3A_324, %dma_wait3A_335] : memref<2x3x80xi32, #tpu.memory_space<hbm>> -> memref<1x1x80xi32, #tpu.memory_space<hbm>>
        %dma_wait3A_337 = tpu.memref_squeeze %dma_wait3A_336 : memref<1x1x80xi32, #tpu.memory_space<hbm>> -> memref<80xi32, #tpu.memory_space<hbm>>
        tpu.wait_dma2 semaphore(%arg21 : memref<!tpu.dma_semaphore, #tpu.memory_space<semaphore_mem>>) src(%dma_wait3A_337 : memref<80xi32, #tpu.memory_space<hbm>>) dst(%dma_wait3A_334 : memref<80xi32, #tpu.memory_space<vmem>>)
        %add3A_338 = arith.constant 1 : i32
        %add3A_339 = arith.addi %add3A_170, %add3A_338 : i32
        %dma_start3A_340 = arith.constant 0 : i32
        %dma_start3A_341 = arith.constant 0 : i32
        %dma_start3A_342 = tpu.memref_slice %arg11[%dma_start3A_340, %dma_start3A_341] : memref<2x80xi32, #tpu.memory_space<vmem>> -> memref<1x80xi32, #tpu.memory_space<vmem>>
        %dma_start3A_343 = tpu.memref_squeeze %dma_start3A_342 : memref<1x80xi32, #tpu.memory_space<vmem>> -> memref<80xi32, #tpu.memory_space<vmem>>
        %dma_start3A_344 = arith.constant 0 : i32
        %dma_start3A_345 = arith.constant 0 : i32
        %dma_start3A_346 = tpu.memref_slice %arg2[%dma_start3A_344, %dma_start3A_345] : memref<10240x48xf32, #tpu.memory_space<hbm>> -> memref<10240x48xf32, #tpu.memory_space<hbm>>
        tpu.enqueue_indirect_dma source(%dma_start3A_346 : memref<10240x48xf32, #tpu.memory_space<hbm>>) target(%arg13 : memref<80x48xf32, #tpu.memory_space<vmem>>) offsets(%dma_start3A_343 : memref<80xi32, #tpu.memory_space<vmem>>) semaphore(%arg23 : memref<!tpu.dma_semaphore, #tpu.memory_space<semaphore_mem>>)
        %add3A_347 = arith.constant 1 : i32
        %add3A_348 = arith.addi %add3A_170, %add3A_347 : i32
        %dma_start3A_349 = arith.constant 1 : i32
        %dma_start3A_350 = arith.constant 0 : i32
        %dma_start3A_351 = tpu.memref_slice %arg11[%dma_start3A_349, %dma_start3A_350] : memref<2x80xi32, #tpu.memory_space<vmem>> -> memref<1x80xi32, #tpu.memory_space<vmem>>
        %dma_start3A_352 = tpu.memref_squeeze %dma_start3A_351 : memref<1x80xi32, #tpu.memory_space<vmem>> -> memref<80xi32, #tpu.memory_space<vmem>>
        %dma_start3A_353 = arith.constant 0 : i32
        %dma_start3A_354 = arith.constant 0 : i32
        %dma_start3A_355 = tpu.memref_slice %arg3[%dma_start3A_353, %dma_start3A_354] : memref<10240x16xf32, #tpu.memory_space<hbm>> -> memref<10240x16xf32, #tpu.memory_space<hbm>>
        tpu.enqueue_indirect_dma source(%dma_start3A_355 : memref<10240x16xf32, #tpu.memory_space<hbm>>) target(%arg15 : memref<80x16xf32, #tpu.memory_space<vmem>>) offsets(%dma_start3A_352 : memref<80xi32, #tpu.memory_space<vmem>>) semaphore(%arg25 : memref<!tpu.dma_semaphore, #tpu.memory_space<semaphore_mem>>)
      } else {
      }
      %dma_wait3A_190 = arith.constant 0 : i32
      %dma_wait3A_191 = arith.constant 0 : i32
      %dma_wait3A_192 = tpu.memref_slice %arg10[%dma_wait3A_190, %dma_wait3A_191] : memref<2x80xi32, #tpu.memory_space<vmem>> -> memref<1x80xi32, #tpu.memory_space<vmem>>
      %dma_wait3A_193 = tpu.memref_squeeze %dma_wait3A_192 : memref<1x80xi32, #tpu.memory_space<vmem>> -> memref<80xi32, #tpu.memory_space<vmem>>
      %dma_wait3A_194 = arith.constant 0 : i32
      %dma_wait3A_195 = arith.constant 0 : i32
      %dma_wait3A_196 = tpu.memref_slice %arg2[%dma_wait3A_194, %dma_wait3A_195] : memref<10240x48xf32, #tpu.memory_space<hbm>> -> memref<10240x48xf32, #tpu.memory_space<hbm>>
      tpu.wait_indirect_dma semaphore(%arg24 : memref<!tpu.dma_semaphore, #tpu.memory_space<semaphore_mem>>) src(%dma_wait3A_196 : memref<10240x48xf32, #tpu.memory_space<hbm>>) dst(%arg14 : memref<80x48xf32, #tpu.memory_space<vmem>>)
      %dma_wait3A_197 = arith.constant 1 : i32
      %dma_wait3A_198 = arith.constant 0 : i32
      %dma_wait3A_199 = tpu.memref_slice %arg10[%dma_wait3A_197, %dma_wait3A_198] : memref<2x80xi32, #tpu.memory_space<vmem>> -> memref<1x80xi32, #tpu.memory_space<vmem>>
      %dma_wait3A_200 = tpu.memref_squeeze %dma_wait3A_199 : memref<1x80xi32, #tpu.memory_space<vmem>> -> memref<80xi32, #tpu.memory_space<vmem>>
      %dma_wait3A_201 = arith.constant 0 : i32
      %dma_wait3A_202 = arith.constant 0 : i32
      %dma_wait3A_203 = tpu.memref_slice %arg3[%dma_wait3A_201, %dma_wait3A_202] : memref<10240x16xf32, #tpu.memory_space<hbm>> -> memref<10240x16xf32, #tpu.memory_space<hbm>>
      tpu.wait_indirect_dma semaphore(%arg26 : memref<!tpu.dma_semaphore, #tpu.memory_space<semaphore_mem>>) src(%dma_wait3A_203 : memref<10240x16xf32, #tpu.memory_space<hbm>>) dst(%arg16 : memref<80x16xf32, #tpu.memory_space<vmem>>)
      %parallel_loop3A_204 = arith.constant 0 : i32
      %parallel_loop3A_205 = arith.constant 80 : i32
      %parallel_loop3A_206 = arith.constant 1 : i32
      scf.for %parallel_loop3A_308 = %parallel_loop3A_204 to %parallel_loop3A_205 step %parallel_loop3A_206  : i32 {
        %parallel_loop3A_309 = arith.index_cast %parallel_loop3A_308 : i32 to index
        %parallel_loop3A_310 = arith.constant 32 : index
        %parallel_loop3A_311 = tpu.vector_load %arg14[%parallel_loop3A_309, %parallel_loop3A_310] {strides = array<i32>} : memref<80x48xf32, #tpu.memory_space<vmem>>, vector<1x16xf32>,
        %parallel_loop3A_312 = vector.shape_cast %parallel_loop3A_311 : vector<1x16xf32> to vector<16xf32>
        %parallel_loop3A_313 = arith.index_cast %parallel_loop3A_308 : i32 to index
        %parallel_loop3A_314 = arith.constant 0 : index
        %parallel_loop3A_315 = tpu.vector_load %arg16[%parallel_loop3A_313, %parallel_loop3A_314] {strides = array<i32>} : memref<80x16xf32, #tpu.memory_space<vmem>>, vector<1x16xf32>,
        %parallel_loop3A_316 = vector.shape_cast %parallel_loop3A_315 : vector<1x16xf32> to vector<16xf32>
        %parallel_loop3A_317 = arith.index_cast %parallel_loop3A_308 : i32 to index
        %parallel_loop3A_318 = arith.constant 0 : index
        %parallel_loop3A_319 = tpu.vector_load %arg14[%parallel_loop3A_317, %parallel_loop3A_318] {strides = array<i32>} : memref<80x48xf32, #tpu.memory_space<vmem>>, vector<1x16xf32>,
        %parallel_loop3A_320 = vector.shape_cast %parallel_loop3A_319 : vector<1x16xf32> to vector<16xf32>
        %parallel_loop3A_321 = arith.index_cast %parallel_loop3A_308 : i32 to index
        %parallel_loop3A_322 = arith.constant 16 : index
        %parallel_loop3A_323 = tpu.vector_load %arg14[%parallel_loop3A_321, %parallel_loop3A_322] {strides = array<i32>} : memref<80x48xf32, #tpu.memory_space<vmem>>, vector<1x16xf32>,
        %parallel_loop3A_324 = vector.shape_cast %parallel_loop3A_323 : vector<1x16xf32> to vector<16xf32>
        %parallel_loop3A_325 = arith.addf %parallel_loop3A_312, %parallel_loop3A_316 : vector<16xf32>
        %parallel_loop3A_326 = arith.constant 0.000000e+00 : f32
        %parallel_loop3A_327 = vector.broadcast %parallel_loop3A_326 : f32 to vector<16xf32>
        %parallel_loop3A_328 = arith.cmpf ogt, %parallel_loop3A_325, %parallel_loop3A_327 : vector<16xf32>
        %parallel_loop3A_329 = arith.constant 2.000000e-01 : f32
        %parallel_loop3A_330 = vector.broadcast %parallel_loop3A_329 : f32 to vector<16xf32>
        %parallel_loop3A_331 = arith.mulf %parallel_loop3A_330, %parallel_loop3A_325 : vector<16xf32>
        %parallel_loop3A_332 = arith.select %parallel_loop3A_328, %parallel_loop3A_325, %parallel_loop3A_331 : vector<16xi1>, vector<16xf32>
        %parallel_loop3A_333 = arith.subf %parallel_loop3A_332, %get3A_4 : vector<16xf32>
        %parallel_loop3A_334 = math.exp %parallel_loop3A_333 : vector<16xf32>
        %parallel_loop3A_335 = arith.constant 9 : i32
        %parallel_loop3A_336 = vector.broadcast %parallel_loop3A_335 : i32 to vector<16x1xi32>
        %parallel_loop3A_337 = vector.shape_cast %parallel_loop3A_336 : vector<16x1xi32> to vector<16xi32>
        %parallel_loop3A_338 = tpu.dynamic_gather %parallel_loop3A_334[%parallel_loop3A_337] in [0] : vector<16xf32>, vector<16xi32> -> vector<16xf32>
        %parallel_loop3A_339 = arith.mulf %parallel_loop3A_312, %parallel_loop3A_338 : vector<16xf32>
        %parallel_loop3A_340 = arith.index_cast %parallel_loop3A_308 : i32 to index
        %parallel_loop3A_341 = arith.constant 32 : index
        %parallel_loop3A_342 = tpu.vector_load %arg14[%parallel_loop3A_340, %parallel_loop3A_341] {strides = array<i32>} : memref<80x48xf32, #tpu.memory_space<vmem>>, vector<1x16xf32>,
        %parallel_loop3A_343 = vector.shape_cast %parallel_loop3A_342 : vector<1x16xf32> to vector<16xf32>
        %parallel_loop3A_344 = vector.shape_cast %parallel_loop3A_339 : vector<16xf32> to vector<1x16xf32>
        tpu.vector_store %arg14[%parallel_loop3A_340, %parallel_loop3A_341], %parallel_loop3A_344 {strides = array<i32>} : memref<80x48xf32, #tpu.memory_space<vmem>>, vector<1x16xf32>,
        %parallel_loop3A_345 = arith.mulf %parallel_loop3A_320, %parallel_loop3A_338 : vector<16xf32>
        %parallel_loop3A_346 = arith.index_cast %parallel_loop3A_308 : i32 to index
        %parallel_loop3A_347 = arith.constant 0 : index
        %parallel_loop3A_348 = tpu.vector_load %arg14[%parallel_loop3A_346, %parallel_loop3A_347] {strides = array<i32>} : memref<80x48xf32, #tpu.memory_space<vmem>>, vector<1x16xf32>,
        %parallel_loop3A_349 = vector.shape_cast %parallel_loop3A_348 : vector<1x16xf32> to vector<16xf32>
        %parallel_loop3A_350 = vector.shape_cast %parallel_loop3A_345 : vector<16xf32> to vector<1x16xf32>
        tpu.vector_store %arg14[%parallel_loop3A_346, %parallel_loop3A_347], %parallel_loop3A_350 {strides = array<i32>} : memref<80x48xf32, #tpu.memory_space<vmem>>, vector<1x16xf32>,
        %parallel_loop3A_351 = arith.mulf %parallel_loop3A_324, %parallel_loop3A_338 : vector<16xf32>
        %parallel_loop3A_352 = arith.index_cast %parallel_loop3A_308 : i32 to index
        %parallel_loop3A_353 = arith.constant 16 : index
        %parallel_loop3A_354 = tpu.vector_load %arg14[%parallel_loop3A_352, %parallel_loop3A_353] {strides = array<i32>} : memref<80x48xf32, #tpu.memory_space<vmem>>, vector<1x16xf32>,
        %parallel_loop3A_355 = vector.shape_cast %parallel_loop3A_354 : vector<1x16xf32> to vector<16xf32>
        %parallel_loop3A_356 = vector.shape_cast %parallel_loop3A_351 : vector<16xf32> to vector<1x16xf32>
        tpu.vector_store %arg14[%parallel_loop3A_352, %parallel_loop3A_353], %parallel_loop3A_356 {strides = array<i32>} : memref<80x48xf32, #tpu.memory_space<vmem>>, vector<1x16xf32>,
      } {sc.loop_unroll_factor = 8 : i64, sc.parallel_access}
      %dma_start3A_207 = arith.constant 1 : i32
      %dma_start3A_208 = arith.constant 0 : i32
      %dma_start3A_209 = tpu.memref_slice %arg10[%dma_start3A_207, %dma_start3A_208] : memref<2x80xi32, #tpu.memory_space<vmem>> -> memref<1x80xi32, #tpu.memory_space<vmem>>
      %dma_start3A_210 = tpu.memref_squeeze %dma_start3A_209 : memref<1x80xi32, #tpu.memory_space<vmem>> -> memref<80xi32, #tpu.memory_space<vmem>>
      %dma_start3A_211 = arith.constant 0 : i32
      %dma_start3A_212 = arith.constant 0 : i32
      %dma_start3A_213 = tpu.memref_slice %arg18[%dma_start3A_211, %dma_start3A_212] : memref<10240x48xf32, #tpu.memory_space<vmem_shared>> -> memref<10240x48xf32, #tpu.memory_space<vmem_shared>>
      tpu.enqueue_indirect_dma source(%arg14 : memref<80x48xf32, #tpu.memory_space<vmem>>) target(%dma_start3A_213 : memref<10240x48xf32, #tpu.memory_space<vmem_shared>>) offsets(%dma_start3A_210 : memref<80xi32, #tpu.memory_space<vmem>>) semaphore(%arg28 : memref<!tpu.dma_semaphore, #tpu.memory_space<semaphore_mem>>) {add = true}
      %mul3A_214 = arith.constant 4 : i32
      %mul3A_215 = arith.muli %mul3A_214, %scan3A_124 : i32
      %add3A_216 = arith.constant 2 : i32
      %add3A_217 = arith.addi %mul3A_215, %add3A_216 : i32
      %ge3A_218 = arith.constant 1 : i32
      %ge3A_219 = arith.cmpi sge, %add3A_217, %ge3A_218 : i32
      %convert_element_type3A_220 = arith.extui %ge3A_219 : i1 to i32
      %cond3A_221 = arith.constant 0 : i32
      %cond3A_222 = arith.cmpi ne, %convert_element_type3A_220, %cond3A_221 : i32
      scf.if %cond3A_222 {
        %sub3A = arith.constant 1 : i32
        %sub3A_308 = arith.subi %add3A_217, %sub3A : i32
        %dma_wait3A_309 = arith.constant 1 : i32
        %dma_wait3A_310 = arith.constant 0 : i32
        %dma_wait3A_311 = tpu.memref_slice %arg10[%dma_wait3A_309, %dma_wait3A_310] : memref<2x80xi32, #tpu.memory_space<vmem>> -> memref<1x80xi32, #tpu.memory_space<vmem>>
        %dma_wait3A_312 = tpu.memref_squeeze %dma_wait3A_311 : memref<1x80xi32, #tpu.memory_space<vmem>> -> memref<80xi32, #tpu.memory_space<vmem>>
        %dma_wait3A_313 = arith.constant 0 : i32
        %dma_wait3A_314 = arith.constant 0 : i32
        %dma_wait3A_315 = tpu.memref_slice %arg18[%dma_wait3A_313, %dma_wait3A_314] : memref<10240x48xf32, #tpu.memory_space<vmem_shared>> -> memref<10240x48xf32, #tpu.memory_space<vmem_shared>>
        tpu.wait_indirect_dma semaphore(%arg28 : memref<!tpu.dma_semaphore, #tpu.memory_space<semaphore_mem>>) src(%arg14 : memref<80x48xf32, #tpu.memory_space<vmem>>) dst(%dma_wait3A_315 : memref<10240x48xf32, #tpu.memory_space<vmem_shared>>)
      } else {
      }
      %add3A_223 = arith.constant 2 : i32
      %add3A_224 = arith.addi %add3A_217, %add3A_223 : i32
      %lt3A_225 = arith.constant 128 : i32
      %lt3A_226 = arith.cmpi slt, %add3A_224, %lt3A_225 : i32
      %convert_element_type3A_227 = arith.extui %lt3A_226 : i1 to i32
      %cond3A_228 = arith.constant 0 : i32
      %cond3A_229 = arith.cmpi ne, %convert_element_type3A_227, %cond3A_228 : i32
      scf.if %cond3A_229 {
        %add3A_308 = arith.constant 2 : i32
        %add3A_309 = arith.addi %add3A_217, %add3A_308 : i32
        %lt3A_310 = arith.constant 125 : i32
        %lt3A_311 = arith.cmpi slt, %add3A_309, %lt3A_310 : i32
        %convert_element_type3A_312 = arith.extui %lt3A_311 : i1 to i32
        %cond3A_313 = arith.constant 0 : i32
        %cond3A_314 = arith.cmpi ne, %convert_element_type3A_312, %cond3A_313 : i32
        scf.if %cond3A_314 {
          %dma_start3A_320 = arith.constant 0 : i32
          %dma_start3A_321 = arith.constant 0 : i32
          %dma_start3A_322 = arith.constant 0 : i32
          %dma_start3A_323 = tpu.memref_slice %arg9[%dma_start3A_321, %dma_start3A_322] : memref<2x80xi32, #tpu.memory_space<vmem>> -> memref<1x80xi32, #tpu.memory_space<vmem>>
          %dma_start3A_324 = tpu.memref_squeeze %dma_start3A_323 : memref<1x80xi32, #tpu.memory_space<vmem>> -> memref<80xi32, #tpu.memory_space<vmem>>
          %dma_start3A_325 = arith.constant 0 : i32
          %dma_start3A_326 = tpu.memref_slice %arg4[%dma_start3A_320, %add3A, %add3A_309, %dma_start3A_325] : memref<2x32x125x80xi32, #tpu.memory_space<hbm>> -> memref<1x1x1x80xi32, #tpu.memory_space<hbm>>
          %dma_start3A_327 = tpu.memref_squeeze %dma_start3A_326 : memref<1x1x1x80xi32, #tpu.memory_space<hbm>> -> memref<80xi32, #tpu.memory_space<hbm>>
          %dma_start3A_328 = arith.constant 0 : i32
          %dma_start3A_329 = tpu.memref_slice %arg9[%dma_start3A_321, %dma_start3A_328] : memref<2x80xi32, #tpu.memory_space<vmem>> -> memref<1x80xi32, #tpu.memory_space<vmem>>
          %dma_start3A_330 = tpu.memref_squeeze %dma_start3A_329 : memref<1x80xi32, #tpu.memory_space<vmem>> -> memref<80xi32, #tpu.memory_space<vmem>>
          %dma_start3A_331 = arith.constant 0 : i32
          %dma_start3A_332 = tpu.memref_slice %arg4[%dma_start3A_320, %add3A, %add3A_309, %dma_start3A_331] : memref<2x32x125x80xi32, #tpu.memory_space<hbm>> -> memref<1x1x1x80xi32, #tpu.memory_space<hbm>>
          %dma_start3A_333 = tpu.memref_squeeze %dma_start3A_332 : memref<1x1x1x80xi32, #tpu.memory_space<hbm>> -> memref<80xi32, #tpu.memory_space<hbm>>
          tpu.enqueue_dma source(%dma_start3A_333 : memref<80xi32, #tpu.memory_space<hbm>>) target(%dma_start3A_330 : memref<80xi32, #tpu.memory_space<vmem>>) target_semaphore(%arg19 : memref<!tpu.dma_semaphore, #tpu.memory_space<semaphore_mem>>)
          %dma_start3A_334 = arith.constant 1 : i32
          %dma_start3A_335 = arith.constant 1 : i32
          %dma_start3A_336 = arith.constant 0 : i32
          %dma_start3A_337 = tpu.memref_slice %arg9[%dma_start3A_335, %dma_start3A_336] : memref<2x80xi32, #tpu.memory_space<vmem>> -> memref<1x80xi32, #tpu.memory_space<vmem>>
          %dma_start3A_338 = tpu.memref_squeeze %dma_start3A_337 : memref<1x80xi32, #tpu.memory_space<vmem>> -> memref<80xi32, #tpu.memory_space<vmem>>
          %dma_start3A_339 = arith.constant 0 : i32
          %dma_start3A_340 = tpu.memref_slice %arg4[%dma_start3A_334, %add3A, %add3A_309, %dma_start3A_339] : memref<2x32x125x80xi32, #tpu.memory_space<hbm>> -> memref<1x1x1x80xi32, #tpu.memory_space<hbm>>
          %dma_start3A_341 = tpu.memref_squeeze %dma_start3A_340 : memref<1x1x1x80xi32, #tpu.memory_space<hbm>> -> memref<80xi32, #tpu.memory_space<hbm>>
          %dma_start3A_342 = arith.constant 0 : i32
          %dma_start3A_343 = tpu.memref_slice %arg9[%dma_start3A_335, %dma_start3A_342] : memref<2x80xi32, #tpu.memory_space<vmem>> -> memref<1x80xi32, #tpu.memory_space<vmem>>
          %dma_start3A_344 = tpu.memref_squeeze %dma_start3A_343 : memref<1x80xi32, #tpu.memory_space<vmem>> -> memref<80xi32, #tpu.memory_space<vmem>>
          %dma_start3A_345 = arith.constant 0 : i32
          %dma_start3A_346 = tpu.memref_slice %arg4[%dma_start3A_334, %add3A, %add3A_309, %dma_start3A_345] : memref<2x32x125x80xi32, #tpu.memory_space<hbm>> -> memref<1x1x1x80xi32, #tpu.memory_space<hbm>>
          %dma_start3A_347 = tpu.memref_squeeze %dma_start3A_346 : memref<1x1x1x80xi32, #tpu.memory_space<hbm>> -> memref<80xi32, #tpu.memory_space<hbm>>
          tpu.enqueue_dma source(%dma_start3A_347 : memref<80xi32, #tpu.memory_space<hbm>>) target(%dma_start3A_344 : memref<80xi32, #tpu.memory_space<vmem>>) target_semaphore(%arg19 : memref<!tpu.dma_semaphore, #tpu.memory_space<semaphore_mem>>)
        } else {
        }
        %ge3A_315 = arith.constant 125 : i32
        %ge3A_316 = arith.cmpi sge, %add3A_309, %ge3A_315 : i32
        %convert_element_type3A_317 = arith.extui %ge3A_316 : i1 to i32
        %cond3A_318 = arith.constant 0 : i32
        %cond3A_319 = arith.cmpi ne, %convert_element_type3A_317, %cond3A_318 : i32
        scf.if %cond3A_319 {
          %sub3A = arith.constant 125 : i32
          %sub3A_320 = arith.subi %add3A_309, %sub3A : i32
          %dma_start3A_321 = arith.constant 0 : i32
          %dma_start3A_322 = arith.constant 0 : i32
          %dma_start3A_323 = arith.constant 0 : i32
          %dma_start3A_324 = tpu.memref_slice %arg9[%dma_start3A_322, %dma_start3A_323] : memref<2x80xi32, #tpu.memory_space<vmem>> -> memref<1x80xi32, #tpu.memory_space<vmem>>
          %dma_start3A_325 = tpu.memref_squeeze %dma_start3A_324 : memref<1x80xi32, #tpu.memory_space<vmem>> -> memref<80xi32, #tpu.memory_space<vmem>>
          %dma_start3A_326 = arith.constant 0 : i32
          %dma_start3A_327 = tpu.memref_slice %arg5[%dma_start3A_321, %sub3A_320, %dma_start3A_326] : memref<2x3x80xi32, #tpu.memory_space<hbm>> -> memref<1x1x80xi32, #tpu.memory_space<hbm>>
          %dma_start3A_328 = tpu.memref_squeeze %dma_start3A_327 : memref<1x1x80xi32, #tpu.memory_space<hbm>> -> memref<80xi32, #tpu.memory_space<hbm>>
          %dma_start3A_329 = arith.constant 0 : i32
          %dma_start3A_330 = tpu.memref_slice %arg9[%dma_start3A_322, %dma_start3A_329] : memref<2x80xi32, #tpu.memory_space<vmem>> -> memref<1x80xi32, #tpu.memory_space<vmem>>
          %dma_start3A_331 = tpu.memref_squeeze %dma_start3A_330 : memref<1x80xi32, #tpu.memory_space<vmem>> -> memref<80xi32, #tpu.memory_space<vmem>>
          %dma_start3A_332 = arith.constant 0 : i32
          %dma_start3A_333 = tpu.memref_slice %arg5[%dma_start3A_321, %sub3A_320, %dma_start3A_332] : memref<2x3x80xi32, #tpu.memory_space<hbm>> -> memref<1x1x80xi32, #tpu.memory_space<hbm>>
          %dma_start3A_334 = tpu.memref_squeeze %dma_start3A_333 : memref<1x1x80xi32, #tpu.memory_space<hbm>> -> memref<80xi32, #tpu.memory_space<hbm>>
          tpu.enqueue_dma source(%dma_start3A_334 : memref<80xi32, #tpu.memory_space<hbm>>) target(%dma_start3A_331 : memref<80xi32, #tpu.memory_space<vmem>>) target_semaphore(%arg19 : memref<!tpu.dma_semaphore, #tpu.memory_space<semaphore_mem>>)
          %sub3A_335 = arith.constant 125 : i32
          %sub3A_336 = arith.subi %add3A_309, %sub3A_335 : i32
          %dma_start3A_337 = arith.constant 1 : i32
          %dma_start3A_338 = arith.constant 1 : i32
          %dma_start3A_339 = arith.constant 0 : i32
          %dma_start3A_340 = tpu.memref_slice %arg9[%dma_start3A_338, %dma_start3A_339] : memref<2x80xi32, #tpu.memory_space<vmem>> -> memref<1x80xi32, #tpu.memory_space<vmem>>
          %dma_start3A_341 = tpu.memref_squeeze %dma_start3A_340 : memref<1x80xi32, #tpu.memory_space<vmem>> -> memref<80xi32, #tpu.memory_space<vmem>>
          %dma_start3A_342 = arith.constant 0 : i32
          %dma_start3A_343 = tpu.memref_slice %arg5[%dma_start3A_337, %sub3A_336, %dma_start3A_342] : memref<2x3x80xi32, #tpu.memory_space<hbm>> -> memref<1x1x80xi32, #tpu.memory_space<hbm>>
          %dma_start3A_344 = tpu.memref_squeeze %dma_start3A_343 : memref<1x1x80xi32, #tpu.memory_space<hbm>> -> memref<80xi32, #tpu.memory_space<hbm>>
          %dma_start3A_345 = arith.constant 0 : i32
          %dma_start3A_346 = tpu.memref_slice %arg9[%dma_start3A_338, %dma_start3A_345] : memref<2x80xi32, #tpu.memory_space<vmem>> -> memref<1x80xi32, #tpu.memory_space<vmem>>
          %dma_start3A_347 = tpu.memref_squeeze %dma_start3A_346 : memref<1x80xi32, #tpu.memory_space<vmem>> -> memref<80xi32, #tpu.memory_space<vmem>>
          %dma_start3A_348 = arith.constant 0 : i32
          %dma_start3A_349 = tpu.memref_slice %arg5[%dma_start3A_337, %sub3A_336, %dma_start3A_348] : memref<2x3x80xi32, #tpu.memory_space<hbm>> -> memref<1x1x80xi32, #tpu.memory_space<hbm>>
          %dma_start3A_350 = tpu.memref_squeeze %dma_start3A_349 : memref<1x1x80xi32, #tpu.memory_space<hbm>> -> memref<80xi32, #tpu.memory_space<hbm>>
          tpu.enqueue_dma source(%dma_start3A_350 : memref<80xi32, #tpu.memory_space<hbm>>) target(%dma_start3A_347 : memref<80xi32, #tpu.memory_space<vmem>>) target_semaphore(%arg19 : memref<!tpu.dma_semaphore, #tpu.memory_space<semaphore_mem>>)
        } else {
        }
      } else {
      }
      %add3A_230 = arith.constant 1 : i32
      %add3A_231 = arith.addi %add3A_217, %add3A_230 : i32
      %lt3A_232 = arith.constant 128 : i32
      %lt3A_233 = arith.cmpi slt, %add3A_231, %lt3A_232 : i32
      %convert_element_type3A_234 = arith.extui %lt3A_233 : i1 to i32
      %cond3A_235 = arith.constant 0 : i32
      %cond3A_236 = arith.cmpi ne, %convert_element_type3A_234, %cond3A_235 : i32
      scf.if %cond3A_236 {
        %dma_wait3A_308 = arith.constant 0 : i32
        %dma_wait3A_309 = arith.constant 0 : i32
        %dma_wait3A_310 = arith.constant 0 : i32
        %dma_wait3A_311 = arith.constant 0 : i32
        %dma_wait3A_312 = tpu.memref_slice %arg12[%dma_wait3A_310, %dma_wait3A_311] : memref<2x80xi32, #tpu.memory_space<vmem>> -> memref<1x80xi32, #tpu.memory_space<vmem>>
        %dma_wait3A_313 = tpu.memref_squeeze %dma_wait3A_312 : memref<1x80xi32, #tpu.memory_space<vmem>> -> memref<80xi32, #tpu.memory_space<vmem>>
        %dma_wait3A_314 = arith.constant 0 : i32
        %dma_wait3A_315 = tpu.memref_slice %arg5[%dma_wait3A_308, %dma_wait3A_309, %dma_wait3A_314] : memref<2x3x80xi32, #tpu.memory_space<hbm>> -> memref<1x1x80xi32, #tpu.memory_space<hbm>>
        %dma_wait3A_316 = tpu.memref_squeeze %dma_wait3A_315 : memref<1x1x80xi32, #tpu.memory_space<hbm>> -> memref<80xi32, #tpu.memory_space<hbm>>
        %dma_wait3A_317 = arith.constant 0 : i32
        %dma_wait3A_318 = tpu.memref_slice %arg12[%dma_wait3A_310, %dma_wait3A_317] : memref<2x80xi32, #tpu.memory_space<vmem>> -> memref<1x80xi32, #tpu.memory_space<vmem>>
        %dma_wait3A_319 = tpu.memref_squeeze %dma_wait3A_318 : memref<1x80xi32, #tpu.memory_space<vmem>> -> memref<80xi32, #tpu.memory_space<vmem>>
        %dma_wait3A_320 = arith.constant 0 : i32
        %dma_wait3A_321 = tpu.memref_slice %arg5[%dma_wait3A_308, %dma_wait3A_309, %dma_wait3A_320] : memref<2x3x80xi32, #tpu.memory_space<hbm>> -> memref<1x1x80xi32, #tpu.memory_space<hbm>>
        %dma_wait3A_322 = tpu.memref_squeeze %dma_wait3A_321 : memref<1x1x80xi32, #tpu.memory_space<hbm>> -> memref<80xi32, #tpu.memory_space<hbm>>
        tpu.wait_dma2 semaphore(%arg22 : memref<!tpu.dma_semaphore, #tpu.memory_space<semaphore_mem>>) src(%dma_wait3A_322 : memref<80xi32, #tpu.memory_space<hbm>>) dst(%dma_wait3A_319 : memref<80xi32, #tpu.memory_space<vmem>>)
        %dma_wait3A_323 = arith.constant 1 : i32
        %dma_wait3A_324 = arith.constant 0 : i32
        %dma_wait3A_325 = arith.constant 1 : i32
        %dma_wait3A_326 = arith.constant 0 : i32
        %dma_wait3A_327 = tpu.memref_slice %arg12[%dma_wait3A_325, %dma_wait3A_326] : memref<2x80xi32, #tpu.memory_space<vmem>> -> memref<1x80xi32, #tpu.memory_space<vmem>>
        %dma_wait3A_328 = tpu.memref_squeeze %dma_wait3A_327 : memref<1x80xi32, #tpu.memory_space<vmem>> -> memref<80xi32, #tpu.memory_space<vmem>>
        %dma_wait3A_329 = arith.constant 0 : i32
        %dma_wait3A_330 = tpu.memref_slice %arg5[%dma_wait3A_323, %dma_wait3A_324, %dma_wait3A_329] : memref<2x3x80xi32, #tpu.memory_space<hbm>> -> memref<1x1x80xi32, #tpu.memory_space<hbm>>
        %dma_wait3A_331 = tpu.memref_squeeze %dma_wait3A_330 : memref<1x1x80xi32, #tpu.memory_space<hbm>> -> memref<80xi32, #tpu.memory_space<hbm>>
        %dma_wait3A_332 = arith.constant 0 : i32
        %dma_wait3A_333 = tpu.memref_slice %arg12[%dma_wait3A_325, %dma_wait3A_332] : memref<2x80xi32, #tpu.memory_space<vmem>> -> memref<1x80xi32, #tpu.memory_space<vmem>>
        %dma_wait3A_334 = tpu.memref_squeeze %dma_wait3A_333 : memref<1x80xi32, #tpu.memory_space<vmem>> -> memref<80xi32, #tpu.memory_space<vmem>>
        %dma_wait3A_335 = arith.constant 0 : i32
        %dma_wait3A_336 = tpu.memref_slice %arg5[%dma_wait3A_323, %dma_wait3A_324, %dma_wait3A_335] : memref<2x3x80xi32, #tpu.memory_space<hbm>> -> memref<1x1x80xi32, #tpu.memory_space<hbm>>
        %dma_wait3A_337 = tpu.memref_squeeze %dma_wait3A_336 : memref<1x1x80xi32, #tpu.memory_space<hbm>> -> memref<80xi32, #tpu.memory_space<hbm>>
        tpu.wait_dma2 semaphore(%arg22 : memref<!tpu.dma_semaphore, #tpu.memory_space<semaphore_mem>>) src(%dma_wait3A_337 : memref<80xi32, #tpu.memory_space<hbm>>) dst(%dma_wait3A_334 : memref<80xi32, #tpu.memory_space<vmem>>)
        %add3A_338 = arith.constant 1 : i32
        %add3A_339 = arith.addi %add3A_217, %add3A_338 : i32
        %dma_start3A_340 = arith.constant 0 : i32
        %dma_start3A_341 = arith.constant 0 : i32
        %dma_start3A_342 = tpu.memref_slice %arg12[%dma_start3A_340, %dma_start3A_341] : memref<2x80xi32, #tpu.memory_space<vmem>> -> memref<1x80xi32, #tpu.memory_space<vmem>>
        %dma_start3A_343 = tpu.memref_squeeze %dma_start3A_342 : memref<1x80xi32, #tpu.memory_space<vmem>> -> memref<80xi32, #tpu.memory_space<vmem>>
        %dma_start3A_344 = arith.constant 0 : i32
        %dma_start3A_345 = arith.constant 0 : i32
        %dma_start3A_346 = tpu.memref_slice %arg2[%dma_start3A_344, %dma_start3A_345] : memref<10240x48xf32, #tpu.memory_space<hbm>> -> memref<10240x48xf32, #tpu.memory_space<hbm>>
        tpu.enqueue_indirect_dma source(%dma_start3A_346 : memref<10240x48xf32, #tpu.memory_space<hbm>>) target(%arg14 : memref<80x48xf32, #tpu.memory_space<vmem>>) offsets(%dma_start3A_343 : memref<80xi32, #tpu.memory_space<vmem>>) semaphore(%arg24 : memref<!tpu.dma_semaphore, #tpu.memory_space<semaphore_mem>>)
        %add3A_347 = arith.constant 1 : i32
        %add3A_348 = arith.addi %add3A_217, %add3A_347 : i32
        %dma_start3A_349 = arith.constant 1 : i32
        %dma_start3A_350 = arith.constant 0 : i32
        %dma_start3A_351 = tpu.memref_slice %arg12[%dma_start3A_349, %dma_start3A_350] : memref<2x80xi32, #tpu.memory_space<vmem>> -> memref<1x80xi32, #tpu.memory_space<vmem>>
        %dma_start3A_352 = tpu.memref_squeeze %dma_start3A_351 : memref<1x80xi32, #tpu.memory_space<vmem>> -> memref<80xi32, #tpu.memory_space<vmem>>
        %dma_start3A_353 = arith.constant 0 : i32
        %dma_start3A_354 = arith.constant 0 : i32
        %dma_start3A_355 = tpu.memref_slice %arg3[%dma_start3A_353, %dma_start3A_354] : memref<10240x16xf32, #tpu.memory_space<hbm>> -> memref<10240x16xf32, #tpu.memory_space<hbm>>
        tpu.enqueue_indirect_dma source(%dma_start3A_355 : memref<10240x16xf32, #tpu.memory_space<hbm>>) target(%arg16 : memref<80x16xf32, #tpu.memory_space<vmem>>) offsets(%dma_start3A_352 : memref<80xi32, #tpu.memory_space<vmem>>) semaphore(%arg26 : memref<!tpu.dma_semaphore, #tpu.memory_space<semaphore_mem>>)
      } else {
      }
      %dma_wait3A_237 = arith.constant 0 : i32
      %dma_wait3A_238 = arith.constant 0 : i32
      %dma_wait3A_239 = tpu.memref_slice %arg11[%dma_wait3A_237, %dma_wait3A_238] : memref<2x80xi32, #tpu.memory_space<vmem>> -> memref<1x80xi32, #tpu.memory_space<vmem>>
      %dma_wait3A_240 = tpu.memref_squeeze %dma_wait3A_239 : memref<1x80xi32, #tpu.memory_space<vmem>> -> memref<80xi32, #tpu.memory_space<vmem>>
      %dma_wait3A_241 = arith.constant 0 : i32
      %dma_wait3A_242 = arith.constant 0 : i32
      %dma_wait3A_243 = tpu.memref_slice %arg2[%dma_wait3A_241, %dma_wait3A_242] : memref<10240x48xf32, #tpu.memory_space<hbm>> -> memref<10240x48xf32, #tpu.memory_space<hbm>>
      tpu.wait_indirect_dma semaphore(%arg23 : memref<!tpu.dma_semaphore, #tpu.memory_space<semaphore_mem>>) src(%dma_wait3A_243 : memref<10240x48xf32, #tpu.memory_space<hbm>>) dst(%arg13 : memref<80x48xf32, #tpu.memory_space<vmem>>)
      %dma_wait3A_244 = arith.constant 1 : i32
      %dma_wait3A_245 = arith.constant 0 : i32
      %dma_wait3A_246 = tpu.memref_slice %arg11[%dma_wait3A_244, %dma_wait3A_245] : memref<2x80xi32, #tpu.memory_space<vmem>> -> memref<1x80xi32, #tpu.memory_space<vmem>>
      %dma_wait3A_247 = tpu.memref_squeeze %dma_wait3A_246 : memref<1x80xi32, #tpu.memory_space<vmem>> -> memref<80xi32, #tpu.memory_space<vmem>>
      %dma_wait3A_248 = arith.constant 0 : i32
      %dma_wait3A_249 = arith.constant 0 : i32
      %dma_wait3A_250 = tpu.memref_slice %arg3[%dma_wait3A_248, %dma_wait3A_249] : memref<10240x16xf32, #tpu.memory_space<hbm>> -> memref<10240x16xf32, #tpu.memory_space<hbm>>
      tpu.wait_indirect_dma semaphore(%arg25 : memref<!tpu.dma_semaphore, #tpu.memory_space<semaphore_mem>>) src(%dma_wait3A_250 : memref<10240x16xf32, #tpu.memory_space<hbm>>) dst(%arg15 : memref<80x16xf32, #tpu.memory_space<vmem>>)
      %parallel_loop3A_251 = arith.constant 0 : i32
      %parallel_loop3A_252 = arith.constant 80 : i32
      %parallel_loop3A_253 = arith.constant 1 : i32
      scf.for %parallel_loop3A_308 = %parallel_loop3A_251 to %parallel_loop3A_252 step %parallel_loop3A_253  : i32 {
        %parallel_loop3A_309 = arith.index_cast %parallel_loop3A_308 : i32 to index
        %parallel_loop3A_310 = arith.constant 32 : index
        %parallel_loop3A_311 = tpu.vector_load %arg13[%parallel_loop3A_309, %parallel_loop3A_310] {strides = array<i32>} : memref<80x48xf32, #tpu.memory_space<vmem>>, vector<1x16xf32>,
        %parallel_loop3A_312 = vector.shape_cast %parallel_loop3A_311 : vector<1x16xf32> to vector<16xf32>
        %parallel_loop3A_313 = arith.index_cast %parallel_loop3A_308 : i32 to index
        %parallel_loop3A_314 = arith.constant 0 : index
        %parallel_loop3A_315 = tpu.vector_load %arg15[%parallel_loop3A_313, %parallel_loop3A_314] {strides = array<i32>} : memref<80x16xf32, #tpu.memory_space<vmem>>, vector<1x16xf32>,
        %parallel_loop3A_316 = vector.shape_cast %parallel_loop3A_315 : vector<1x16xf32> to vector<16xf32>
        %parallel_loop3A_317 = arith.index_cast %parallel_loop3A_308 : i32 to index
        %parallel_loop3A_318 = arith.constant 0 : index
        %parallel_loop3A_319 = tpu.vector_load %arg13[%parallel_loop3A_317, %parallel_loop3A_318] {strides = array<i32>} : memref<80x48xf32, #tpu.memory_space<vmem>>, vector<1x16xf32>,
        %parallel_loop3A_320 = vector.shape_cast %parallel_loop3A_319 : vector<1x16xf32> to vector<16xf32>
        %parallel_loop3A_321 = arith.index_cast %parallel_loop3A_308 : i32 to index
        %parallel_loop3A_322 = arith.constant 16 : index
        %parallel_loop3A_323 = tpu.vector_load %arg13[%parallel_loop3A_321, %parallel_loop3A_322] {strides = array<i32>} : memref<80x48xf32, #tpu.memory_space<vmem>>, vector<1x16xf32>,
        %parallel_loop3A_324 = vector.shape_cast %parallel_loop3A_323 : vector<1x16xf32> to vector<16xf32>
        %parallel_loop3A_325 = arith.addf %parallel_loop3A_312, %parallel_loop3A_316 : vector<16xf32>
        %parallel_loop3A_326 = arith.constant 0.000000e+00 : f32
        %parallel_loop3A_327 = vector.broadcast %parallel_loop3A_326 : f32 to vector<16xf32>
        %parallel_loop3A_328 = arith.cmpf ogt, %parallel_loop3A_325, %parallel_loop3A_327 : vector<16xf32>
        %parallel_loop3A_329 = arith.constant 2.000000e-01 : f32
        %parallel_loop3A_330 = vector.broadcast %parallel_loop3A_329 : f32 to vector<16xf32>
        %parallel_loop3A_331 = arith.mulf %parallel_loop3A_330, %parallel_loop3A_325 : vector<16xf32>
        %parallel_loop3A_332 = arith.select %parallel_loop3A_328, %parallel_loop3A_325, %parallel_loop3A_331 : vector<16xi1>, vector<16xf32>
        %parallel_loop3A_333 = arith.subf %parallel_loop3A_332, %get3A_4 : vector<16xf32>
        %parallel_loop3A_334 = math.exp %parallel_loop3A_333 : vector<16xf32>
        %parallel_loop3A_335 = arith.constant 9 : i32
        %parallel_loop3A_336 = vector.broadcast %parallel_loop3A_335 : i32 to vector<16x1xi32>
        %parallel_loop3A_337 = vector.shape_cast %parallel_loop3A_336 : vector<16x1xi32> to vector<16xi32>
        %parallel_loop3A_338 = tpu.dynamic_gather %parallel_loop3A_334[%parallel_loop3A_337] in [0] : vector<16xf32>, vector<16xi32> -> vector<16xf32>
        %parallel_loop3A_339 = arith.mulf %parallel_loop3A_312, %parallel_loop3A_338 : vector<16xf32>
        %parallel_loop3A_340 = arith.index_cast %parallel_loop3A_308 : i32 to index
        %parallel_loop3A_341 = arith.constant 32 : index
        %parallel_loop3A_342 = tpu.vector_load %arg13[%parallel_loop3A_340, %parallel_loop3A_341] {strides = array<i32>} : memref<80x48xf32, #tpu.memory_space<vmem>>, vector<1x16xf32>,
        %parallel_loop3A_343 = vector.shape_cast %parallel_loop3A_342 : vector<1x16xf32> to vector<16xf32>
        %parallel_loop3A_344 = vector.shape_cast %parallel_loop3A_339 : vector<16xf32> to vector<1x16xf32>
        tpu.vector_store %arg13[%parallel_loop3A_340, %parallel_loop3A_341], %parallel_loop3A_344 {strides = array<i32>} : memref<80x48xf32, #tpu.memory_space<vmem>>, vector<1x16xf32>,
        %parallel_loop3A_345 = arith.mulf %parallel_loop3A_320, %parallel_loop3A_338 : vector<16xf32>
        %parallel_loop3A_346 = arith.index_cast %parallel_loop3A_308 : i32 to index
        %parallel_loop3A_347 = arith.constant 0 : index
        %parallel_loop3A_348 = tpu.vector_load %arg13[%parallel_loop3A_346, %parallel_loop3A_347] {strides = array<i32>} : memref<80x48xf32, #tpu.memory_space<vmem>>, vector<1x16xf32>,
        %parallel_loop3A_349 = vector.shape_cast %parallel_loop3A_348 : vector<1x16xf32> to vector<16xf32>
        %parallel_loop3A_350 = vector.shape_cast %parallel_loop3A_345 : vector<16xf32> to vector<1x16xf32>
        tpu.vector_store %arg13[%parallel_loop3A_346, %parallel_loop3A_347], %parallel_loop3A_350 {strides = array<i32>} : memref<80x48xf32, #tpu.memory_space<vmem>>, vector<1x16xf32>,
        %parallel_loop3A_351 = arith.mulf %parallel_loop3A_324, %parallel_loop3A_338 : vector<16xf32>
        %parallel_loop3A_352 = arith.index_cast %parallel_loop3A_308 : i32 to index
        %parallel_loop3A_353 = arith.constant 16 : index
        %parallel_loop3A_354 = tpu.vector_load %arg13[%parallel_loop3A_352, %parallel_loop3A_353] {strides = array<i32>} : memref<80x48xf32, #tpu.memory_space<vmem>>, vector<1x16xf32>,
        %parallel_loop3A_355 = vector.shape_cast %parallel_loop3A_354 : vector<1x16xf32> to vector<16xf32>
        %parallel_loop3A_356 = vector.shape_cast %parallel_loop3A_351 : vector<16xf32> to vector<1x16xf32>
        tpu.vector_store %arg13[%parallel_loop3A_352, %parallel_loop3A_353], %parallel_loop3A_356 {strides = array<i32>} : memref<80x48xf32, #tpu.memory_space<vmem>>, vector<1x16xf32>,
      } {sc.loop_unroll_factor = 8 : i64, sc.parallel_access}
      %dma_start3A_254 = arith.constant 1 : i32
      %dma_start3A_255 = arith.constant 0 : i32
      %dma_start3A_256 = tpu.memref_slice %arg11[%dma_start3A_254, %dma_start3A_255] : memref<2x80xi32, #tpu.memory_space<vmem>> -> memref<1x80xi32, #tpu.memory_space<vmem>>
      %dma_start3A_257 = tpu.memref_squeeze %dma_start3A_256 : memref<1x80xi32, #tpu.memory_space<vmem>> -> memref<80xi32, #tpu.memory_space<vmem>>
      %dma_start3A_258 = arith.constant 0 : i32
      %dma_start3A_259 = arith.constant 0 : i32
      %dma_start3A_260 = tpu.memref_slice %arg18[%dma_start3A_258, %dma_start3A_259] : memref<10240x48xf32, #tpu.memory_space<vmem_shared>> -> memref<10240x48xf32, #tpu.memory_space<vmem_shared>>
      tpu.enqueue_indirect_dma source(%arg13 : memref<80x48xf32, #tpu.memory_space<vmem>>) target(%dma_start3A_260 : memref<10240x48xf32, #tpu.memory_space<vmem_shared>>) offsets(%dma_start3A_257 : memref<80xi32, #tpu.memory_space<vmem>>) semaphore(%arg27 : memref<!tpu.dma_semaphore, #tpu.memory_space<semaphore_mem>>) {add = true}
      %mul3A_261 = arith.constant 4 : i32
      %mul3A_262 = arith.muli %mul3A_261, %scan3A_124 : i32
      %add3A_263 = arith.constant 3 : i32
      %add3A_264 = arith.addi %mul3A_262, %add3A_263 : i32
      %ge3A_265 = arith.constant 1 : i32
      %ge3A_266 = arith.cmpi sge, %add3A_264, %ge3A_265 : i32
      %convert_element_type3A_267 = arith.extui %ge3A_266 : i1 to i32
      %cond3A_268 = arith.constant 0 : i32
      %cond3A_269 = arith.cmpi ne, %convert_element_type3A_267, %cond3A_268 : i32
      scf.if %cond3A_269 {
        %sub3A = arith.constant 1 : i32
        %sub3A_308 = arith.subi %add3A_264, %sub3A : i32
        %dma_wait3A_309 = arith.constant 1 : i32
        %dma_wait3A_310 = arith.constant 0 : i32
        %dma_wait3A_311 = tpu.memref_slice %arg11[%dma_wait3A_309, %dma_wait3A_310] : memref<2x80xi32, #tpu.memory_space<vmem>> -> memref<1x80xi32, #tpu.memory_space<vmem>>
        %dma_wait3A_312 = tpu.memref_squeeze %dma_wait3A_311 : memref<1x80xi32, #tpu.memory_space<vmem>> -> memref<80xi32, #tpu.memory_space<vmem>>
        %dma_wait3A_313 = arith.constant 0 : i32
        %dma_wait3A_314 = arith.constant 0 : i32
        %dma_wait3A_315 = tpu.memref_slice %arg18[%dma_wait3A_313, %dma_wait3A_314] : memref<10240x48xf32, #tpu.memory_space<vmem_shared>> -> memref<10240x48xf32, #tpu.memory_space<vmem_shared>>
        tpu.wait_indirect_dma semaphore(%arg27 : memref<!tpu.dma_semaphore, #tpu.memory_space<semaphore_mem>>) src(%arg13 : memref<80x48xf32, #tpu.memory_space<vmem>>) dst(%dma_wait3A_315 : memref<10240x48xf32, #tpu.memory_space<vmem_shared>>)
      } else {
      }
      %add3A_270 = arith.constant 2 : i32
      %add3A_271 = arith.addi %add3A_264, %add3A_270 : i32
      %lt3A_272 = arith.constant 128 : i32
      %lt3A_273 = arith.cmpi slt, %add3A_271, %lt3A_272 : i32
      %convert_element_type3A_274 = arith.extui %lt3A_273 : i1 to i32
      %cond3A_275 = arith.constant 0 : i32
      %cond3A_276 = arith.cmpi ne, %convert_element_type3A_274, %cond3A_275 : i32
      scf.if %cond3A_276 {
        %add3A_308 = arith.constant 2 : i32
        %add3A_309 = arith.addi %add3A_264, %add3A_308 : i32
        %lt3A_310 = arith.constant 125 : i32
        %lt3A_311 = arith.cmpi slt, %add3A_309, %lt3A_310 : i32
        %convert_element_type3A_312 = arith.extui %lt3A_311 : i1 to i32
        %cond3A_313 = arith.constant 0 : i32
        %cond3A_314 = arith.cmpi ne, %convert_element_type3A_312, %cond3A_313 : i32
        scf.if %cond3A_314 {
          %dma_start3A_320 = arith.constant 0 : i32
          %dma_start3A_321 = arith.constant 0 : i32
          %dma_start3A_322 = arith.constant 0 : i32
          %dma_start3A_323 = tpu.memref_slice %arg10[%dma_start3A_321, %dma_start3A_322] : memref<2x80xi32, #tpu.memory_space<vmem>> -> memref<1x80xi32, #tpu.memory_space<vmem>>
          %dma_start3A_324 = tpu.memref_squeeze %dma_start3A_323 : memref<1x80xi32, #tpu.memory_space<vmem>> -> memref<80xi32, #tpu.memory_space<vmem>>
          %dma_start3A_325 = arith.constant 0 : i32
          %dma_start3A_326 = tpu.memref_slice %arg4[%dma_start3A_320, %add3A, %add3A_309, %dma_start3A_325] : memref<2x32x125x80xi32, #tpu.memory_space<hbm>> -> memref<1x1x1x80xi32, #tpu.memory_space<hbm>>
          %dma_start3A_327 = tpu.memref_squeeze %dma_start3A_326 : memref<1x1x1x80xi32, #tpu.memory_space<hbm>> -> memref<80xi32, #tpu.memory_space<hbm>>
          %dma_start3A_328 = arith.constant 0 : i32
          %dma_start3A_329 = tpu.memref_slice %arg10[%dma_start3A_321, %dma_start3A_328] : memref<2x80xi32, #tpu.memory_space<vmem>> -> memref<1x80xi32, #tpu.memory_space<vmem>>
          %dma_start3A_330 = tpu.memref_squeeze %dma_start3A_329 : memref<1x80xi32, #tpu.memory_space<vmem>> -> memref<80xi32, #tpu.memory_space<vmem>>
          %dma_start3A_331 = arith.constant 0 : i32
          %dma_start3A_332 = tpu.memref_slice %arg4[%dma_start3A_320, %add3A, %add3A_309, %dma_start3A_331] : memref<2x32x125x80xi32, #tpu.memory_space<hbm>> -> memref<1x1x1x80xi32, #tpu.memory_space<hbm>>
          %dma_start3A_333 = tpu.memref_squeeze %dma_start3A_332 : memref<1x1x1x80xi32, #tpu.memory_space<hbm>> -> memref<80xi32, #tpu.memory_space<hbm>>
          tpu.enqueue_dma source(%dma_start3A_333 : memref<80xi32, #tpu.memory_space<hbm>>) target(%dma_start3A_330 : memref<80xi32, #tpu.memory_space<vmem>>) target_semaphore(%arg20 : memref<!tpu.dma_semaphore, #tpu.memory_space<semaphore_mem>>)
          %dma_start3A_334 = arith.constant 1 : i32
          %dma_start3A_335 = arith.constant 1 : i32
          %dma_start3A_336 = arith.constant 0 : i32
          %dma_start3A_337 = tpu.memref_slice %arg10[%dma_start3A_335, %dma_start3A_336] : memref<2x80xi32, #tpu.memory_space<vmem>> -> memref<1x80xi32, #tpu.memory_space<vmem>>
          %dma_start3A_338 = tpu.memref_squeeze %dma_start3A_337 : memref<1x80xi32, #tpu.memory_space<vmem>> -> memref<80xi32, #tpu.memory_space<vmem>>
          %dma_start3A_339 = arith.constant 0 : i32
          %dma_start3A_340 = tpu.memref_slice %arg4[%dma_start3A_334, %add3A, %add3A_309, %dma_start3A_339] : memref<2x32x125x80xi32, #tpu.memory_space<hbm>> -> memref<1x1x1x80xi32, #tpu.memory_space<hbm>>
          %dma_start3A_341 = tpu.memref_squeeze %dma_start3A_340 : memref<1x1x1x80xi32, #tpu.memory_space<hbm>> -> memref<80xi32, #tpu.memory_space<hbm>>
          %dma_start3A_342 = arith.constant 0 : i32
          %dma_start3A_343 = tpu.memref_slice %arg10[%dma_start3A_335, %dma_start3A_342] : memref<2x80xi32, #tpu.memory_space<vmem>> -> memref<1x80xi32, #tpu.memory_space<vmem>>
          %dma_start3A_344 = tpu.memref_squeeze %dma_start3A_343 : memref<1x80xi32, #tpu.memory_space<vmem>> -> memref<80xi32, #tpu.memory_space<vmem>>
          %dma_start3A_345 = arith.constant 0 : i32
          %dma_start3A_346 = tpu.memref_slice %arg4[%dma_start3A_334, %add3A, %add3A_309, %dma_start3A_345] : memref<2x32x125x80xi32, #tpu.memory_space<hbm>> -> memref<1x1x1x80xi32, #tpu.memory_space<hbm>>
          %dma_start3A_347 = tpu.memref_squeeze %dma_start3A_346 : memref<1x1x1x80xi32, #tpu.memory_space<hbm>> -> memref<80xi32, #tpu.memory_space<hbm>>
          tpu.enqueue_dma source(%dma_start3A_347 : memref<80xi32, #tpu.memory_space<hbm>>) target(%dma_start3A_344 : memref<80xi32, #tpu.memory_space<vmem>>) target_semaphore(%arg20 : memref<!tpu.dma_semaphore, #tpu.memory_space<semaphore_mem>>)
        } else {
        }
        %ge3A_315 = arith.constant 125 : i32
        %ge3A_316 = arith.cmpi sge, %add3A_309, %ge3A_315 : i32
        %convert_element_type3A_317 = arith.extui %ge3A_316 : i1 to i32
        %cond3A_318 = arith.constant 0 : i32
        %cond3A_319 = arith.cmpi ne, %convert_element_type3A_317, %cond3A_318 : i32
        scf.if %cond3A_319 {
          %sub3A = arith.constant 125 : i32
          %sub3A_320 = arith.subi %add3A_309, %sub3A : i32
          %dma_start3A_321 = arith.constant 0 : i32
          %dma_start3A_322 = arith.constant 0 : i32
          %dma_start3A_323 = arith.constant 0 : i32
          %dma_start3A_324 = tpu.memref_slice %arg10[%dma_start3A_322, %dma_start3A_323] : memref<2x80xi32, #tpu.memory_space<vmem>> -> memref<1x80xi32, #tpu.memory_space<vmem>>
          %dma_start3A_325 = tpu.memref_squeeze %dma_start3A_324 : memref<1x80xi32, #tpu.memory_space<vmem>> -> memref<80xi32, #tpu.memory_space<vmem>>
          %dma_start3A_326 = arith.constant 0 : i32
          %dma_start3A_327 = tpu.memref_slice %arg5[%dma_start3A_321, %sub3A_320, %dma_start3A_326] : memref<2x3x80xi32, #tpu.memory_space<hbm>> -> memref<1x1x80xi32, #tpu.memory_space<hbm>>
          %dma_start3A_328 = tpu.memref_squeeze %dma_start3A_327 : memref<1x1x80xi32, #tpu.memory_space<hbm>> -> memref<80xi32, #tpu.memory_space<hbm>>
          %dma_start3A_329 = arith.constant 0 : i32
          %dma_start3A_330 = tpu.memref_slice %arg10[%dma_start3A_322, %dma_start3A_329] : memref<2x80xi32, #tpu.memory_space<vmem>> -> memref<1x80xi32, #tpu.memory_space<vmem>>
          %dma_start3A_331 = tpu.memref_squeeze %dma_start3A_330 : memref<1x80xi32, #tpu.memory_space<vmem>> -> memref<80xi32, #tpu.memory_space<vmem>>
          %dma_start3A_332 = arith.constant 0 : i32
          %dma_start3A_333 = tpu.memref_slice %arg5[%dma_start3A_321, %sub3A_320, %dma_start3A_332] : memref<2x3x80xi32, #tpu.memory_space<hbm>> -> memref<1x1x80xi32, #tpu.memory_space<hbm>>
          %dma_start3A_334 = tpu.memref_squeeze %dma_start3A_333 : memref<1x1x80xi32, #tpu.memory_space<hbm>> -> memref<80xi32, #tpu.memory_space<hbm>>
          tpu.enqueue_dma source(%dma_start3A_334 : memref<80xi32, #tpu.memory_space<hbm>>) target(%dma_start3A_331 : memref<80xi32, #tpu.memory_space<vmem>>) target_semaphore(%arg20 : memref<!tpu.dma_semaphore, #tpu.memory_space<semaphore_mem>>)
          %sub3A_335 = arith.constant 125 : i32
          %sub3A_336 = arith.subi %add3A_309, %sub3A_335 : i32
          %dma_start3A_337 = arith.constant 1 : i32
          %dma_start3A_338 = arith.constant 1 : i32
          %dma_start3A_339 = arith.constant 0 : i32
          %dma_start3A_340 = tpu.memref_slice %arg10[%dma_start3A_338, %dma_start3A_339] : memref<2x80xi32, #tpu.memory_space<vmem>> -> memref<1x80xi32, #tpu.memory_space<vmem>>
          %dma_start3A_341 = tpu.memref_squeeze %dma_start3A_340 : memref<1x80xi32, #tpu.memory_space<vmem>> -> memref<80xi32, #tpu.memory_space<vmem>>
          %dma_start3A_342 = arith.constant 0 : i32
          %dma_start3A_343 = tpu.memref_slice %arg5[%dma_start3A_337, %sub3A_336, %dma_start3A_342] : memref<2x3x80xi32, #tpu.memory_space<hbm>> -> memref<1x1x80xi32, #tpu.memory_space<hbm>>
          %dma_start3A_344 = tpu.memref_squeeze %dma_start3A_343 : memref<1x1x80xi32, #tpu.memory_space<hbm>> -> memref<80xi32, #tpu.memory_space<hbm>>
          %dma_start3A_345 = arith.constant 0 : i32
          %dma_start3A_346 = tpu.memref_slice %arg10[%dma_start3A_338, %dma_start3A_345] : memref<2x80xi32, #tpu.memory_space<vmem>> -> memref<1x80xi32, #tpu.memory_space<vmem>>
          %dma_start3A_347 = tpu.memref_squeeze %dma_start3A_346 : memref<1x80xi32, #tpu.memory_space<vmem>> -> memref<80xi32, #tpu.memory_space<vmem>>
          %dma_start3A_348 = arith.constant 0 : i32
          %dma_start3A_349 = tpu.memref_slice %arg5[%dma_start3A_337, %sub3A_336, %dma_start3A_348] : memref<2x3x80xi32, #tpu.memory_space<hbm>> -> memref<1x1x80xi32, #tpu.memory_space<hbm>>
          %dma_start3A_350 = tpu.memref_squeeze %dma_start3A_349 : memref<1x1x80xi32, #tpu.memory_space<hbm>> -> memref<80xi32, #tpu.memory_space<hbm>>
          tpu.enqueue_dma source(%dma_start3A_350 : memref<80xi32, #tpu.memory_space<hbm>>) target(%dma_start3A_347 : memref<80xi32, #tpu.memory_space<vmem>>) target_semaphore(%arg20 : memref<!tpu.dma_semaphore, #tpu.memory_space<semaphore_mem>>)
        } else {
        }
      } else {
      }
      %add3A_277 = arith.constant 1 : i32
      %add3A_278 = arith.addi %add3A_264, %add3A_277 : i32
      %lt3A_279 = arith.constant 128 : i32
      %lt3A_280 = arith.cmpi slt, %add3A_278, %lt3A_279 : i32
      %convert_element_type3A_281 = arith.extui %lt3A_280 : i1 to i32
      %cond3A_282 = arith.constant 0 : i32
      %cond3A_283 = arith.cmpi ne, %convert_element_type3A_281, %cond3A_282 : i32
      scf.if %cond3A_283 {
        %dma_wait3A_308 = arith.constant 0 : i32
        %dma_wait3A_309 = arith.constant 0 : i32
        %dma_wait3A_310 = arith.constant 0 : i32
        %dma_wait3A_311 = arith.constant 0 : i32
        %dma_wait3A_312 = tpu.memref_slice %arg9[%dma_wait3A_310, %dma_wait3A_311] : memref<2x80xi32, #tpu.memory_space<vmem>> -> memref<1x80xi32, #tpu.memory_space<vmem>>
        %dma_wait3A_313 = tpu.memref_squeeze %dma_wait3A_312 : memref<1x80xi32, #tpu.memory_space<vmem>> -> memref<80xi32, #tpu.memory_space<vmem>>
        %dma_wait3A_314 = arith.constant 0 : i32
        %dma_wait3A_315 = tpu.memref_slice %arg5[%dma_wait3A_308, %dma_wait3A_309, %dma_wait3A_314] : memref<2x3x80xi32, #tpu.memory_space<hbm>> -> memref<1x1x80xi32, #tpu.memory_space<hbm>>
        %dma_wait3A_316 = tpu.memref_squeeze %dma_wait3A_315 : memref<1x1x80xi32, #tpu.memory_space<hbm>> -> memref<80xi32, #tpu.memory_space<hbm>>
        %dma_wait3A_317 = arith.constant 0 : i32
        %dma_wait3A_318 = tpu.memref_slice %arg9[%dma_wait3A_310, %dma_wait3A_317] : memref<2x80xi32, #tpu.memory_space<vmem>> -> memref<1x80xi32, #tpu.memory_space<vmem>>
        %dma_wait3A_319 = tpu.memref_squeeze %dma_wait3A_318 : memref<1x80xi32, #tpu.memory_space<vmem>> -> memref<80xi32, #tpu.memory_space<vmem>>
        %dma_wait3A_320 = arith.constant 0 : i32
        %dma_wait3A_321 = tpu.memref_slice %arg5[%dma_wait3A_308, %dma_wait3A_309, %dma_wait3A_320] : memref<2x3x80xi32, #tpu.memory_space<hbm>> -> memref<1x1x80xi32, #tpu.memory_space<hbm>>
        %dma_wait3A_322 = tpu.memref_squeeze %dma_wait3A_321 : memref<1x1x80xi32, #tpu.memory_space<hbm>> -> memref<80xi32, #tpu.memory_space<hbm>>
        tpu.wait_dma2 semaphore(%arg19 : memref<!tpu.dma_semaphore, #tpu.memory_space<semaphore_mem>>) src(%dma_wait3A_322 : memref<80xi32, #tpu.memory_space<hbm>>) dst(%dma_wait3A_319 : memref<80xi32, #tpu.memory_space<vmem>>)
        %dma_wait3A_323 = arith.constant 1 : i32
        %dma_wait3A_324 = arith.constant 0 : i32
        %dma_wait3A_325 = arith.constant 1 : i32
        %dma_wait3A_326 = arith.constant 0 : i32
        %dma_wait3A_327 = tpu.memref_slice %arg9[%dma_wait3A_325, %dma_wait3A_326] : memref<2x80xi32, #tpu.memory_space<vmem>> -> memref<1x80xi32, #tpu.memory_space<vmem>>
        %dma_wait3A_328 = tpu.memref_squeeze %dma_wait3A_327 : memref<1x80xi32, #tpu.memory_space<vmem>> -> memref<80xi32, #tpu.memory_space<vmem>>
        %dma_wait3A_329 = arith.constant 0 : i32
        %dma_wait3A_330 = tpu.memref_slice %arg5[%dma_wait3A_323, %dma_wait3A_324, %dma_wait3A_329] : memref<2x3x80xi32, #tpu.memory_space<hbm>> -> memref<1x1x80xi32, #tpu.memory_space<hbm>>
        %dma_wait3A_331 = tpu.memref_squeeze %dma_wait3A_330 : memref<1x1x80xi32, #tpu.memory_space<hbm>> -> memref<80xi32, #tpu.memory_space<hbm>>
        %dma_wait3A_332 = arith.constant 0 : i32
        %dma_wait3A_333 = tpu.memref_slice %arg9[%dma_wait3A_325, %dma_wait3A_332] : memref<2x80xi32, #tpu.memory_space<vmem>> -> memref<1x80xi32, #tpu.memory_space<vmem>>
        %dma_wait3A_334 = tpu.memref_squeeze %dma_wait3A_333 : memref<1x80xi32, #tpu.memory_space<vmem>> -> memref<80xi32, #tpu.memory_space<vmem>>
        %dma_wait3A_335 = arith.constant 0 : i32
        %dma_wait3A_336 = tpu.memref_slice %arg5[%dma_wait3A_323, %dma_wait3A_324, %dma_wait3A_335] : memref<2x3x80xi32, #tpu.memory_space<hbm>> -> memref<1x1x80xi32, #tpu.memory_space<hbm>>
        %dma_wait3A_337 = tpu.memref_squeeze %dma_wait3A_336 : memref<1x1x80xi32, #tpu.memory_space<hbm>> -> memref<80xi32, #tpu.memory_space<hbm>>
        tpu.wait_dma2 semaphore(%arg19 : memref<!tpu.dma_semaphore, #tpu.memory_space<semaphore_mem>>) src(%dma_wait3A_337 : memref<80xi32, #tpu.memory_space<hbm>>) dst(%dma_wait3A_334 : memref<80xi32, #tpu.memory_space<vmem>>)
        %add3A_338 = arith.constant 1 : i32
        %add3A_339 = arith.addi %add3A_264, %add3A_338 : i32
        %dma_start3A_340 = arith.constant 0 : i32
        %dma_start3A_341 = arith.constant 0 : i32
        %dma_start3A_342 = tpu.memref_slice %arg9[%dma_start3A_340, %dma_start3A_341] : memref<2x80xi32, #tpu.memory_space<vmem>> -> memref<1x80xi32, #tpu.memory_space<vmem>>
        %dma_start3A_343 = tpu.memref_squeeze %dma_start3A_342 : memref<1x80xi32, #tpu.memory_space<vmem>> -> memref<80xi32, #tpu.memory_space<vmem>>
        %dma_start3A_344 = arith.constant 0 : i32
        %dma_start3A_345 = arith.constant 0 : i32
        %dma_start3A_346 = tpu.memref_slice %arg2[%dma_start3A_344, %dma_start3A_345] : memref<10240x48xf32, #tpu.memory_space<hbm>> -> memref<10240x48xf32, #tpu.memory_space<hbm>>
        tpu.enqueue_indirect_dma source(%dma_start3A_346 : memref<10240x48xf32, #tpu.memory_space<hbm>>) target(%arg13 : memref<80x48xf32, #tpu.memory_space<vmem>>) offsets(%dma_start3A_343 : memref<80xi32, #tpu.memory_space<vmem>>) semaphore(%arg23 : memref<!tpu.dma_semaphore, #tpu.memory_space<semaphore_mem>>)
        %add3A_347 = arith.constant 1 : i32
        %add3A_348 = arith.addi %add3A_264, %add3A_347 : i32
        %dma_start3A_349 = arith.constant 1 : i32
        %dma_start3A_350 = arith.constant 0 : i32
        %dma_start3A_351 = tpu.memref_slice %arg9[%dma_start3A_349, %dma_start3A_350] : memref<2x80xi32, #tpu.memory_space<vmem>> -> memref<1x80xi32, #tpu.memory_space<vmem>>
        %dma_start3A_352 = tpu.memref_squeeze %dma_start3A_351 : memref<1x80xi32, #tpu.memory_space<vmem>> -> memref<80xi32, #tpu.memory_space<vmem>>
        %dma_start3A_353 = arith.constant 0 : i32
        %dma_start3A_354 = arith.constant 0 : i32
        %dma_start3A_355 = tpu.memref_slice %arg3[%dma_start3A_353, %dma_start3A_354] : memref<10240x16xf32, #tpu.memory_space<hbm>> -> memref<10240x16xf32, #tpu.memory_space<hbm>>
        tpu.enqueue_indirect_dma source(%dma_start3A_355 : memref<10240x16xf32, #tpu.memory_space<hbm>>) target(%arg15 : memref<80x16xf32, #tpu.memory_space<vmem>>) offsets(%dma_start3A_352 : memref<80xi32, #tpu.memory_space<vmem>>) semaphore(%arg25 : memref<!tpu.dma_semaphore, #tpu.memory_space<semaphore_mem>>)
      } else {
      }
      %dma_wait3A_284 = arith.constant 0 : i32
      %dma_wait3A_285 = arith.constant 0 : i32
      %dma_wait3A_286 = tpu.memref_slice %arg12[%dma_wait3A_284, %dma_wait3A_285] : memref<2x80xi32, #tpu.memory_space<vmem>> -> memref<1x80xi32, #tpu.memory_space<vmem>>
      %dma_wait3A_287 = tpu.memref_squeeze %dma_wait3A_286 : memref<1x80xi32, #tpu.memory_space<vmem>> -> memref<80xi32, #tpu.memory_space<vmem>>
      %dma_wait3A_288 = arith.constant 0 : i32
      %dma_wait3A_289 = arith.constant 0 : i32
      %dma_wait3A_290 = tpu.memref_slice %arg2[%dma_wait3A_288, %dma_wait3A_289] : memref<10240x48xf32, #tpu.memory_space<hbm>> -> memref<10240x48xf32, #tpu.memory_space<hbm>>
      tpu.wait_indirect_dma semaphore(%arg24 : memref<!tpu.dma_semaphore, #tpu.memory_space<semaphore_mem>>) src(%dma_wait3A_290 : memref<10240x48xf32, #tpu.memory_space<hbm>>) dst(%arg14 : memref<80x48xf32, #tpu.memory_space<vmem>>)
      %dma_wait3A_291 = arith.constant 1 : i32
      %dma_wait3A_292 = arith.constant 0 : i32
      %dma_wait3A_293 = tpu.memref_slice %arg12[%dma_wait3A_291, %dma_wait3A_292] : memref<2x80xi32, #tpu.memory_space<vmem>> -> memref<1x80xi32, #tpu.memory_space<vmem>>
      %dma_wait3A_294 = tpu.memref_squeeze %dma_wait3A_293 : memref<1x80xi32, #tpu.memory_space<vmem>> -> memref<80xi32, #tpu.memory_space<vmem>>
      %dma_wait3A_295 = arith.constant 0 : i32
      %dma_wait3A_296 = arith.constant 0 : i32
      %dma_wait3A_297 = tpu.memref_slice %arg3[%dma_wait3A_295, %dma_wait3A_296] : memref<10240x16xf32, #tpu.memory_space<hbm>> -> memref<10240x16xf32, #tpu.memory_space<hbm>>
      tpu.wait_indirect_dma semaphore(%arg26 : memref<!tpu.dma_semaphore, #tpu.memory_space<semaphore_mem>>) src(%dma_wait3A_297 : memref<10240x16xf32, #tpu.memory_space<hbm>>) dst(%arg16 : memref<80x16xf32, #tpu.memory_space<vmem>>)
      %parallel_loop3A_298 = arith.constant 0 : i32
      %parallel_loop3A_299 = arith.constant 80 : i32
      %parallel_loop3A_300 = arith.constant 1 : i32
      scf.for %parallel_loop3A_308 = %parallel_loop3A_298 to %parallel_loop3A_299 step %parallel_loop3A_300  : i32 {
        %parallel_loop3A_309 = arith.index_cast %parallel_loop3A_308 : i32 to index
        %parallel_loop3A_310 = arith.constant 32 : index
        %parallel_loop3A_311 = tpu.vector_load %arg14[%parallel_loop3A_309, %parallel_loop3A_310] {strides = array<i32>} : memref<80x48xf32, #tpu.memory_space<vmem>>, vector<1x16xf32>,
        %parallel_loop3A_312 = vector.shape_cast %parallel_loop3A_311 : vector<1x16xf32> to vector<16xf32>
        %parallel_loop3A_313 = arith.index_cast %parallel_loop3A_308 : i32 to index
        %parallel_loop3A_314 = arith.constant 0 : index
        %parallel_loop3A_315 = tpu.vector_load %arg16[%parallel_loop3A_313, %parallel_loop3A_314] {strides = array<i32>} : memref<80x16xf32, #tpu.memory_space<vmem>>, vector<1x16xf32>,
        %parallel_loop3A_316 = vector.shape_cast %parallel_loop3A_315 : vector<1x16xf32> to vector<16xf32>
        %parallel_loop3A_317 = arith.index_cast %parallel_loop3A_308 : i32 to index
        %parallel_loop3A_318 = arith.constant 0 : index
        %parallel_loop3A_319 = tpu.vector_load %arg14[%parallel_loop3A_317, %parallel_loop3A_318] {strides = array<i32>} : memref<80x48xf32, #tpu.memory_space<vmem>>, vector<1x16xf32>,
        %parallel_loop3A_320 = vector.shape_cast %parallel_loop3A_319 : vector<1x16xf32> to vector<16xf32>
        %parallel_loop3A_321 = arith.index_cast %parallel_loop3A_308 : i32 to index
        %parallel_loop3A_322 = arith.constant 16 : index
        %parallel_loop3A_323 = tpu.vector_load %arg14[%parallel_loop3A_321, %parallel_loop3A_322] {strides = array<i32>} : memref<80x48xf32, #tpu.memory_space<vmem>>, vector<1x16xf32>,
        %parallel_loop3A_324 = vector.shape_cast %parallel_loop3A_323 : vector<1x16xf32> to vector<16xf32>
        %parallel_loop3A_325 = arith.addf %parallel_loop3A_312, %parallel_loop3A_316 : vector<16xf32>
        %parallel_loop3A_326 = arith.constant 0.000000e+00 : f32
        %parallel_loop3A_327 = vector.broadcast %parallel_loop3A_326 : f32 to vector<16xf32>
        %parallel_loop3A_328 = arith.cmpf ogt, %parallel_loop3A_325, %parallel_loop3A_327 : vector<16xf32>
        %parallel_loop3A_329 = arith.constant 2.000000e-01 : f32
        %parallel_loop3A_330 = vector.broadcast %parallel_loop3A_329 : f32 to vector<16xf32>
        %parallel_loop3A_331 = arith.mulf %parallel_loop3A_330, %parallel_loop3A_325 : vector<16xf32>
        %parallel_loop3A_332 = arith.select %parallel_loop3A_328, %parallel_loop3A_325, %parallel_loop3A_331 : vector<16xi1>, vector<16xf32>
        %parallel_loop3A_333 = arith.subf %parallel_loop3A_332, %get3A_4 : vector<16xf32>
        %parallel_loop3A_334 = math.exp %parallel_loop3A_333 : vector<16xf32>
        %parallel_loop3A_335 = arith.constant 9 : i32
        %parallel_loop3A_336 = vector.broadcast %parallel_loop3A_335 : i32 to vector<16x1xi32>
        %parallel_loop3A_337 = vector.shape_cast %parallel_loop3A_336 : vector<16x1xi32> to vector<16xi32>
        %parallel_loop3A_338 = tpu.dynamic_gather %parallel_loop3A_334[%parallel_loop3A_337] in [0] : vector<16xf32>, vector<16xi32> -> vector<16xf32>
        %parallel_loop3A_339 = arith.mulf %parallel_loop3A_312, %parallel_loop3A_338 : vector<16xf32>
        %parallel_loop3A_340 = arith.index_cast %parallel_loop3A_308 : i32 to index
        %parallel_loop3A_341 = arith.constant 32 : index
        %parallel_loop3A_342 = tpu.vector_load %arg14[%parallel_loop3A_340, %parallel_loop3A_341] {strides = array<i32>} : memref<80x48xf32, #tpu.memory_space<vmem>>, vector<1x16xf32>,
        %parallel_loop3A_343 = vector.shape_cast %parallel_loop3A_342 : vector<1x16xf32> to vector<16xf32>
        %parallel_loop3A_344 = vector.shape_cast %parallel_loop3A_339 : vector<16xf32> to vector<1x16xf32>
        tpu.vector_store %arg14[%parallel_loop3A_340, %parallel_loop3A_341], %parallel_loop3A_344 {strides = array<i32>} : memref<80x48xf32, #tpu.memory_space<vmem>>, vector<1x16xf32>,
        %parallel_loop3A_345 = arith.mulf %parallel_loop3A_320, %parallel_loop3A_338 : vector<16xf32>
        %parallel_loop3A_346 = arith.index_cast %parallel_loop3A_308 : i32 to index
        %parallel_loop3A_347 = arith.constant 0 : index
        %parallel_loop3A_348 = tpu.vector_load %arg14[%parallel_loop3A_346, %parallel_loop3A_347] {strides = array<i32>} : memref<80x48xf32, #tpu.memory_space<vmem>>, vector<1x16xf32>,
        %parallel_loop3A_349 = vector.shape_cast %parallel_loop3A_348 : vector<1x16xf32> to vector<16xf32>
        %parallel_loop3A_350 = vector.shape_cast %parallel_loop3A_345 : vector<16xf32> to vector<1x16xf32>
        tpu.vector_store %arg14[%parallel_loop3A_346, %parallel_loop3A_347], %parallel_loop3A_350 {strides = array<i32>} : memref<80x48xf32, #tpu.memory_space<vmem>>, vector<1x16xf32>,
        %parallel_loop3A_351 = arith.mulf %parallel_loop3A_324, %parallel_loop3A_338 : vector<16xf32>
        %parallel_loop3A_352 = arith.index_cast %parallel_loop3A_308 : i32 to index
        %parallel_loop3A_353 = arith.constant 16 : index
        %parallel_loop3A_354 = tpu.vector_load %arg14[%parallel_loop3A_352, %parallel_loop3A_353] {strides = array<i32>} : memref<80x48xf32, #tpu.memory_space<vmem>>, vector<1x16xf32>,
        %parallel_loop3A_355 = vector.shape_cast %parallel_loop3A_354 : vector<1x16xf32> to vector<16xf32>
        %parallel_loop3A_356 = vector.shape_cast %parallel_loop3A_351 : vector<16xf32> to vector<1x16xf32>
        tpu.vector_store %arg14[%parallel_loop3A_352, %parallel_loop3A_353], %parallel_loop3A_356 {strides = array<i32>} : memref<80x48xf32, #tpu.memory_space<vmem>>, vector<1x16xf32>,
      } {sc.loop_unroll_factor = 8 : i64, sc.parallel_access}
      %dma_start3A_301 = arith.constant 1 : i32
      %dma_start3A_302 = arith.constant 0 : i32
      %dma_start3A_303 = tpu.memref_slice %arg12[%dma_start3A_301, %dma_start3A_302] : memref<2x80xi32, #tpu.memory_space<vmem>> -> memref<1x80xi32, #tpu.memory_space<vmem>>
      %dma_start3A_304 = tpu.memref_squeeze %dma_start3A_303 : memref<1x80xi32, #tpu.memory_space<vmem>> -> memref<80xi32, #tpu.memory_space<vmem>>
      %dma_start3A_305 = arith.constant 0 : i32
      %dma_start3A_306 = arith.constant 0 : i32
      %dma_start3A_307 = tpu.memref_slice %arg18[%dma_start3A_305, %dma_start3A_306] : memref<10240x48xf32, #tpu.memory_space<vmem_shared>> -> memref<10240x48xf32, #tpu.memory_space<vmem_shared>>
      tpu.enqueue_indirect_dma source(%arg14 : memref<80x48xf32, #tpu.memory_space<vmem>>) target(%dma_start3A_307 : memref<10240x48xf32, #tpu.memory_space<vmem_shared>>) offsets(%dma_start3A_304 : memref<80xi32, #tpu.memory_space<vmem>>) semaphore(%arg28 : memref<!tpu.dma_semaphore, #tpu.memory_space<semaphore_mem>>) {add = true}
    }
    %scan3A_111 = arith.constant 32 : i32
    %dma_wait3A_112 = arith.constant 1 : i32
    %dma_wait3A_113 = arith.constant 0 : i32
    %dma_wait3A_114 = tpu.memref_slice %arg12[%dma_wait3A_112, %dma_wait3A_113] : memref<2x80xi32, #tpu.memory_space<vmem>> -> memref<1x80xi32, #tpu.memory_space<vmem>>
    %dma_wait3A_115 = tpu.memref_squeeze %dma_wait3A_114 : memref<1x80xi32, #tpu.memory_space<vmem>> -> memref<80xi32, #tpu.memory_space<vmem>>
    %dma_wait3A_116 = arith.constant 0 : i32
    %dma_wait3A_117 = arith.constant 0 : i32
    %dma_wait3A_118 = tpu.memref_slice %arg18[%dma_wait3A_116, %dma_wait3A_117] : memref<10240x48xf32, #tpu.memory_space<vmem_shared>> -> memref<10240x48xf32, #tpu.memory_space<vmem_shared>>
    tpu.wait_indirect_dma semaphore(%arg28 : memref<!tpu.dma_semaphore, #tpu.memory_space<semaphore_mem>>) src(%arg14 : memref<80x48xf32, #tpu.memory_space<vmem>>) dst(%dma_wait3A_118 : memref<10240x48xf32, #tpu.memory_space<vmem_shared>>)
    %barrier3A_119 = arith.constant 0 : index
    tpu.barrier barrier_id(%barrier3A_119)
    %mul3A_120 = arith.constant 640 : i32
    %mul3A_121 = arith.muli %arg1, %mul3A_120 : i32
    %mul3A_122 = arith.constant 640 : i32
    %mul3A_123 = arith.muli %arg1, %mul3A_122 : i32
    "tpu.region"() ({
      %run_scoped3A = tpu.sem_alloc : memref<!tpu.dma_semaphore, #tpu.memory_space<semaphore_mem>>
      %dma_start3A_124 = arith.constant 0 : i32
      %dma_start3A_125 = tpu.memref_slice %arg8[%arg0, %mul3A_123, %dma_start3A_124] : memref<2x10240x48xf32, #tpu.memory_space<hbm>> -> memref<1x640x48xf32, #tpu.memory_space<hbm>>
      %dma_start3A_126 = tpu.memref_squeeze %dma_start3A_125 : memref<1x640x48xf32, #tpu.memory_space<hbm>> -> memref<640x48xf32, #tpu.memory_space<hbm>>
      %dma_start3A_127 = arith.constant 0 : i32
      %dma_start3A_128 = tpu.memref_slice %arg18[%mul3A_121, %dma_start3A_127] : memref<10240x48xf32, #tpu.memory_space<vmem_shared>> -> memref<640x48xf32, #tpu.memory_space<vmem_shared>>
      tpu.enqueue_dma source(%dma_start3A_128 : memref<640x48xf32, #tpu.memory_space<vmem_shared>>) target(%dma_start3A_126 : memref<640x48xf32, #tpu.memory_space<hbm>>) target_semaphore(%run_scoped3A : memref<!tpu.dma_semaphore, #tpu.memory_space<semaphore_mem>>)
      %dma_wait3A_129 = arith.constant 0 : i32
      %dma_wait3A_130 = tpu.memref_slice %arg8[%arg0, %mul3A_123, %dma_wait3A_129] : memref<2x10240x48xf32, #tpu.memory_space<hbm>> -> memref<1x640x48xf32, #tpu.memory_space<hbm>>
      %dma_wait3A_131 = tpu.memref_squeeze %dma_wait3A_130 : memref<1x640x48xf32, #tpu.memory_space<hbm>> -> memref<640x48xf32, #tpu.memory_space<hbm>>
      %dma_wait3A_132 = arith.constant 0 : i32
      %dma_wait3A_133 = tpu.memref_slice %arg18[%mul3A_121, %dma_wait3A_132] : memref<10240x48xf32, #tpu.memory_space<vmem_shared>> -> memref<640x48xf32, #tpu.memory_space<vmem_shared>>
      tpu.wait_dma2 semaphore(%run_scoped3A : memref<!tpu.dma_semaphore, #tpu.memory_space<semaphore_mem>>) src(%dma_wait3A_133 : memref<640x48xf32, #tpu.memory_space<vmem_shared>>) dst(%dma_wait3A_131 : memref<640x48xf32, #tpu.memory_space<hbm>>)
      tpu.yield
    }) : () -> ()
    return
  }
}

module attributes {stable_mosaic.version = 14 : i64} {
  func.func @_s1_body(%arg0: i32, %arg1: memref<2048x128xf32, #tpu.memory_space<vmem>>, %arg2: memref<128x128xf32, #tpu.memory_space<vmem>>, %arg3: memref<128x8xf32, #tpu.memory_space<vmem>>, %arg4: memref<128x8xf32, #tpu.memory_space<vmem>>, %arg5: memref<2048x144xf32, #tpu.memory_space<vmem>>, %arg6: memref<2048x16xf32, #tpu.memory_space<vmem>>, %arg7: memref<1x16xf32, #tpu.memory_space<vmem>>) attributes {dimension_semantics = [#tpu.dimension_semantics<arbitrary>], iteration_bounds = array<i64: 5>, scalar_prefetch = 0 : i64, scratch_operands = 0 : i64, tpu.core_type = #tpu.core_type<tc>, window_params = [{transform_indices = @transform_0, window_bounds = array<i64: 2048, 128>}, {pipeline_mode = #tpu.pipeline_mode<synchronous>, transform_indices = @transform_1, window_bounds = array<i64: 128, 128>}, {pipeline_mode = #tpu.pipeline_mode<synchronous>, transform_indices = @transform_2, window_bounds = array<i64: 128, 8>}, {pipeline_mode = #tpu.pipeline_mode<synchronous>, transform_indices = @transform_3, window_bounds = array<i64: 128, 8>}, {transform_indices = @transform_4, window_bounds = array<i64: 2048, 144>}, {transform_indices = @transform_5, window_bounds = array<i64: 2048, 16>}, {pipeline_mode = #tpu.pipeline_mode<synchronous>, transform_indices = @transform_6, window_bounds = array<i64: 1, 16>}]} {
    %get3A = arith.constant 0 : index
    %get3A_0 = arith.constant 0 : index
    %get3A_1 = vector.load %arg1[%get3A, %get3A_0] : memref<2048x128xf32, #tpu.memory_space<vmem>>, vector<2048x128xf32>
    %get3A_2 = arith.constant 0 : index
    %get3A_3 = arith.constant 0 : index
    %get3A_4 = vector.load %arg2[%get3A_2, %get3A_3] : memref<128x128xf32, #tpu.memory_space<vmem>>, vector<128x128xf32>
    %dot_general3A = arith.constant dense<0.000000e+00> : vector<2048x128xf32>
    %dot_general3A_5 = tpu.matmul %get3A_1, %get3A_4, %dot_general3A {dimension_numbers = #tpu.dot_dimension_numbers<[1], [0], [0], [1], [0, 0, 1, 1], [], []>, transpose_lhs_hint = false} : vector<2048x128xf32>, vector<128x128xf32>, vector<2048x128xf32> -> vector<2048x128xf32>
    %mul3A = arith.constant 2048 : i32
    %mul3A_6 = arith.muli %arg0, %mul3A : i32
    %iota3A = tpu.iota {dimensions = array<i32: 0>} : vector<2048x1xi32>
    %add3A = vector.broadcast %mul3A_6 : i32 to vector<2048x1xi32>
    %add3A_7 = arith.addi %add3A, %iota3A : vector<2048x1xi32>
    %lt3A = arith.constant 10000 : i32
    %lt3A_8 = vector.broadcast %lt3A : i32 to vector<2048x1xi32>
    %lt3A_9 = arith.cmpi slt, %add3A_7, %lt3A_8 : vector<2048x1xi32>
    %jit3A = arith.constant 0.000000e+00 : f32
    %broadcast_in_dim3A = vector.shape_cast %lt3A_9 : vector<2048x1xi1> to vector<2048x1xi1>
    %broadcast_in_dim3A_10 = vector.broadcast %broadcast_in_dim3A : vector<2048x1xi1> to vector<2048x128xi1>
    %broadcast_in_dim3A_11 = vector.broadcast %jit3A : f32 to vector<2048x128xf32>
    %select_n3A = arith.select %broadcast_in_dim3A_10, %dot_general3A_5, %broadcast_in_dim3A_11 : vector<2048x128xi1>, vector<2048x128xf32>
    %get3A_12 = arith.constant 0 : index
    %get3A_13 = arith.constant 0 : index
    %get3A_14 = vector.load %arg3[%get3A_12, %get3A_13] : memref<128x8xf32, #tpu.memory_space<vmem>>, vector<128x8xf32>
    %dot_general3A_15 = arith.constant dense<0.000000e+00> : vector<2048x8xf32>
    %dot_general3A_16 = tpu.matmul %select_n3A, %get3A_14, %dot_general3A_15 {dimension_numbers = #tpu.dot_dimension_numbers<[1], [0], [0], [1], [0, 0, 1, 1], [], []>, transpose_lhs_hint = false} : vector<2048x128xf32>, vector<128x8xf32>, vector<2048x8xf32> -> vector<2048x8xf32>
    %get3A_17 = arith.constant 0 : index
    %get3A_18 = arith.constant 0 : index
    %get3A_19 = vector.load %arg4[%get3A_17, %get3A_18] : memref<128x8xf32, #tpu.memory_space<vmem>>, vector<128x8xf32>
    %dot_general3A_20 = arith.constant dense<0.000000e+00> : vector<2048x8xf32>
    %dot_general3A_21 = tpu.matmul %select_n3A, %get3A_19, %dot_general3A_20 {dimension_numbers = #tpu.dot_dimension_numbers<[1], [0], [0], [1], [0, 0, 1, 1], [], []>, transpose_lhs_hint = false} : vector<2048x128xf32>, vector<128x8xf32>, vector<2048x8xf32> -> vector<2048x8xf32>
    %broadcast_in_dim3A_22 = arith.constant 0.000000e+00 : f32
    %broadcast_in_dim3A_23 = vector.broadcast %broadcast_in_dim3A_22 : f32 to vector<2048x8xf32>
    %concatenate3A = tpu.concatenate %select_n3A, %dot_general3A_16, %broadcast_in_dim3A_23 in 1 : vector<2048x128xf32>, vector<2048x8xf32>, vector<2048x8xf32> -> vector<2048x144xf32>
    %swap3A = arith.constant 0 : index
    %swap3A_24 = arith.constant 0 : index
    %swap3A_25 = vector.load %arg5[%swap3A, %swap3A_24] : memref<2048x144xf32, #tpu.memory_space<vmem>>, vector<2048x144xf32>
    tpu.vector_store %arg5[%swap3A, %swap3A_24], %concatenate3A {strides = array<i32>} : memref<2048x144xf32, #tpu.memory_space<vmem>>, vector<2048x144xf32>,
    %concatenate3A_26 = tpu.concatenate %dot_general3A_21, %broadcast_in_dim3A_23 in 1 : vector<2048x8xf32>, vector<2048x8xf32> -> vector<2048x16xf32>
    %swap3A_27 = arith.constant 0 : index
    %swap3A_28 = arith.constant 0 : index
    %swap3A_29 = vector.load %arg6[%swap3A_27, %swap3A_28] : memref<2048x16xf32, #tpu.memory_space<vmem>>, vector<2048x16xf32>
    tpu.vector_store %arg6[%swap3A_27, %swap3A_28], %concatenate3A_26 {strides = array<i32>} : memref<2048x16xf32, #tpu.memory_space<vmem>>, vector<2048x16xf32>,
    %reduce_max3A = arith.constant dense<0xFF800000> : vector<8xf32>
    %reduce_max3A_30 = vector.multi_reduction <maximumf>, %dot_general3A_16, %reduce_max3A [0] : vector<2048x8xf32> to vector<8xf32>
    %broadcast_in_dim3A_31 = vector.shape_cast %reduce_max3A_30 : vector<8xf32> to vector<1x8xf32>
    %reduce_max3A_32 = arith.constant dense<0xFF800000> : vector<8xf32>
    %reduce_max3A_33 = vector.multi_reduction <maximumf>, %dot_general3A_21, %reduce_max3A_32 [0] : vector<2048x8xf32> to vector<8xf32>
    %broadcast_in_dim3A_34 = vector.shape_cast %reduce_max3A_33 : vector<8xf32> to vector<1x8xf32>
    %concatenate3A_35 = tpu.concatenate %broadcast_in_dim3A_31, %broadcast_in_dim3A_34 in 1 : vector<1x8xf32>, vector<1x8xf32> -> vector<1x16xf32>
    %eq3A = arith.constant 0 : i32
    %eq3A_36 = arith.cmpi eq, %arg0, %eq3A : i32
    %convert_element_type3A = arith.extui %eq3A_36 : i1 to i32
    %cond3A = arith.constant 0 : i32
    %cond3A_37 = arith.cmpi ne, %convert_element_type3A, %cond3A : i32
    scf.if %cond3A_37 {
      %swap3A_42 = arith.constant 0 : index
      %swap3A_43 = arith.constant 0 : index
      %swap3A_44 = vector.load %arg7[%swap3A_42, %swap3A_43] : memref<1x16xf32, #tpu.memory_space<vmem>>, vector<1x16xf32>
      tpu.vector_store %arg7[%swap3A_42, %swap3A_43], %concatenate3A_35 {strides = array<i32>} : memref<1x16xf32, #tpu.memory_space<vmem>>, vector<1x16xf32>,
    } else {
    }
    %gt3A = arith.constant 0 : i32
    %gt3A_38 = arith.cmpi sgt, %arg0, %gt3A : i32
    %convert_element_type3A_39 = arith.extui %gt3A_38 : i1 to i32
    %cond3A_40 = arith.constant 0 : i32
    %cond3A_41 = arith.cmpi ne, %convert_element_type3A_39, %cond3A_40 : i32
    scf.if %cond3A_41 {
      %get3A_42 = arith.constant 0 : index
      %get3A_43 = arith.constant 0 : index
      %get3A_44 = vector.load %arg7[%get3A_42, %get3A_43] : memref<1x16xf32, #tpu.memory_space<vmem>>, vector<1x16xf32>
      %max3A = arith.maximumf %get3A_44, %concatenate3A_35 : vector<1x16xf32>
      %swap3A_45 = arith.constant 0 : index
      %swap3A_46 = arith.constant 0 : index
      %swap3A_47 = vector.load %arg7[%swap3A_45, %swap3A_46] : memref<1x16xf32, #tpu.memory_space<vmem>>, vector<1x16xf32>
      tpu.vector_store %arg7[%swap3A_45, %swap3A_46], %max3A {strides = array<i32>} : memref<1x16xf32, #tpu.memory_space<vmem>>, vector<1x16xf32>,
    } else {
    }
    return
  }
  func.func @transform_0(%arg0: i32) -> (i32, i32) {
    %c0_i32 = arith.constant 0 : i32
    %c0_i32_0 = arith.constant 0 : i32
    return %arg0, %c0_i32 : i32, i32
  }
  func.func @transform_1(%arg0: i32) -> (i32, i32) {
    %c0_i32 = arith.constant 0 : i32
    %c0_i32_0 = arith.constant 0 : i32
    %c0_i32_1 = arith.constant 0 : i32
    return %c0_i32, %c0_i32_0 : i32, i32
  }
  func.func @transform_2(%arg0: i32) -> (i32, i32) {
    %c0_i32 = arith.constant 0 : i32
    %c0_i32_0 = arith.constant 0 : i32
    %c0_i32_1 = arith.constant 0 : i32
    return %c0_i32, %c0_i32_0 : i32, i32
  }
  func.func @transform_3(%arg0: i32) -> (i32, i32) {
    %c0_i32 = arith.constant 0 : i32
    %c0_i32_0 = arith.constant 0 : i32
    %c0_i32_1 = arith.constant 0 : i32
    return %c0_i32, %c0_i32_0 : i32, i32
  }
  func.func @transform_4(%arg0: i32) -> (i32, i32) {
    %c0_i32 = arith.constant 0 : i32
    %c0_i32_0 = arith.constant 0 : i32
    return %arg0, %c0_i32 : i32, i32
  }
  func.func @transform_5(%arg0: i32) -> (i32, i32) {
    %c0_i32 = arith.constant 0 : i32
    %c0_i32_0 = arith.constant 0 : i32
    return %arg0, %c0_i32 : i32, i32
  }
  func.func @transform_6(%arg0: i32) -> (i32, i32) {
    %c0_i32 = arith.constant 0 : i32
    %c0_i32_0 = arith.constant 0 : i32
    %c0_i32_1 = arith.constant 0 : i32
    return %c0_i32, %c0_i32_0 : i32, i32
  }
}

module attributes {stable_mosaic.version = 14 : i64} {
  func.func @_s3_body(%arg0: i32, %arg1: memref<2x2048x144xf32, #tpu.memory_space<vmem>>, %arg2: memref<1x128xf32, #tpu.memory_space<vmem>>, %arg3: memref<8x128xf32, #tpu.memory_space<vmem>>, %arg4: memref<128x40xf32, #tpu.memory_space<vmem>>, %arg5: memref<40x1xf32, #tpu.memory_space<vmem>>, %arg6: memref<40x1xf32, #tpu.memory_space<vmem>>, %arg7: memref<2048x48xf32, #tpu.memory_space<vmem>>, %arg8: memref<2048x16xf32, #tpu.memory_space<vmem>>, %arg9: memref<1x16xf32, #tpu.memory_space<vmem>>) attributes {dimension_semantics = [#tpu.dimension_semantics<arbitrary>], iteration_bounds = array<i64: 5>, scalar_prefetch = 0 : i64, scratch_operands = 0 : i64, tpu.core_type = #tpu.core_type<tc>, window_params = [{transform_indices = @transform_0, window_bounds = array<i64: 2, 2048, 144>}, {pipeline_mode = #tpu.pipeline_mode<synchronous>, transform_indices = @transform_1, window_bounds = array<i64: 1, 128>}, {pipeline_mode = #tpu.pipeline_mode<synchronous>, transform_indices = @transform_2, window_bounds = array<i64: 8, 128>}, {pipeline_mode = #tpu.pipeline_mode<synchronous>, transform_indices = @transform_3, window_bounds = array<i64: 128, 40>}, {pipeline_mode = #tpu.pipeline_mode<synchronous>, transform_indices = @transform_4, window_bounds = array<i64: 40, 1>}, {pipeline_mode = #tpu.pipeline_mode<synchronous>, transform_indices = @transform_5, window_bounds = array<i64: 40, 1>}, {transform_indices = @transform_6, window_bounds = array<i64: 2048, 48>}, {transform_indices = @transform_7, window_bounds = array<i64: 2048, 16>}, {pipeline_mode = #tpu.pipeline_mode<synchronous>, transform_indices = @transform_8, window_bounds = array<i64: 1, 16>}]} {
    %get3A = arith.constant 0 : index
    %get3A_0 = arith.constant 0 : index
    %get3A_1 = arith.constant 0 : index
    %get3A_2 = vector.load %arg1[%get3A, %get3A_0, %get3A_1] : memref<2x2048x144xf32, #tpu.memory_space<vmem>>, vector<1x2048x144xf32>
    %get3A_3 = vector.shape_cast %get3A_2 : vector<1x2048x144xf32> to vector<2048x144xf32>
    %get3A_4 = arith.constant 1 : index
    %get3A_5 = arith.constant 0 : index
    %get3A_6 = arith.constant 0 : index
    %get3A_7 = vector.load %arg1[%get3A_4, %get3A_5, %get3A_6] : memref<2x2048x144xf32, #tpu.memory_space<vmem>>, vector<1x2048x144xf32>
    %get3A_8 = vector.shape_cast %get3A_7 : vector<1x2048x144xf32> to vector<2048x144xf32>
    %add3A = arith.addf %get3A_3, %get3A_8 : vector<2048x144xf32>
    %slice3A = vector.extract_strided_slice %add3A {offsets = [0, 128], sizes = [2048, 8], strides = [1, 1]} : vector<2048x144xf32> to vector<2048x8xf32>
    %get3A_9 = arith.constant 0 : index
    %get3A_10 = arith.constant 0 : index
    %get3A_11 = vector.load %arg3[%get3A_9, %get3A_10] : memref<8x128xf32, #tpu.memory_space<vmem>>, vector<8x128xf32>
    %dot_general3A = arith.constant dense<0.000000e+00> : vector<2048x128xf32>
    %dot_general3A_12 = tpu.matmul %slice3A, %get3A_11, %dot_general3A {dimension_numbers = #tpu.dot_dimension_numbers<[1], [0], [0], [1], [0, 0, 1, 1], [], []>, transpose_lhs_hint = false} : vector<2048x8xf32>, vector<8x128xf32>, vector<2048x128xf32> -> vector<2048x128xf32>
    %slice3A_13 = vector.extract_strided_slice %add3A {offsets = [0, 0], sizes = [2048, 128], strides = [1, 1]} : vector<2048x144xf32> to vector<2048x128xf32>
    %add3A_14 = arith.constant 1.000000e-16 : f32
    %add3A_15 = vector.broadcast %add3A_14 : f32 to vector<2048x128xf32>
    %add3A_16 = arith.addf %dot_general3A_12, %add3A_15 : vector<2048x128xf32>
    %div3A = arith.divf %slice3A_13, %add3A_16 : vector<2048x128xf32>
    %get3A_17 = arith.constant 0 : index
    %get3A_18 = arith.constant 0 : index
    %get3A_19 = vector.load %arg2[%get3A_17, %get3A_18] : memref<1x128xf32, #tpu.memory_space<vmem>>, vector<1x128xf32>
    %add3A_20 = vector.broadcast %get3A_19 : vector<1x128xf32> to vector<2048x128xf32>
    %add3A_21 = arith.addf %div3A, %add3A_20 : vector<2048x128xf32>
    %gt3A = arith.constant 0.000000e+00 : f32
    %gt3A_22 = vector.broadcast %gt3A : f32 to vector<2048x128xf32>
    %gt3A_23 = arith.cmpf ogt, %add3A_21, %gt3A_22 : vector<2048x128xf32>
    %exp3A = math.exp %add3A_21 : vector<2048x128xf32>
    %sub3A = arith.constant 1.000000e+00 : f32
    %sub3A_24 = vector.broadcast %sub3A : f32 to vector<2048x128xf32>
    %sub3A_25 = arith.subf %exp3A, %sub3A_24 : vector<2048x128xf32>
    %select_n3A = arith.select %gt3A_23, %add3A_21, %sub3A_25 : vector<2048x128xi1>, vector<2048x128xf32>
    %get3A_26 = arith.constant 0 : index
    %get3A_27 = arith.constant 0 : index
    %get3A_28 = vector.load %arg4[%get3A_26, %get3A_27] : memref<128x40xf32, #tpu.memory_space<vmem>>, vector<128x40xf32>
    %dot_general3A_29 = arith.constant dense<0.000000e+00> : vector<2048x40xf32>
    %dot_general3A_30 = tpu.matmul %select_n3A, %get3A_28, %dot_general3A_29 {dimension_numbers = #tpu.dot_dimension_numbers<[1], [0], [0], [1], [0, 0, 1, 1], [], []>, transpose_lhs_hint = false} : vector<2048x128xf32>, vector<128x40xf32>, vector<2048x40xf32> -> vector<2048x40xf32>
    %get3A_31 = arith.constant 0 : index
    %get3A_32 = arith.constant 0 : index
    %get3A_33 = vector.load %arg5[%get3A_31, %get3A_32] : memref<40x1xf32, #tpu.memory_space<vmem>>, vector<40x1xf32>
    %dot_general3A_34 = arith.constant dense<0.000000e+00> : vector<2048x1xf32>
    %dot_general3A_35 = tpu.matmul %dot_general3A_30, %get3A_33, %dot_general3A_34 {dimension_numbers = #tpu.dot_dimension_numbers<[1], [0], [0], [1], [0, 0, 1, 1], [], []>, transpose_lhs_hint = false} : vector<2048x40xf32>, vector<40x1xf32>, vector<2048x1xf32> -> vector<2048x1xf32>
    %get3A_36 = arith.constant 0 : index
    %get3A_37 = arith.constant 0 : index
    %get3A_38 = vector.load %arg6[%get3A_36, %get3A_37] : memref<40x1xf32, #tpu.memory_space<vmem>>, vector<40x1xf32>
    %dot_general3A_39 = arith.constant dense<0.000000e+00> : vector<2048x1xf32>
    %dot_general3A_40 = tpu.matmul %dot_general3A_30, %get3A_38, %dot_general3A_39 {dimension_numbers = #tpu.dot_dimension_numbers<[1], [0], [0], [1], [0, 0, 1, 1], [], []>, transpose_lhs_hint = false} : vector<2048x40xf32>, vector<40x1xf32>, vector<2048x1xf32> -> vector<2048x1xf32>
    %broadcast_in_dim3A = arith.constant 1.000000e+00 : f32
    %broadcast_in_dim3A_41 = vector.broadcast %broadcast_in_dim3A : f32 to vector<2048x1xf32>
    %broadcast_in_dim3A_42 = arith.constant 0.000000e+00 : f32
    %broadcast_in_dim3A_43 = vector.broadcast %broadcast_in_dim3A_42 : f32 to vector<2048x6xf32>
    %broadcast_in_dim3A_44 = arith.constant 0.000000e+00 : f32
    %broadcast_in_dim3A_45 = vector.broadcast %broadcast_in_dim3A_44 : f32 to vector<2048x9xf32>
    %concatenate3A = tpu.concatenate %dot_general3A_30, %broadcast_in_dim3A_41, %dot_general3A_35, %broadcast_in_dim3A_43 in 1 : vector<2048x40xf32>, vector<2048x1xf32>, vector<2048x1xf32>, vector<2048x6xf32> -> vector<2048x48xf32>
    %swap3A = arith.constant 0 : index
    %swap3A_46 = arith.constant 0 : index
    %swap3A_47 = vector.load %arg7[%swap3A, %swap3A_46] : memref<2048x48xf32, #tpu.memory_space<vmem>>, vector<2048x48xf32>
    tpu.vector_store %arg7[%swap3A, %swap3A_46], %concatenate3A {strides = array<i32>} : memref<2048x48xf32, #tpu.memory_space<vmem>>, vector<2048x48xf32>,
    %concatenate3A_48 = tpu.concatenate %broadcast_in_dim3A_45, %dot_general3A_40, %broadcast_in_dim3A_43 in 1 : vector<2048x9xf32>, vector<2048x1xf32>, vector<2048x6xf32> -> vector<2048x16xf32>
    %swap3A_49 = arith.constant 0 : index
    %swap3A_50 = arith.constant 0 : index
    %swap3A_51 = vector.load %arg8[%swap3A_49, %swap3A_50] : memref<2048x16xf32, #tpu.memory_space<vmem>>, vector<2048x16xf32>
    tpu.vector_store %arg8[%swap3A_49, %swap3A_50], %concatenate3A_48 {strides = array<i32>} : memref<2048x16xf32, #tpu.memory_space<vmem>>, vector<2048x16xf32>,
    %reduce_max3A = arith.constant dense<0xFF800000> : vector<1xf32>
    %reduce_max3A_52 = vector.multi_reduction <maximumf>, %dot_general3A_35, %reduce_max3A [0] : vector<2048x1xf32> to vector<1xf32>
    %broadcast_in_dim3A_53 = vector.shape_cast %reduce_max3A_52 : vector<1xf32> to vector<1x1xf32>
    %reduce_max3A_54 = arith.constant dense<0xFF800000> : vector<1xf32>
    %reduce_max3A_55 = vector.multi_reduction <maximumf>, %dot_general3A_40, %reduce_max3A_54 [0] : vector<2048x1xf32> to vector<1xf32>
    %broadcast_in_dim3A_56 = vector.shape_cast %reduce_max3A_55 : vector<1xf32> to vector<1x1xf32>
    %broadcast_in_dim3A_57 = arith.constant 0.000000e+00 : f32
    %broadcast_in_dim3A_58 = vector.broadcast %broadcast_in_dim3A_57 : f32 to vector<1x14xf32>
    %concatenate3A_59 = tpu.concatenate %broadcast_in_dim3A_53, %broadcast_in_dim3A_56, %broadcast_in_dim3A_58 in 1 : vector<1x1xf32>, vector<1x1xf32>, vector<1x14xf32> -> vector<1x16xf32>
    %eq3A = arith.constant 0 : i32
    %eq3A_60 = arith.cmpi eq, %arg0, %eq3A : i32
    %convert_element_type3A = arith.extui %eq3A_60 : i1 to i32
    %cond3A = arith.constant 0 : i32
    %cond3A_61 = arith.cmpi ne, %convert_element_type3A, %cond3A : i32
    scf.if %cond3A_61 {
      %swap3A_67 = arith.constant 0 : index
      %swap3A_68 = arith.constant 0 : index
      %swap3A_69 = vector.load %arg9[%swap3A_67, %swap3A_68] : memref<1x16xf32, #tpu.memory_space<vmem>>, vector<1x16xf32>
      tpu.vector_store %arg9[%swap3A_67, %swap3A_68], %concatenate3A_59 {strides = array<i32>} : memref<1x16xf32, #tpu.memory_space<vmem>>, vector<1x16xf32>,
    } else {
    }
    %gt3A_62 = arith.constant 0 : i32
    %gt3A_63 = arith.cmpi sgt, %arg0, %gt3A_62 : i32
    %convert_element_type3A_64 = arith.extui %gt3A_63 : i1 to i32
    %cond3A_65 = arith.constant 0 : i32
    %cond3A_66 = arith.cmpi ne, %convert_element_type3A_64, %cond3A_65 : i32
    scf.if %cond3A_66 {
      %get3A_67 = arith.constant 0 : index
      %get3A_68 = arith.constant 0 : index
      %get3A_69 = vector.load %arg9[%get3A_67, %get3A_68] : memref<1x16xf32, #tpu.memory_space<vmem>>, vector<1x16xf32>
      %max3A = arith.maximumf %get3A_69, %concatenate3A_59 : vector<1x16xf32>
      %swap3A_70 = arith.constant 0 : index
      %swap3A_71 = arith.constant 0 : index
      %swap3A_72 = vector.load %arg9[%swap3A_70, %swap3A_71] : memref<1x16xf32, #tpu.memory_space<vmem>>, vector<1x16xf32>
      tpu.vector_store %arg9[%swap3A_70, %swap3A_71], %max3A {strides = array<i32>} : memref<1x16xf32, #tpu.memory_space<vmem>>, vector<1x16xf32>,
    } else {
    }
    return
  }
  func.func @transform_0(%arg0: i32) -> (i32, i32, i32) {
    %c0_i32 = arith.constant 0 : i32
    %c0_i32_0 = arith.constant 0 : i32
    %c0_i32_1 = arith.constant 0 : i32
    return %c0_i32, %arg0, %c0_i32_0 : i32, i32, i32
  }
  func.func @transform_1(%arg0: i32) -> (i32, i32) {
    %c0_i32 = arith.constant 0 : i32
    %c0_i32_0 = arith.constant 0 : i32
    %c0_i32_1 = arith.constant 0 : i32
    return %c0_i32, %c0_i32_0 : i32, i32
  }
  func.func @transform_2(%arg0: i32) -> (i32, i32) {
    %c0_i32 = arith.constant 0 : i32
    %c0_i32_0 = arith.constant 0 : i32
    %c0_i32_1 = arith.constant 0 : i32
    return %c0_i32, %c0_i32_0 : i32, i32
  }
  func.func @transform_3(%arg0: i32) -> (i32, i32) {
    %c0_i32 = arith.constant 0 : i32
    %c0_i32_0 = arith.constant 0 : i32
    %c0_i32_1 = arith.constant 0 : i32
    return %c0_i32, %c0_i32_0 : i32, i32
  }
  func.func @transform_4(%arg0: i32) -> (i32, i32) {
    %c0_i32 = arith.constant 0 : i32
    %c0_i32_0 = arith.constant 0 : i32
    %c0_i32_1 = arith.constant 0 : i32
    return %c0_i32, %c0_i32_0 : i32, i32
  }
  func.func @transform_5(%arg0: i32) -> (i32, i32) {
    %c0_i32 = arith.constant 0 : i32
    %c0_i32_0 = arith.constant 0 : i32
    %c0_i32_1 = arith.constant 0 : i32
    return %c0_i32, %c0_i32_0 : i32, i32
  }
  func.func @transform_6(%arg0: i32) -> (i32, i32) {
    %c0_i32 = arith.constant 0 : i32
    %c0_i32_0 = arith.constant 0 : i32
    return %arg0, %c0_i32 : i32, i32
  }
  func.func @transform_7(%arg0: i32) -> (i32, i32) {
    %c0_i32 = arith.constant 0 : i32
    %c0_i32_0 = arith.constant 0 : i32
    return %arg0, %c0_i32 : i32, i32
  }
  func.func @transform_8(%arg0: i32) -> (i32, i32) {
    %c0_i32 = arith.constant 0 : i32
    %c0_i32_0 = arith.constant 0 : i32
    %c0_i32_1 = arith.constant 0 : i32
    return %c0_i32, %c0_i32_0 : i32, i32
  }
}

module attributes {stable_mosaic.version = 14 : i64} {
  func.func @_s5_body(%arg0: i32, %arg1: memref<2x2000x48xf32, #tpu.memory_space<vmem>>, %arg2: memref<1x40xf32, #tpu.memory_space<vmem>>, %arg3: memref<2000x40xf32, #tpu.memory_space<vmem>>) attributes {dimension_semantics = [#tpu.dimension_semantics<arbitrary>], iteration_bounds = array<i64: 5>, scalar_prefetch = 0 : i64, scratch_operands = 0 : i64, tpu.core_type = #tpu.core_type<tc>, window_params = [{transform_indices = @transform_0, window_bounds = array<i64: 2, 2000, 48>}, {pipeline_mode = #tpu.pipeline_mode<synchronous>, transform_indices = @transform_1, window_bounds = array<i64: 1, 40>}, {transform_indices = @transform_2, window_bounds = array<i64: 2000, 40>}]} {
    %get3A = arith.constant 0 : index
    %get3A_0 = arith.constant 0 : index
    %get3A_1 = arith.constant 0 : index
    %get3A_2 = vector.load %arg1[%get3A, %get3A_0, %get3A_1] : memref<2x2000x48xf32, #tpu.memory_space<vmem>>, vector<1x2000x48xf32>
    %get3A_3 = vector.shape_cast %get3A_2 : vector<1x2000x48xf32> to vector<2000x48xf32>
    %get3A_4 = arith.constant 1 : index
    %get3A_5 = arith.constant 0 : index
    %get3A_6 = arith.constant 0 : index
    %get3A_7 = vector.load %arg1[%get3A_4, %get3A_5, %get3A_6] : memref<2x2000x48xf32, #tpu.memory_space<vmem>>, vector<1x2000x48xf32>
    %get3A_8 = vector.shape_cast %get3A_7 : vector<1x2000x48xf32> to vector<2000x48xf32>
    %add3A = arith.addf %get3A_3, %get3A_8 : vector<2000x48xf32>
    %slice3A = vector.extract_strided_slice %add3A {offsets = [0, 40], sizes = [2000, 1], strides = [1, 1]} : vector<2000x48xf32> to vector<2000x1xf32>
    %slice3A_9 = vector.extract_strided_slice %add3A {offsets = [0, 0], sizes = [2000, 40], strides = [1, 1]} : vector<2000x48xf32> to vector<2000x40xf32>
    %add3A_10 = arith.constant 1.000000e-16 : f32
    %add3A_11 = vector.broadcast %add3A_10 : f32 to vector<2000x1xf32>
    %add3A_12 = arith.addf %slice3A, %add3A_11 : vector<2000x1xf32>
    %div3A = vector.broadcast %add3A_12 : vector<2000x1xf32> to vector<2000x40xf32>
    %div3A_13 = arith.divf %slice3A_9, %div3A : vector<2000x40xf32>
    %get3A_14 = arith.constant 0 : index
    %get3A_15 = arith.constant 0 : index
    %get3A_16 = vector.load %arg2[%get3A_14, %get3A_15] : memref<1x40xf32, #tpu.memory_space<vmem>>, vector<1x40xf32>
    %add3A_17 = vector.broadcast %get3A_16 : vector<1x40xf32> to vector<2000x40xf32>
    %add3A_18 = arith.addf %div3A_13, %add3A_17 : vector<2000x40xf32>
    %reduce_max3A = arith.constant dense<0xFF800000> : vector<2000xf32>
    %reduce_max3A_19 = vector.multi_reduction <maximumf>, %add3A_18, %reduce_max3A [1] : vector<2000x40xf32> to vector<2000xf32>
    %broadcast_in_dim3A = vector.shape_cast %reduce_max3A_19 : vector<2000xf32> to vector<2000x1xf32>
    %sub3A = vector.broadcast %broadcast_in_dim3A : vector<2000x1xf32> to vector<2000x40xf32>
    %sub3A_20 = arith.subf %add3A_18, %sub3A : vector<2000x40xf32>
    %exp3A = math.exp %sub3A_20 : vector<2000x40xf32>
    %reduce_sum3A = arith.constant dense<0.000000e+00> : vector<2000xf32>
    %reduce_sum3A_21 = vector.multi_reduction <add>, %exp3A, %reduce_sum3A [1] : vector<2000x40xf32> to vector<2000xf32>
    %broadcast_in_dim3A_22 = vector.shape_cast %reduce_sum3A_21 : vector<2000xf32> to vector<2000x1xf32>
    %log3A = math.log %broadcast_in_dim3A_22 : vector<2000x1xf32>
    %sub3A_23 = vector.broadcast %log3A : vector<2000x1xf32> to vector<2000x40xf32>
    %sub3A_24 = arith.subf %sub3A_20, %sub3A_23 : vector<2000x40xf32>
    %swap3A = arith.constant 0 : index
    %swap3A_25 = arith.constant 0 : index
    %swap3A_26 = vector.load %arg3[%swap3A, %swap3A_25] : memref<2000x40xf32, #tpu.memory_space<vmem>>, vector<2000x40xf32>
    tpu.vector_store %arg3[%swap3A, %swap3A_25], %sub3A_24 {strides = array<i32>} : memref<2000x40xf32, #tpu.memory_space<vmem>>, vector<2000x40xf32>,
    return
  }
  func.func @transform_0(%arg0: i32) -> (i32, i32, i32) {
    %c0_i32 = arith.constant 0 : i32
    %c0_i32_0 = arith.constant 0 : i32
    %c0_i32_1 = arith.constant 0 : i32
    return %c0_i32, %arg0, %c0_i32_0 : i32, i32, i32
  }
  func.func @transform_1(%arg0: i32) -> (i32, i32) {
    %c0_i32 = arith.constant 0 : i32
    %c0_i32_0 = arith.constant 0 : i32
    %c0_i32_1 = arith.constant 0 : i32
    return %c0_i32, %c0_i32_0 : i32, i32
  }
  func.func @transform_2(%arg0: i32) -> (i32, i32) {
    %c0_i32 = arith.constant 0 : i32
    %c0_i32_0 = arith.constant 0 : i32
    return %arg0, %c0_i32 : i32, i32
  }
}

</mosaic_0001>

<sc_bundles>
// kernel: kernel.10.cloned.1.call-start
scs
__scs_entry_jumppad:
0x0: {  	(pc) =	sbr.rel $0x88, $3  }
0x1: {  	(tag) =	ssettag $0x0;
	lr =	simm.s32 $0x1  }
0x2: {  	[smem:$0x3F97] =	sst lr;
	_ =	strace $0xD0000000  }
0x3: {  	_ = 	snop  }
0x4: {  	_ = 	snop  }
0x5: {  	_ = 	snop  }
0x6: {  	_ = 	snop  }
0x7: {  	_ = 	snop  }
__scs_overlays_trampoline_lowered:
0x8: {  	[smem:$0x3FA6] =	sst s0  }
0x9: {  	[smem:$0x3FA7] =	sst s1  }
0xa: {  	[smem:$0x3FA8] =	sst s2  }
0xb: {  	[smem:$0x3FA9] =	sst s3  }
0xc: {  	[smem:$0x3FAA] =	sst s4  }
0xd: {  	[smem:$0x3FAB] =	sst s5  }
0xe: {  	[smem:$0x3FAC] =	sst s6  }
0xf: {  	[smem:$0x3FAD] =	sst s7  }
0x10: {  	[smem:$0x3FAE] =	sst s8  }
0x11: {  	[smem:$0x3FAF] =	sst s9;
	s0 =	simm.s32 @!p0 $0x0  }
0x12: {  	s1 =	sld [smem:$0x3F95];
	s0 =	simm.s32 @p0 $0x1  }
0x13: {  	[smem:$0x3FB0] =	sst s0;
	s0 =	simm.s32 @!p1 $0x0  }
0x14: {  	s2 =	sld [smem:$0x3F94];
	s0 =	simm.s32 @p1 $0x1  }
0x15: {  	[smem:$0x3FB1] =	sst s0;
	s0 =	simm.s32 @!p2 $0x0  }
0x16: {  	s3 =	sld [smem:$0x3FDB];
	s0 =	simm.s32 @p2 $0x1  }
0x17: {  	s4 =	simm.s32 $0x1BF5;
	[smem:$0x3FB3] =	sst s0  }
0x18: {  	s0 =	sld [smem:$0x3F96];
	_ =	swait.ge [sflag:s4], $0x0  }
0x19: {  	s7 =	sld [smem:$0x3F97]  }
0x1a: {  	s8 =	sadd.s32 $0xFFFFE003, lr  }
0x1b: {  	s9 =	sadd.s32 $0xFFFFFEF7, lr;
	s5 =	simm.s32 $0xFFFFFFFF;
	p2 =	slt.u32 s8, $0xFFFFF086  }
0x1c: {  	p1 =	slt.u32 s9, $0xF7A;
	s5 =	simm.s32 @!p2 $0x0  }
0x1d: {  	s5 =	simm.s32 @p1 $0x1;
	p0 =	seq.s32 s7, s2  }
0x1e: {  	s7 =	smul.u32 @!p0 $0xF7A, s2;
	p2 =	seq.s32 @!p0 s5, $0x0  }
0x1f: {  	s9 =	smul.u32 $0xF7A, s1;
	s8 =	simm.s32 @!p0 $0x1BF5;
	p2 =	por !p2, p0  }
0x20: {  	[sflag:s8] =	ssyncset.s32 @!p0 $0xFFFFF086;
	s6 =	sadd.s32 @!p0 s3, s7;
	s7 =	simm.s32 @!p0 $0x108  }
0x21: {  	s3 =	sadd.s32 s3, s9;
	s6 =	sadd.s32 @!p0 $0x88, s6;
	s7 =	simm.s32 @p2 $0x1082  }
0x22: {  	[simem:s7], [sflag:s8] =	dma.local @!p0 [hbm:s6], $0xF7A  }
0x23: {  	s9 =	sor.u32 $0xD0000000, s2;
	s6 =	simm.s32 $0x108;
	_ =	swait.ge @!p0 [sflag:s8], $0x0  }
0x24: {  	s3 =	sadd.s32 $0x88, s3;
	s6 =	simm.s32 @!p1 $0x1082;
	[sflag:s4] =	ssyncset.s32 $0xFFFFF086  }
0x25: {  	[simem:s6], [sflag:s4] =	dma.local [hbm:s3], $0xF7A  }
0x26: {  	[smem:$0x3F97] =	sst s1;
	(tag) =	ssettag s2;
	_ =	strace s9  }
0x27: {  	s1 =	sld [smem:$0x3FA7]  }
0x28: {  	s2 =	sld [smem:$0x3FA8]  }
0x29: {  	s4 =	sld [smem:$0x3FAA]  }
0x2a: {  	p0 =	seq.s32 s5, $0x0;
	s5 =	sld [smem:$0x3FAB]  }
0x2b: {  	s6 =	sld [smem:$0x3FAC]  }
0x2c: {  	s7 =	sld [smem:$0x3FAD]  }
0x2d: {  	s3 =	simm.s32 $0x108;
	s8 =	sld [smem:$0x3FAE]  }
0x2e: {  	s3 =	simm.s32 @!p0 $0x1082;
	s9 =	sld [smem:$0x3FAF]  }
0x2f: {  	lr =	sadd.s32 s0, s3;
	s0 =	sld [smem:$0x3FA6]  }
0x30: {  	s3 =	sld [smem:$0x3FA9]  }
0x31: {  	[smem:$0x3FB2] =	sst s10  }
0x32: {  	s10 =	sld [smem:$0x3FB0];
	_ =	sdelay $0x3  }
0x33: {  	p0 =	seq.s32 s10, $0x1;
	s10 =	sld [smem:$0x3FB2];
	_ =	sdelay $0x3  }
0x34: {  	[smem:$0x3FB2] =	sst s10  }
0x35: {  	s10 =	sld [smem:$0x3FB1];
	_ =	sdelay $0x3  }
0x36: {  	p1 =	seq.s32 s10, $0x1;
	s10 =	sld [smem:$0x3FB2];
	_ =	sdelay $0x3  }
0x37: {  	[smem:$0x3FB2] =	sst s10  }
0x38: {  	s10 =	sld [smem:$0x3FB3]  }
0x39: {  	_ = 	snop;
	(pc) =	sbr.ind lr, $3  }
0x3a: {  	_ = 	snop  }
0x3b: {  	_ = 	snop  }
0x3c: {  	p2 =	seq.s32 s10, $0x1;
	s10 =	sld [smem:$0x3FB2]  }
0x3d: {  	_ =	shalt  }
0x3e: {  	_ =	shalt  }
0x3f: {  	_ =	shalt  }
0x40: {  	_ =	shalt  }
0x41: {  	_ =	shalt  }
0x42: {  	_ =	shalt  }
0x43: {  	_ =	shalt  }
0x44: {  	_ =	shalt  }
0x45: {  	_ =	shalt  }
0x46: {  	_ =	shalt  }
0x47: {  	_ =	shalt  }
0x48: {  	_ =	shalt  }
0x49: {  	_ =	shalt  }
0x4a: {  	_ =	shalt  }
0x4b: {  	_ =	shalt  }
0x4c: {  	_ =	shalt  }
0x4d: {  	_ =	shalt  }
0x4e: {  	_ =	shalt  }
0x4f: {  	_ =	shalt  }
0x50: {  	_ =	shalt  }
0x51: {  	_ =	shalt  }
0x52: {  	_ =	shalt  }
0x53: {  	_ =	shalt  }
0x54: {  	_ =	shalt  }
0x55: {  	_ =	shalt  }
0x56: {  	_ =	shalt  }
0x57: {  	_ =	shalt  }
0x58: {  	_ =	shalt  }
0x59: {  	_ =	shalt  }
0x5a: {  	_ =	shalt  }
0x5b: {  	_ =	shalt  }
0x5c: {  	_ =	shalt  }
0x5d: {  	_ =	shalt  }
0x5e: {  	_ =	shalt  }
0x5f: {  	_ =	shalt  }
0x60: {  	_ =	shalt  }
0x61: {  	_ =	shalt  }
0x62: {  	_ =	shalt  }
0x63: {  	_ =	shalt  }
0x64: {  	_ =	shalt  }
0x65: {  	_ =	shalt  }
0x66: {  	_ =	shalt  }
0x67: {  	_ =	shalt  }
0x68: {  	_ =	shalt  }
0x69: {  	_ =	shalt  }
0x6a: {  	_ =	shalt  }
0x6b: {  	_ =	shalt  }
0x6c: {  	_ =	shalt  }
0x6d: {  	_ =	shalt  }
0x6e: {  	_ =	shalt  }
0x6f: {  	_ =	shalt  }
0x70: {  	_ =	shalt  }
0x71: {  	_ =	shalt  }
0x72: {  	_ =	shalt  }
0x73: {  	_ =	shalt  }
0x74: {  	_ =	shalt  }
0x75: {  	_ =	shalt  }
0x76: {  	_ =	shalt  }
0x77: {  	_ =	shalt  }
0x78: {  	_ =	shalt  }
0x79: {  	_ =	shalt  }
0x7a: {  	_ =	shalt  }
0x7b: {  	_ =	shalt  }
0x7c: {  	_ =	shalt  }
0x7d: {  	_ =	shalt  }
0x7e: {  	_ =	shalt  }
0x7f: {  	_ =	shalt  }
0x80: {  	_ =	shalt  }
0x81: {  	_ =	shalt  }
0x82: {  	_ =	shalt  }
0x83: {  	_ =	shalt  }
0x84: {  	_ =	shalt  }
0x85: {  	_ =	shalt  }
0x86: {  	_ =	shalt  }
0x87: {  	_ =	shalt  }
.Lfunc_end0:
.L_simem_size_0:
called_computation.1_lowered:
.L_overlay_start_0:
0x88: {  	s2 =	sld [smem:$0x3FD9]  }
0x89: {  	s3 =	sld [smem:$0x3FFE];
	_ =	sdelay $0x1  }
0x8a: {  	s1 =	srdreg.scid  }
0x8b: {  	s0 =	sand.u32 $0x1, s1  }
0x8c: {  	s17 =	sshll.u32 s0, $0xA;
	s2 =	sadd.s32 s3, s2  }
0x8d: {  	s2 =	sadd.s32 s2, s17  }
0x8e: {  	[smem:$0x3FBE] =	sst s2  }
0x8f: {  	_ = 	snop  }
0x90: {  	s2 =	sld [smem:$0x3FD0];
	(tm) =	ssettm $0x1  }
0x91: {  	s18 =	sld [smem:$0x3FFB];
	_ =	sdelay $0x3  }
0x92: {  	_ =	strace s18  }
0x93: {  	s3 =	sld [smem:$0x3FFC];
	_ =	sdelay $0x3  }
0x94: {  	_ =	strace s3  }
0x95: {  	s3 =	sld [smem:$0x3FFD];
	_ =	sdelay $0x3  }
0x96: {  	_ =	strace s3  }
0x97: {  	_ =	strace $0x8FFFFFFF  }
0x98: {  	s19 =	sld [smem:$0x3FDB];
	_ =	sdelay $0x1  }
0x99: {  	s4 =	simm.s32 $_scs_section_size  }
0x9a: {  	s5 =	simm.s32 $_size__tile_overlayer_lowered;
	s6 =	simm.s32 $_tile_overlayer_lowered  }
0x9b: {  	s22 =	simm.s32 $0x1BFF;
	s21 =	sshll.u32 s6, $0x1;
	s3 =	sadd.s32 s4, s19  }
0x9c: {  	s7 =	simm.s32 $0x0;
	s20 =	sshll.u32 s5, $0x1;
	s5 =	sadd.s32 s21, s3  }
0x9d: {  	[timem:s7], [sflag:s22] =	dma.local [hbm:s5], s20  }
0x9e: {  	_ =	swait.ge [sflag:s22], s20  }
0x9f: {  	s4 =	ssub.s32 $0x0, s20;
	[sflag:s22] =	ssyncset.done $0x0  }
0xa0: {  	[sflag:s22] =	ssyncadd.s32 s4;
	_ =	sdelay $0x1  }
0xa1: {  	s23 =	simm.s32 $0x1B8B  }
0xa2: {  	_ =	swait.ge [sflag:s23], $0x1  }
0xa3: {  	[sflag:s23] =	ssyncset.done $0x0  }
0xa4: {  	s25 =	simm.s32 $0x1B8E;
	s24 =	sld [smem:$0x3FFE];
	[sflag:s23] =	ssyncadd.s32 $0xFFFFFFFF  }
0xa5: {  	s26 =	simm.s32 $execute0_lowered;
	[smem:$0x3FD2] =	sst s25  }
0xa6: {  	s5 =	sshll.u32 s26, $0x1;
	_ =	strace $0x80000049;
	[dreg:$0x1] =	wrdreg $0xFFFFFFFF  }
0xa7: {  	s28 =	simm.s32 $_size_execute0_lowered;
	s3 =	sadd.s32 s3, s5;
	[dreg:$0x0] =	wrdreg $0x0  }
0xa8: {  	s5 =	sshll.u32 s28, $0x1;
	[dreg:$0x2] =	wrdreg s3  }
0xa9: {  	[dreg:$0x3] =	wrdreg s5  }
0xaa: {  	[dreg:$0x4] =	wrdreg $0xC0  }
0xab: {  	_ =	task [dreg:s7], $0x5FFFF  }
0xac: {  	[dreg:$0x1] =	wrdreg $0xFFFFFFFF  }
0xad: {  	[dreg:$0x0] =	wrdreg $0x60  }
0xae: {  	[dreg:$0x2] =	wrdreg s24  }
0xaf: {  	[dreg:$0x3] =	wrdreg s2  }
0xb0: {  	[dreg:$0x4] =	wrdreg $0x2A900  }
0xb1: {  	[dreg:$0x5] =	wrdreg $0x9  }
0xb2: {  	_ =	task.clear_ibuf [dreg:s7], $0x6FFFF;
	_ =	strace $0x90000049  }
0xb3: {  	s29 =	simm.s32 $0x9;
	_ =	strace $0x8000004B  }
0xb4: {  	_ =	swait.ge [sflag:s29], $0x1  }
0xb5: {  	[sflag:s29] =	ssyncadd.s32 $0xFFFFFFFF  }
0xb6: {  	_ =	strace $0x9000004B  }
0xb7: {  	_ =	sfence  }
0xb8: {  	s30 =	sld [smem:$0x0];
	_ =	sdelay $0x2  }
0xb9: {  	s31 =	sshll.u32 s1, $0xD;
	s1 =	sshrl.u32 s1, $0x2  }
0xba: {  	s3 =	sand.u32 $0x4000, s31;
	s1 =	sadd.s32 s1, s30  }
0xbb: {  	s0 =	sor.u32 s3, s0;
	s1 =	sshll.u32 s1, $0x11  }
0xbc: {  	s0 =	sor.u32 s1, s0  }
0xbd: {  	s0 =	sadd.s32 $0x8F2B, s0  }
0xbe: {  	[sflag:s0] =	ssyncadd.remote.s32 $0x1  }
0xbf: {  	_ =	sfence.sel $0xFFFF  }
0xc0: {  	[dreg:$0x0] =	wrdreg $0xFFFFFFFF;
	(pc) =	sbr.abs _section_cstart, $3  }
0xc1: {  	[dreg:$0x1] =	wrdreg $0xFFFFFFFF  }
0xc2: {  	_ =	task.clear_ibuf [dreg:s7], $0x2FFFF;
	_ =	strace $0x9FFFFFFF  }
0xc3: {  	(tm) =	ssettm $0x7FFFFFFF  }
tec
execute0_lowered:
.L_overlay_start_1:
0x0: {  	(tag) =	ssettag $0x1  }
0x1: {  	s0 =	rddreg [dreg:$0x0]  }
0x2: {  	s1 =	rddreg [dreg:$0x1]  }
0x3: {  	s2 =	rddreg [dreg:$0x2];
	s4 =	simm.s32 $0x0;
	s3 =	srdreg.scid  }
0x4: {  	s13 =	stileid.u32;
	s28 =	simm.s32 $0xF0;
	s30 =	simm.s32 $0x280  }
0x5: {  	s14 =	simm.s32 $0x7;
	s15 =	simm.s32 $0x9;
	s29 =	simm.s32 $0x4  }
0x6: {  	[smem:$0x7FF] =	sst s4;
	s3 =	sand.u32 $0x1, s3;
	s8 =	smul.u32 $0x7800, s13  }
0x7: {  	s5 =	sadd.s32 $0x2200, s0;
	s6 =	sadd.s32 $0x2F000, s0;
	s7 =	sadd.s32 $0x42A00, s0  }
0x8: {  	s11 =	sadd.s32 $0x11200, s0;
	s17 =	sadd.s32 $0x2000, s0;
	s20 =	sshll.u32 s13, $0x6  }
0x9: {  	s24 =	sadd.s32 $0x42A0A, s0;
	_ =	strace $0x8000004A;
	[dreg:$0x4] =	wrdreg s11  }
0xa: {  	s9 =	smul.u32 $0x78000, s3;
	s10 =	sshll.u32 s3, $0x4;
	[dreg:$0x5] =	wrdreg s17  }
0xb: {  	s3 =	ssub.s32 $0x2, s3;
	[dreg:$0xb] =	wrdreg s24;
	s24 =	simm.s32 $0x190  }
0xc: {  	s11 =	simm.s32 $0x6;
	s10 =	sor.u32 s13, s10;
	s19 =	sshrl.u32 s3, $0x1  }
0xd: {  	s13 =	simm.s32 $0x5;
	s16 =	sadd.s32 s8, s9;
	s3 =	ssub.s32 s3, s19  }
0xe: {  	s9 =	smul.u32 $0x2710, s10;
	s8 =	sadd.s32 s8, s2;
	s31 =	smax.u32 s3, $0x1  }
0xf: {  	s18 =	sshrl.u32 s16, $0x3;
	s16 =	sor.u32 $0x1C0B, s20;
	[dreg:$0xf] =	wrdreg s31  }
0x10: {  	s17 =	sshrl.u32 s8, $0x3;
	s8 =	simm.s32 $0x1180;
	[dreg:$0x7] =	wrdreg s16  }
0x11: {  	s10 =	sadd.s32 s18, s0;
	s0 =	sadd.s32 $0x42A28, s0;
	[dreg:$0x10] =	wrdreg s17  }
0x12: {  	s12 =	sshrl.u32 s9, $0x3;
	s25 =	sadd.s32 $0x140, s9;
	[dreg:$0xc] =	wrdreg s0  }
0x13: {  	s20 =	simm.s32 $0x230;
	s12 =	sadd.s32 s6, s12;
	[dreg:$0xd] =	wrdreg s25  }
0x14: {  	s19 =	sadd.s32 $0x190, s9;
	s26 =	sadd.s32 $0x42C00, s10;
	[dreg:$0x6] =	wrdreg s12  }
0x15: {  	s18 =	simm.s32 $0xB;
	s21 =	sadd.s32 $0x9C40, s12;
	[dreg:$0xe] =	wrdreg s26  }
0x16: {  	s25 =	simm.s32 $0x50;
	s22 =	sadd.s32 $0xA, s12;
	[dreg:$0x8] =	wrdreg s21  }
0x17: {  	s0 =	simm.s32 $0x2;
	s23 =	sadd.s32 $0x9C4A, s12;
	[dreg:$0x9] =	wrdreg s22  }
0x18: {  	s10 =	simm.s32 $0x2580;
	s12 =	simm.s32 $0x8;
	[dreg:$0xa] =	wrdreg s23  }
0x19: {  	v0 =	vimm.s32 $0x9;
	s21 =	simm.s32 $0x3;
	s22 =	simm.s32 $0xA;
	s23 =	simm.s32 $0x0  }
.LBB2_1:
0x1a: {  	[dreg:$0x11] =	wrdreg s23  }
0x1b: {  	s3 =	rddreg [dreg:$0x4]  }
0x1c: {  	[spmem:s17], [sflag:s16] =	dma.local [hbm:s3], $0xF00  }
0x1d: {  	_ =	swait.ge [sflag:s18], $0xF00  }
0x1e: {  	[sflag:s18] =	ssyncset.done $0x0  }
0x1f: {  	s26 =	simm.s32 $0x2A80;
	s23 =	rddreg [dreg:$0x5];
	[sflag:s18] =	ssyncadd.s32 $0xFFFFF100  }
0x20: {  	[tilespmem:s26], [sflag:$0xB] =	stream.linear.gather [hbm4b:s23+s4], $0x10, $0x38;
	[tilespmem:$0xA290] =	vst v63  }
0x21: {  	_ =	swait.ge [sflag:s18], $0x10  }
0x22: {  	[sflag:s18] =	ssyncset.done $0x0  }
0x23: {  	[sflag:s18] =	ssyncadd.s32 $0xFFFFFFF0  }
0x24: {  	[bflag:$0x0] =	sbarrier.arrive $0xFFFF  }
0x25: {  	s31 =	rddreg [dreg:$0x6]  }
0x26: {  	v1 =	vld [tilespmem:$0x2A80];
	[tilespmem:s4], [sflag:$0x1] =	stream.linear.gather [hbm4b:s31+s4], $0x50, $0x38  }
0x27: {  	s16 =	rddreg [dreg:$0x8]  }
0x28: {  	[tilespmem:s25], [sflag:$0x1] =	stream.linear.gather [hbm4b:s16+s4], $0x50, $0x38;
	[tilespmem:$0xA290] =	vst v63  }
0x29: {  	s18 =	simm.s32 $0xA0;
	s17 =	rddreg [dreg:$0x9]  }
0x2a: {  	[tilespmem:s18], [sflag:$0x2] =	stream.linear.gather [hbm4b:s17+s4], $0x50, $0x38;
	[tilespmem:$0xA290] =	vst v63  }
0x2b: {  	s26 =	simm.s32 $0x1;
	s23 =	rddreg [dreg:$0xa]  }
0x2c: {  	[tilespmem:s28], [sflag:$0x2] =	stream.linear.gather [hbm4b:s23+s4], $0x50, $0x38;
	[tilespmem:$0xA290] =	vst v63  }
0x2d: {  	_ =	swait.ge [sflag:s26], $0x50  }
0x2e: {  	[sflag:s26] =	ssyncset.done $0x0  }
0x2f: {  	[sflag:s26] =	ssyncadd.s32 $0xFFFFFFB0  }
0x30: {  	_ =	swait.ge [sflag:s26], $0x50  }
0x31: {  	[sflag:s26] =	ssyncset.done $0x0  }
0x32: {  	[sflag:s26] =	ssyncadd.s32 $0xFFFFFFB0  }
0x33: {  	[tilespmem:s30], [sflag:$0x5] =	stream.indirect.gather [hbm4b:s5+s25], $0x30, s4, s25, $0xb8;
	[tilespmem:$0xA290] =	vst v63  }
0x34: {  	s31 =	simm.s32 $0x2080;
	s23 =	simm.s32 $0x0  }
0x35: {  	[tilespmem:s31], [sflag:$0x7] =	stream.indirect.gather [hbm4b:s1+s25], $0x10, s25, s25, $0xb8;
	[tilespmem:$0xA290] =	vst v63  }
.LBB2_2:
0x36: {  	s26 =	sshll.u32 s23, $0x2;
	p0 =	seq.s32 s23, $0x0  }
0x37: {  	s3 =	sor.u32 @!p0 $0x2, s26  }
0x38: {  	p1 =	sgt.u32 @!p0 s3, $0x7C  }
0x39: {  	p1 =	por p0, !p1  }
.Ltmp0:
0x3a: {  	_ = 	snop;
	(pc) =	sbr.rel @!p1 .LBB2_4-.Ltmp0, $4  }
0x3b: {  	s16 =	simm.s32 @!p0 $0xA  }
0x3c: {  	_ =	swait.ge @!p0 [sflag:s16], $0xF00  }
0x3d: {  	[sflag:s16] =	ssyncset.done @!p0 $0x0  }
0x3e: {  	[sflag:s16] =	ssyncadd.s32 @!p0 $0xFFFFF100  }
0x3f: {  	s3 =	simm.s32 @p0 $0x2  }
0x40: {  	s3 =	smul.u32 $0x50, s3;
	_ =	sdelay $0x1  }
0x41: {  	s3 =	sadd.s32 s9, s3  }
0x42: {  	s3 =	sshrl.u32 s3, $0x3  }
0x43: {  	s16 =	simm.s32 $0x140;
	s3 =	sadd.s32 s6, s3  }
0x44: {  	[tilespmem:s16], [sflag:$0x3] =	stream.linear.gather [hbm4b:s3+s4], $0x50, $0x38;
	[tilespmem:$0xA290] =	vst v63  }
0x45: {  	s3 =	sadd.s32 $0x9C40, s3  }
0x46: {  	[tilespmem:s24], [sflag:$0x3] =	stream.linear.gather [hbm4b:s3+s4], $0x50, $0x38;
	[tilespmem:$0xA290] =	vst v63  }
.LBB2_4:
0x47: {  	p0 =	sne.s32 s23, $0x1F  }
0x48: {  	s17 =	rddreg [dreg:$0xb];
	s3 =	simm.s32 @!p0 $0x0;
	s16 =	simm.s32 @!p0 $0x140  }
0x49: {  	[tilespmem:s16], [sflag:$0x3] =	stream.linear.gather @!p0 [hbm4b:s17+s3], $0x50, $0x38;
	[tilespmem:$0xA290] =	vst v63  }
0x4a: {  	s16 =	simm.s32 @!p0 $0x190;
	s17 =	rddreg [dreg:$0xc]  }
0x4b: {  	[tilespmem:s16], [sflag:$0x3] =	stream.linear.gather @!p0 [hbm4b:s17+s3], $0x50, $0x38;
	[tilespmem:$0xA290] =	vst v63  }
0x4c: {  	_ =	swait.ge [sflag:s0], $0x50  }
0x4d: {  	[sflag:s0] =	ssyncset.done $0x0  }
0x4e: {  	[sflag:s0] =	ssyncadd.s32 $0xFFFFFFB0  }
0x4f: {  	_ =	swait.ge [sflag:s0], $0x50  }
0x50: {  	[sflag:s0] =	ssyncset.done $0x0  }
0x51: {  	s16 =	simm.s32 $0xA0;
	[sflag:s0] =	ssyncadd.s32 $0xFFFFFFB0  }
0x52: {  	[tilespmem:s8], [sflag:$0x6] =	stream.indirect.gather [hbm4b:s5+s25], $0x30, s16, s25, $0xb8;
	[tilespmem:$0xA290] =	vst v63  }
0x53: {  	_ = 	snop  }
0x54: {  	[tilespmem:s10], [sflag:$0x8] =	stream.indirect.gather [hbm4b:s1+s25], $0x10, s28, s25, $0xb8;
	[tilespmem:$0xA290] =	vst v63  }
0x55: {  	_ =	swait.ge [sflag:s13], $0xF00  }
0x56: {  	[sflag:s13] =	ssyncset.done $0x0  }
0x57: {  	[sflag:s13] =	ssyncadd.s32 $0xFFFFF100  }
0x58: {  	_ =	swait.ge [sflag:s14], $0x500  }
0x59: {  	[sflag:s14] =	ssyncset.done $0x0  }
0x5a: {  	s17 =	simm.s32 $0x20C0;
	[sflag:s14] =	ssyncadd.s32 $0xFFFFFB00  }
0x5b: {  	s31 =	simm.s32 $0x340;
	v2 =	vld [tilespmem:s17+$0xFFFFFFE0]  }
0x5c: {  	v20 =	vld [tilespmem:s31+$0xFFFFFF60]  }
0x5d: {  	v3 =	vld [tilespmem:s17+$0x10]  }
0x5e: {  	v9 =	vld [tilespmem:s31+$0xFFFFFF90]  }
0x5f: {  	v4 =	vld [tilespmem:s17+$0xFFFFFFD0]  }
0x60: {  	v12 =	vld [tilespmem:s31+$0xFFFFFFC0]  }
0x61: {  	v8 =	vld [tilespmem:s17+$0x30]  }
0x62: {  	v17 =	vld [tilespmem:s31+$0x50]  }
0x63: {  	v6 =	vld [tilespmem:s31+$0xB0]  }
0x64: {  	v11 =	vld [tilespmem:s17+$0x0]  }
0x65: {  	v13 =	vld [tilespmem:s17+$0x20];
	v4 =	vadd.f32 v4, v9  }
0x66: {  	v14 =	vld [tilespmem:s17+$0xFFFFFFC0]  }
0x67: {  	v5 =	vld [tilespmem:s31+$0x20];
	v7 =	vmul.f32 $2.000000030e-01, v4  }
0x68: {  	v23 =	vld [tilespmem:s31+$0x80];
	vm0 =	vgt.f32 v4, $0.0e+00  }
0x69: {  	v15 =	vld [tilespmem:s17+$0xFFFFFFF0];
	v2 =	vadd.f32 v2, v12;
	v4 =	vsel vm0, v4, v7  }
0x6a: {  	v10 =	vld [tilespmem:s31+$0xFFFFFFF0];
	v4 =	vsub.f32 v4, v1  }
0x6b: {  	v18 =	vld [tilespmem:s31+$0x40];
	v16 =	vmul.f32 $2.000000030e-01, v2  }
0x6c: {  	v19 =	vld [tilespmem:s31+$0xFFFFFFA0];
	v3 =	vadd.f32 v3, v17;
	vm0 =	vgt.f32 v2, $0.0e+00;
	v4 =	vmul.f32 $1.442695020e+00, v4  }
0x6d: {  	v21 =	vld [tilespmem:s31+$0xFFFFFF80];
	v2 =	vsel vm0, v2, v16  }
0x6e: {  	s18 =	simm.s32 $0x2140;
	v24 =	vld [tilespmem:s31+$0xFFFFFF70];
	v2 =	vsub.f32 v2, v1;
	(erf) = vpow2.f32 v4;
	v4 =	vmul.f32 $2.000000030e-01, v3  }
0x6f: {  	v25 =	vld [tilespmem:s18+$0xFFFFFFE0];
	v22 =	vadd.f32 v8, v6;
	vm0 =	vgt.f32 v3, $0.0e+00  }
0x70: {  	v26 =	vld [tilespmem:s18+$0x10];
	v2 =	vmul.f32 $1.442695020e+00, v2;
	v3 =	vsel vm0, v3, v4;
	v4 =	vadd.f32 v14, v20  }
0x71: {  	v28 =	vld [tilespmem:s18+$0x30];
	v15 =	vadd.f32 v15, v10;
	v11 =	vadd.f32 v11, v5  }
0x72: {  	v31 =	vld [tilespmem:s18+$0xFFFFFFD0];
	(erf) = vpow2.f32 v2;
	v8 =	vsub.f32 v3, v1;
	v2 =	vmul.f32 $2.000000030e-01, v4  }
0x73: {  	v33 =	vld [tilespmem:s18+$0x20];
	v27 =	vmul.f32 $2.000000030e-01, v22;
	vm0 =	vgt.f32 v22, $0.0e+00;
	vm1 =	vgt.f32 v4, $0.0e+00  }
0x74: {  	v40 =	vld [tilespmem:s31+$0xFFFFFF50];
	v14 =	vadd.f32 v13, v23;
	v13 =	vmul.f32 $1.442695020e+00, v8;
	v2 =	vsel vm1, v4, v2  }
0x75: {  	s3 =	simm.s32 $0x4C0;
	v42 =	vld [tilespmem:s31+$0xFFFFFF40];
	v4 =	vsel vm0, v22, v27;
	v22 =	vmul.f32 $2.000000030e-01, v15;
	v2 =	vsub.f32 v2, v1  }
0x76: {  	v30 =	vmul.f32 $2.000000030e-01, v14;
	v8 =	vld [tilespmem:s3+$0xFFFFFFC0];
	vm0 =	vgt.f32 v15, $0.0e+00;
	(erf) = vpow2.f32 v13  }
0x77: {  	v16 =	vld [tilespmem:s31+$0xFFFFFFB0];
	vm2 =	vgt.f32 v14, $0.0e+00;
	v15 =	vsel vm0, v15, v22;
	v22 =	vmul.f32 $1.442695020e+00, v2  }
0x78: {  	v14 =	vsel vm2, v14, v30;
	v29 =	vsub.f32 v4, v1;
	v4 =	vld [tilespmem:s3+$0x50]  }
0x79: {  	v30 =	vmul.f32 $2.000000030e-01, v11;
	v37 =	vsub.f32 v14, v1;
	v27 =	vpop (erf);
	v2 =	vld [tilespmem:s3+$0xB0]  }
0x7a: {  	v13 =	vld [tilespmem:s3+$0xFFFFFF90];
	vm0 =	vgt.f32 v11, $0.0e+00;
	v29 =	vmul.f32 $1.442695020e+00, v29;
	v27 =	vperm.xlane v27, v0  }
0x7b: {  	v56 =	vld [tilespmem:s31+$0x30];
	v30 =	vsel vm0, v11, v30;
	v25 =	vadd.f32 v25, v8;
	(erf) = vpow2.f32 v22;
	v22 =	vpop (erf)  }
0x7c: {  	v7 =	vld [tilespmem:s31+$0xFFFFFFD0];
	v32 =	vmul.f32 v27, v24;
	v24 =	vsub.f32 v15, v1;
	v22 =	vperm.xlane v22, v0  }
0x7d: {  	v3 =	vld [tilespmem:s3+$0xFFFFFF60];
	v21 =	vmul.f32 v27, v21;
	v34 =	vmul.f32 v27, v9;
	v26 =	vadd.f32 v26, v4  }
0x7e: {  	v14 =	vld [tilespmem:s3+$0xFFFFFFF0];
	v24 =	vmul.f32 $1.442695020e+00, v24;
	v28 =	vadd.f32 v28, v2;
	v35 =	vmul.f32 v22, v19  }
0x7f: {  	v27 =	vld [tilespmem:s18+$0xFFFFFFC0];
	v19 =	vpop (erf);
	v36 =	vmul.f32 v22, v12;
	v22 =	vmul.f32 v22, v16;
	v16 =	vadd.f32 v31, v13  }
0x80: {  	v9 =	vld [tilespmem:s3+$0x80];
	v38 =	vmul.f32 $2.000000030e-01, v26;
	vm0 =	vgt.f32 v26, $0.0e+00;
	v39 =	vperm.xlane v19, v0  }
0x81: {  	v11 =	vld [tilespmem:s3+$0x20];
	vm1 =	vgt.f32 v28, $0.0e+00;
	(erf) = vpow2.f32 v24;
	v53 =	vmul.f32 $2.000000030e-01, v16  }
0x82: {  	v15 =	vld [tilespmem:s18+$0x0];
	v19 =	vsub.f32 v30, v1;
	v30 =	vmul.f32 v39, v18;
	v18 =	vmul.f32 $1.442695020e+00, v37  }
0x83: {  	[tilespmem:s31+$0xFFFFFF70] =	vst v32;
	v32 =	vld [tilespmem:s31+$0x60];
	v41 =	vmul.f32 $2.000000030e-01, v28;
	v26 =	vsel vm0, v26, v38;
	vm2 =	vgt.f32 v16, $0.0e+00  }
0x84: {  	v31 =	vld [tilespmem:s18+$0xFFFFFFF0];
	v24 =	vadd.f32 v27, v3;
	v37 =	vsel vm2, v16, v53;
	(erf) = vpow2.f32 v18  }
0x85: {  	[tilespmem:s31+$0xFFFFFF90] =	vst v34;
	v34 =	vld [tilespmem:s3+$0xFFFFFF70];
	v27 =	vmul.f32 $2.000000030e-01, v25;
	v44 =	vadd.f32 v33, v9;
	v37 =	vsub.f32 v37, v1  }
0x86: {  	[tilespmem:s31+$0xFFFFFF80] =	vst v21;
	v12 =	vld [tilespmem:s3+$0xFFFFFFD0];
	v62 =	vsub.f32 v26, v1;
	v21 =	vsel vm1, v28, v41;
	v43 =	vmul.f32 $1.442695020e+00, v19  }
0x87: {  	v26 =	vld [tilespmem:s3+$0xFFFFFF80];
	v17 =	vmul.f32 v39, v17;
	vm2 =	vgt.f32 v25, $0.0e+00;
	v55 =	vmul.f32 $1.442695020e+00, v37  }
0x88: {  	[tilespmem:s31+$0xFFFFFFB0] =	vst v22;
	v22 =	vld [tilespmem:s31+$0x0];
	v60 =	vsub.f32 v21, v1;
	v39 =	vmul.f32 v39, v56;
	v25 =	vsel vm2, v25, v27  }
0x89: {  	[tilespmem:s31+$0xFFFFFFA0] =	vst v35;
	v19 =	vld [tilespmem:s31+$0x90];
	v27 =	vmul.f32 $2.000000030e-01, v24;
	v59 =	vadd.f32 v31, v14;
	v18 =	vpop (erf);
	(erf) = vpow2.f32 v55  }
0x8a: {  	[tilespmem:s31+$0xFFFFFFC0] =	vst v36;
	v21 =	vld [tilespmem:s3+$0xFFFFFFB0];
	v57 =	vsub.f32 v25, v1;
	v54 =	vperm.xlane v18, v0;
	(erf) = vpow2.f32 v29  }
0x8b: {  	vm0 =	vgt.f32 v24, $0.0e+00;
	v16 =	vld [tilespmem:s31+$0xA0];
	[tilespmem:s31+$0x40] =	vst v30;
	v28 =	vmul.f32 $2.000000030e-01, v59;
	v33 =	vpop (erf);
	(erf) = vpow2.f32 v43  }
0x8c: {  	vm2 =	vgt.f32 v44, $0.0e+00;
	v30 =	vld [tilespmem:s31+$0xFFFFFFE0];
	[tilespmem:s31+$0x50] =	vst v17;
	v63 =	vmul.f32 $1.442695020e+00, v57;
	v20 =	vmul.f32 v54, v20  }
0x8d: {  	v31 =	vld [tilespmem:s31+$0x70];
	[tilespmem:s31+$0x30] =	vst v39;
	vm1 =	vgt.f32 v59, $0.0e+00;
	v25 =	vmul.f32 v54, v40;
	v58 =	vmul.f32 v54, v42;
	v61 =	vpop (erf)  }
0x8e: {  	v18 =	vld [tilespmem:s31+$0x10];
	v28 =	vsel vm1, v59, v28;
	v29 =	vmul.f32 $2.000000030e-01, v44;
	[tilespmem:s31+$0xFFFFFF60] =	vst v20;
	v35 =	vperm.xlane v61, v0  }
0x8f: {  	v17 =	vmul.f32 $1.442695020e+00, v60;
	v37 =	vmul.f32 $1.442695020e+00, v62;
	v28 =	vsub.f32 v28, v1;
	[tilespmem:s31+$0xFFFFFF50] =	vst v25;
	v20 =	vld [tilespmem:s3+$0x40]  }
0x90: {  	s16 =	simm.s32 $0x4C0;
	s17 =	simm.s32 $0x8;
	s18 =	simm.s32 $0x21C0;
	[tilespmem:s31+$0xFFFFFF40] =	vst v58;
	v25 =	vld [tilespmem:s3+$0xFFFFFFA0];
	v29 =	vsel vm2, v44, v29;
	(erf) = vpow2.f32 v63;
	v36 =	vmul.f32 v35, v23  }
.LBB2_5:
0x91: {  	v38 =	vld [tilespmem:s18+$0xFFFFFFE0];
	s17 =	sadd.s32 $0x8, s17;
	v24 =	vsel vm0, v24, v27;
	s3 =	sadd.s32 $0x180, s3;
	v27 =	vperm.xlane v33, v0;
	v32 =	vmul.f32 v35, v32  }
0x92: {  	v31 =	vmul.f32 v35, v31;
	v23 =	vld [tilespmem:s3+$0xFFFFFF60];
	p0 =	slt.u32 s17, $0x48;
	v24 =	vsub.f32 v24, v1;
	v33 =	vpop (erf);
	(erf) = vpow2.f32 v37  }
0x93: {  	v35 =	vld [tilespmem:s18+$0x10];
	v33 =	vperm.xlane v33, v0;
	v30 =	vmul.f32 v27, v30;
	[tilespmem:s31+$0x80] =	vst v36;
	v36 =	vpop (erf)  }
0x94: {  	v39 =	vadd.f32 v15, v11;
	v15 =	vmul.f32 v27, v10;
	v37 =	vld [tilespmem:s3+$0xFFFFFFC0];
	v24 =	vmul.f32 $1.442695020e+00, v24;
	[tilespmem:s31+$0x70] =	vst v31;
	v10 =	vpop (erf)  }
0x95: {  	v31 =	vld [tilespmem:s18+$0x30];
	v34 =	vmul.f32 v33, v34;
	[tilespmem:s31+$0xFFFFFFE0] =	vst v30;
	v30 =	vperm.xlane v10, v0;
	v10 =	vmov v14  }
0x96: {  	v14 =	vld [tilespmem:s3+$0xFFFFFF90];
	(erf) = vpow2.f32 v24;
	v24 =	vmul.f32 v27, v7;
	[tilespmem:s31+$0x60] =	vst v32;
	v7 =	vmov v12  }
0x97: {  	vm0 =	vgt.f32 v39, $0.0e+00;
	v26 =	vmul.f32 v33, v26;
	v32 =	vld [tilespmem:s3+$0x50];
	[tilespmem:s31+$0xFFFFFFF0] =	vst v15;
	v12 =	vmul.f32 v30, v5;
	v5 =	vmovc v11  }
0x98: {  	v33 =	vmul.f32 v33, v13;
	v13 =	vperm.xlane v36, v0;
	v27 =	vld [tilespmem:s18+$0xFFFFFFD0];
	[tilespmem:s31+$0xFFFFFFD0] =	vst v24  }
0x99: {  	v11 =	vmul.f32 $2.000000030e-01, v39;
	v24 =	vld [tilespmem:s3+$0xB0];
	v36 =	vpop (erf);
	[tilespmem:s31+$0x20] =	vst v12;
	v12 =	vmul.f32 v30, v22  }
0x9a: {  	v19 =	vmul.f32 v13, v19;
	v15 =	vld [tilespmem:s18+$0x0];
	[tilespmem:s16+$0xFFFFFF70] =	vst v34;
	v22 =	vperm.xlane v36, v0  }
0x9b: {  	v28 =	vmul.f32 $1.442695020e+00, v28;
	v36 =	vsel vm0, v39, v11;
	v34 =	vld [tilespmem:s18+$0x20];
	v39 =	vpop (erf);
	[tilespmem:s31+$0x0] =	vst v12;
	v12 =	vmul.f32 v30, v18  }
0x9c: {  	v16 =	vmul.f32 v13, v16;
	v18 =	vld [tilespmem:s18+$0xFFFFFFC0];
	v35 =	vadd.f32 v35, v32;
	v25 =	vmul.f32 v22, v25;
	[tilespmem:s31+$0x90] =	vst v19  }
0x9d: {  	v29 =	vsub.f32 v29, v1;
	v6 =	vmul.f32 v13, v6;
	v19 =	vmul.f32 v22, v8;
	v11 =	vld [tilespmem:s3+$0x20];
	[tilespmem:s31+$0x10] =	vst v12  }
0x9e: {  	v39 =	vperm.xlane v39, v0;
	v8 =	vmovc v37;
	v40 =	vmul.f32 $2.000000030e-01, v35;
	v41 =	vld [tilespmem:s3+$0x80];
	v31 =	vadd.f32 v31, v24;
	[tilespmem:s31+$0xA0] =	vst v16  }
0x9f: {  	vm1 =	vgt.f32 v35, $0.0e+00;
	v16 =	vmul.f32 v22, v21;
	v21 =	vsub.f32 v36, v1;
	v12 =	vld [tilespmem:s3+$0xFFFFFFD0];
	v22 =	vpop (erf);
	[tilespmem:s31+$0xB0] =	vst v6;
	s31 =	smov.u32 s16;
	s16 =	smov.u32 s3  }
0xa0: {  	v13 =	vmovc v14;
	v27 =	vadd.f32 v27, v14;
	v20 =	vmul.f32 v39, v20;
	v30 =	vld [tilespmem:s18+$0xFFFFFFF0];
	vm2 =	vgt.f32 v31, $0.0e+00;
	[tilespmem:s31+$0xFFFFFFA0] =	vst v25  }
0xa1: {  	v6 =	vmovc v2;
	v2 =	vmovc v24;
	v25 =	vadd.f32 v38, v8;
	v36 =	vmul.f32 $2.000000030e-01, v31;
	v14 =	vld [tilespmem:s3+$0xFFFFFFF0];
	[tilespmem:s31+$0xFFFFFFB0] =	vst v16;
	v16 =	vmul.f32 $1.442695020e+00, v29  }
0xa2: {  	v24 =	vadd.f32 v18, v23;
	v18 =	vmul.f32 $2.000000030e-01, v27;
	v29 =	vld [tilespmem:s31+$0xFFFFFF50];
	[tilespmem:s31+$0x40] =	vst v20;
	(erf) = vpow2.f32 v28  }
0xa3: {  	vm0 =	vgt.f32 v27, $0.0e+00;
	v20 =	vmul.f32 $2.000000030e-01, v25;
	v28 =	vld [tilespmem:s31+$0xFFFFFF40];
	[tilespmem:s31+$0xFFFFFF90] =	vst v33;
	(erf) = vpow2.f32 v16  }
0xa4: {  	v22 =	vperm.xlane v22, v0;
	v18 =	vsel vm0, v27, v18;
	v38 =	vadd.f32 v34, v41;
	[tilespmem:s31+$0xFFFFFFC0] =	vst v19;
	v16 =	vld [tilespmem:s31+$0xA0]  }
0xa5: {  	v21 =	vmul.f32 $1.442695020e+00, v21;
	vm0 =	vgt.f32 v25, $0.0e+00;
	v33 =	vsub.f32 v18, v1;
	[tilespmem:s31+$0xFFFFFF80] =	vst v26;
	v18 =	vld [tilespmem:s31+$0x10]  }
0xa6: {  	v27 =	vmul.f32 $2.000000030e-01, v24;
	v20 =	vsel vm0, v25, v20;
	v25 =	vmul.f32 v22, v3;
	v3 =	vmovc v23;
	v19 =	vld [tilespmem:s31+$0x90]  }
0xa7: {  	v26 =	vsub.f32 v20, v1;
	v23 =	vmul.f32 $1.442695020e+00, v33;
	v20 =	vmul.f32 v22, v29;
	v29 =	vld [tilespmem:s31+$0x30]  }
0xa8: {  	vm0 =	vgt.f32 v24, $0.0e+00;
	vm3 =	vgt.f32 v38, $0.0e+00;
	[tilespmem:s31+$0xFFFFFF60] =	vst v25;
	v25 =	vmul.f32 v22, v28;
	v22 =	vld [tilespmem:s31+$0x0]  }
0xa9: {  	v28 =	vadd.f32 v30, v14;
	(erf) = vpow2.f32 v23;
	[tilespmem:s31+$0xFFFFFF50] =	vst v20;
	v30 =	vld [tilespmem:s31+$0xFFFFFFE0];
	v20 =	vmul.f32 v39, v4;
	v4 =	vmovc v32  }
0xaa: {  	v23 =	vsel vm1, v35, v40;
	v32 =	vsel vm2, v31, v36;
	[tilespmem:s31+$0xFFFFFF40] =	vst v25;
	v31 =	vld [tilespmem:s31+$0x70];
	(erf) = vpow2.f32 v17  }
0xab: {  	v40 =	vmul.f32 $2.000000030e-01, v38;
	v17 =	vsub.f32 v32, v1;
	[tilespmem:s31+$0x50] =	vst v20;
	v32 =	vld [tilespmem:s31+$0x60];
	v33 =	vpop (erf);
	(erf) = vpow2.f32 v21  }
.Ltmp1:
0xac: {  	vm1 =	vgt.f32 v28, $0.0e+00;
	v34 =	vmul.f32 $2.000000030e-01, v28;
	v21 =	vld [tilespmem:s3+$0xFFFFFFB0];
	v29 =	vmul.f32 v39, v29;
	v25 =	vpop (erf);
	(pc) =	sbr.rel @p0 .LBB2_5-.Ltmp1, $4  }
0xad: {  	v23 =	vsub.f32 v23, v1;
	v20 =	vld [tilespmem:s3+$0x40];
	v35 =	vperm.xlane v25, v0  }
0xae: {  	v39 =	vmul.f32 $1.442695020e+00, v26;
	v28 =	vsel vm1, v28, v34;
	v25 =	vld [tilespmem:s3+$0xFFFFFFA0];
	[tilespmem:s31+$0x30] =	vst v29  }
0xaf: {  	v17 =	vmul.f32 $1.442695020e+00, v17;
	v28 =	vsub.f32 v28, v1;
	v26 =	vld [tilespmem:s3+$0xFFFFFF80];
	v36 =	vmul.f32 v35, v9;
	v9 =	vmovc v41  }
0xb0: {  	s18 =	sadd.s32 $0x80, s18;
	v37 =	vmul.f32 $1.442695020e+00, v23;
	v29 =	vsel vm3, v38, v40;
	v34 =	vld [tilespmem:s3+$0xFFFFFF70];
	(erf) = vpow2.f32 v39  }
0xb1: {  	v31 =	vmul.f32 v35, v31  }
0xb2: {  	v23 =	vsel vm0, v24, v27;
	v24 =	vperm.xlane v33, v0  }
0xb3: {  	v23 =	vsub.f32 v23, v1;
	v45 =	vpop (erf)  }
0xb4: {  	(erf) = vpow2.f32 v37;
	v30 =	vmul.f32 v24, v30;
	v46 =	vpop (erf)  }
0xb5: {  	[tilespmem:s31+$0x70] =	vst v31;
	v7 =	vmul.f32 v24, v7;
	v23 =	vmul.f32 $1.442695020e+00, v23;
	v31 =	vpop (erf)  }
0xb6: {  	v27 =	vmul.f32 v35, v32;
	[tilespmem:s31+$0xFFFFFFE0] =	vst v30;
	v30 =	vperm.xlane v31, v0  }
0xb7: {  	v32 =	vperm.xlane v45, v0;
	[tilespmem:s31+$0xFFFFFFD0] =	vst v7;
	v7 =	vperm.xlane v46, v0  }
0xb8: {  	[tilespmem:s31+$0x80] =	vst v36;
	v10 =	vmul.f32 v24, v10;
	v5 =	vmul.f32 v30, v5  }
0xb9: {  	v15 =	vadd.f32 v15, v11;
	[tilespmem:s31+$0x60] =	vst v27;
	(erf) = vpow2.f32 v23;
	v19 =	vmul.f32 v7, v19;
	v23 =	vpop (erf)  }
0xba: {  	[tilespmem:s31+$0x20] =	vst v5;
	v5 =	vmul.f32 v30, v22;
	v22 =	vperm.xlane v23, v0;
	v23 =	vsub.f32 v29, v1  }
0xbb: {  	v24 =	vmul.f32 $1.442695020e+00, v28;
	[tilespmem:s31+$0xFFFFFFF0] =	vst v10;
	v10 =	vmul.f32 $2.000000030e-01, v15  }
0xbc: {  	[tilespmem:s31+$0x0] =	vst v5;
	v5 =	vmul.f32 v30, v18;
	v18 =	vmul.f32 $1.442695020e+00, v23  }
0xbd: {  	v16 =	vmul.f32 v7, v16;
	(erf) = vpow2.f32 v24;
	[tilespmem:s31+$0x90] =	vst v19  }
0xbe: {  	vm0 =	vgt.f32 v15, $0.0e+00;
	v19 =	vpop (erf);
	[tilespmem:s31+$0x10] =	vst v5;
	v5 =	vmul.f32 v7, v6;
	(erf) = vpow2.f32 v18  }
0xbf: {  	[tilespmem:s31+$0xA0] =	vst v16;
	v6 =	vsel vm0, v15, v10;
	v7 =	vmul.f32 v22, v25;
	v10 =	vperm.xlane v19, v0  }
0xc0: {  	v15 =	vmul.f32 v22, v21;
	[tilespmem:s31+$0xB0] =	vst v5  }
0xc1: {  	v5 =	vmul.f32 v32, v13;
	[tilespmem:s16+$0xFFFFFFA0] =	vst v7;
	v7 =	vmul.f32 v10, v20;
	v13 =	vld [tilespmem:s16+$0xFFFFFF50]  }
0xc2: {  	v31 =	vmul.f32 v32, v34;
	v6 =	vsub.f32 v6, v1;
	v16 =	vpop (erf);
	[tilespmem:s16+$0xFFFFFFB0] =	vst v15;
	v15 =	vld [tilespmem:s16+$0xFFFFFF40]  }
0xc3: {  	v8 =	vmul.f32 v22, v8;
	[tilespmem:s16+$0x40] =	vst v7;
	v7 =	vperm.xlane v16, v0  }
0xc4: {  	(erf) = vpow2.f32 v17;
	v6 =	vmul.f32 $1.442695020e+00, v6;
	[tilespmem:s16+$0xFFFFFF90] =	vst v5;
	v5 =	vld [tilespmem:s16+$0x30]  }
0xc5: {  	[tilespmem:s16+$0xFFFFFF70] =	vst v31;
	v4 =	vmul.f32 v10, v4;
	v3 =	vmul.f32 v7, v3  }
0xc6: {  	[tilespmem:s16+$0xFFFFFFC0] =	vst v8;
	v8 =	vld [tilespmem:s16+$0x70];
	(erf) = vpow2.f32 v6;
	v6 =	vmul.f32 v7, v13;
	v13 =	vpop (erf)  }
0xc7: {  	[tilespmem:s16+$0xFFFFFF60] =	vst v3;
	v3 =	vmul.f32 v7, v15;
	v15 =	vpop (erf)  }
0xc8: {  	[tilespmem:s16+$0x50] =	vst v4;
	v15 =	vperm.xlane v15, v0  }
0xc9: {  	v7 =	vld [tilespmem:s16+$0xFFFFFFE0];
	[tilespmem:s16+$0xFFFFFF40] =	vst v3;
	v3 =	vmul.f32 v10, v5  }
0xca: {  	v16 =	vmul.f32 v32, v26;
	[tilespmem:s16+$0xFFFFFF50] =	vst v6;
	v4 =	vmul.f32 v15, v9  }
0xcb: {  	v6 =	vld [tilespmem:s16+$0x60];
	v5 =	vperm.xlane v13, v0;
	[tilespmem:s16+$0x30] =	vst v3;
	v3 =	vmul.f32 v15, v8  }
0xcc: {  	[tilespmem:s16+$0xFFFFFF80] =	vst v16  }
0xcd: {  	v13 =	vmul.f32 v5, v14;
	[tilespmem:s16+$0x80] =	vst v4  }
0xce: {  	v8 =	vld [tilespmem:s16+$0x0];
	v7 =	vmul.f32 v5, v7;
	[tilespmem:s16+$0x70] =	vst v3;
	v4 =	vpop (erf)  }
0xcf: {  	v10 =	vld [tilespmem:s16+$0x10];
	v5 =	vmul.f32 v5, v12;
	[tilespmem:s16+$0xFFFFFFF0] =	vst v13;
	v3 =	vpop (erf);
	v4 =	vperm.xlane v4, v0  }
0xd0: {  	v9 =	vld [tilespmem:s16+$0x90];
	v6 =	vmul.f32 v15, v6;
	[tilespmem:s16+$0xFFFFFFE0] =	vst v7;
	v3 =	vperm.xlane v3, v0  }
0xd1: {  	v7 =	vld [tilespmem:s16+$0xA0];
	[tilespmem:s16+$0xFFFFFFD0] =	vst v5;
	v2 =	vmul.f32 v4, v2  }
0xd2: {  	[tilespmem:s16+$0x60] =	vst v6;
	v6 =	vmul.f32 v3, v11  }
0xd3: {  	v5 =	vmul.f32 v3, v8;
	[tilespmem:s16+$0xB0] =	vst v2  }
0xd4: {  	v3 =	vmul.f32 v3, v10;
	[tilespmem:s16+$0x20] =	vst v6  }
0xd5: {  	v6 =	vmul.f32 v4, v9;
	[tilespmem:s16+$0x0] =	vst v5  }
0xd6: {  	s3 =	sor.u32 $0x3, s26;
	v5 =	vmul.f32 v4, v7;
	[tilespmem:s16+$0x10] =	vst v3  }
0xd7: {  	p0 =	sgt.u32 s3, $0x7C;
	[tilespmem:s16+$0x90] =	vst v6  }
0xd8: {  	s18 =	simm.s32 @p0 $0x0;
	[tilespmem:s16+$0xA0] =	vst v5;
	s16 =	smul.u32 @p0 $0x140, s23  }
0xd9: {  	[spmem:s2] =	stream.indirect.scatter.add.f32 [tilespmem:s30], [sflag:$0x9], $0x30, s25, s25, $0xb8;
	[tilespmem:$0xA290] =	vst v63  }
0xda: {  	s3 =	smul.u32 @!p0 $0x50, s3;
	_ =	swait.ge [sflag:s15], $0xF00;
	s17 =	sadd.s32 @p0 $0xFFFFD9E0, s16  }
0xdb: {  	s26 =	simm.s32 @p0 $0x1E0;
	[sflag:s15] =	ssyncset.done $0x0;
	s17 =	sshrl.u32 @p0 s17, $0x3  }
0xdc: {  	s3 =	sadd.s32 @!p0 s9, s3;
	[sflag:s15] =	ssyncadd.s32 $0xFFFFF100;
	s17 =	sadd.s32 @p0 s7, s17  }
0xdd: {  	[tilespmem:s26], [sflag:$0x4] =	stream.linear.gather @p0 [hbm4b:s17+s18], $0x50, $0x38;
	[tilespmem:$0xA290] =	vst v63  }
0xde: {  	s16 =	sadd.s32 @p0 $0xFFFFDAD0, s16;
	s17 =	sshrl.u32 @!p0 s3, $0x3  }
0xdf: {  	s18 =	simm.s32 @!p0 $0x0;
	s26 =	simm.s32 @!p0 $0x1E0;
	s3 =	sadd.s32 @!p0 $0x4E200, s3  }
0xe0: {  	s17 =	sadd.s32 @!p0 s6, s17;
	s3 =	smov.u32 @p0 s16;
	s16 =	smov.u32 s6  }
0xe1: {  	[tilespmem:s26], [sflag:$0x4] =	stream.linear.gather @!p0 [hbm4b:s17+s18], $0x50, $0x38;
	[tilespmem:$0xA290] =	vst v63  }
0xe2: {  	s16 =	smov.u32 @p0 s7;
	s3 =	sshrl.u32 s3, $0x3  }
0xe3: {  	s3 =	sadd.s32 s16, s3  }
0xe4: {  	[tilespmem:s20], [sflag:$0x4] =	stream.linear.gather [hbm4b:s3+s4], $0x50, $0x38;
	[tilespmem:$0xA290] =	vst v63  }
0xe5: {  	_ =	swait.ge [sflag:s21], $0x50  }
0xe6: {  	[sflag:s21] =	ssyncset.done $0x0  }
0xe7: {  	[sflag:s21] =	ssyncadd.s32 $0xFFFFFFB0  }
0xe8: {  	_ =	swait.ge [sflag:s21], $0x50  }
0xe9: {  	[sflag:s21] =	ssyncset.done $0x0  }
0xea: {  	s16 =	simm.s32 $0x140;
	[sflag:s21] =	ssyncadd.s32 $0xFFFFFFB0  }
0xeb: {  	[tilespmem:s30], [sflag:$0x5] =	stream.indirect.gather [hbm4b:s5+s25], $0x30, s16, s25, $0xb8;
	[tilespmem:$0xA290] =	vst v63  }
0xec: {  	s17 =	simm.s32 $0x2080  }
0xed: {  	[tilespmem:s17], [sflag:$0x7] =	stream.indirect.gather [hbm4b:s1+s25], $0x10, s24, s25, $0xb8;
	[tilespmem:$0xA290] =	vst v63  }
0xee: {  	_ =	swait.ge [sflag:s11], $0xF00  }
0xef: {  	[sflag:s11] =	ssyncset.done $0x0  }
0xf0: {  	[sflag:s11] =	ssyncadd.s32 $0xFFFFF100  }
0xf1: {  	_ =	swait.ge [sflag:s12], $0x500  }
0xf2: {  	[sflag:s12] =	ssyncset.done $0x0  }
0xf3: {  	s18 =	simm.s32 $0x25C0;
	[sflag:s12] =	ssyncadd.s32 $0xFFFFFB00  }
0xf4: {  	s26 =	simm.s32 $0x1240;
	v2 =	vld [tilespmem:s18+$0xFFFFFFE0]  }
0xf5: {  	v20 =	vld [tilespmem:s26+$0xFFFFFF60]  }
0xf6: {  	v3 =	vld [tilespmem:s18+$0x10]  }
0xf7: {  	v9 =	vld [tilespmem:s26+$0xFFFFFF90]  }
0xf8: {  	v4 =	vld [tilespmem:s18+$0xFFFFFFD0]  }
0xf9: {  	v12 =	vld [tilespmem:s26+$0xFFFFFFC0]  }
0xfa: {  	v8 =	vld [tilespmem:s18+$0x30]  }
0xfb: {  	v17 =	vld [tilespmem:s26+$0x50]  }
0xfc: {  	v6 =	vld [tilespmem:s26+$0xB0]  }
0xfd: {  	v11 =	vld [tilespmem:s18+$0x0]  }
0xfe: {  	v13 =	vld [tilespmem:s18+$0x20];
	v4 =	vadd.f32 v4, v9  }
0xff: {  	v14 =	vld [tilespmem:s18+$0xFFFFFFC0]  }
0x100: {  	v5 =	vld [tilespmem:s26+$0x20];
	v7 =	vmul.f32 $2.000000030e-01, v4  }
0x101: {  	v23 =	vld [tilespmem:s26+$0x80];
	vm0 =	vgt.f32 v4, $0.0e+00  }
0x102: {  	v15 =	vld [tilespmem:s18+$0xFFFFFFF0];
	v2 =	vadd.f32 v2, v12;
	v4 =	vsel vm0, v4, v7  }
0x103: {  	v10 =	vld [tilespmem:s26+$0xFFFFFFF0];
	v4 =	vsub.f32 v4, v1  }
0x104: {  	v18 =	vld [tilespmem:s26+$0x40];
	v16 =	vmul.f32 $2.000000030e-01, v2  }
0x105: {  	v19 =	vld [tilespmem:s26+$0xFFFFFFA0];
	v3 =	vadd.f32 v3, v17;
	vm0 =	vgt.f32 v2, $0.0e+00;
	v4 =	vmul.f32 $1.442695020e+00, v4  }
0x106: {  	v21 =	vld [tilespmem:s26+$0xFFFFFF80];
	v2 =	vsel vm0, v2, v16  }
0x107: {  	s31 =	simm.s32 $0x2640;
	v24 =	vld [tilespmem:s26+$0xFFFFFF70];
	v2 =	vsub.f32 v2, v1;
	(erf) = vpow2.f32 v4;
	v4 =	vmul.f32 $2.000000030e-01, v3  }
0x108: {  	v25 =	vld [tilespmem:s31+$0xFFFFFFE0];
	v22 =	vadd.f32 v8, v6;
	vm0 =	vgt.f32 v3, $0.0e+00  }
0x109: {  	v26 =	vld [tilespmem:s31+$0x10];
	v2 =	vmul.f32 $1.442695020e+00, v2;
	v3 =	vsel vm0, v3, v4;
	v4 =	vadd.f32 v14, v20  }
0x10a: {  	v28 =	vld [tilespmem:s31+$0x30];
	v15 =	vadd.f32 v15, v10;
	v11 =	vadd.f32 v11, v5  }
0x10b: {  	v31 =	vld [tilespmem:s31+$0xFFFFFFD0];
	(erf) = vpow2.f32 v2;
	v8 =	vsub.f32 v3, v1;
	v2 =	vmul.f32 $2.000000030e-01, v4  }
0x10c: {  	v48 =	vld [tilespmem:s31+$0x20];
	v27 =	vmul.f32 $2.000000030e-01, v22;
	vm0 =	vgt.f32 v22, $0.0e+00;
	vm1 =	vgt.f32 v4, $0.0e+00  }
0x10d: {  	v40 =	vld [tilespmem:s26+$0xFFFFFF50];
	v14 =	vadd.f32 v13, v23;
	v13 =	vmul.f32 $1.442695020e+00, v8;
	v2 =	vsel vm1, v4, v2  }
0x10e: {  	s3 =	simm.s32 $0x13C0;
	v42 =	vld [tilespmem:s26+$0xFFFFFF40];
	v4 =	vsel vm0, v22, v27;
	v22 =	vmul.f32 $2.000000030e-01, v15;
	v2 =	vsub.f32 v2, v1  }
0x10f: {  	v30 =	vmul.f32 $2.000000030e-01, v14;
	v8 =	vld [tilespmem:s3+$0xFFFFFFC0];
	vm0 =	vgt.f32 v15, $0.0e+00;
	(erf) = vpow2.f32 v13  }
0x110: {  	v16 =	vld [tilespmem:s26+$0xFFFFFFB0];
	vm2 =	vgt.f32 v14, $0.0e+00;
	v15 =	vsel vm0, v15, v22;
	v22 =	vmul.f32 $1.442695020e+00, v2  }
0x111: {  	v14 =	vsel vm2, v14, v30;
	v29 =	vsub.f32 v4, v1;
	v4 =	vld [tilespmem:s3+$0x50]  }
0x112: {  	v30 =	vmul.f32 $2.000000030e-01, v11;
	v52 =	vsub.f32 v14, v1;
	v27 =	vpop (erf);
	v2 =	vld [tilespmem:s3+$0xB0]  }
0x113: {  	v13 =	vld [tilespmem:s3+$0xFFFFFF90];
	vm0 =	vgt.f32 v11, $0.0e+00;
	v29 =	vmul.f32 $1.442695020e+00, v29;
	v27 =	vperm.xlane v27, v0  }
0x114: {  	v56 =	vld [tilespmem:s26+$0x30];
	v30 =	vsel vm0, v11, v30;
	v25 =	vadd.f32 v25, v8;
	(erf) = vpow2.f32 v22;
	v22 =	vpop (erf)  }
0x115: {  	v32 =	vld [tilespmem:s26+$0x60];
	v47 =	vmul.f32 v27, v24;
	v24 =	vsub.f32 v15, v1;
	v22 =	vperm.xlane v22, v0  }
0x116: {  	v34 =	vld [tilespmem:s3+$0xFFFFFF70];
	v21 =	vmul.f32 v27, v21;
	v49 =	vmul.f32 v27, v9;
	v26 =	vadd.f32 v26, v4  }
0x117: {  	v3 =	vld [tilespmem:s3+$0xFFFFFF60];
	v24 =	vmul.f32 $1.442695020e+00, v24;
	v28 =	vadd.f32 v28, v2;
	v50 =	vmul.f32 v22, v19  }
0x118: {  	v27 =	vld [tilespmem:s31+$0xFFFFFFC0];
	v19 =	vpop (erf);
	v51 =	vmul.f32 v22, v12;
	v22 =	vmul.f32 v22, v16;
	v16 =	vadd.f32 v31, v13  }
0x119: {  	v9 =	vld [tilespmem:s3+$0x80];
	v38 =	vmul.f32 $2.000000030e-01, v26;
	vm0 =	vgt.f32 v26, $0.0e+00;
	v39 =	vperm.xlane v19, v0  }
0x11a: {  	v7 =	vld [tilespmem:s26+$0xFFFFFFD0];
	vm1 =	vgt.f32 v28, $0.0e+00;
	(erf) = vpow2.f32 v24;
	v53 =	vmul.f32 $2.000000030e-01, v16  }
0x11b: {  	v14 =	vld [tilespmem:s3+$0xFFFFFFF0];
	v19 =	vsub.f32 v30, v1;
	v30 =	vmul.f32 v39, v18;
	v18 =	vmul.f32 $1.442695020e+00, v52  }
0x11c: {  	v11 =	vld [tilespmem:s3+$0x20];
	v41 =	vmul.f32 $2.000000030e-01, v28;
	v26 =	vsel vm0, v26, v38;
	vm2 =	vgt.f32 v16, $0.0e+00  }
0x11d: {  	v31 =	vld [tilespmem:s31+$0xFFFFFFF0];
	v24 =	vadd.f32 v27, v3;
	v37 =	vsel vm2, v16, v53;
	(erf) = vpow2.f32 v18  }
0x11e: {  	v15 =	vld [tilespmem:s31+$0x0];
	[tilespmem:s26+$0xFFFFFF70] =	vst v47;
	v27 =	vmul.f32 $2.000000030e-01, v25;
	v44 =	vadd.f32 v48, v9;
	v37 =	vsub.f32 v37, v1  }
0x11f: {  	[tilespmem:s26+$0xFFFFFF80] =	vst v21;
	v12 =	vld [tilespmem:s3+$0xFFFFFFD0];
	v62 =	vsub.f32 v26, v1;
	v21 =	vsel vm1, v28, v41;
	v43 =	vmul.f32 $1.442695020e+00, v19  }
0x120: {  	[tilespmem:s26+$0xFFFFFF90] =	vst v49;
	v26 =	vld [tilespmem:s3+$0xFFFFFF80];
	v17 =	vmul.f32 v39, v17;
	vm2 =	vgt.f32 v25, $0.0e+00;
	v55 =	vmul.f32 $1.442695020e+00, v37  }
0x121: {  	[tilespmem:s26+$0xFFFFFFB0] =	vst v22;
	v22 =	vld [tilespmem:s26+$0x0];
	v60 =	vsub.f32 v21, v1;
	v39 =	vmul.f32 v39, v56;
	v25 =	vsel vm2, v25, v27  }
0x122: {  	[tilespmem:s26+$0xFFFFFFA0] =	vst v50;
	v19 =	vld [tilespmem:s26+$0x90];
	v27 =	vmul.f32 $2.000000030e-01, v24;
	v59 =	vadd.f32 v31, v14;
	v18 =	vpop (erf);
	(erf) = vpow2.f32 v55  }
0x123: {  	[tilespmem:s26+$0xFFFFFFC0] =	vst v51;
	v21 =	vld [tilespmem:s3+$0xFFFFFFB0];
	v57 =	vsub.f32 v25, v1;
	v54 =	vperm.xlane v18, v0;
	(erf) = vpow2.f32 v29  }
0x124: {  	vm0 =	vgt.f32 v24, $0.0e+00;
	v16 =	vld [tilespmem:s26+$0xA0];
	[tilespmem:s26+$0x40] =	vst v30;
	v28 =	vmul.f32 $2.000000030e-01, v59;
	v33 =	vpop (erf);
	(erf) = vpow2.f32 v43  }
0x125: {  	vm2 =	vgt.f32 v44, $0.0e+00;
	v30 =	vld [tilespmem:s26+$0xFFFFFFE0];
	[tilespmem:s26+$0x50] =	vst v17;
	v63 =	vmul.f32 $1.442695020e+00, v57;
	v20 =	vmul.f32 v54, v20  }
0x126: {  	v31 =	vld [tilespmem:s26+$0x70];
	[tilespmem:s26+$0x30] =	vst v39;
	vm1 =	vgt.f32 v59, $0.0e+00;
	v25 =	vmul.f32 v54, v40;
	v58 =	vmul.f32 v54, v42;
	v61 =	vpop (erf)  }
0x127: {  	v18 =	vld [tilespmem:s26+$0x10];
	v28 =	vsel vm1, v59, v28;
	v29 =	vmul.f32 $2.000000030e-01, v44;
	[tilespmem:s26+$0xFFFFFF60] =	vst v20;
	v35 =	vperm.xlane v61, v0  }
0x128: {  	v17 =	vmul.f32 $1.442695020e+00, v60;
	v37 =	vmul.f32 $1.442695020e+00, v62;
	v28 =	vsub.f32 v28, v1;
	[tilespmem:s26+$0xFFFFFF50] =	vst v25;
	v20 =	vld [tilespmem:s3+$0x40]  }
0x129: {  	s16 =	simm.s32 $0x13C0;
	s17 =	simm.s32 $0x8;
	s18 =	simm.s32 $0x26C0;
	[tilespmem:s26+$0xFFFFFF40] =	vst v58;
	v25 =	vld [tilespmem:s3+$0xFFFFFFA0];
	v29 =	vsel vm2, v44, v29;
	(erf) = vpow2.f32 v63;
	v36 =	vmul.f32 v35, v23  }
.LBB2_7:
0x12a: {  	v38 =	vld [tilespmem:s18+$0xFFFFFFE0];
	s17 =	sadd.s32 $0x8, s17;
	v24 =	vsel vm0, v24, v27;
	s3 =	sadd.s32 $0x180, s3;
	v27 =	vperm.xlane v33, v0;
	v32 =	vmul.f32 v35, v32  }
0x12b: {  	v31 =	vmul.f32 v35, v31;
	v23 =	vld [tilespmem:s3+$0xFFFFFF60];
	p0 =	slt.u32 s17, $0x48;
	v24 =	vsub.f32 v24, v1;
	v33 =	vpop (erf);
	(erf) = vpow2.f32 v37  }
0x12c: {  	v35 =	vld [tilespmem:s18+$0x10];
	v33 =	vperm.xlane v33, v0;
	v30 =	vmul.f32 v27, v30;
	[tilespmem:s26+$0x80] =	vst v36;
	v36 =	vpop (erf)  }
0x12d: {  	v39 =	vadd.f32 v15, v11;
	v15 =	vmul.f32 v27, v10;
	v37 =	vld [tilespmem:s3+$0xFFFFFFC0];
	v24 =	vmul.f32 $1.442695020e+00, v24;
	[tilespmem:s26+$0x70] =	vst v31;
	v10 =	vpop (erf)  }
0x12e: {  	v31 =	vld [tilespmem:s18+$0x30];
	v34 =	vmul.f32 v33, v34;
	[tilespmem:s26+$0xFFFFFFE0] =	vst v30;
	v30 =	vperm.xlane v10, v0;
	v10 =	vmov v14  }
0x12f: {  	v14 =	vld [tilespmem:s3+$0xFFFFFF90];
	(erf) = vpow2.f32 v24;
	v24 =	vmul.f32 v27, v7;
	[tilespmem:s26+$0x60] =	vst v32;
	v7 =	vmov v12  }
0x130: {  	vm0 =	vgt.f32 v39, $0.0e+00;
	v26 =	vmul.f32 v33, v26;
	v32 =	vld [tilespmem:s3+$0x50];
	[tilespmem:s26+$0xFFFFFFF0] =	vst v15;
	v12 =	vmul.f32 v30, v5;
	v5 =	vmovc v11  }
0x131: {  	v33 =	vmul.f32 v33, v13;
	v13 =	vperm.xlane v36, v0;
	v27 =	vld [tilespmem:s18+$0xFFFFFFD0];
	[tilespmem:s26+$0xFFFFFFD0] =	vst v24  }
0x132: {  	v11 =	vmul.f32 $2.000000030e-01, v39;
	v24 =	vld [tilespmem:s3+$0xB0];
	v36 =	vpop (erf);
	[tilespmem:s26+$0x20] =	vst v12;
	v12 =	vmul.f32 v30, v22  }
0x133: {  	v19 =	vmul.f32 v13, v19;
	v15 =	vld [tilespmem:s18+$0x0];
	[tilespmem:s16+$0xFFFFFF70] =	vst v34;
	v22 =	vperm.xlane v36, v0  }
0x134: {  	v28 =	vmul.f32 $1.442695020e+00, v28;
	v36 =	vsel vm0, v39, v11;
	v34 =	vld [tilespmem:s18+$0x20];
	v39 =	vpop (erf);
	[tilespmem:s26+$0x0] =	vst v12;
	v12 =	vmul.f32 v30, v18  }
0x135: {  	v16 =	vmul.f32 v13, v16;
	v18 =	vld [tilespmem:s18+$0xFFFFFFC0];
	v35 =	vadd.f32 v35, v32;
	v25 =	vmul.f32 v22, v25;
	[tilespmem:s26+$0x90] =	vst v19  }
0x136: {  	v29 =	vsub.f32 v29, v1;
	v6 =	vmul.f32 v13, v6;
	v19 =	vmul.f32 v22, v8;
	v11 =	vld [tilespmem:s3+$0x20];
	[tilespmem:s26+$0x10] =	vst v12  }
0x137: {  	v39 =	vperm.xlane v39, v0;
	v8 =	vmovc v37;
	v40 =	vmul.f32 $2.000000030e-01, v35;
	v41 =	vld [tilespmem:s3+$0x80];
	v31 =	vadd.f32 v31, v24;
	[tilespmem:s26+$0xA0] =	vst v16  }
0x138: {  	vm1 =	vgt.f32 v35, $0.0e+00;
	v16 =	vmul.f32 v22, v21;
	v21 =	vsub.f32 v36, v1;
	v12 =	vld [tilespmem:s3+$0xFFFFFFD0];
	v22 =	vpop (erf);
	[tilespmem:s26+$0xB0] =	vst v6;
	s26 =	smov.u32 s16;
	s16 =	smov.u32 s3  }
0x139: {  	v13 =	vmovc v14;
	v27 =	vadd.f32 v27, v14;
	v20 =	vmul.f32 v39, v20;
	v30 =	vld [tilespmem:s18+$0xFFFFFFF0];
	vm2 =	vgt.f32 v31, $0.0e+00;
	[tilespmem:s26+$0xFFFFFFA0] =	vst v25  }
0x13a: {  	v6 =	vmovc v2;
	v2 =	vmovc v24;
	v25 =	vadd.f32 v38, v8;
	v36 =	vmul.f32 $2.000000030e-01, v31;
	v14 =	vld [tilespmem:s3+$0xFFFFFFF0];
	[tilespmem:s26+$0xFFFFFFB0] =	vst v16;
	v16 =	vmul.f32 $1.442695020e+00, v29  }
0x13b: {  	v24 =	vadd.f32 v18, v23;
	v18 =	vmul.f32 $2.000000030e-01, v27;
	v29 =	vld [tilespmem:s26+$0xFFFFFF50];
	[tilespmem:s26+$0x40] =	vst v20;
	(erf) = vpow2.f32 v28  }
0x13c: {  	vm0 =	vgt.f32 v27, $0.0e+00;
	v20 =	vmul.f32 $2.000000030e-01, v25;
	v28 =	vld [tilespmem:s26+$0xFFFFFF40];
	[tilespmem:s26+$0xFFFFFF90] =	vst v33;
	(erf) = vpow2.f32 v16  }
0x13d: {  	v22 =	vperm.xlane v22, v0;
	v18 =	vsel vm0, v27, v18;
	v38 =	vadd.f32 v34, v41;
	[tilespmem:s26+$0xFFFFFFC0] =	vst v19;
	v16 =	vld [tilespmem:s26+$0xA0]  }
0x13e: {  	v21 =	vmul.f32 $1.442695020e+00, v21;
	vm0 =	vgt.f32 v25, $0.0e+00;
	v33 =	vsub.f32 v18, v1;
	[tilespmem:s26+$0xFFFFFF80] =	vst v26;
	v18 =	vld [tilespmem:s26+$0x10]  }
0x13f: {  	v27 =	vmul.f32 $2.000000030e-01, v24;
	v20 =	vsel vm0, v25, v20;
	v25 =	vmul.f32 v22, v3;
	v3 =	vmovc v23;
	v19 =	vld [tilespmem:s26+$0x90]  }
0x140: {  	v26 =	vsub.f32 v20, v1;
	v23 =	vmul.f32 $1.442695020e+00, v33;
	v20 =	vmul.f32 v22, v29;
	v29 =	vld [tilespmem:s26+$0x30]  }
0x141: {  	vm0 =	vgt.f32 v24, $0.0e+00;
	vm3 =	vgt.f32 v38, $0.0e+00;
	[tilespmem:s26+$0xFFFFFF60] =	vst v25;
	v25 =	vmul.f32 v22, v28;
	v22 =	vld [tilespmem:s26+$0x0]  }
0x142: {  	v28 =	vadd.f32 v30, v14;
	(erf) = vpow2.f32 v23;
	[tilespmem:s26+$0xFFFFFF50] =	vst v20;
	v30 =	vld [tilespmem:s26+$0xFFFFFFE0];
	v20 =	vmul.f32 v39, v4;
	v4 =	vmovc v32  }
0x143: {  	v23 =	vsel vm1, v35, v40;
	v32 =	vsel vm2, v31, v36;
	[tilespmem:s26+$0xFFFFFF40] =	vst v25;
	v31 =	vld [tilespmem:s26+$0x70];
	(erf) = vpow2.f32 v17  }
0x144: {  	v40 =	vmul.f32 $2.000000030e-01, v38;
	v17 =	vsub.f32 v32, v1;
	[tilespmem:s26+$0x50] =	vst v20;
	v32 =	vld [tilespmem:s26+$0x60];
	v33 =	vpop (erf);
	(erf) = vpow2.f32 v21  }
.Ltmp2:
0x145: {  	vm1 =	vgt.f32 v28, $0.0e+00;
	v34 =	vmul.f32 $2.000000030e-01, v28;
	v21 =	vld [tilespmem:s3+$0xFFFFFFB0];
	v29 =	vmul.f32 v39, v29;
	v25 =	vpop (erf);
	(pc) =	sbr.rel @p0 .LBB2_7-.Ltmp2, $4  }
0x146: {  	v23 =	vsub.f32 v23, v1;
	v20 =	vld [tilespmem:s3+$0x40];
	v35 =	vperm.xlane v25, v0  }
0x147: {  	v39 =	vmul.f32 $1.442695020e+00, v26;
	v28 =	vsel vm1, v28, v34;
	v25 =	vld [tilespmem:s3+$0xFFFFFFA0];
	[tilespmem:s26+$0x30] =	vst v29  }
0x148: {  	v17 =	vmul.f32 $1.442695020e+00, v17;
	v28 =	vsub.f32 v28, v1;
	v26 =	vld [tilespmem:s3+$0xFFFFFF80];
	v36 =	vmul.f32 v35, v9;
	v9 =	vmovc v41  }
0x149: {  	s18 =	sadd.s32 $0x80, s18;
	v37 =	vmul.f32 $1.442695020e+00, v23;
	v29 =	vsel vm3, v38, v40;
	v34 =	vld [tilespmem:s3+$0xFFFFFF70];
	(erf) = vpow2.f32 v39  }
0x14a: {  	v31 =	vmul.f32 v35, v31  }
0x14b: {  	v23 =	vsel vm0, v24, v27;
	v24 =	vperm.xlane v33, v0  }
0x14c: {  	v23 =	vsub.f32 v23, v1;
	v45 =	vpop (erf)  }
0x14d: {  	(erf) = vpow2.f32 v37;
	v30 =	vmul.f32 v24, v30;
	v46 =	vpop (erf)  }
0x14e: {  	[tilespmem:s26+$0x70] =	vst v31;
	v7 =	vmul.f32 v24, v7;
	v23 =	vmul.f32 $1.442695020e+00, v23;
	v31 =	vpop (erf)  }
0x14f: {  	v27 =	vmul.f32 v35, v32;
	[tilespmem:s26+$0xFFFFFFE0] =	vst v30;
	v30 =	vperm.xlane v31, v0  }
0x150: {  	v32 =	vperm.xlane v45, v0;
	[tilespmem:s26+$0xFFFFFFD0] =	vst v7;
	v7 =	vperm.xlane v46, v0  }
0x151: {  	[tilespmem:s26+$0x80] =	vst v36;
	v10 =	vmul.f32 v24, v10;
	v5 =	vmul.f32 v30, v5  }
0x152: {  	v15 =	vadd.f32 v15, v11;
	[tilespmem:s26+$0x60] =	vst v27;
	(erf) = vpow2.f32 v23;
	v19 =	vmul.f32 v7, v19;
	v23 =	vpop (erf)  }
0x153: {  	[tilespmem:s26+$0x20] =	vst v5;
	v5 =	vmul.f32 v30, v22;
	v22 =	vperm.xlane v23, v0;
	v23 =	vsub.f32 v29, v1  }
0x154: {  	v24 =	vmul.f32 $1.442695020e+00, v28;
	[tilespmem:s26+$0xFFFFFFF0] =	vst v10;
	v10 =	vmul.f32 $2.000000030e-01, v15  }
0x155: {  	[tilespmem:s26+$0x0] =	vst v5;
	v5 =	vmul.f32 v30, v18;
	v18 =	vmul.f32 $1.442695020e+00, v23  }
0x156: {  	v16 =	vmul.f32 v7, v16;
	(erf) = vpow2.f32 v24;
	[tilespmem:s26+$0x90] =	vst v19  }
0x157: {  	vm0 =	vgt.f32 v15, $0.0e+00;
	v19 =	vpop (erf);
	[tilespmem:s26+$0x10] =	vst v5;
	v5 =	vmul.f32 v7, v6;
	(erf) = vpow2.f32 v18  }
0x158: {  	[tilespmem:s26+$0xA0] =	vst v16;
	v6 =	vsel vm0, v15, v10;
	v7 =	vmul.f32 v22, v25;
	v10 =	vperm.xlane v19, v0  }
0x159: {  	v15 =	vmul.f32 v22, v21;
	[tilespmem:s26+$0xB0] =	vst v5  }
0x15a: {  	v5 =	vmul.f32 v32, v13;
	[tilespmem:s16+$0xFFFFFFA0] =	vst v7;
	v7 =	vmul.f32 v10, v20;
	v13 =	vld [tilespmem:s16+$0xFFFFFF50]  }
0x15b: {  	v31 =	vmul.f32 v32, v34;
	v6 =	vsub.f32 v6, v1;
	v16 =	vpop (erf);
	[tilespmem:s16+$0xFFFFFFB0] =	vst v15;
	v15 =	vld [tilespmem:s16+$0xFFFFFF40]  }
0x15c: {  	v8 =	vmul.f32 v22, v8;
	[tilespmem:s16+$0x40] =	vst v7;
	v7 =	vperm.xlane v16, v0  }
0x15d: {  	(erf) = vpow2.f32 v17;
	v6 =	vmul.f32 $1.442695020e+00, v6;
	[tilespmem:s16+$0xFFFFFF90] =	vst v5;
	v5 =	vld [tilespmem:s16+$0x30]  }
0x15e: {  	[tilespmem:s16+$0xFFFFFF70] =	vst v31;
	v4 =	vmul.f32 v10, v4;
	v3 =	vmul.f32 v7, v3  }
0x15f: {  	[tilespmem:s16+$0xFFFFFFC0] =	vst v8;
	v8 =	vld [tilespmem:s16+$0x70];
	(erf) = vpow2.f32 v6;
	v6 =	vmul.f32 v7, v13;
	v13 =	vpop (erf)  }
0x160: {  	[tilespmem:s16+$0xFFFFFF60] =	vst v3;
	v3 =	vmul.f32 v7, v15;
	v15 =	vpop (erf)  }
0x161: {  	[tilespmem:s16+$0x50] =	vst v4;
	v15 =	vperm.xlane v15, v0  }
0x162: {  	v7 =	vld [tilespmem:s16+$0xFFFFFFE0];
	[tilespmem:s16+$0xFFFFFF40] =	vst v3;
	v3 =	vmul.f32 v10, v5  }
0x163: {  	v16 =	vmul.f32 v32, v26;
	[tilespmem:s16+$0xFFFFFF50] =	vst v6;
	v4 =	vmul.f32 v15, v9  }
0x164: {  	v6 =	vld [tilespmem:s16+$0x60];
	v5 =	vperm.xlane v13, v0;
	[tilespmem:s16+$0x30] =	vst v3;
	v3 =	vmul.f32 v15, v8  }
0x165: {  	[tilespmem:s16+$0xFFFFFF80] =	vst v16  }
0x166: {  	v13 =	vmul.f32 v5, v14;
	[tilespmem:s16+$0x80] =	vst v4  }
0x167: {  	v8 =	vld [tilespmem:s16+$0x0];
	v7 =	vmul.f32 v5, v7;
	[tilespmem:s16+$0x70] =	vst v3;
	v4 =	vpop (erf)  }
0x168: {  	v10 =	vld [tilespmem:s16+$0x10];
	v5 =	vmul.f32 v5, v12;
	[tilespmem:s16+$0xFFFFFFF0] =	vst v13;
	v3 =	vpop (erf);
	v4 =	vperm.xlane v4, v0  }
0x169: {  	v9 =	vld [tilespmem:s16+$0x90];
	v6 =	vmul.f32 v15, v6;
	[tilespmem:s16+$0xFFFFFFE0] =	vst v7;
	v3 =	vperm.xlane v3, v0  }
0x16a: {  	v7 =	vld [tilespmem:s16+$0xA0];
	[tilespmem:s16+$0xFFFFFFD0] =	vst v5;
	v2 =	vmul.f32 v4, v2  }
0x16b: {  	[tilespmem:s16+$0x60] =	vst v6;
	v6 =	vmul.f32 v3, v11  }
0x16c: {  	v5 =	vmul.f32 v3, v8;
	[tilespmem:s16+$0xB0] =	vst v2  }
0x16d: {  	v3 =	vmul.f32 v3, v10;
	[tilespmem:s16+$0x20] =	vst v6  }
0x16e: {  	v6 =	vmul.f32 v4, v9;
	[tilespmem:s16+$0x0] =	vst v5  }
0x16f: {  	v5 =	vmul.f32 v4, v7;
	[tilespmem:s16+$0x10] =	vst v3  }
0x170: {  	[tilespmem:s16+$0x90] =	vst v6  }
0x171: {  	p0 =	seq.s32 s23, $0x1F;
	[tilespmem:s16+$0xA0] =	vst v5  }
0x172: {  	[spmem:s2] =	stream.indirect.scatter.add.f32 [tilespmem:s8], [sflag:$0xA], $0x30, s28, s25, $0xb8;
	[tilespmem:$0xA290] =	vst v63  }
0x173: {  	s26 =	smul.u32 @!p0 $0x140, s23;
	_ =	swait.ge [sflag:s22], $0xF00  }
0x174: {  	s3 =	rddreg [dreg:$0xd]  }
0x175: {  	s3 =	sadd.s32 @!p0 s26, s3  }
0x176: {  	[sflag:s22] =	ssyncset.done $0x0;
	s3 =	sshrl.u32 @!p0 s3, $0x3  }
0x177: {  	s16 =	simm.s32 @!p0 $0x0;
	[sflag:s22] =	ssyncadd.s32 $0xFFFFF100;
	s3 =	sadd.s32 @!p0 s6, s3  }
0x178: {  	[tilespmem:s16], [sflag:$0x1] =	stream.linear.gather @!p0 [hbm4b:s3+s16], $0x50, $0x38;
	[tilespmem:$0xA290] =	vst v63  }
0x179: {  	s17 =	simm.s32 @!p0 $0x50;
	s3 =	sadd.s32 @!p0 $0x9C40, s3  }
0x17a: {  	[tilespmem:s17], [sflag:$0x1] =	stream.linear.gather @!p0 [hbm4b:s3+s16], $0x50, $0x38;
	[tilespmem:$0xA290] =	vst v63  }
0x17b: {  	_ =	swait.ge [sflag:s29], $0x50  }
0x17c: {  	[sflag:s29] =	ssyncset.done $0x0  }
0x17d: {  	[sflag:s29] =	ssyncadd.s32 $0xFFFFFFB0  }
0x17e: {  	_ =	swait.ge [sflag:s29], $0x50  }
0x17f: {  	[sflag:s29] =	ssyncset.done $0x0  }
0x180: {  	s16 =	simm.s32 $0x1E0;
	[sflag:s29] =	ssyncadd.s32 $0xFFFFFFB0  }
0x181: {  	[tilespmem:s8], [sflag:$0x6] =	stream.indirect.gather [hbm4b:s5+s25], $0x30, s16, s25, $0xb8;
	[tilespmem:$0xA290] =	vst v63  }
0x182: {  	_ = 	snop  }
0x183: {  	[tilespmem:s10], [sflag:$0x8] =	stream.indirect.gather [hbm4b:s1+s25], $0x10, s20, s25, $0xb8;
	[tilespmem:$0xA290] =	vst v63  }
0x184: {  	_ =	swait.ge [sflag:s13], $0xF00  }
0x185: {  	[sflag:s13] =	ssyncset.done $0x0  }
0x186: {  	[sflag:s13] =	ssyncadd.s32 $0xFFFFF100  }
0x187: {  	_ =	swait.ge [sflag:s14], $0x500  }
0x188: {  	[sflag:s14] =	ssyncset.done $0x0  }
0x189: {  	s17 =	simm.s32 $0x20C0;
	[sflag:s14] =	ssyncadd.s32 $0xFFFFFB00  }
0x18a: {  	s31 =	simm.s32 $0x340;
	v2 =	vld [tilespmem:s17+$0xFFFFFFE0]  }
0x18b: {  	v20 =	vld [tilespmem:s31+$0xFFFFFF60]  }
0x18c: {  	v3 =	vld [tilespmem:s17+$0x10]  }
0x18d: {  	v9 =	vld [tilespmem:s31+$0xFFFFFF90]  }
0x18e: {  	v4 =	vld [tilespmem:s17+$0xFFFFFFD0]  }
0x18f: {  	v12 =	vld [tilespmem:s31+$0xFFFFFFC0]  }
0x190: {  	v8 =	vld [tilespmem:s17+$0x30]  }
0x191: {  	v17 =	vld [tilespmem:s31+$0x50]  }
0x192: {  	v6 =	vld [tilespmem:s31+$0xB0]  }
0x193: {  	v11 =	vld [tilespmem:s17+$0x0]  }
0x194: {  	v13 =	vld [tilespmem:s17+$0x20];
	v4 =	vadd.f32 v4, v9  }
0x195: {  	v14 =	vld [tilespmem:s17+$0xFFFFFFC0]  }
0x196: {  	v5 =	vld [tilespmem:s31+$0x20];
	v7 =	vmul.f32 $2.000000030e-01, v4  }
0x197: {  	v23 =	vld [tilespmem:s31+$0x80];
	vm0 =	vgt.f32 v4, $0.0e+00  }
0x198: {  	v15 =	vld [tilespmem:s17+$0xFFFFFFF0];
	v2 =	vadd.f32 v2, v12;
	v4 =	vsel vm0, v4, v7  }
0x199: {  	v10 =	vld [tilespmem:s31+$0xFFFFFFF0];
	v4 =	vsub.f32 v4, v1  }
0x19a: {  	v18 =	vld [tilespmem:s31+$0x40];
	v16 =	vmul.f32 $2.000000030e-01, v2  }
0x19b: {  	v19 =	vld [tilespmem:s31+$0xFFFFFFA0];
	v3 =	vadd.f32 v3, v17;
	vm0 =	vgt.f32 v2, $0.0e+00;
	v4 =	vmul.f32 $1.442695020e+00, v4  }
0x19c: {  	v21 =	vld [tilespmem:s31+$0xFFFFFF80];
	v2 =	vsel vm0, v2, v16  }
0x19d: {  	s18 =	simm.s32 $0x2140;
	v24 =	vld [tilespmem:s31+$0xFFFFFF70];
	v2 =	vsub.f32 v2, v1;
	(erf) = vpow2.f32 v4;
	v4 =	vmul.f32 $2.000000030e-01, v3  }
0x19e: {  	v25 =	vld [tilespmem:s18+$0xFFFFFFE0];
	v22 =	vadd.f32 v8, v6;
	vm0 =	vgt.f32 v3, $0.0e+00  }
0x19f: {  	v26 =	vld [tilespmem:s18+$0x10];
	v2 =	vmul.f32 $1.442695020e+00, v2;
	v3 =	vsel vm0, v3, v4;
	v4 =	vadd.f32 v14, v20  }
0x1a0: {  	v28 =	vld [tilespmem:s18+$0x30];
	v15 =	vadd.f32 v15, v10;
	v11 =	vadd.f32 v11, v5  }
0x1a1: {  	v31 =	vld [tilespmem:s18+$0xFFFFFFD0];
	(erf) = vpow2.f32 v2;
	v8 =	vsub.f32 v3, v1;
	v2 =	vmul.f32 $2.000000030e-01, v4  }
0x1a2: {  	v48 =	vld [tilespmem:s18+$0x20];
	v27 =	vmul.f32 $2.000000030e-01, v22;
	vm0 =	vgt.f32 v22, $0.0e+00;
	vm1 =	vgt.f32 v4, $0.0e+00  }
0x1a3: {  	v40 =	vld [tilespmem:s31+$0xFFFFFF50];
	v14 =	vadd.f32 v13, v23;
	v13 =	vmul.f32 $1.442695020e+00, v8;
	v2 =	vsel vm1, v4, v2  }
0x1a4: {  	s3 =	simm.s32 $0x4C0;
	v42 =	vld [tilespmem:s31+$0xFFFFFF40];
	v4 =	vsel vm0, v22, v27;
	v22 =	vmul.f32 $2.000000030e-01, v15;
	v2 =	vsub.f32 v2, v1  }
0x1a5: {  	v30 =	vmul.f32 $2.000000030e-01, v14;
	v8 =	vld [tilespmem:s3+$0xFFFFFFC0];
	vm0 =	vgt.f32 v15, $0.0e+00;
	(erf) = vpow2.f32 v13  }
0x1a6: {  	v16 =	vld [tilespmem:s31+$0xFFFFFFB0];
	vm2 =	vgt.f32 v14, $0.0e+00;
	v15 =	vsel vm0, v15, v22;
	v22 =	vmul.f32 $1.442695020e+00, v2  }
0x1a7: {  	v14 =	vsel vm2, v14, v30;
	v29 =	vsub.f32 v4, v1;
	v4 =	vld [tilespmem:s3+$0x50]  }
0x1a8: {  	v30 =	vmul.f32 $2.000000030e-01, v11;
	v52 =	vsub.f32 v14, v1;
	v27 =	vpop (erf);
	v2 =	vld [tilespmem:s3+$0xB0]  }
0x1a9: {  	v13 =	vld [tilespmem:s3+$0xFFFFFF90];
	vm0 =	vgt.f32 v11, $0.0e+00;
	v29 =	vmul.f32 $1.442695020e+00, v29;
	v27 =	vperm.xlane v27, v0  }
0x1aa: {  	v56 =	vld [tilespmem:s31+$0x30];
	v30 =	vsel vm0, v11, v30;
	v25 =	vadd.f32 v25, v8;
	(erf) = vpow2.f32 v22;
	v22 =	vpop (erf)  }
0x1ab: {  	v32 =	vld [tilespmem:s31+$0x60];
	v47 =	vmul.f32 v27, v24;
	v24 =	vsub.f32 v15, v1;
	v22 =	vperm.xlane v22, v0  }
0x1ac: {  	v34 =	vld [tilespmem:s3+$0xFFFFFF70];
	v21 =	vmul.f32 v27, v21;
	v49 =	vmul.f32 v27, v9;
	v26 =	vadd.f32 v26, v4  }
0x1ad: {  	v3 =	vld [tilespmem:s3+$0xFFFFFF60];
	v24 =	vmul.f32 $1.442695020e+00, v24;
	v28 =	vadd.f32 v28, v2;
	v50 =	vmul.f32 v22, v19  }
0x1ae: {  	v27 =	vld [tilespmem:s18+$0xFFFFFFC0];
	v19 =	vpop (erf);
	v51 =	vmul.f32 v22, v12;
	v22 =	vmul.f32 v22, v16;
	v16 =	vadd.f32 v31, v13  }
0x1af: {  	v9 =	vld [tilespmem:s3+$0x80];
	v38 =	vmul.f32 $2.000000030e-01, v26;
	vm0 =	vgt.f32 v26, $0.0e+00;
	v39 =	vperm.xlane v19, v0  }
0x1b0: {  	v7 =	vld [tilespmem:s31+$0xFFFFFFD0];
	vm1 =	vgt.f32 v28, $0.0e+00;
	(erf) = vpow2.f32 v24;
	v53 =	vmul.f32 $2.000000030e-01, v16  }
0x1b1: {  	v14 =	vld [tilespmem:s3+$0xFFFFFFF0];
	v19 =	vsub.f32 v30, v1;
	v30 =	vmul.f32 v39, v18;
	v18 =	vmul.f32 $1.442695020e+00, v52  }
0x1b2: {  	v11 =	vld [tilespmem:s3+$0x20];
	v41 =	vmul.f32 $2.000000030e-01, v28;
	v26 =	vsel vm0, v26, v38;
	vm2 =	vgt.f32 v16, $0.0e+00  }
0x1b3: {  	v31 =	vld [tilespmem:s18+$0xFFFFFFF0];
	v24 =	vadd.f32 v27, v3;
	v37 =	vsel vm2, v16, v53;
	(erf) = vpow2.f32 v18  }
0x1b4: {  	v15 =	vld [tilespmem:s18+$0x0];
	[tilespmem:s31+$0xFFFFFF70] =	vst v47;
	v27 =	vmul.f32 $2.000000030e-01, v25;
	v44 =	vadd.f32 v48, v9;
	v37 =	vsub.f32 v37, v1  }
0x1b5: {  	[tilespmem:s31+$0xFFFFFF80] =	vst v21;
	v12 =	vld [tilespmem:s3+$0xFFFFFFD0];
	v62 =	vsub.f32 v26, v1;
	v21 =	vsel vm1, v28, v41;
	v43 =	vmul.f32 $1.442695020e+00, v19  }
0x1b6: {  	[tilespmem:s31+$0xFFFFFF90] =	vst v49;
	v26 =	vld [tilespmem:s3+$0xFFFFFF80];
	v17 =	vmul.f32 v39, v17;
	vm2 =	vgt.f32 v25, $0.0e+00;
	v55 =	vmul.f32 $1.442695020e+00, v37  }
0x1b7: {  	[tilespmem:s31+$0xFFFFFFB0] =	vst v22;
	v22 =	vld [tilespmem:s31+$0x0];
	v60 =	vsub.f32 v21, v1;
	v39 =	vmul.f32 v39, v56;
	v25 =	vsel vm2, v25, v27  }
0x1b8: {  	[tilespmem:s31+$0xFFFFFFA0] =	vst v50;
	v19 =	vld [tilespmem:s31+$0x90];
	v27 =	vmul.f32 $2.000000030e-01, v24;
	v59 =	vadd.f32 v31, v14;
	v18 =	vpop (erf);
	(erf) = vpow2.f32 v55  }
0x1b9: {  	[tilespmem:s31+$0xFFFFFFC0] =	vst v51;
	v21 =	vld [tilespmem:s3+$0xFFFFFFB0];
	v57 =	vsub.f32 v25, v1;
	v54 =	vperm.xlane v18, v0;
	(erf) = vpow2.f32 v29  }
0x1ba: {  	vm0 =	vgt.f32 v24, $0.0e+00;
	v16 =	vld [tilespmem:s31+$0xA0];
	[tilespmem:s31+$0x40] =	vst v30;
	v28 =	vmul.f32 $2.000000030e-01, v59;
	v33 =	vpop (erf);
	(erf) = vpow2.f32 v43  }
0x1bb: {  	vm2 =	vgt.f32 v44, $0.0e+00;
	v30 =	vld [tilespmem:s31+$0xFFFFFFE0];
	[tilespmem:s31+$0x50] =	vst v17;
	v63 =	vmul.f32 $1.442695020e+00, v57;
	v20 =	vmul.f32 v54, v20  }
0x1bc: {  	v31 =	vld [tilespmem:s31+$0x70];
	[tilespmem:s31+$0x30] =	vst v39;
	vm1 =	vgt.f32 v59, $0.0e+00;
	v25 =	vmul.f32 v54, v40;
	v58 =	vmul.f32 v54, v42;
	v61 =	vpop (erf)  }
0x1bd: {  	v18 =	vld [tilespmem:s31+$0x10];
	v28 =	vsel vm1, v59, v28;
	v29 =	vmul.f32 $2.000000030e-01, v44;
	[tilespmem:s31+$0xFFFFFF60] =	vst v20;
	v35 =	vperm.xlane v61, v0  }
0x1be: {  	v17 =	vmul.f32 $1.442695020e+00, v60;
	v37 =	vmul.f32 $1.442695020e+00, v62;
	v28 =	vsub.f32 v28, v1;
	[tilespmem:s31+$0xFFFFFF50] =	vst v25;
	v20 =	vld [tilespmem:s3+$0x40]  }
0x1bf: {  	s16 =	simm.s32 $0x4C0;
	s17 =	simm.s32 $0x8;
	s18 =	simm.s32 $0x21C0;
	[tilespmem:s31+$0xFFFFFF40] =	vst v58;
	v25 =	vld [tilespmem:s3+$0xFFFFFFA0];
	v29 =	vsel vm2, v44, v29;
	(erf) = vpow2.f32 v63;
	v36 =	vmul.f32 v35, v23  }
.LBB2_9:
0x1c0: {  	v38 =	vld [tilespmem:s18+$0xFFFFFFE0];
	s17 =	sadd.s32 $0x8, s17;
	v24 =	vsel vm0, v24, v27;
	s3 =	sadd.s32 $0x180, s3;
	v27 =	vperm.xlane v33, v0;
	v32 =	vmul.f32 v35, v32  }
0x1c1: {  	v31 =	vmul.f32 v35, v31;
	v23 =	vld [tilespmem:s3+$0xFFFFFF60];
	p1 =	slt.u32 s17, $0x48;
	v24 =	vsub.f32 v24, v1;
	v33 =	vpop (erf);
	(erf) = vpow2.f32 v37  }
0x1c2: {  	v35 =	vld [tilespmem:s18+$0x10];
	v33 =	vperm.xlane v33, v0;
	v30 =	vmul.f32 v27, v30;
	[tilespmem:s31+$0x80] =	vst v36;
	v36 =	vpop (erf)  }
0x1c3: {  	v39 =	vadd.f32 v15, v11;
	v15 =	vmul.f32 v27, v10;
	v37 =	vld [tilespmem:s3+$0xFFFFFFC0];
	v24 =	vmul.f32 $1.442695020e+00, v24;
	[tilespmem:s31+$0x70] =	vst v31;
	v10 =	vpop (erf)  }
0x1c4: {  	v31 =	vld [tilespmem:s18+$0x30];
	v34 =	vmul.f32 v33, v34;
	[tilespmem:s31+$0xFFFFFFE0] =	vst v30;
	v30 =	vperm.xlane v10, v0;
	v10 =	vmov v14  }
0x1c5: {  	v14 =	vld [tilespmem:s3+$0xFFFFFF90];
	(erf) = vpow2.f32 v24;
	v24 =	vmul.f32 v27, v7;
	[tilespmem:s31+$0x60] =	vst v32;
	v7 =	vmov v12  }
0x1c6: {  	vm0 =	vgt.f32 v39, $0.0e+00;
	v26 =	vmul.f32 v33, v26;
	v32 =	vld [tilespmem:s3+$0x50];
	[tilespmem:s31+$0xFFFFFFF0] =	vst v15;
	v12 =	vmul.f32 v30, v5;
	v5 =	vmovc v11  }
0x1c7: {  	v33 =	vmul.f32 v33, v13;
	v13 =	vperm.xlane v36, v0;
	v27 =	vld [tilespmem:s18+$0xFFFFFFD0];
	[tilespmem:s31+$0xFFFFFFD0] =	vst v24  }
0x1c8: {  	v11 =	vmul.f32 $2.000000030e-01, v39;
	v24 =	vld [tilespmem:s3+$0xB0];
	v36 =	vpop (erf);
	[tilespmem:s31+$0x20] =	vst v12;
	v12 =	vmul.f32 v30, v22  }
0x1c9: {  	v19 =	vmul.f32 v13, v19;
	v15 =	vld [tilespmem:s18+$0x0];
	[tilespmem:s16+$0xFFFFFF70] =	vst v34;
	v22 =	vperm.xlane v36, v0  }
0x1ca: {  	v28 =	vmul.f32 $1.442695020e+00, v28;
	v36 =	vsel vm0, v39, v11;
	v34 =	vld [tilespmem:s18+$0x20];
	v39 =	vpop (erf);
	[tilespmem:s31+$0x0] =	vst v12;
	v12 =	vmul.f32 v30, v18  }
0x1cb: {  	v16 =	vmul.f32 v13, v16;
	v18 =	vld [tilespmem:s18+$0xFFFFFFC0];
	v35 =	vadd.f32 v35, v32;
	v25 =	vmul.f32 v22, v25;
	[tilespmem:s31+$0x90] =	vst v19  }
0x1cc: {  	v29 =	vsub.f32 v29, v1;
	v6 =	vmul.f32 v13, v6;
	v19 =	vmul.f32 v22, v8;
	v11 =	vld [tilespmem:s3+$0x20];
	[tilespmem:s31+$0x10] =	vst v12  }
0x1cd: {  	v39 =	vperm.xlane v39, v0;
	v8 =	vmovc v37;
	v40 =	vmul.f32 $2.000000030e-01, v35;
	v41 =	vld [tilespmem:s3+$0x80];
	v31 =	vadd.f32 v31, v24;
	[tilespmem:s31+$0xA0] =	vst v16  }
0x1ce: {  	vm1 =	vgt.f32 v35, $0.0e+00;
	v16 =	vmul.f32 v22, v21;
	v21 =	vsub.f32 v36, v1;
	v12 =	vld [tilespmem:s3+$0xFFFFFFD0];
	v22 =	vpop (erf);
	[tilespmem:s31+$0xB0] =	vst v6;
	s31 =	smov.u32 s16;
	s16 =	smov.u32 s3  }
0x1cf: {  	v13 =	vmovc v14;
	v27 =	vadd.f32 v27, v14;
	v20 =	vmul.f32 v39, v20;
	v30 =	vld [tilespmem:s18+$0xFFFFFFF0];
	vm2 =	vgt.f32 v31, $0.0e+00;
	[tilespmem:s31+$0xFFFFFFA0] =	vst v25  }
0x1d0: {  	v6 =	vmovc v2;
	v2 =	vmovc v24;
	v25 =	vadd.f32 v38, v8;
	v36 =	vmul.f32 $2.000000030e-01, v31;
	v14 =	vld [tilespmem:s3+$0xFFFFFFF0];
	[tilespmem:s31+$0xFFFFFFB0] =	vst v16;
	v16 =	vmul.f32 $1.442695020e+00, v29  }
0x1d1: {  	v24 =	vadd.f32 v18, v23;
	v18 =	vmul.f32 $2.000000030e-01, v27;
	v29 =	vld [tilespmem:s31+$0xFFFFFF50];
	[tilespmem:s31+$0x40] =	vst v20;
	(erf) = vpow2.f32 v28  }
0x1d2: {  	vm0 =	vgt.f32 v27, $0.0e+00;
	v20 =	vmul.f32 $2.000000030e-01, v25;
	v28 =	vld [tilespmem:s31+$0xFFFFFF40];
	[tilespmem:s31+$0xFFFFFF90] =	vst v33;
	(erf) = vpow2.f32 v16  }
0x1d3: {  	v22 =	vperm.xlane v22, v0;
	v18 =	vsel vm0, v27, v18;
	v38 =	vadd.f32 v34, v41;
	[tilespmem:s31+$0xFFFFFFC0] =	vst v19;
	v16 =	vld [tilespmem:s31+$0xA0]  }
0x1d4: {  	v21 =	vmul.f32 $1.442695020e+00, v21;
	vm0 =	vgt.f32 v25, $0.0e+00;
	v33 =	vsub.f32 v18, v1;
	[tilespmem:s31+$0xFFFFFF80] =	vst v26;
	v18 =	vld [tilespmem:s31+$0x10]  }
0x1d5: {  	v27 =	vmul.f32 $2.000000030e-01, v24;
	v20 =	vsel vm0, v25, v20;
	v25 =	vmul.f32 v22, v3;
	v3 =	vmovc v23;
	v19 =	vld [tilespmem:s31+$0x90]  }
0x1d6: {  	v26 =	vsub.f32 v20, v1;
	v23 =	vmul.f32 $1.442695020e+00, v33;
	v20 =	vmul.f32 v22, v29;
	v29 =	vld [tilespmem:s31+$0x30]  }
0x1d7: {  	vm0 =	vgt.f32 v24, $0.0e+00;
	vm3 =	vgt.f32 v38, $0.0e+00;
	[tilespmem:s31+$0xFFFFFF60] =	vst v25;
	v25 =	vmul.f32 v22, v28;
	v22 =	vld [tilespmem:s31+$0x0]  }
0x1d8: {  	v28 =	vadd.f32 v30, v14;
	(erf) = vpow2.f32 v23;
	[tilespmem:s31+$0xFFFFFF50] =	vst v20;
	v30 =	vld [tilespmem:s31+$0xFFFFFFE0];
	v20 =	vmul.f32 v39, v4;
	v4 =	vmovc v32  }
0x1d9: {  	v23 =	vsel vm1, v35, v40;
	v32 =	vsel vm2, v31, v36;
	[tilespmem:s31+$0xFFFFFF40] =	vst v25;
	v31 =	vld [tilespmem:s31+$0x70];
	(erf) = vpow2.f32 v17  }
0x1da: {  	v40 =	vmul.f32 $2.000000030e-01, v38;
	v17 =	vsub.f32 v32, v1;
	[tilespmem:s31+$0x50] =	vst v20;
	v32 =	vld [tilespmem:s31+$0x60];
	v33 =	vpop (erf);
	(erf) = vpow2.f32 v21  }
.Ltmp3:
0x1db: {  	vm1 =	vgt.f32 v28, $0.0e+00;
	v34 =	vmul.f32 $2.000000030e-01, v28;
	v21 =	vld [tilespmem:s3+$0xFFFFFFB0];
	v29 =	vmul.f32 v39, v29;
	v25 =	vpop (erf);
	(pc) =	sbr.rel @p1 .LBB2_9-.Ltmp3, $4  }
0x1dc: {  	v23 =	vsub.f32 v23, v1;
	v20 =	vld [tilespmem:s3+$0x40];
	v35 =	vperm.xlane v25, v0  }
0x1dd: {  	v39 =	vmul.f32 $1.442695020e+00, v26;
	v28 =	vsel vm1, v28, v34;
	v25 =	vld [tilespmem:s3+$0xFFFFFFA0];
	[tilespmem:s31+$0x30] =	vst v29  }
0x1de: {  	v17 =	vmul.f32 $1.442695020e+00, v17;
	v28 =	vsub.f32 v28, v1;
	v26 =	vld [tilespmem:s3+$0xFFFFFF80];
	v36 =	vmul.f32 v35, v9;
	v9 =	vmovc v41  }
0x1df: {  	s18 =	sadd.s32 $0x80, s18;
	v37 =	vmul.f32 $1.442695020e+00, v23;
	v29 =	vsel vm3, v38, v40;
	v34 =	vld [tilespmem:s3+$0xFFFFFF70];
	(erf) = vpow2.f32 v39  }
0x1e0: {  	v31 =	vmul.f32 v35, v31  }
0x1e1: {  	v23 =	vsel vm0, v24, v27;
	v24 =	vperm.xlane v33, v0  }
0x1e2: {  	v23 =	vsub.f32 v23, v1;
	v45 =	vpop (erf)  }
0x1e3: {  	(erf) = vpow2.f32 v37;
	v30 =	vmul.f32 v24, v30;
	v46 =	vpop (erf)  }
0x1e4: {  	[tilespmem:s31+$0x70] =	vst v31;
	v7 =	vmul.f32 v24, v7;
	v23 =	vmul.f32 $1.442695020e+00, v23;
	v31 =	vpop (erf)  }
0x1e5: {  	v27 =	vmul.f32 v35, v32;
	[tilespmem:s31+$0xFFFFFFE0] =	vst v30;
	v30 =	vperm.xlane v31, v0  }
0x1e6: {  	v32 =	vperm.xlane v45, v0;
	[tilespmem:s31+$0xFFFFFFD0] =	vst v7;
	v7 =	vperm.xlane v46, v0  }
0x1e7: {  	[tilespmem:s31+$0x80] =	vst v36;
	v10 =	vmul.f32 v24, v10;
	v5 =	vmul.f32 v30, v5  }
0x1e8: {  	v15 =	vadd.f32 v15, v11;
	[tilespmem:s31+$0x60] =	vst v27;
	(erf) = vpow2.f32 v23;
	v19 =	vmul.f32 v7, v19;
	v23 =	vpop (erf)  }
0x1e9: {  	[tilespmem:s31+$0x20] =	vst v5;
	v5 =	vmul.f32 v30, v22;
	v22 =	vperm.xlane v23, v0;
	v23 =	vsub.f32 v29, v1  }
0x1ea: {  	v24 =	vmul.f32 $1.442695020e+00, v28;
	[tilespmem:s31+$0xFFFFFFF0] =	vst v10;
	v10 =	vmul.f32 $2.000000030e-01, v15  }
0x1eb: {  	[tilespmem:s31+$0x0] =	vst v5;
	v5 =	vmul.f32 v30, v18;
	v18 =	vmul.f32 $1.442695020e+00, v23  }
0x1ec: {  	v16 =	vmul.f32 v7, v16;
	(erf) = vpow2.f32 v24;
	[tilespmem:s31+$0x90] =	vst v19  }
0x1ed: {  	vm0 =	vgt.f32 v15, $0.0e+00;
	v19 =	vpop (erf);
	[tilespmem:s31+$0x10] =	vst v5;
	v5 =	vmul.f32 v7, v6;
	(erf) = vpow2.f32 v18  }
0x1ee: {  	[tilespmem:s31+$0xA0] =	vst v16;
	v6 =	vsel vm0, v15, v10;
	v7 =	vmul.f32 v22, v25;
	v10 =	vperm.xlane v19, v0  }
0x1ef: {  	v15 =	vmul.f32 v22, v21;
	[tilespmem:s31+$0xB0] =	vst v5  }
0x1f0: {  	v5 =	vmul.f32 v32, v13;
	[tilespmem:s16+$0xFFFFFFA0] =	vst v7;
	v7 =	vmul.f32 v10, v20;
	v13 =	vld [tilespmem:s16+$0xFFFFFF50]  }
0x1f1: {  	v31 =	vmul.f32 v32, v34;
	v6 =	vsub.f32 v6, v1;
	v16 =	vpop (erf);
	[tilespmem:s16+$0xFFFFFFB0] =	vst v15;
	v15 =	vld [tilespmem:s16+$0xFFFFFF40]  }
0x1f2: {  	v8 =	vmul.f32 v22, v8;
	[tilespmem:s16+$0x40] =	vst v7;
	v7 =	vperm.xlane v16, v0  }
0x1f3: {  	(erf) = vpow2.f32 v17;
	v6 =	vmul.f32 $1.442695020e+00, v6;
	[tilespmem:s16+$0xFFFFFF90] =	vst v5;
	v5 =	vld [tilespmem:s16+$0x30]  }
0x1f4: {  	[tilespmem:s16+$0xFFFFFF70] =	vst v31;
	v4 =	vmul.f32 v10, v4;
	v3 =	vmul.f32 v7, v3  }
0x1f5: {  	[tilespmem:s16+$0xFFFFFFC0] =	vst v8;
	v8 =	vld [tilespmem:s16+$0x70];
	(erf) = vpow2.f32 v6;
	v6 =	vmul.f32 v7, v13;
	v13 =	vpop (erf)  }
0x1f6: {  	[tilespmem:s16+$0xFFFFFF60] =	vst v3;
	v3 =	vmul.f32 v7, v15;
	v15 =	vpop (erf)  }
0x1f7: {  	[tilespmem:s16+$0x50] =	vst v4;
	v15 =	vperm.xlane v15, v0  }
0x1f8: {  	v7 =	vld [tilespmem:s16+$0xFFFFFFE0];
	[tilespmem:s16+$0xFFFFFF40] =	vst v3;
	v3 =	vmul.f32 v10, v5  }
0x1f9: {  	v16 =	vmul.f32 v32, v26;
	[tilespmem:s16+$0xFFFFFF50] =	vst v6;
	v4 =	vmul.f32 v15, v9  }
0x1fa: {  	v6 =	vld [tilespmem:s16+$0x60];
	v5 =	vperm.xlane v13, v0;
	[tilespmem:s16+$0x30] =	vst v3;
	v3 =	vmul.f32 v15, v8  }
0x1fb: {  	[tilespmem:s16+$0xFFFFFF80] =	vst v16  }
0x1fc: {  	v13 =	vmul.f32 v5, v14;
	[tilespmem:s16+$0x80] =	vst v4  }
0x1fd: {  	v8 =	vld [tilespmem:s16+$0x0];
	v7 =	vmul.f32 v5, v7;
	[tilespmem:s16+$0x70] =	vst v3;
	v4 =	vpop (erf)  }
0x1fe: {  	v10 =	vld [tilespmem:s16+$0x10];
	v5 =	vmul.f32 v5, v12;
	[tilespmem:s16+$0xFFFFFFF0] =	vst v13;
	v3 =	vpop (erf);
	v4 =	vperm.xlane v4, v0  }
0x1ff: {  	v9 =	vld [tilespmem:s16+$0x90];
	v6 =	vmul.f32 v15, v6;
	[tilespmem:s16+$0xFFFFFFE0] =	vst v7;
	v3 =	vperm.xlane v3, v0  }
0x200: {  	v7 =	vld [tilespmem:s16+$0xA0];
	[tilespmem:s16+$0xFFFFFFD0] =	vst v5;
	v2 =	vmul.f32 v4, v2  }
0x201: {  	[tilespmem:s16+$0x60] =	vst v6;
	v6 =	vmul.f32 v3, v11  }
0x202: {  	v5 =	vmul.f32 v3, v8;
	[tilespmem:s16+$0xB0] =	vst v2  }
0x203: {  	v3 =	vmul.f32 v3, v10;
	[tilespmem:s16+$0x20] =	vst v6  }
0x204: {  	v6 =	vmul.f32 v4, v9;
	[tilespmem:s16+$0x0] =	vst v5  }
0x205: {  	v5 =	vmul.f32 v4, v7;
	[tilespmem:s16+$0x10] =	vst v3  }
0x206: {  	p2 =	sgt.u32 @!p0 s23, $0x1D;
	[tilespmem:s16+$0x90] =	vst v6  }
0x207: {  	p1 =	por !p2, p0;
	[tilespmem:s16+$0xA0] =	vst v5  }
0x208: {  	[spmem:s2] =	stream.indirect.scatter.add.f32 [tilespmem:s30], [sflag:$0x9], $0x30, s24, s25, $0xb8;
	[tilespmem:$0xA290] =	vst v63  }
0x209: {  	p2 =	por p2, p0;
	s3 =	sadd.s32 @!p1 $0xFFFFDA80, s26;
	_ =	swait.ge [sflag:s15], $0xF00  }
0x20a: {  	s17 =	simm.s32 @!p1 $0xA0;
	s3 =	sshrl.u32 @!p1 s3, $0x3;
	[sflag:s15] =	ssyncset.done $0x0  }
0x20b: {  	s3 =	sadd.s32 @!p1 s7, s3;
	s16 =	simm.s32 @!p1 $0x0;
	[sflag:s15] =	ssyncadd.s32 $0xFFFFF100  }
0x20c: {  	[tilespmem:s17], [sflag:$0x2] =	stream.linear.gather @!p1 [hbm4b:s3+s16], $0x50, $0x38;
	[tilespmem:$0xA290] =	vst v63  }
0x20d: {  	s3 =	sadd.s32 @!p2 s26, s19  }
0x20e: {  	s16 =	sshrl.u32 @!p2 s3, $0x3  }
0x20f: {  	s18 =	simm.s32 @!p2 $0xA0;
	s17 =	simm.s32 @!p2 $0x0;
	s16 =	sadd.s32 @!p2 s6, s16  }
0x210: {  	[tilespmem:s18], [sflag:$0x2] =	stream.linear.gather @!p2 [hbm4b:s16+s17], $0x50, $0x38;
	[tilespmem:$0xA290] =	vst v63  }
0x211: {  	s3 =	sadd.s32 @!p2 $0x4E200, s3;
	s16 =	sadd.s32 @!p1 $0xFFFFDB70, s26  }
0x212: {  	s16 =	smov.u32 @p1 s3;
	s3 =	smov.u32 s7  }
0x213: {  	s3 =	smov.u32 @p1 s6;
	s16 =	sshrl.u32 @!p0 s16, $0x3  }
0x214: {  	s17 =	simm.s32 @!p0 $0xF0;
	s3 =	sadd.s32 @!p0 s3, s16;
	s16 =	simm.s32 @!p0 $0x0  }
0x215: {  	[tilespmem:s17], [sflag:$0x2] =	stream.linear.gather @!p0 [hbm4b:s3+s16], $0x50, $0x38;
	[tilespmem:$0xA290] =	vst v63  }
0x216: {  	s3 =	simm.s32 @!p0 $0x1  }
0x217: {  	_ =	swait.ge @!p0 [sflag:s3], $0x50  }
0x218: {  	[sflag:s3] =	ssyncset.done @!p0 $0x0  }
0x219: {  	[sflag:s3] =	ssyncadd.s32 @!p0 $0xFFFFFFB0  }
0x21a: {  	_ =	swait.ge @!p0 [sflag:s3], $0x50  }
0x21b: {  	[sflag:s3] =	ssyncset.done @!p0 $0x0  }
0x21c: {  	s17 =	simm.s32 @!p0 $0x280;
	[sflag:s3] =	ssyncadd.s32 @!p0 $0xFFFFFFB0;
	s3 =	simm.s32 @!p0 $0x50  }
0x21d: {  	[tilespmem:s17], [sflag:$0x5] =	stream.indirect.gather @!p0 [hbm4b:s5+s3], $0x30, s16, s3, $0xb8;
	[tilespmem:$0xA290] =	vst v63  }
0x21e: {  	s16 =	simm.s32 @!p0 $0x2080  }
0x21f: {  	[tilespmem:s16], [sflag:$0x7] =	stream.indirect.gather @!p0 [hbm4b:s1+s3], $0x10, s3, s3, $0xb8;
	[tilespmem:$0xA290] =	vst v63  }
0x220: {  	_ =	swait.ge [sflag:s11], $0xF00  }
0x221: {  	[sflag:s11] =	ssyncset.done $0x0  }
0x222: {  	[sflag:s11] =	ssyncadd.s32 $0xFFFFF100  }
0x223: {  	_ =	swait.ge [sflag:s12], $0x500  }
0x224: {  	[sflag:s12] =	ssyncset.done $0x0  }
0x225: {  	s18 =	simm.s32 $0x25C0;
	[sflag:s12] =	ssyncadd.s32 $0xFFFFFB00  }
0x226: {  	s26 =	simm.s32 $0x1240;
	v2 =	vld [tilespmem:s18+$0xFFFFFFE0]  }
0x227: {  	v20 =	vld [tilespmem:s26+$0xFFFFFF60]  }
0x228: {  	v3 =	vld [tilespmem:s18+$0x10]  }
0x229: {  	v9 =	vld [tilespmem:s26+$0xFFFFFF90]  }
0x22a: {  	v4 =	vld [tilespmem:s18+$0xFFFFFFD0]  }
0x22b: {  	v12 =	vld [tilespmem:s26+$0xFFFFFFC0]  }
0x22c: {  	v8 =	vld [tilespmem:s18+$0x30]  }
0x22d: {  	v17 =	vld [tilespmem:s26+$0x50]  }
0x22e: {  	v6 =	vld [tilespmem:s26+$0xB0]  }
0x22f: {  	v11 =	vld [tilespmem:s18+$0x0]  }
0x230: {  	v13 =	vld [tilespmem:s18+$0x20];
	v4 =	vadd.f32 v4, v9  }
0x231: {  	v14 =	vld [tilespmem:s18+$0xFFFFFFC0]  }
0x232: {  	v5 =	vld [tilespmem:s26+$0x20];
	v7 =	vmul.f32 $2.000000030e-01, v4  }
0x233: {  	v23 =	vld [tilespmem:s26+$0x80];
	vm0 =	vgt.f32 v4, $0.0e+00  }
0x234: {  	v15 =	vld [tilespmem:s18+$0xFFFFFFF0];
	v2 =	vadd.f32 v2, v12;
	v4 =	vsel vm0, v4, v7  }
0x235: {  	v10 =	vld [tilespmem:s26+$0xFFFFFFF0];
	v4 =	vsub.f32 v4, v1  }
0x236: {  	v18 =	vld [tilespmem:s26+$0x40];
	v16 =	vmul.f32 $2.000000030e-01, v2  }
0x237: {  	v19 =	vld [tilespmem:s26+$0xFFFFFFA0];
	v3 =	vadd.f32 v3, v17;
	vm0 =	vgt.f32 v2, $0.0e+00;
	v4 =	vmul.f32 $1.442695020e+00, v4  }
0x238: {  	v21 =	vld [tilespmem:s26+$0xFFFFFF80];
	v2 =	vsel vm0, v2, v16  }
0x239: {  	s31 =	simm.s32 $0x2640;
	v24 =	vld [tilespmem:s26+$0xFFFFFF70];
	v2 =	vsub.f32 v2, v1;
	(erf) = vpow2.f32 v4;
	v4 =	vmul.f32 $2.000000030e-01, v3  }
0x23a: {  	v25 =	vld [tilespmem:s31+$0xFFFFFFE0];
	v22 =	vadd.f32 v8, v6;
	vm0 =	vgt.f32 v3, $0.0e+00  }
0x23b: {  	v26 =	vld [tilespmem:s31+$0x10];
	v2 =	vmul.f32 $1.442695020e+00, v2;
	v3 =	vsel vm0, v3, v4;
	v4 =	vadd.f32 v14, v20  }
0x23c: {  	v28 =	vld [tilespmem:s31+$0x30];
	v15 =	vadd.f32 v15, v10;
	v11 =	vadd.f32 v11, v5  }
0x23d: {  	v31 =	vld [tilespmem:s31+$0xFFFFFFD0];
	(erf) = vpow2.f32 v2;
	v8 =	vsub.f32 v3, v1;
	v2 =	vmul.f32 $2.000000030e-01, v4  }
0x23e: {  	v48 =	vld [tilespmem:s31+$0x20];
	v27 =	vmul.f32 $2.000000030e-01, v22;
	vm0 =	vgt.f32 v22, $0.0e+00;
	vm1 =	vgt.f32 v4, $0.0e+00  }
0x23f: {  	v40 =	vld [tilespmem:s26+$0xFFFFFF50];
	v14 =	vadd.f32 v13, v23;
	v13 =	vmul.f32 $1.442695020e+00, v8;
	v2 =	vsel vm1, v4, v2  }
0x240: {  	s3 =	simm.s32 $0x13C0;
	v42 =	vld [tilespmem:s26+$0xFFFFFF40];
	v4 =	vsel vm0, v22, v27;
	v22 =	vmul.f32 $2.000000030e-01, v15;
	v2 =	vsub.f32 v2, v1  }
0x241: {  	v30 =	vmul.f32 $2.000000030e-01, v14;
	v8 =	vld [tilespmem:s3+$0xFFFFFFC0];
	vm0 =	vgt.f32 v15, $0.0e+00;
	(erf) = vpow2.f32 v13  }
0x242: {  	v16 =	vld [tilespmem:s26+$0xFFFFFFB0];
	vm2 =	vgt.f32 v14, $0.0e+00;
	v15 =	vsel vm0, v15, v22;
	v22 =	vmul.f32 $1.442695020e+00, v2  }
0x243: {  	v14 =	vsel vm2, v14, v30;
	v29 =	vsub.f32 v4, v1;
	v4 =	vld [tilespmem:s3+$0x50]  }
0x244: {  	v30 =	vmul.f32 $2.000000030e-01, v11;
	v52 =	vsub.f32 v14, v1;
	v27 =	vpop (erf);
	v2 =	vld [tilespmem:s3+$0xB0]  }
0x245: {  	v13 =	vld [tilespmem:s3+$0xFFFFFF90];
	vm0 =	vgt.f32 v11, $0.0e+00;
	v29 =	vmul.f32 $1.442695020e+00, v29;
	v27 =	vperm.xlane v27, v0  }
0x246: {  	v56 =	vld [tilespmem:s26+$0x30];
	v30 =	vsel vm0, v11, v30;
	v25 =	vadd.f32 v25, v8;
	(erf) = vpow2.f32 v22;
	v22 =	vpop (erf)  }
0x247: {  	v32 =	vld [tilespmem:s26+$0x60];
	v47 =	vmul.f32 v27, v24;
	v24 =	vsub.f32 v15, v1;
	v22 =	vperm.xlane v22, v0  }
0x248: {  	v34 =	vld [tilespmem:s3+$0xFFFFFF70];
	v21 =	vmul.f32 v27, v21;
	v49 =	vmul.f32 v27, v9;
	v26 =	vadd.f32 v26, v4  }
0x249: {  	v3 =	vld [tilespmem:s3+$0xFFFFFF60];
	v24 =	vmul.f32 $1.442695020e+00, v24;
	v28 =	vadd.f32 v28, v2;
	v50 =	vmul.f32 v22, v19  }
0x24a: {  	v27 =	vld [tilespmem:s31+$0xFFFFFFC0];
	v19 =	vpop (erf);
	v51 =	vmul.f32 v22, v12;
	v22 =	vmul.f32 v22, v16;
	v16 =	vadd.f32 v31, v13  }
0x24b: {  	v9 =	vld [tilespmem:s3+$0x80];
	v38 =	vmul.f32 $2.000000030e-01, v26;
	vm0 =	vgt.f32 v26, $0.0e+00;
	v39 =	vperm.xlane v19, v0  }
0x24c: {  	v7 =	vld [tilespmem:s26+$0xFFFFFFD0];
	vm1 =	vgt.f32 v28, $0.0e+00;
	(erf) = vpow2.f32 v24;
	v53 =	vmul.f32 $2.000000030e-01, v16  }
0x24d: {  	v14 =	vld [tilespmem:s3+$0xFFFFFFF0];
	v19 =	vsub.f32 v30, v1;
	v30 =	vmul.f32 v39, v18;
	v18 =	vmul.f32 $1.442695020e+00, v52  }
0x24e: {  	v11 =	vld [tilespmem:s3+$0x20];
	v41 =	vmul.f32 $2.000000030e-01, v28;
	v26 =	vsel vm0, v26, v38;
	vm2 =	vgt.f32 v16, $0.0e+00  }
0x24f: {  	v31 =	vld [tilespmem:s31+$0xFFFFFFF0];
	v24 =	vadd.f32 v27, v3;
	v37 =	vsel vm2, v16, v53;
	(erf) = vpow2.f32 v18  }
0x250: {  	v15 =	vld [tilespmem:s31+$0x0];
	[tilespmem:s26+$0xFFFFFF70] =	vst v47;
	v27 =	vmul.f32 $2.000000030e-01, v25;
	v44 =	vadd.f32 v48, v9;
	v37 =	vsub.f32 v37, v1  }
0x251: {  	[tilespmem:s26+$0xFFFFFF80] =	vst v21;
	v12 =	vld [tilespmem:s3+$0xFFFFFFD0];
	v62 =	vsub.f32 v26, v1;
	v21 =	vsel vm1, v28, v41;
	v43 =	vmul.f32 $1.442695020e+00, v19  }
0x252: {  	[tilespmem:s26+$0xFFFFFF90] =	vst v49;
	v26 =	vld [tilespmem:s3+$0xFFFFFF80];
	v17 =	vmul.f32 v39, v17;
	vm2 =	vgt.f32 v25, $0.0e+00;
	v55 =	vmul.f32 $1.442695020e+00, v37  }
0x253: {  	[tilespmem:s26+$0xFFFFFFB0] =	vst v22;
	v22 =	vld [tilespmem:s26+$0x0];
	v60 =	vsub.f32 v21, v1;
	v39 =	vmul.f32 v39, v56;
	v25 =	vsel vm2, v25, v27  }
0x254: {  	[tilespmem:s26+$0xFFFFFFA0] =	vst v50;
	v19 =	vld [tilespmem:s26+$0x90];
	v27 =	vmul.f32 $2.000000030e-01, v24;
	v59 =	vadd.f32 v31, v14;
	v18 =	vpop (erf);
	(erf) = vpow2.f32 v55  }
0x255: {  	[tilespmem:s26+$0xFFFFFFC0] =	vst v51;
	v21 =	vld [tilespmem:s3+$0xFFFFFFB0];
	v57 =	vsub.f32 v25, v1;
	v54 =	vperm.xlane v18, v0;
	(erf) = vpow2.f32 v29  }
0x256: {  	vm0 =	vgt.f32 v24, $0.0e+00;
	v16 =	vld [tilespmem:s26+$0xA0];
	[tilespmem:s26+$0x40] =	vst v30;
	v28 =	vmul.f32 $2.000000030e-01, v59;
	v33 =	vpop (erf);
	(erf) = vpow2.f32 v43  }
0x257: {  	vm2 =	vgt.f32 v44, $0.0e+00;
	v30 =	vld [tilespmem:s26+$0xFFFFFFE0];
	[tilespmem:s26+$0x50] =	vst v17;
	v63 =	vmul.f32 $1.442695020e+00, v57;
	v20 =	vmul.f32 v54, v20  }
0x258: {  	v31 =	vld [tilespmem:s26+$0x70];
	[tilespmem:s26+$0x30] =	vst v39;
	vm1 =	vgt.f32 v59, $0.0e+00;
	v25 =	vmul.f32 v54, v40;
	v58 =	vmul.f32 v54, v42;
	v61 =	vpop (erf)  }
0x259: {  	v18 =	vld [tilespmem:s26+$0x10];
	v28 =	vsel vm1, v59, v28;
	v29 =	vmul.f32 $2.000000030e-01, v44;
	[tilespmem:s26+$0xFFFFFF60] =	vst v20;
	v35 =	vperm.xlane v61, v0  }
0x25a: {  	v17 =	vmul.f32 $1.442695020e+00, v60;
	v37 =	vmul.f32 $1.442695020e+00, v62;
	v28 =	vsub.f32 v28, v1;
	[tilespmem:s26+$0xFFFFFF50] =	vst v25;
	v20 =	vld [tilespmem:s3+$0x40]  }
0x25b: {  	s17 =	simm.s32 $0x8;
	s16 =	simm.s32 $0x13C0;
	s18 =	simm.s32 $0x26C0;
	[tilespmem:s26+$0xFFFFFF40] =	vst v58;
	v25 =	vld [tilespmem:s3+$0xFFFFFFA0];
	v29 =	vsel vm2, v44, v29;
	(erf) = vpow2.f32 v63;
	v36 =	vmul.f32 v35, v23  }
.LBB2_11:
0x25c: {  	v38 =	vld [tilespmem:s18+$0xFFFFFFE0];
	s17 =	sadd.s32 $0x8, s17;
	v24 =	vsel vm0, v24, v27;
	s3 =	sadd.s32 $0x180, s3;
	v27 =	vperm.xlane v33, v0;
	v32 =	vmul.f32 v35, v32  }
0x25d: {  	v31 =	vmul.f32 v35, v31;
	v23 =	vld [tilespmem:s3+$0xFFFFFF60];
	p0 =	slt.u32 s17, $0x48;
	v24 =	vsub.f32 v24, v1;
	v33 =	vpop (erf);
	(erf) = vpow2.f32 v37  }
0x25e: {  	v35 =	vld [tilespmem:s18+$0x10];
	v33 =	vperm.xlane v33, v0;
	v30 =	vmul.f32 v27, v30;
	[tilespmem:s26+$0x80] =	vst v36;
	v36 =	vpop (erf)  }
0x25f: {  	v39 =	vadd.f32 v15, v11;
	v15 =	vmul.f32 v27, v10;
	v37 =	vld [tilespmem:s3+$0xFFFFFFC0];
	v24 =	vmul.f32 $1.442695020e+00, v24;
	[tilespmem:s26+$0x70] =	vst v31;
	v10 =	vpop (erf)  }
0x260: {  	v31 =	vld [tilespmem:s18+$0x30];
	v34 =	vmul.f32 v33, v34;
	[tilespmem:s26+$0xFFFFFFE0] =	vst v30;
	v30 =	vperm.xlane v10, v0;
	v10 =	vmov v14  }
0x261: {  	v14 =	vld [tilespmem:s3+$0xFFFFFF90];
	(erf) = vpow2.f32 v24;
	v24 =	vmul.f32 v27, v7;
	[tilespmem:s26+$0x60] =	vst v32;
	v7 =	vmov v12  }
0x262: {  	vm0 =	vgt.f32 v39, $0.0e+00;
	v26 =	vmul.f32 v33, v26;
	v32 =	vld [tilespmem:s3+$0x50];
	[tilespmem:s26+$0xFFFFFFF0] =	vst v15;
	v12 =	vmul.f32 v30, v5;
	v5 =	vmovc v11  }
0x263: {  	v33 =	vmul.f32 v33, v13;
	v13 =	vperm.xlane v36, v0;
	v27 =	vld [tilespmem:s18+$0xFFFFFFD0];
	[tilespmem:s26+$0xFFFFFFD0] =	vst v24  }
0x264: {  	v11 =	vmul.f32 $2.000000030e-01, v39;
	v24 =	vld [tilespmem:s3+$0xB0];
	v36 =	vpop (erf);
	[tilespmem:s26+$0x20] =	vst v12;
	v12 =	vmul.f32 v30, v22  }
0x265: {  	v19 =	vmul.f32 v13, v19;
	v15 =	vld [tilespmem:s18+$0x0];
	[tilespmem:s16+$0xFFFFFF70] =	vst v34;
	v22 =	vperm.xlane v36, v0  }
0x266: {  	v28 =	vmul.f32 $1.442695020e+00, v28;
	v36 =	vsel vm0, v39, v11;
	v34 =	vld [tilespmem:s18+$0x20];
	v39 =	vpop (erf);
	[tilespmem:s26+$0x0] =	vst v12;
	v12 =	vmul.f32 v30, v18  }
0x267: {  	v16 =	vmul.f32 v13, v16;
	v18 =	vld [tilespmem:s18+$0xFFFFFFC0];
	v35 =	vadd.f32 v35, v32;
	v25 =	vmul.f32 v22, v25;
	[tilespmem:s26+$0x90] =	vst v19  }
0x268: {  	v29 =	vsub.f32 v29, v1;
	v6 =	vmul.f32 v13, v6;
	v19 =	vmul.f32 v22, v8;
	v11 =	vld [tilespmem:s3+$0x20];
	[tilespmem:s26+$0x10] =	vst v12  }
0x269: {  	v39 =	vperm.xlane v39, v0;
	v8 =	vmovc v37;
	v40 =	vmul.f32 $2.000000030e-01, v35;
	v41 =	vld [tilespmem:s3+$0x80];
	v31 =	vadd.f32 v31, v24;
	[tilespmem:s26+$0xA0] =	vst v16  }
0x26a: {  	vm1 =	vgt.f32 v35, $0.0e+00;
	v16 =	vmul.f32 v22, v21;
	v21 =	vsub.f32 v36, v1;
	v12 =	vld [tilespmem:s3+$0xFFFFFFD0];
	v22 =	vpop (erf);
	[tilespmem:s26+$0xB0] =	vst v6;
	s26 =	smov.u32 s16;
	s16 =	smov.u32 s3  }
0x26b: {  	v13 =	vmovc v14;
	v27 =	vadd.f32 v27, v14;
	v20 =	vmul.f32 v39, v20;
	v30 =	vld [tilespmem:s18+$0xFFFFFFF0];
	vm2 =	vgt.f32 v31, $0.0e+00;
	[tilespmem:s26+$0xFFFFFFA0] =	vst v25  }
0x26c: {  	v6 =	vmovc v2;
	v2 =	vmovc v24;
	v25 =	vadd.f32 v38, v8;
	v36 =	vmul.f32 $2.000000030e-01, v31;
	v14 =	vld [tilespmem:s3+$0xFFFFFFF0];
	[tilespmem:s26+$0xFFFFFFB0] =	vst v16;
	v16 =	vmul.f32 $1.442695020e+00, v29  }
0x26d: {  	v24 =	vadd.f32 v18, v23;
	v18 =	vmul.f32 $2.000000030e-01, v27;
	v29 =	vld [tilespmem:s26+$0xFFFFFF50];
	[tilespmem:s26+$0x40] =	vst v20;
	(erf) = vpow2.f32 v28  }
0x26e: {  	vm0 =	vgt.f32 v27, $0.0e+00;
	v20 =	vmul.f32 $2.000000030e-01, v25;
	v28 =	vld [tilespmem:s26+$0xFFFFFF40];
	[tilespmem:s26+$0xFFFFFF90] =	vst v33;
	(erf) = vpow2.f32 v16  }
0x26f: {  	v22 =	vperm.xlane v22, v0;
	v18 =	vsel vm0, v27, v18;
	v38 =	vadd.f32 v34, v41;
	[tilespmem:s26+$0xFFFFFFC0] =	vst v19;
	v16 =	vld [tilespmem:s26+$0xA0]  }
0x270: {  	v21 =	vmul.f32 $1.442695020e+00, v21;
	vm0 =	vgt.f32 v25, $0.0e+00;
	v33 =	vsub.f32 v18, v1;
	[tilespmem:s26+$0xFFFFFF80] =	vst v26;
	v18 =	vld [tilespmem:s26+$0x10]  }
0x271: {  	v27 =	vmul.f32 $2.000000030e-01, v24;
	v20 =	vsel vm0, v25, v20;
	v25 =	vmul.f32 v22, v3;
	v3 =	vmovc v23;
	v19 =	vld [tilespmem:s26+$0x90]  }
0x272: {  	v26 =	vsub.f32 v20, v1;
	v23 =	vmul.f32 $1.442695020e+00, v33;
	v20 =	vmul.f32 v22, v29;
	v29 =	vld [tilespmem:s26+$0x30]  }
0x273: {  	vm0 =	vgt.f32 v24, $0.0e+00;
	vm3 =	vgt.f32 v38, $0.0e+00;
	[tilespmem:s26+$0xFFFFFF60] =	vst v25;
	v25 =	vmul.f32 v22, v28;
	v22 =	vld [tilespmem:s26+$0x0]  }
0x274: {  	v28 =	vadd.f32 v30, v14;
	(erf) = vpow2.f32 v23;
	[tilespmem:s26+$0xFFFFFF50] =	vst v20;
	v30 =	vld [tilespmem:s26+$0xFFFFFFE0];
	v20 =	vmul.f32 v39, v4;
	v4 =	vmovc v32  }
0x275: {  	v23 =	vsel vm1, v35, v40;
	v32 =	vsel vm2, v31, v36;
	[tilespmem:s26+$0xFFFFFF40] =	vst v25;
	v31 =	vld [tilespmem:s26+$0x70];
	(erf) = vpow2.f32 v17  }
0x276: {  	v40 =	vmul.f32 $2.000000030e-01, v38;
	v17 =	vsub.f32 v32, v1;
	[tilespmem:s26+$0x50] =	vst v20;
	v32 =	vld [tilespmem:s26+$0x60];
	v33 =	vpop (erf);
	(erf) = vpow2.f32 v21  }
.Ltmp4:
0x277: {  	vm1 =	vgt.f32 v28, $0.0e+00;
	v34 =	vmul.f32 $2.000000030e-01, v28;
	v21 =	vld [tilespmem:s3+$0xFFFFFFB0];
	v29 =	vmul.f32 v39, v29;
	v25 =	vpop (erf);
	(pc) =	sbr.rel @p0 .LBB2_11-.Ltmp4, $4  }
0x278: {  	v23 =	vsub.f32 v23, v1;
	v20 =	vld [tilespmem:s3+$0x40];
	v35 =	vperm.xlane v25, v0  }
0x279: {  	v39 =	vmul.f32 $1.442695020e+00, v26;
	v28 =	vsel vm1, v28, v34;
	v25 =	vld [tilespmem:s3+$0xFFFFFFA0];
	[tilespmem:s26+$0x30] =	vst v29  }
0x27a: {  	v17 =	vmul.f32 $1.442695020e+00, v17;
	v28 =	vsub.f32 v28, v1;
	v26 =	vld [tilespmem:s3+$0xFFFFFF80];
	v36 =	vmul.f32 v35, v9;
	v9 =	vmovc v41  }
0x27b: {  	s18 =	sadd.s32 $0x80, s18;
	v37 =	vmul.f32 $1.442695020e+00, v23;
	v29 =	vsel vm3, v38, v40;
	v34 =	vld [tilespmem:s3+$0xFFFFFF70];
	(erf) = vpow2.f32 v39  }
0x27c: {  	v51 =	vperm.xlane v33, v0;
	v31 =	vmul.f32 v35, v31  }
0x27d: {  	v23 =	vsel vm0, v24, v27;
	v52 =	vmul.f32 v35, v32;
	[tilespmem:s26+$0x80] =	vst v36  }
0x27e: {  	v63 =	vsub.f32 v29, v1;
	v29 =	vmul.f32 $1.442695020e+00, v28;
	v53 =	vpop (erf);
	v30 =	vmul.f32 v51, v30;
	[tilespmem:s26+$0x70] =	vst v31  }
0x27f: {  	v23 =	vsub.f32 v23, v1;
	v32 =	vperm.xlane v53, v0;
	v10 =	vmul.f32 v51, v10;
	[tilespmem:s26+$0x60] =	vst v52  }
0x280: {  	(erf) = vpow2.f32 v37;
	v7 =	vmul.f32 v51, v7;
	[tilespmem:s26+$0xFFFFFFE0] =	vst v30  }
0x281: {  	v54 =	vpop (erf);
	v23 =	vmul.f32 $1.442695020e+00, v23;
	v57 =	vmul.f32 v32, v34;
	[tilespmem:s26+$0xFFFFFFF0] =	vst v10  }
0x282: {  	v15 =	vadd.f32 v15, v11;
	v58 =	vperm.xlane v54, v0;
	[tilespmem:s26+$0xFFFFFFD0] =	vst v7;
	v39 =	vmul.f32 v32, v13  }
0x283: {  	v45 =	vmul.f32 v32, v26;
	(erf) = vpow2.f32 v23;
	[tilespmem:s16+$0xFFFFFF70] =	vst v57  }
0x284: {  	v59 =	vmul.f32 $2.000000030e-01, v15;
	v55 =	vpop (erf);
	v19 =	vmul.f32 v58, v19;
	[tilespmem:s16+$0xFFFFFF90] =	vst v39  }
0x285: {  	v56 =	vperm.xlane v55, v0;
	v16 =	vmul.f32 v58, v16;
	[tilespmem:s16+$0xFFFFFF80] =	vst v45  }
0x286: {  	v34 =	vmul.f32 v58, v6;
	(erf) = vpow2.f32 v29;
	[tilespmem:s26+$0x90] =	vst v19  }
0x287: {  	v31 =	vmul.f32 $1.442695020e+00, v63;
	vm15 =	vgt.f32 v15, $0.0e+00;
	v5 =	vmul.f32 v56, v5;
	[tilespmem:s26+$0xA0] =	vst v16;
	v60 =	vpop (erf)  }
0x288: {  	v35 =	vsel vm15, v15, v59;
	v61 =	vmul.f32 v56, v22;
	[tilespmem:s26+$0xB0] =	vst v34;
	v62 =	vperm.xlane v60, v0  }
0x289: {  	v6 =	vsub.f32 v35, v1;
	v30 =	vmul.f32 v56, v18;
	[tilespmem:s26+$0x20] =	vst v5;
	v33 =	vpop (erf);
	(erf) = vpow2.f32 v31  }
0x28a: {  	[tilespmem:s26+$0x0] =	vst v61;
	v36 =	vmul.f32 v62, v25;
	v37 =	vperm.xlane v33, v0  }
0x28b: {  	v41 =	vld [tilespmem:s16+$0xFFFFFF50];
	v6 =	vmul.f32 $1.442695020e+00, v6;
	[tilespmem:s26+$0x10] =	vst v30;
	v38 =	vmul.f32 v62, v21  }
0x28c: {  	v43 =	vld [tilespmem:s16+$0xFFFFFF40];
	v8 =	vmul.f32 v62, v8;
	[tilespmem:s16+$0xFFFFFFA0] =	vst v36;
	v40 =	vmul.f32 v37, v20;
	v42 =	vpop (erf)  }
0x28d: {  	v50 =	vld [tilespmem:s16+$0xFFFFFFE0];
	[tilespmem:s16+$0xFFFFFFB0] =	vst v38;
	(erf) = vpow2.f32 v17;
	v44 =	vperm.xlane v42, v0  }
0x28e: {  	v46 =	vld [tilespmem:s16+$0x30];
	[tilespmem:s16+$0xFFFFFFC0] =	vst v8;
	v4 =	vmul.f32 v37, v4  }
0x28f: {  	[tilespmem:s16+$0x40] =	vst v40;
	(erf) = vpow2.f32 v6;
	v49 =	vpop (erf);
	v3 =	vmul.f32 v44, v3  }
0x290: {  	v48 =	vld [tilespmem:s16+$0x70];
	[tilespmem:s16+$0x50] =	vst v4;
	v54 =	vperm.xlane v49, v0;
	v47 =	vmul.f32 v44, v41  }
0x291: {  	[tilespmem:s16+$0xFFFFFF60] =	vst v3;
	v3 =	vmul.f32 v44, v43  }
0x292: {  	v7 =	vmul.f32 v54, v50;
	v51 =	vpop (erf);
	[tilespmem:s16+$0xFFFFFF50] =	vst v47  }
0x293: {  	v52 =	vld [tilespmem:s16+$0x60];
	v15 =	vperm.xlane v51, v0;
	[tilespmem:s16+$0xFFFFFF40] =	vst v3;
	v3 =	vmul.f32 v37, v46  }
0x294: {  	v57 =	vld [tilespmem:s16+$0x90];
	v13 =	vmul.f32 v54, v14;
	[tilespmem:s16+$0xFFFFFFE0] =	vst v7  }
0x295: {  	v59 =	vld [tilespmem:s16+$0xA0];
	v5 =	vmul.f32 v54, v12;
	[tilespmem:s16+$0x30] =	vst v3;
	v3 =	vmul.f32 v15, v48  }
0x296: {  	[tilespmem:s16+$0xFFFFFFF0] =	vst v13;
	v53 =	vmul.f32 v15, v9;
	v56 =	vpop (erf)  }
0x297: {  	[tilespmem:s16+$0xFFFFFFD0] =	vst v5;
	v4 =	vperm.xlane v56, v0  }
0x298: {  	v55 =	vld [tilespmem:s16+$0x0];
	v6 =	vmul.f32 v15, v52;
	[tilespmem:s16+$0x80] =	vst v53  }
0x299: {  	v58 =	vld [tilespmem:s16+$0x10];
	[tilespmem:s16+$0x70] =	vst v3;
	v62 =	vmul.f32 v4, v57;
	v3 =	vpop (erf)  }
0x29a: {  	[tilespmem:s16+$0x60] =	vst v6;
	v63 =	vmul.f32 v4, v59;
	v3 =	vperm.xlane v3, v0  }
0x29b: {  	s23 =	sadd.s32 $0x1, s23;
	v2 =	vmul.f32 v4, v2;
	[tilespmem:s16+$0x90] =	vst v62  }
0x29c: {  	p0 =	sne.s32 s23, $0x20;
	[tilespmem:s16+$0xA0] =	vst v63;
	v60 =	vmul.f32 v3, v11  }
.Ltmp5:
0x29d: {  	[tilespmem:s16+$0xB0] =	vst v2;
	v61 =	vmul.f32 v3, v55;
	(pc) =	sbr.rel @p0 .LBB2_2-.Ltmp5, $4  }
0x29e: {  	v3 =	vmul.f32 v3, v58;
	[tilespmem:s16+$0x20] =	vst v60  }
0x29f: {  	[tilespmem:s16+$0x0] =	vst v61  }
0x2a0: {  	[tilespmem:s16+$0x10] =	vst v3  }
0x2a1: {  	[spmem:s2] =	stream.indirect.scatter.add.f32 [tilespmem:s8], [sflag:$0xA], $0x30, s20, s25, $0xb8;
	[tilespmem:$0xA290] =	vst v63  }
0x2a2: {  	_ =	swait.ge [sflag:s22], $0xF00  }
0x2a3: {  	[sflag:s22] =	ssyncset.done $0x0  }
0x2a4: {  	[sflag:s22] =	ssyncadd.s32 $0xFFFFF100  }
0x2a5: {  	[bflag:$0x0] =	sbarrier.arrive $0xFFFF  }
0x2a6: {  	s16 =	rddreg [dreg:$0x7]  }
0x2a7: {  	s3 =	rddreg [dreg:$0xe]  }
0x2a8: {  	s18 =	simm.s32 $0xB;
	s17 =	rddreg [dreg:$0x10]  }
0x2a9: {  	[hbm:s3], [sflag:s16] =	dma.local [spmem:s17], $0xF00  }
0x2aa: {  	_ =	swait.ge [sflag:s18], $0xF00  }
0x2ab: {  	s23 =	rddreg [dreg:$0x11]  }
0x2ac: {  	s31 =	rddreg [dreg:$0xf];
	s23 =	sadd.s32 $0x1, s23  }
0x2ad: {  	p0 =	sne.s32 s23, s31  }
.Ltmp6:
0x2ae: {  	_ = 	snop;
	(pc) =	sbr.rel @p0 .LBB2_1-.Ltmp6, $3  }
0x2af: {  	_ =	sdelay $0x1  }
0x2b0: {  	[sflag:s18] =	ssyncset.done $0x0  }
0x2b1: {  	[sflag:s18] =	ssyncadd.s32 $0xFFFFF100  }
0x2b2: {  	_ =	sfence.sel $0x180000  }
0x2b3: {  	[bflag:$0x0] =	sbarrier.arrive $0xFFFF  }
0x2b4: {  	_ =	strace $0x9000004A  }
0x2b5: {  	s0 =	stileid.u32;
	[bflag:$0x2] =	sbarrier.arrive $0xFFFF  }
0x2b6: {  	p0 =	sne.s32 s0, $0x0;
	s0 =	rddreg [dreg:$0x3]  }
0x2b7: {  	s0 =	sadd.s32 @!p0 $0x100000, s0  }
0x2b8: {  	[sflag:s0] =	ssyncadd.tile.s32 @!p0 $0x1;
	_ =	shalt  }
.Lfunc_end2:
_tile_overlayer_lowered:
.L_overlay_start_2:
0x2b9: {  	(tag) =	ssettag $0x2  }
0x2ba: {  	s0 =	rddreg [dreg:$0x0];
	s2 =	stileid.u32  }
0x2bb: {  	s1 =	rddreg [dreg:$0x1];
	p0 =	sne.s32 s2, $0x0  }
0x2bc: {  	s3 =	rddreg [dreg:$0x2];
	[bflag:$0x3] =	sbarrier.arrive $0xFFFF;
	s2 =	simm.s32 @!p0 $0x1C0B  }
0x2bd: {  	[timem:s3], [sflag:s2] =	dma.local @!p0 [hbm:s0], s1  }
0x2be: {  	s0 =	simm.s32 @!p0 $0xB  }
0x2bf: {  	_ =	swait.ge @!p0 [sflag:s0], s1  }
0x2c0: {  	s1 =	ssub.s32 @!p0 $0x0, s1;
	[sflag:s0] =	ssyncset.done @!p0 $0x0  }
0x2c1: {  	[sflag:s0] =	ssyncadd.s32 @!p0 s1  }
0x2c2: {  	[bflag:$0x3] =	sbarrier.arrive $0xFFFF  }
0x2c3: {  	_ =	shalt  }

// kernel: kernel.7.cloned.1.call-start
scs
__scs_entry_jumppad:
0x0: {  	(pc) =	sbr.rel $0x88, $3  }
0x1: {  	(tag) =	ssettag $0x0;
	lr =	simm.s32 $0x1  }
0x2: {  	[smem:$0x3F97] =	sst lr;
	_ =	strace $0xD0000000  }
0x3: {  	_ = 	snop  }
0x4: {  	_ = 	snop  }
0x5: {  	_ = 	snop  }
0x6: {  	_ = 	snop  }
0x7: {  	_ = 	snop  }
__scs_overlays_trampoline_lowered:
0x8: {  	[smem:$0x3FA6] =	sst s0  }
0x9: {  	[smem:$0x3FA7] =	sst s1  }
0xa: {  	[smem:$0x3FA8] =	sst s2  }
0xb: {  	[smem:$0x3FA9] =	sst s3  }
0xc: {  	[smem:$0x3FAA] =	sst s4  }
0xd: {  	[smem:$0x3FAB] =	sst s5  }
0xe: {  	[smem:$0x3FAC] =	sst s6  }
0xf: {  	[smem:$0x3FAD] =	sst s7  }
0x10: {  	[smem:$0x3FAE] =	sst s8  }
0x11: {  	[smem:$0x3FAF] =	sst s9;
	s0 =	simm.s32 @!p0 $0x0  }
0x12: {  	s1 =	sld [smem:$0x3F95];
	s0 =	simm.s32 @p0 $0x1  }
0x13: {  	[smem:$0x3FB0] =	sst s0;
	s0 =	simm.s32 @!p1 $0x0  }
0x14: {  	s2 =	sld [smem:$0x3F94];
	s0 =	simm.s32 @p1 $0x1  }
0x15: {  	[smem:$0x3FB1] =	sst s0;
	s0 =	simm.s32 @!p2 $0x0  }
0x16: {  	s3 =	sld [smem:$0x3FDB];
	s0 =	simm.s32 @p2 $0x1  }
0x17: {  	s4 =	simm.s32 $0x1BF5;
	[smem:$0x3FB3] =	sst s0  }
0x18: {  	s0 =	sld [smem:$0x3F96];
	_ =	swait.ge [sflag:s4], $0x0  }
0x19: {  	s7 =	sld [smem:$0x3F97]  }
0x1a: {  	s8 =	sadd.s32 $0xFFFFE003, lr  }
0x1b: {  	s9 =	sadd.s32 $0xFFFFFEF7, lr;
	s5 =	simm.s32 $0xFFFFFFFF;
	p2 =	slt.u32 s8, $0xFFFFF086  }
0x1c: {  	p1 =	slt.u32 s9, $0xF7A;
	s5 =	simm.s32 @!p2 $0x0  }
0x1d: {  	s5 =	simm.s32 @p1 $0x1;
	p0 =	seq.s32 s7, s2  }
0x1e: {  	s7 =	smul.u32 @!p0 $0xF7A, s2;
	p2 =	seq.s32 @!p0 s5, $0x0  }
0x1f: {  	s9 =	smul.u32 $0xF7A, s1;
	s8 =	simm.s32 @!p0 $0x1BF5;
	p2 =	por !p2, p0  }
0x20: {  	[sflag:s8] =	ssyncset.s32 @!p0 $0xFFFFF086;
	s6 =	sadd.s32 @!p0 s3, s7;
	s7 =	simm.s32 @!p0 $0x108  }
0x21: {  	s3 =	sadd.s32 s3, s9;
	s6 =	sadd.s32 @!p0 $0x88, s6;
	s7 =	simm.s32 @p2 $0x1082  }
0x22: {  	[simem:s7], [sflag:s8] =	dma.local @!p0 [hbm:s6], $0xF7A  }
0x23: {  	s9 =	sor.u32 $0xD0000000, s2;
	s6 =	simm.s32 $0x108;
	_ =	swait.ge @!p0 [sflag:s8], $0x0  }
0x24: {  	s3 =	sadd.s32 $0x88, s3;
	s6 =	simm.s32 @!p1 $0x1082;
	[sflag:s4] =	ssyncset.s32 $0xFFFFF086  }
0x25: {  	[simem:s6], [sflag:s4] =	dma.local [hbm:s3], $0xF7A  }
0x26: {  	[smem:$0x3F97] =	sst s1;
	(tag) =	ssettag s2;
	_ =	strace s9  }
0x27: {  	s1 =	sld [smem:$0x3FA7]  }
0x28: {  	s2 =	sld [smem:$0x3FA8]  }
0x29: {  	s4 =	sld [smem:$0x3FAA]  }
0x2a: {  	p0 =	seq.s32 s5, $0x0;
	s5 =	sld [smem:$0x3FAB]  }
0x2b: {  	s6 =	sld [smem:$0x3FAC]  }
0x2c: {  	s7 =	sld [smem:$0x3FAD]  }
0x2d: {  	s3 =	simm.s32 $0x108;
	s8 =	sld [smem:$0x3FAE]  }
0x2e: {  	s3 =	simm.s32 @!p0 $0x1082;
	s9 =	sld [smem:$0x3FAF]  }
0x2f: {  	lr =	sadd.s32 s0, s3;
	s0 =	sld [smem:$0x3FA6]  }
0x30: {  	s3 =	sld [smem:$0x3FA9]  }
0x31: {  	[smem:$0x3FB2] =	sst s10  }
0x32: {  	s10 =	sld [smem:$0x3FB0];
	_ =	sdelay $0x3  }
0x33: {  	p0 =	seq.s32 s10, $0x1;
	s10 =	sld [smem:$0x3FB2];
	_ =	sdelay $0x3  }
0x34: {  	[smem:$0x3FB2] =	sst s10  }
0x35: {  	s10 =	sld [smem:$0x3FB1];
	_ =	sdelay $0x3  }
0x36: {  	p1 =	seq.s32 s10, $0x1;
	s10 =	sld [smem:$0x3FB2];
	_ =	sdelay $0x3  }
0x37: {  	[smem:$0x3FB2] =	sst s10  }
0x38: {  	s10 =	sld [smem:$0x3FB3]  }
0x39: {  	_ = 	snop;
	(pc) =	sbr.ind lr, $3  }
0x3a: {  	_ = 	snop  }
0x3b: {  	_ = 	snop  }
0x3c: {  	p2 =	seq.s32 s10, $0x1;
	s10 =	sld [smem:$0x3FB2]  }
0x3d: {  	_ =	shalt  }
0x3e: {  	_ =	shalt  }
0x3f: {  	_ =	shalt  }
0x40: {  	_ =	shalt  }
0x41: {  	_ =	shalt  }
0x42: {  	_ =	shalt  }
0x43: {  	_ =	shalt  }
0x44: {  	_ =	shalt  }
0x45: {  	_ =	shalt  }
0x46: {  	_ =	shalt  }
0x47: {  	_ =	shalt  }
0x48: {  	_ =	shalt  }
0x49: {  	_ =	shalt  }
0x4a: {  	_ =	shalt  }
0x4b: {  	_ =	shalt  }
0x4c: {  	_ =	shalt  }
0x4d: {  	_ =	shalt  }
0x4e: {  	_ =	shalt  }
0x4f: {  	_ =	shalt  }
0x50: {  	_ =	shalt  }
0x51: {  	_ =	shalt  }
0x52: {  	_ =	shalt  }
0x53: {  	_ =	shalt  }
0x54: {  	_ =	shalt  }
0x55: {  	_ =	shalt  }
0x56: {  	_ =	shalt  }
0x57: {  	_ =	shalt  }
0x58: {  	_ =	shalt  }
0x59: {  	_ =	shalt  }
0x5a: {  	_ =	shalt  }
0x5b: {  	_ =	shalt  }
0x5c: {  	_ =	shalt  }
0x5d: {  	_ =	shalt  }
0x5e: {  	_ =	shalt  }
0x5f: {  	_ =	shalt  }
0x60: {  	_ =	shalt  }
0x61: {  	_ =	shalt  }
0x62: {  	_ =	shalt  }
0x63: {  	_ =	shalt  }
0x64: {  	_ =	shalt  }
0x65: {  	_ =	shalt  }
0x66: {  	_ =	shalt  }
0x67: {  	_ =	shalt  }
0x68: {  	_ =	shalt  }
0x69: {  	_ =	shalt  }
0x6a: {  	_ =	shalt  }
0x6b: {  	_ =	shalt  }
0x6c: {  	_ =	shalt  }
0x6d: {  	_ =	shalt  }
0x6e: {  	_ =	shalt  }
0x6f: {  	_ =	shalt  }
0x70: {  	_ =	shalt  }
0x71: {  	_ =	shalt  }
0x72: {  	_ =	shalt  }
0x73: {  	_ =	shalt  }
0x74: {  	_ =	shalt  }
0x75: {  	_ =	shalt  }
0x76: {  	_ =	shalt  }
0x77: {  	_ =	shalt  }
0x78: {  	_ =	shalt  }
0x79: {  	_ =	shalt  }
0x7a: {  	_ =	shalt  }
0x7b: {  	_ =	shalt  }
0x7c: {  	_ =	shalt  }
0x7d: {  	_ =	shalt  }
0x7e: {  	_ =	shalt  }
0x7f: {  	_ =	shalt  }
0x80: {  	_ =	shalt  }
0x81: {  	_ =	shalt  }
0x82: {  	_ =	shalt  }
0x83: {  	_ =	shalt  }
0x84: {  	_ =	shalt  }
0x85: {  	_ =	shalt  }
0x86: {  	_ =	shalt  }
0x87: {  	_ =	shalt  }
.Lfunc_end0:
.L_simem_size_0:
called_computation_lowered:
.L_overlay_start_0:
0x88: {  	s2 =	sld [smem:$0x3FD9]  }
0x89: {  	s3 =	sld [smem:$0x3FFE];
	_ =	sdelay $0x1  }
0x8a: {  	s1 =	srdreg.scid  }
0x8b: {  	s0 =	sand.u32 $0x1, s1  }
0x8c: {  	s17 =	sshll.u32 s0, $0xA;
	s2 =	sadd.s32 s3, s2  }
0x8d: {  	s2 =	sadd.s32 s2, s17  }
0x8e: {  	[smem:$0x3FBE] =	sst s2  }
0x8f: {  	_ = 	snop  }
0x90: {  	s2 =	sld [smem:$0x3FD0];
	(tm) =	ssettm $0x1  }
0x91: {  	s18 =	sld [smem:$0x3FFB];
	_ =	sdelay $0x3  }
0x92: {  	_ =	strace s18  }
0x93: {  	s3 =	sld [smem:$0x3FFC];
	_ =	sdelay $0x3  }
0x94: {  	_ =	strace s3  }
0x95: {  	s3 =	sld [smem:$0x3FFD];
	_ =	sdelay $0x3  }
0x96: {  	_ =	strace s3  }
0x97: {  	_ =	strace $0x8FFFFFFF  }
0x98: {  	s19 =	sld [smem:$0x3FDB];
	_ =	sdelay $0x1  }
0x99: {  	s4 =	simm.s32 $_scs_section_size  }
0x9a: {  	s5 =	simm.s32 $_size__tile_overlayer_lowered;
	s6 =	simm.s32 $_tile_overlayer_lowered  }
0x9b: {  	s22 =	simm.s32 $0x1BFF;
	s21 =	sshll.u32 s6, $0x1;
	s3 =	sadd.s32 s4, s19  }
0x9c: {  	s7 =	simm.s32 $0x0;
	s20 =	sshll.u32 s5, $0x1;
	s5 =	sadd.s32 s21, s3  }
0x9d: {  	[timem:s7], [sflag:s22] =	dma.local [hbm:s5], s20  }
0x9e: {  	_ =	swait.ge [sflag:s22], s20  }
0x9f: {  	s4 =	ssub.s32 $0x0, s20;
	[sflag:s22] =	ssyncset.done $0x0  }
0xa0: {  	[sflag:s22] =	ssyncadd.s32 s4;
	_ =	sdelay $0x1  }
0xa1: {  	s23 =	simm.s32 $0x1B8B  }
0xa2: {  	_ =	swait.ge [sflag:s23], $0x1  }
0xa3: {  	[sflag:s23] =	ssyncset.done $0x0  }
0xa4: {  	s25 =	simm.s32 $0x1B8E;
	s24 =	sld [smem:$0x3FFE];
	[sflag:s23] =	ssyncadd.s32 $0xFFFFFFFF  }
0xa5: {  	s26 =	simm.s32 $execute0_lowered;
	[smem:$0x3FD2] =	sst s25  }
0xa6: {  	s5 =	sshll.u32 s26, $0x1;
	_ =	strace $0x80000046;
	[dreg:$0x1] =	wrdreg $0xFFFFFFFF  }
0xa7: {  	s28 =	simm.s32 $_size_execute0_lowered;
	s3 =	sadd.s32 s3, s5;
	[dreg:$0x0] =	wrdreg $0x0  }
0xa8: {  	s5 =	sshll.u32 s28, $0x1;
	[dreg:$0x2] =	wrdreg s3  }
0xa9: {  	[dreg:$0x3] =	wrdreg s5  }
0xaa: {  	[dreg:$0x4] =	wrdreg $0xC0  }
0xab: {  	_ =	task [dreg:s7], $0x5FFFF  }
0xac: {  	[dreg:$0x1] =	wrdreg $0xFFFFFFFF  }
0xad: {  	[dreg:$0x0] =	wrdreg $0x60  }
0xae: {  	[dreg:$0x2] =	wrdreg s24  }
0xaf: {  	[dreg:$0x3] =	wrdreg s2  }
0xb0: {  	[dreg:$0x4] =	wrdreg $0x66900  }
0xb1: {  	[dreg:$0x5] =	wrdreg $0x9  }
0xb2: {  	_ =	task.clear_ibuf [dreg:s7], $0x6FFFF;
	_ =	strace $0x90000046  }
0xb3: {  	s29 =	simm.s32 $0x9;
	_ =	strace $0x80000048  }
0xb4: {  	_ =	swait.ge [sflag:s29], $0x1  }
0xb5: {  	[sflag:s29] =	ssyncadd.s32 $0xFFFFFFFF  }
0xb6: {  	_ =	strace $0x90000048  }
0xb7: {  	_ =	sfence  }
0xb8: {  	s30 =	sld [smem:$0x0];
	_ =	sdelay $0x2  }
0xb9: {  	s31 =	sshll.u32 s1, $0xD;
	s1 =	sshrl.u32 s1, $0x2  }
0xba: {  	s3 =	sand.u32 $0x4000, s31;
	s1 =	sadd.s32 s1, s30  }
0xbb: {  	s0 =	sor.u32 s3, s0;
	s1 =	sshll.u32 s1, $0x11  }
0xbc: {  	s0 =	sor.u32 s1, s0  }
0xbd: {  	s0 =	sadd.s32 $0x8F2B, s0  }
0xbe: {  	[sflag:s0] =	ssyncadd.remote.s32 $0x1  }
0xbf: {  	_ =	sfence.sel $0xFFFF  }
0xc0: {  	[dreg:$0x0] =	wrdreg $0xFFFFFFFF;
	(pc) =	sbr.abs _section_cstart, $3  }
0xc1: {  	[dreg:$0x1] =	wrdreg $0xFFFFFFFF  }
0xc2: {  	_ =	task.clear_ibuf [dreg:s7], $0x2FFFF;
	_ =	strace $0x9FFFFFFF  }
0xc3: {  	(tm) =	ssettm $0x7FFFFFFF  }
tec
execute0_lowered:
.L_overlay_start_1:
0x0: {  	(tag) =	ssettag $0x1  }
0x1: {  	s0 =	rddreg [dreg:$0x0]  }
0x2: {  	s1 =	rddreg [dreg:$0x1]  }
0x3: {  	s2 =	rddreg [dreg:$0x2];
	s4 =	simm.s32 $0x0;
	s3 =	srdreg.scid  }
0x4: {  	s13 =	stileid.u32;
	s28 =	simm.s32 $0xF0;
	s30 =	simm.s32 $0x280  }
0x5: {  	s14 =	simm.s32 $0x7;
	s15 =	simm.s32 $0x9;
	s29 =	simm.s32 $0x4  }
0x6: {  	[smem:$0x7FF] =	sst s4;
	s3 =	sand.u32 $0x1, s3;
	s8 =	smul.u32 $0x16800, s13  }
0x7: {  	s5 =	sadd.s32 $0x2000, s0;
	s6 =	sadd.s32 $0x2F000, s0;
	s7 =	sadd.s32 $0x42A00, s0  }
0x8: {  	s11 =	sadd.s32 $0x42E00, s0;
	s17 =	sadd.s32 $0x42C00, s0;
	s20 =	sshll.u32 s13, $0x6  }
0x9: {  	s24 =	sadd.s32 $0x42A0A, s0;
	_ =	strace $0x80000047;
	[dreg:$0x4] =	wrdreg s11  }
0xa: {  	s9 =	smul.u32 $0x168000, s3;
	s10 =	sshll.u32 s3, $0x4;
	[dreg:$0x5] =	wrdreg s17  }
0xb: {  	s3 =	ssub.s32 $0x2, s3;
	[dreg:$0xb] =	wrdreg s24;
	s24 =	simm.s32 $0x190  }
0xc: {  	s11 =	simm.s32 $0x6;
	s10 =	sor.u32 s13, s10;
	s19 =	sshrl.u32 s3, $0x1  }
0xd: {  	s13 =	simm.s32 $0x5;
	s16 =	sadd.s32 s8, s9;
	s3 =	ssub.s32 s3, s19  }
0xe: {  	s9 =	smul.u32 $0x2710, s10;
	s8 =	sadd.s32 s8, s2;
	s31 =	smax.u32 s3, $0x1  }
0xf: {  	s18 =	sshrl.u32 s16, $0x3;
	s16 =	sor.u32 $0x1C0B, s20;
	[dreg:$0xf] =	wrdreg s31  }
0x10: {  	s17 =	sshrl.u32 s8, $0x3;
	s8 =	simm.s32 $0x2F80;
	[dreg:$0x7] =	wrdreg s16  }
0x11: {  	s10 =	sadd.s32 s18, s0;
	s0 =	sadd.s32 $0x42A28, s0;
	[dreg:$0x10] =	wrdreg s17  }
0x12: {  	s12 =	sshrl.u32 s9, $0x3;
	s25 =	sadd.s32 $0x140, s9;
	[dreg:$0xc] =	wrdreg s0  }
0x13: {  	s20 =	simm.s32 $0x230;
	s12 =	sadd.s32 s6, s12;
	[dreg:$0xd] =	wrdreg s25  }
0x14: {  	s19 =	sadd.s32 $0x190, s9;
	s26 =	sadd.s32 $0x45C00, s10;
	[dreg:$0x6] =	wrdreg s12  }
0x15: {  	s18 =	simm.s32 $0xB;
	s21 =	sadd.s32 $0x9C40, s12;
	[dreg:$0xe] =	wrdreg s26  }
0x16: {  	s25 =	simm.s32 $0x50;
	s22 =	sadd.s32 $0xA, s12;
	[dreg:$0x8] =	wrdreg s21  }
0x17: {  	v0 =	vimm.s32 $0x0;
	v1 =	vimm.s32 $0x1;
	s0 =	simm.s32 $0x2;
	s23 =	sadd.s32 $0x9C4A, s12;
	[dreg:$0x9] =	wrdreg s22  }
0x18: {  	v2 =	vimm.s32 $0x2;
	v3 =	vimm.s32 $0x3;
	v4 =	vimm.s32 $0x4;
	s10 =	simm.s32 $0x6180;
	s12 =	simm.s32 $0x8;
	[dreg:$0xa] =	wrdreg s23  }
0x19: {  	v5 =	vimm.s32 $0x5;
	v6 =	vimm.s32 $0x6;
	v7 =	vimm.s32 $0x7;
	s21 =	simm.s32 $0x3;
	s22 =	simm.s32 $0xA;
	s23 =	simm.s32 $0x0  }
.LBB2_1:
0x1a: {  	[dreg:$0x11] =	wrdreg s23  }
0x1b: {  	s3 =	rddreg [dreg:$0x4]  }
0x1c: {  	[spmem:s17], [sflag:s16] =	dma.local [hbm:s3], $0x2D00  }
0x1d: {  	_ =	swait.ge [sflag:s18], $0x2D00  }
0x1e: {  	[sflag:s18] =	ssyncset.done $0x0  }
0x1f: {  	s26 =	simm.s32 $0x6680;
	s23 =	rddreg [dreg:$0x5];
	[sflag:s18] =	ssyncadd.s32 $0xFFFFD300  }
0x20: {  	[tilespmem:s26], [sflag:$0xB] =	stream.linear.gather [hbm4b:s23+s4], $0x10, $0x38;
	[tilespmem:$0x1CE90] =	vst v63  }
0x21: {  	_ =	swait.ge [sflag:s18], $0x10  }
0x22: {  	[sflag:s18] =	ssyncset.done $0x0  }
0x23: {  	[sflag:s18] =	ssyncadd.s32 $0xFFFFFFF0  }
0x24: {  	[bflag:$0x0] =	sbarrier.arrive $0xFFFF  }
0x25: {  	s31 =	rddreg [dreg:$0x6]  }
0x26: {  	v8 =	vld [tilespmem:$0x6680];
	[tilespmem:s4], [sflag:$0x1] =	stream.linear.gather [hbm4b:s31+s4], $0x50, $0x38  }
0x27: {  	s16 =	rddreg [dreg:$0x8]  }
0x28: {  	[tilespmem:s25], [sflag:$0x1] =	stream.linear.gather [hbm4b:s16+s4], $0x50, $0x38;
	[tilespmem:$0x1CE90] =	vst v63  }
0x29: {  	s18 =	simm.s32 $0xA0;
	s17 =	rddreg [dreg:$0x9]  }
0x2a: {  	[tilespmem:s18], [sflag:$0x2] =	stream.linear.gather [hbm4b:s17+s4], $0x50, $0x38;
	[tilespmem:$0x1CE90] =	vst v63  }
0x2b: {  	s26 =	simm.s32 $0x1;
	s23 =	rddreg [dreg:$0xa]  }
0x2c: {  	[tilespmem:s28], [sflag:$0x2] =	stream.linear.gather [hbm4b:s23+s4], $0x50, $0x38;
	[tilespmem:$0x1CE90] =	vst v63  }
0x2d: {  	_ =	swait.ge [sflag:s26], $0x50  }
0x2e: {  	[sflag:s26] =	ssyncset.done $0x0  }
0x2f: {  	[sflag:s26] =	ssyncadd.s32 $0xFFFFFFB0  }
0x30: {  	_ =	swait.ge [sflag:s26], $0x50  }
0x31: {  	[sflag:s26] =	ssyncset.done $0x0  }
0x32: {  	[sflag:s26] =	ssyncadd.s32 $0xFFFFFFB0  }
0x33: {  	[tilespmem:s30], [sflag:$0x5] =	stream.indirect.gather [hbm4b:s5+s25], $0x90, s4, s25, $0xb8;
	[tilespmem:$0x1CE90] =	vst v63  }
0x34: {  	s31 =	simm.s32 $0x5C80;
	s23 =	simm.s32 $0x0  }
0x35: {  	[tilespmem:s31], [sflag:$0x7] =	stream.indirect.gather [hbm4b:s1+s25], $0x10, s25, s25, $0xb8;
	[tilespmem:$0x1CE90] =	vst v63  }
.LBB2_2:
0x36: {  	s26 =	sshll.u32 s23, $0x2;
	p0 =	seq.s32 s23, $0x0  }
0x37: {  	s3 =	sor.u32 @!p0 $0x2, s26  }
0x38: {  	p1 =	sgt.u32 @!p0 s3, $0x7C  }
0x39: {  	p1 =	por p0, !p1  }
.Ltmp0:
0x3a: {  	_ = 	snop;
	(pc) =	sbr.rel @!p1 .LBB2_4-.Ltmp0, $4  }
0x3b: {  	s16 =	simm.s32 @!p0 $0xA  }
0x3c: {  	_ =	swait.ge @!p0 [sflag:s16], $0x2D00  }
0x3d: {  	[sflag:s16] =	ssyncset.done @!p0 $0x0  }
0x3e: {  	[sflag:s16] =	ssyncadd.s32 @!p0 $0xFFFFD300  }
0x3f: {  	s3 =	simm.s32 @p0 $0x2  }
0x40: {  	s3 =	smul.u32 $0x50, s3;
	_ =	sdelay $0x1  }
0x41: {  	s3 =	sadd.s32 s9, s3  }
0x42: {  	s3 =	sshrl.u32 s3, $0x3  }
0x43: {  	s16 =	simm.s32 $0x140;
	s3 =	sadd.s32 s6, s3  }
0x44: {  	[tilespmem:s16], [sflag:$0x3] =	stream.linear.gather [hbm4b:s3+s4], $0x50, $0x38;
	[tilespmem:$0x1CE90] =	vst v63  }
0x45: {  	s3 =	sadd.s32 $0x9C40, s3  }
0x46: {  	[tilespmem:s24], [sflag:$0x3] =	stream.linear.gather [hbm4b:s3+s4], $0x50, $0x38;
	[tilespmem:$0x1CE90] =	vst v63  }
.LBB2_4:
0x47: {  	p0 =	sne.s32 s23, $0x1F  }
0x48: {  	s17 =	rddreg [dreg:$0xb];
	s3 =	simm.s32 @!p0 $0x0;
	s16 =	simm.s32 @!p0 $0x140  }
0x49: {  	[tilespmem:s16], [sflag:$0x3] =	stream.linear.gather @!p0 [hbm4b:s17+s3], $0x50, $0x38;
	[tilespmem:$0x1CE90] =	vst v63  }
0x4a: {  	s16 =	simm.s32 @!p0 $0x190;
	s17 =	rddreg [dreg:$0xc]  }
0x4b: {  	[tilespmem:s16], [sflag:$0x3] =	stream.linear.gather @!p0 [hbm4b:s17+s3], $0x50, $0x38;
	[tilespmem:$0x1CE90] =	vst v63  }
0x4c: {  	_ =	swait.ge [sflag:s0], $0x50  }
0x4d: {  	[sflag:s0] =	ssyncset.done $0x0  }
0x4e: {  	[sflag:s0] =	ssyncadd.s32 $0xFFFFFFB0  }
0x4f: {  	_ =	swait.ge [sflag:s0], $0x50  }
0x50: {  	[sflag:s0] =	ssyncset.done $0x0  }
0x51: {  	s17 =	simm.s32 $0xA0;
	[sflag:s0] =	ssyncadd.s32 $0xFFFFFFB0  }
0x52: {  	[tilespmem:s8], [sflag:$0x6] =	stream.indirect.gather [hbm4b:s5+s25], $0x90, s17, s25, $0xb8;
	[tilespmem:$0x1CE90] =	vst v63  }
0x53: {  	_ = 	snop  }
0x54: {  	[tilespmem:s10], [sflag:$0x8] =	stream.indirect.gather [hbm4b:s1+s25], $0x10, s28, s25, $0xb8;
	[tilespmem:$0x1CE90] =	vst v63  }
0x55: {  	_ =	swait.ge [sflag:s13], $0x2D00  }
0x56: {  	[sflag:s13] =	ssyncset.done $0x0  }
0x57: {  	[sflag:s13] =	ssyncadd.s32 $0xFFFFD300  }
0x58: {  	_ =	swait.ge [sflag:s14], $0x500  }
0x59: {  	[sflag:s14] =	ssyncset.done $0x0  }
0x5a: {  	s3 =	simm.s32 $0x310;
	[sflag:s14] =	ssyncadd.s32 $0xFFFFFB00  }
0x5b: {  	s18 =	simm.s32 $0x5C90;
	v9 =	vld [tilespmem:s3+$0x80]  }
0x5c: {  	v10 =	vld [tilespmem:s18+$0x0]  }
0x5d: {  	v11 =	vld [tilespmem:s18+$0xFFFFFFF0]  }
0x5e: {  	v12 =	vld [tilespmem:s3+$0xFFFFFFF0]  }
0x5f: {  	v35 =	vld [tilespmem:s3+$0xFFFFFF70]  }
0x60: {  	v36 =	vld [tilespmem:s3+$0xFFFFFF80]  }
0x61: {  	v37 =	vld [tilespmem:s3+$0xFFFFFF90];
	v9 =	vadd.f32 v10, v9  }
0x62: {  	v44 =	vld [tilespmem:s3+$0xFFFFFFA0]  }
0x63: {  	v48 =	vld [tilespmem:s3+$0xFFFFFFB0];
	v10 =	vmul.f32 $2.000000030e-01, v9  }
0x64: {  	v21 =	vld [tilespmem:s3+$0xFFFFFFC0];
	vm0 =	vgt.f32 v9, $0.0e+00  }
0x65: {  	v16 =	vld [tilespmem:s3+$0xFFFFFFD0];
	v11 =	vadd.f32 v11, v12;
	v9 =	vsel vm0, v9, v10  }
0x66: {  	v22 =	vld [tilespmem:s3+$0xFFFFFFE0];
	v9 =	vsub.f32 v9, v8  }
0x67: {  	v17 =	vld [tilespmem:s3+$0x0];
	v10 =	vmul.f32 $2.000000030e-01, v11  }
0x68: {  	v18 =	vld [tilespmem:s3+$0x10];
	vm13 =	vgt.f32 v11, $0.0e+00;
	v9 =	vmul.f32 $1.442695020e+00, v9  }
0x69: {  	v13 =	vld [tilespmem:s3+$0x30];
	v10 =	vsel vm13, v11, v10  }
0x6a: {  	v14 =	vld [tilespmem:s3+$0x40];
	v10 =	vsub.f32 v10, v8;
	(erf) = vpow2.f32 v9  }
0x6b: {  	s31 =	simm.s32 $0x430;
	v23 =	vld [tilespmem:s3+$0x60]  }
0x6c: {  	s16 =	simm.s32 $0x5CB0;
	v15 =	vld [tilespmem:s31+$0x80];
	v10 =	vmul.f32 $1.442695020e+00, v10  }
0x6d: {  	v19 =	vld [tilespmem:s16+$0x0]  }
0x6e: {  	v28 =	vld [tilespmem:s16+$0xFFFFFFF0];
	(erf) = vpow2.f32 v10  }
0x6f: {  	v29 =	vld [tilespmem:s31+$0xFFFFFFF0]  }
0x70: {  	v20 =	vld [tilespmem:s3+$0x70]  }
0x71: {  	v12 =	vld [tilespmem:s3+$0x20]  }
0x72: {  	v31 =	vadd.f32 v19, v15;
	v15 =	vld [tilespmem:s31+$0xFFFFFF90]  }
0x73: {  	v19 =	vld [tilespmem:s31+$0xFFFFFFA0];
	v46 =	vpop (erf)  }
0x74: {  	v32 =	vadd.f32 v28, v29;
	v28 =	vld [tilespmem:s31+$0xFFFFFFC0];
	v26 =	vperm.xlane v46, v0;
	v30 =	vperm.xlane v46, v7  }
0x75: {  	v29 =	vld [tilespmem:s31+$0xFFFFFFD0];
	v27 =	vperm.xlane v46, v1;
	v25 =	vperm.xlane v46, v2  }
0x76: {  	v11 =	vld [tilespmem:s31+$0xFFFFFF80];
	v34 =	vmul.f32 v30, v20;
	v30 =	vmul.f32 $2.000000030e-01, v31  }
0x77: {  	vm14 =	vgt.f32 v31, $0.0e+00;
	v9 =	vld [tilespmem:s3+$0x50];
	v24 =	vperm.xlane v46, v3;
	v38 =	vperm.xlane v46, v4;
	v45 =	vpop (erf)  }
0x78: {  	v10 =	vld [tilespmem:s31+$0xFFFFFF70];
	v47 =	vperm.xlane v45, v0;
	v49 =	vperm.xlane v45, v1;
	v30 =	vsel vm14, v31, v30  }
0x79: {  	v20 =	vld [tilespmem:s31+$0xFFFFFFB0];
	v50 =	vperm.xlane v45, v2;
	v31 =	vmul.f32 $2.000000030e-01, v32;
	v33 =	vsub.f32 v30, v8  }
0x7a: {  	vm15 =	vgt.f32 v32, $0.0e+00;
	v51 =	vperm.xlane v45, v3;
	v52 =	vperm.xlane v45, v4;
	[tilespmem:s3+$0x70] =	vst v34;
	v34 =	vld [tilespmem:s31+$0x30]  }
0x7b: {  	v47 =	vmul.f32 v47, v35;
	v35 =	vld [tilespmem:s31+$0x40];
	v32 =	vsel vm15, v32, v31;
	v39 =	vmul.f32 $1.442695020e+00, v33  }
0x7c: {  	v41 =	vperm.xlane v45, v5;
	v43 =	vperm.xlane v45, v6;
	v30 =	vld [tilespmem:s31+$0xFFFFFFE0];
	v40 =	vsub.f32 v32, v8  }
0x7d: {  	v42 =	vperm.xlane v45, v7;
	v31 =	vld [tilespmem:s31+$0x0];
	(erf) = vpow2.f32 v39  }
0x7e: {  	[tilespmem:s3+$0xFFFFFFF0] =	vst v45;
	v45 =	vmul.f32 v49, v36;
	v32 =	vld [tilespmem:s31+$0x10];
	v53 =	vmul.f32 $1.442695020e+00, v40  }
0x7f: {  	[tilespmem:s3+$0xFFFFFF70] =	vst v47;
	v47 =	vmul.f32 v51, v44;
	v44 =	vmul.f32 v52, v48;
	v33 =	vld [tilespmem:s31+$0x20]  }
0x80: {  	v36 =	vld [tilespmem:s31+$0x50];
	v39 =	vperm.xlane v46, v5;
	(erf) = vpow2.f32 v53  }
0x81: {  	s17 =	simm.s32 $0x2;
	s18 =	simm.s32 $0x550;
	[tilespmem:s3+$0x80] =	vst v46;
	v40 =	vperm.xlane v46, v6;
	v46 =	vmul.f32 v50, v37;
	v37 =	vld [tilespmem:s31+$0x60]  }
.LBB2_5:
0x82: {  	v48 =	vld [tilespmem:s18+$0x80];
	s16 =	sadd.s32 $0x20, s16;
	[tilespmem:s3+$0xFFFFFF80] =	vst v45;
	v41 =	vmul.f32 v41, v21;
	v43 =	vmul.f32 v43, v16;
	v21 =	vmovc v28;
	v16 =	vmov v29  }
0x83: {  	s17 =	sadd.s32 $0x2, s17;
	v29 =	vmul.f32 v42, v22;
	v42 =	vmul.f32 v26, v17;
	v22 =	vmovc v30;
	v17 =	vmov v31;
	v28 =	vld [tilespmem:s16+$0x0];
	[tilespmem:s3+$0xFFFFFF90] =	vst v46  }
0x84: {  	v31 =	vmul.f32 v27, v18;
	v45 =	vmul.f32 v25, v12;
	v18 =	vmovc v32;
	v12 =	vmov v33;
	p0 =	slt.u32 s17, $0x4E;
	v30 =	vld [tilespmem:s31+$0x70];
	[tilespmem:s3+$0xFFFFFFA0] =	vst v47  }
0x85: {  	v33 =	vmul.f32 v24, v13;
	v38 =	vmul.f32 v38, v14;
	v13 =	vmovc v34;
	v14 =	vmov v35;
	v32 =	vld [tilespmem:s16+$0xFFFFFFF0];
	[tilespmem:s3+$0xFFFFFFB0] =	vst v44  }
0x86: {  	v39 =	vmul.f32 v39, v9;
	v40 =	vmul.f32 v40, v23;
	v9 =	vmov v36;
	v34 =	vld [tilespmem:s18+$0xFFFFFFF0];
	v35 =	vpop (erf);
	[tilespmem:s3+$0xFFFFFFC0] =	vst v41  }
0x87: {  	v23 =	vmov v37;
	v36 =	vld [tilespmem:s18+$0xFFFFFF70];
	v26 =	vperm.xlane v35, v0;
	v41 =	vperm.xlane v35, v7;
	[tilespmem:s3+$0xFFFFFFD0] =	vst v43  }
0x88: {  	v27 =	vperm.xlane v35, v1;
	v25 =	vperm.xlane v35, v2;
	v37 =	vld [tilespmem:s18+$0xFFFFFF80];
	v43 =	vadd.f32 v28, v48;
	[tilespmem:s3+$0xFFFFFFE0] =	vst v29  }
0x89: {  	v24 =	vperm.xlane v35, v3;
	v44 =	vld [tilespmem:s18+$0xFFFFFF90];
	v28 =	vmul.f32 v41, v30;
	v46 =	vpop (erf);
	[tilespmem:s3+$0x0] =	vst v42  }
0x8a: {  	v48 =	vld [tilespmem:s18+$0xFFFFFFA0];
	v29 =	vmul.f32 $2.000000030e-01, v43;
	v47 =	vperm.xlane v46, v0;
	[tilespmem:s3+$0x10] =	vst v31  }
0x8b: {  	vm0 =	vgt.f32 v43, $0.0e+00;
	v50 =	vperm.xlane v46, v1;
	v49 =	vld [tilespmem:s18+$0xFFFFFFB0];
	v31 =	vadd.f32 v32, v34;
	[tilespmem:s31+$0x70] =	vst v28  }
0x8c: {  	v51 =	vperm.xlane v46, v2;
	v52 =	vperm.xlane v46, v3;
	v28 =	vld [tilespmem:s18+$0xFFFFFFC0];
	v30 =	vsel vm0, v43, v29;
	[tilespmem:s3+$0x20] =	vst v45  }
0x8d: {  	v29 =	vld [tilespmem:s18+$0xFFFFFFD0];
	vm0 =	vgt.f32 v31, $0.0e+00;
	v32 =	vmul.f32 $2.000000030e-01, v31;
	v34 =	vsub.f32 v30, v8;
	[tilespmem:s3+$0x30] =	vst v33  }
0x8e: {  	v53 =	vperm.xlane v46, v4;
	v41 =	vperm.xlane v46, v5;
	v30 =	vld [tilespmem:s18+$0xFFFFFFE0];
	[tilespmem:s3+$0x40] =	vst v38  }
0x8f: {  	v43 =	vperm.xlane v46, v6;
	v32 =	vsel vm0, v31, v32;
	v31 =	vld [tilespmem:s18+$0x0];
	v34 =	vmul.f32 $1.442695020e+00, v34;
	[tilespmem:s3+$0x50] =	vst v39  }
0x90: {  	v42 =	vperm.xlane v46, v7;
	v38 =	vperm.xlane v35, v4;
	v45 =	vsub.f32 v32, v8;
	v32 =	vld [tilespmem:s18+$0x10];
	[tilespmem:s3+$0x60] =	vst v40;
	s3 =	smov.u32 s31;
	s31 =	smov.u32 s18  }
.Ltmp1:
0x91: {  	v39 =	vperm.xlane v35, v5;
	v33 =	vld [tilespmem:s18+$0x20];
	(erf) = vpow2.f32 v34;
	[tilespmem:s3+$0xFFFFFFF0] =	vst v46;
	(pc) =	sbr.rel @p0 .LBB2_5-.Ltmp1, $4  }
0x92: {  	v40 =	vperm.xlane v35, v6;
	v46 =	vmul.f32 $1.442695020e+00, v45;
	v34 =	vld [tilespmem:s18+$0x30];
	[tilespmem:s3+$0x80] =	vst v35  }
0x93: {  	v47 =	vmul.f32 v47, v10;
	v10 =	vmovc v36;
	v45 =	vmul.f32 v50, v11;
	v11 =	vmov v37;
	v35 =	vld [tilespmem:s18+$0x40]  }
0x94: {  	v36 =	vld [tilespmem:s18+$0x50];
	(erf) = vpow2.f32 v46;
	v46 =	vmul.f32 v51, v15;
	v15 =	vmov v44  }
0x95: {  	s18 =	sadd.s32 $0x120, s18;
	v44 =	vmul.f32 v53, v20;
	v20 =	vmovc v49;
	v37 =	vld [tilespmem:s31+$0x60];
	[tilespmem:s3+$0xFFFFFF70] =	vst v47;
	v47 =	vmul.f32 v52, v19;
	v19 =	vmov v48  }
0x96: {  	[tilespmem:s3+$0xFFFFFF80] =	vst v45  }
0x97: {  	[tilespmem:s3+$0xFFFFFF90] =	vst v46  }
0x98: {  	v21 =	vmul.f32 v41, v21;
	[tilespmem:s3+$0xFFFFFFA0] =	vst v47  }
0x99: {  	v16 =	vmul.f32 v43, v16;
	[tilespmem:s3+$0xFFFFFFB0] =	vst v44  }
0x9a: {  	v22 =	vmul.f32 v42, v22;
	[tilespmem:s3+$0xFFFFFFC0] =	vst v21  }
0x9b: {  	v17 =	vmul.f32 v26, v17;
	[tilespmem:s3+$0xFFFFFFD0] =	vst v16  }
0x9c: {  	v12 =	vmul.f32 v25, v12;
	[tilespmem:s3+$0xFFFFFFE0] =	vst v22  }
0x9d: {  	v13 =	vmul.f32 v24, v13;
	[tilespmem:s3+$0x0] =	vst v17  }
0x9e: {  	v14 =	vmul.f32 v38, v14;
	[tilespmem:s3+$0x20] =	vst v12  }
0x9f: {  	v54 =	vld [tilespmem:s31+$0x70];
	v9 =	vmul.f32 v39, v9;
	[tilespmem:s3+$0x30] =	vst v13  }
0xa0: {  	v16 =	vmul.f32 v27, v18;
	[tilespmem:s3+$0x40] =	vst v14  }
0xa1: {  	v12 =	vmul.f32 v40, v23;
	[tilespmem:s3+$0x50] =	vst v9;
	v55 =	vpop (erf)  }
0xa2: {  	[tilespmem:s3+$0x10] =	vst v16;
	v21 =	vperm.xlane v55, v7;
	v13 =	vpop (erf)  }
0xa3: {  	[tilespmem:s3+$0x60] =	vst v12;
	v14 =	vperm.xlane v13, v0  }
0xa4: {  	[tilespmem:s31+$0x80] =	vst v55;
	v18 =	vmul.f32 v21, v54;
	v9 =	vperm.xlane v13, v1  }
0xa5: {  	v12 =	vperm.xlane v13, v2;
	[tilespmem:s31+$0xFFFFFFF0] =	vst v13;
	v10 =	vmul.f32 v14, v10  }
0xa6: {  	[tilespmem:s31+$0x70] =	vst v18;
	v14 =	vperm.xlane v13, v3;
	v9 =	vmul.f32 v9, v11  }
0xa7: {  	v11 =	vperm.xlane v13, v4;
	v12 =	vmul.f32 v12, v15;
	[tilespmem:s31+$0xFFFFFF70] =	vst v10  }
0xa8: {  	v10 =	vperm.xlane v13, v5;
	v14 =	vmul.f32 v14, v19;
	[tilespmem:s31+$0xFFFFFF80] =	vst v9  }
0xa9: {  	v9 =	vperm.xlane v13, v6;
	v11 =	vmul.f32 v11, v20;
	[tilespmem:s31+$0xFFFFFF90] =	vst v12  }
0xaa: {  	v12 =	vperm.xlane v13, v7;
	v10 =	vmul.f32 v10, v28;
	[tilespmem:s31+$0xFFFFFFA0] =	vst v14  }
0xab: {  	v13 =	vperm.xlane v55, v0;
	v9 =	vmul.f32 v9, v29;
	[tilespmem:s31+$0xFFFFFFB0] =	vst v11  }
0xac: {  	v11 =	vperm.xlane v55, v1;
	v12 =	vmul.f32 v12, v30;
	[tilespmem:s31+$0xFFFFFFC0] =	vst v10  }
0xad: {  	v13 =	vmul.f32 v13, v31;
	v10 =	vperm.xlane v55, v2;
	[tilespmem:s31+$0xFFFFFFD0] =	vst v9  }
0xae: {  	v9 =	vperm.xlane v55, v3;
	v11 =	vmul.f32 v11, v32;
	[tilespmem:s31+$0xFFFFFFE0] =	vst v12  }
0xaf: {  	v12 =	vperm.xlane v55, v4;
	[tilespmem:s31+$0x0] =	vst v13;
	v10 =	vmul.f32 v10, v33  }
0xb0: {  	v13 =	vperm.xlane v55, v5;
	v9 =	vmul.f32 v9, v34;
	[tilespmem:s31+$0x10] =	vst v11  }
0xb1: {  	v11 =	vperm.xlane v55, v6;
	v12 =	vmul.f32 v12, v35;
	[tilespmem:s31+$0x20] =	vst v10  }
0xb2: {  	v10 =	vmul.f32 v13, v36;
	[tilespmem:s31+$0x30] =	vst v9  }
0xb3: {  	s3 =	sor.u32 $0x3, s26;
	v9 =	vmul.f32 v11, v37;
	[tilespmem:s31+$0x40] =	vst v12  }
0xb4: {  	p0 =	sgt.u32 s3, $0x7C;
	[tilespmem:s31+$0x50] =	vst v10  }
0xb5: {  	s16 =	smul.u32 @p0 $0x140, s23;
	s18 =	simm.s32 @p0 $0x0;
	[tilespmem:s31+$0x60] =	vst v9  }
0xb6: {  	[spmem:s2] =	stream.indirect.scatter.add.f32 [tilespmem:s30], [sflag:$0x9], $0x90, s25, s25, $0xb8;
	[tilespmem:$0x1CE90] =	vst v63  }
0xb7: {  	s3 =	smul.u32 @!p0 $0x50, s3;
	s17 =	sadd.s32 @p0 $0xFFFFD9E0, s16;
	_ =	swait.ge [sflag:s15], $0x2D00  }
0xb8: {  	s26 =	simm.s32 @p0 $0x1E0;
	s17 =	sshrl.u32 @p0 s17, $0x3;
	[sflag:s15] =	ssyncset.done $0x0  }
0xb9: {  	s3 =	sadd.s32 @!p0 s9, s3;
	s17 =	sadd.s32 @p0 s7, s17;
	[sflag:s15] =	ssyncadd.s32 $0xFFFFD300  }
0xba: {  	[tilespmem:s26], [sflag:$0x4] =	stream.linear.gather @p0 [hbm4b:s17+s18], $0x50, $0x38;
	[tilespmem:$0x1CE90] =	vst v63  }
0xbb: {  	s16 =	sadd.s32 @p0 $0xFFFFDAD0, s16;
	s17 =	sshrl.u32 @!p0 s3, $0x3  }
0xbc: {  	s18 =	simm.s32 @!p0 $0x0;
	s26 =	simm.s32 @!p0 $0x1E0;
	s3 =	sadd.s32 @!p0 $0x4E200, s3  }
0xbd: {  	s17 =	sadd.s32 @!p0 s6, s17;
	s3 =	smov.u32 @p0 s16;
	s16 =	smov.u32 s6  }
0xbe: {  	[tilespmem:s26], [sflag:$0x4] =	stream.linear.gather @!p0 [hbm4b:s17+s18], $0x50, $0x38;
	[tilespmem:$0x1CE90] =	vst v63  }
0xbf: {  	s16 =	smov.u32 @p0 s7;
	s3 =	sshrl.u32 s3, $0x3  }
0xc0: {  	s3 =	sadd.s32 s16, s3  }
0xc1: {  	[tilespmem:s20], [sflag:$0x4] =	stream.linear.gather [hbm4b:s3+s4], $0x50, $0x38;
	[tilespmem:$0x1CE90] =	vst v63  }
0xc2: {  	_ =	swait.ge [sflag:s21], $0x50  }
0xc3: {  	[sflag:s21] =	ssyncset.done $0x0  }
0xc4: {  	[sflag:s21] =	ssyncadd.s32 $0xFFFFFFB0  }
0xc5: {  	_ =	swait.ge [sflag:s21], $0x50  }
0xc6: {  	[sflag:s21] =	ssyncset.done $0x0  }
0xc7: {  	s18 =	simm.s32 $0x140;
	[sflag:s21] =	ssyncadd.s32 $0xFFFFFFB0  }
0xc8: {  	[tilespmem:s30], [sflag:$0x5] =	stream.indirect.gather [hbm4b:s5+s25], $0x90, s18, s25, $0xb8;
	[tilespmem:$0x1CE90] =	vst v63  }
0xc9: {  	s26 =	simm.s32 $0x5C80  }
0xca: {  	[tilespmem:s26], [sflag:$0x7] =	stream.indirect.gather [hbm4b:s1+s25], $0x10, s24, s25, $0xb8;
	[tilespmem:$0x1CE90] =	vst v63  }
0xcb: {  	_ =	swait.ge [sflag:s11], $0x2D00  }
0xcc: {  	[sflag:s11] =	ssyncset.done $0x0  }
0xcd: {  	[sflag:s11] =	ssyncadd.s32 $0xFFFFD300  }
0xce: {  	_ =	swait.ge [sflag:s12], $0x500  }
0xcf: {  	[sflag:s12] =	ssyncset.done $0x0  }
0xd0: {  	s3 =	simm.s32 $0x3010;
	[sflag:s12] =	ssyncadd.s32 $0xFFFFFB00  }
0xd1: {  	s31 =	simm.s32 $0x6190;
	v9 =	vld [tilespmem:s3+$0x80]  }
0xd2: {  	v10 =	vld [tilespmem:s31+$0x0]  }
0xd3: {  	v11 =	vld [tilespmem:s31+$0xFFFFFFF0]  }
0xd4: {  	v12 =	vld [tilespmem:s3+$0xFFFFFFF0]  }
0xd5: {  	v35 =	vld [tilespmem:s3+$0xFFFFFF70]  }
0xd6: {  	v36 =	vld [tilespmem:s3+$0xFFFFFF80]  }
0xd7: {  	v37 =	vld [tilespmem:s3+$0xFFFFFF90];
	v9 =	vadd.f32 v10, v9  }
0xd8: {  	v44 =	vld [tilespmem:s3+$0xFFFFFFA0]  }
0xd9: {  	v48 =	vld [tilespmem:s3+$0xFFFFFFB0];
	v10 =	vmul.f32 $2.000000030e-01, v9  }
0xda: {  	v21 =	vld [tilespmem:s3+$0xFFFFFFC0];
	vm0 =	vgt.f32 v9, $0.0e+00  }
0xdb: {  	v16 =	vld [tilespmem:s3+$0xFFFFFFD0];
	v9 =	vsel vm0, v9, v10  }
0xdc: {  	v22 =	vld [tilespmem:s3+$0xFFFFFFE0];
	v11 =	vadd.f32 v11, v12;
	v9 =	vsub.f32 v9, v8  }
0xdd: {  	v17 =	vld [tilespmem:s3+$0x0]  }
0xde: {  	v18 =	vld [tilespmem:s3+$0x10];
	v10 =	vmul.f32 $2.000000030e-01, v11;
	v9 =	vmul.f32 $1.442695020e+00, v9  }
0xdf: {  	v13 =	vld [tilespmem:s3+$0x30];
	vm13 =	vgt.f32 v11, $0.0e+00  }
0xe0: {  	v14 =	vld [tilespmem:s3+$0x40];
	v10 =	vsel vm13, v11, v10;
	(erf) = vpow2.f32 v9  }
0xe1: {  	s26 =	simm.s32 $0x3130;
	v23 =	vld [tilespmem:s3+$0x60];
	v10 =	vsub.f32 v10, v8  }
0xe2: {  	s16 =	simm.s32 $0x61B0;
	v15 =	vld [tilespmem:s26+$0x80]  }
0xe3: {  	v19 =	vld [tilespmem:s16+$0x0];
	v10 =	vmul.f32 $1.442695020e+00, v10  }
0xe4: {  	v20 =	vld [tilespmem:s3+$0x70]  }
0xe5: {  	v28 =	vld [tilespmem:s16+$0xFFFFFFF0];
	(erf) = vpow2.f32 v10  }
0xe6: {  	v29 =	vld [tilespmem:s26+$0xFFFFFFF0]  }
0xe7: {  	v33 =	vld [tilespmem:s26+$0x20]  }
0xe8: {  	v34 =	vld [tilespmem:s26+$0x30]  }
0xe9: {  	v12 =	vld [tilespmem:s3+$0x20];
	v56 =	vpop (erf)  }
0xea: {  	v31 =	vadd.f32 v19, v15;
	v15 =	vld [tilespmem:s26+$0xFFFFFF90];
	v26 =	vperm.xlane v56, v0;
	v30 =	vperm.xlane v56, v7  }
0xeb: {  	v19 =	vld [tilespmem:s26+$0xFFFFFFA0];
	v27 =	vperm.xlane v56, v1;
	v25 =	vperm.xlane v56, v2  }
0xec: {  	v60 =	vadd.f32 v28, v29;
	v28 =	vld [tilespmem:s26+$0xFFFFFFC0];
	v57 =	vmul.f32 v30, v20;
	v30 =	vmul.f32 $2.000000030e-01, v31  }
0xed: {  	v29 =	vld [tilespmem:s26+$0xFFFFFFD0];
	vm14 =	vgt.f32 v31, $0.0e+00;
	v24 =	vperm.xlane v56, v3;
	v38 =	vperm.xlane v56, v4  }
0xee: {  	v11 =	vld [tilespmem:s26+$0xFFFFFF80];
	v39 =	vperm.xlane v56, v5;
	v40 =	vperm.xlane v56, v6;
	v58 =	vpop (erf);
	v30 =	vsel vm14, v31, v30  }
0xef: {  	v9 =	vld [tilespmem:s3+$0x50];
	v59 =	vperm.xlane v58, v0;
	v31 =	vmul.f32 $2.000000030e-01, v60;
	v61 =	vsub.f32 v30, v8  }
0xf0: {  	vm15 =	vgt.f32 v60, $0.0e+00;
	v10 =	vld [tilespmem:s26+$0xFFFFFF70];
	v49 =	vperm.xlane v58, v1;
	v50 =	vperm.xlane v58, v2  }
0xf1: {  	v20 =	vld [tilespmem:s26+$0xFFFFFFB0];
	v51 =	vperm.xlane v58, v3;
	v32 =	vsel vm15, v60, v31;
	v62 =	vmul.f32 $1.442695020e+00, v61  }
0xf2: {  	v52 =	vperm.xlane v58, v4;
	v47 =	vmul.f32 v59, v35;
	v35 =	vld [tilespmem:s26+$0x40];
	v63 =	vsub.f32 v32, v8  }
0xf3: {  	v41 =	vperm.xlane v58, v5;
	v30 =	vld [tilespmem:s26+$0xFFFFFFE0];
	(erf) = vpow2.f32 v62  }
0xf4: {  	[tilespmem:s3+$0x80] =	vst v56;
	v43 =	vperm.xlane v58, v6;
	v31 =	vld [tilespmem:s26+$0x0];
	v53 =	vmul.f32 $1.442695020e+00, v63  }
0xf5: {  	v42 =	vperm.xlane v58, v7;
	[tilespmem:s3+$0xFFFFFFF0] =	vst v58;
	v45 =	vmul.f32 v49, v36;
	v32 =	vld [tilespmem:s26+$0x10]  }
0xf6: {  	[tilespmem:s3+$0x70] =	vst v57;
	v36 =	vld [tilespmem:s26+$0x50];
	v46 =	vmul.f32 v50, v37;
	(erf) = vpow2.f32 v53  }
0xf7: {  	s17 =	simm.s32 $0x2;
	s18 =	simm.s32 $0x3250;
	v37 =	vld [tilespmem:s26+$0x60];
	[tilespmem:s3+$0xFFFFFF70] =	vst v47;
	v47 =	vmul.f32 v51, v44;
	v44 =	vmul.f32 v52, v48  }
.LBB2_7:
0xf8: {  	v48 =	vld [tilespmem:s18+$0x80];
	s16 =	sadd.s32 $0x20, s16;
	[tilespmem:s3+$0xFFFFFF80] =	vst v45;
	v41 =	vmul.f32 v41, v21;
	v43 =	vmul.f32 v43, v16;
	v21 =	vmovc v28;
	v16 =	vmov v29  }
0xf9: {  	s17 =	sadd.s32 $0x2, s17;
	v29 =	vmul.f32 v42, v22;
	v42 =	vmul.f32 v26, v17;
	v22 =	vmovc v30;
	v17 =	vmov v31;
	v28 =	vld [tilespmem:s16+$0x0];
	[tilespmem:s3+$0xFFFFFF90] =	vst v46  }
0xfa: {  	v31 =	vmul.f32 v27, v18;
	v45 =	vmul.f32 v25, v12;
	v18 =	vmovc v32;
	v12 =	vmov v33;
	p0 =	slt.u32 s17, $0x4E;
	v30 =	vld [tilespmem:s26+$0x70];
	[tilespmem:s3+$0xFFFFFFA0] =	vst v47  }
0xfb: {  	v33 =	vmul.f32 v24, v13;
	v38 =	vmul.f32 v38, v14;
	v13 =	vmovc v34;
	v14 =	vmov v35;
	v32 =	vld [tilespmem:s16+$0xFFFFFFF0];
	[tilespmem:s3+$0xFFFFFFB0] =	vst v44  }
0xfc: {  	v39 =	vmul.f32 v39, v9;
	v40 =	vmul.f32 v40, v23;
	v9 =	vmov v36;
	v34 =	vld [tilespmem:s18+$0xFFFFFFF0];
	v35 =	vpop (erf);
	[tilespmem:s3+$0xFFFFFFC0] =	vst v41  }
0xfd: {  	v23 =	vmov v37;
	v36 =	vld [tilespmem:s18+$0xFFFFFF70];
	v26 =	vperm.xlane v35, v0;
	v41 =	vperm.xlane v35, v7;
	[tilespmem:s3+$0xFFFFFFD0] =	vst v43  }
0xfe: {  	v27 =	vperm.xlane v35, v1;
	v25 =	vperm.xlane v35, v2;
	v37 =	vld [tilespmem:s18+$0xFFFFFF80];
	v43 =	vadd.f32 v28, v48;
	[tilespmem:s3+$0xFFFFFFE0] =	vst v29  }
0xff: {  	v24 =	vperm.xlane v35, v3;
	v44 =	vld [tilespmem:s18+$0xFFFFFF90];
	v28 =	vmul.f32 v41, v30;
	v46 =	vpop (erf);
	[tilespmem:s3+$0x0] =	vst v42  }
0x100: {  	v48 =	vld [tilespmem:s18+$0xFFFFFFA0];
	v29 =	vmul.f32 $2.000000030e-01, v43;
	v47 =	vperm.xlane v46, v0;
	[tilespmem:s3+$0x10] =	vst v31  }
0x101: {  	vm0 =	vgt.f32 v43, $0.0e+00;
	v50 =	vperm.xlane v46, v1;
	v49 =	vld [tilespmem:s18+$0xFFFFFFB0];
	v31 =	vadd.f32 v32, v34;
	[tilespmem:s26+$0x70] =	vst v28  }
0x102: {  	v51 =	vperm.xlane v46, v2;
	v52 =	vperm.xlane v46, v3;
	v28 =	vld [tilespmem:s18+$0xFFFFFFC0];
	v30 =	vsel vm0, v43, v29;
	[tilespmem:s3+$0x20] =	vst v45  }
0x103: {  	v29 =	vld [tilespmem:s18+$0xFFFFFFD0];
	vm0 =	vgt.f32 v31, $0.0e+00;
	v32 =	vmul.f32 $2.000000030e-01, v31;
	v34 =	vsub.f32 v30, v8;
	[tilespmem:s3+$0x30] =	vst v33  }
0x104: {  	v53 =	vperm.xlane v46, v4;
	v41 =	vperm.xlane v46, v5;
	v30 =	vld [tilespmem:s18+$0xFFFFFFE0];
	[tilespmem:s3+$0x40] =	vst v38  }
0x105: {  	v43 =	vperm.xlane v46, v6;
	v32 =	vsel vm0, v31, v32;
	v31 =	vld [tilespmem:s18+$0x0];
	v34 =	vmul.f32 $1.442695020e+00, v34;
	[tilespmem:s3+$0x50] =	vst v39  }
0x106: {  	v42 =	vperm.xlane v46, v7;
	v38 =	vperm.xlane v35, v4;
	v45 =	vsub.f32 v32, v8;
	v32 =	vld [tilespmem:s18+$0x10];
	[tilespmem:s3+$0x60] =	vst v40;
	s3 =	smov.u32 s26;
	s26 =	smov.u32 s18  }
.Ltmp2:
0x107: {  	v39 =	vperm.xlane v35, v5;
	v33 =	vld [tilespmem:s18+$0x20];
	(erf) = vpow2.f32 v34;
	[tilespmem:s3+$0xFFFFFFF0] =	vst v46;
	(pc) =	sbr.rel @p0 .LBB2_7-.Ltmp2, $4  }
0x108: {  	v40 =	vperm.xlane v35, v6;
	v46 =	vmul.f32 $1.442695020e+00, v45;
	v34 =	vld [tilespmem:s18+$0x30];
	[tilespmem:s3+$0x80] =	vst v35  }
0x109: {  	v47 =	vmul.f32 v47, v10;
	v10 =	vmovc v36;
	v45 =	vmul.f32 v50, v11;
	v11 =	vmov v37;
	v35 =	vld [tilespmem:s18+$0x40]  }
0x10a: {  	v36 =	vld [tilespmem:s18+$0x50];
	(erf) = vpow2.f32 v46;
	v46 =	vmul.f32 v51, v15;
	v15 =	vmov v44  }
0x10b: {  	s18 =	sadd.s32 $0x120, s18;
	v44 =	vmul.f32 v53, v20;
	v20 =	vmovc v49;
	v37 =	vld [tilespmem:s26+$0x60];
	[tilespmem:s3+$0xFFFFFF70] =	vst v47;
	v47 =	vmul.f32 v52, v19;
	v19 =	vmov v48  }
0x10c: {  	[tilespmem:s3+$0xFFFFFF80] =	vst v45  }
0x10d: {  	[tilespmem:s3+$0xFFFFFF90] =	vst v46  }
0x10e: {  	v21 =	vmul.f32 v41, v21;
	[tilespmem:s3+$0xFFFFFFA0] =	vst v47  }
0x10f: {  	v16 =	vmul.f32 v43, v16;
	[tilespmem:s3+$0xFFFFFFB0] =	vst v44  }
0x110: {  	v22 =	vmul.f32 v42, v22;
	[tilespmem:s3+$0xFFFFFFC0] =	vst v21  }
0x111: {  	v17 =	vmul.f32 v26, v17;
	[tilespmem:s3+$0xFFFFFFD0] =	vst v16  }
0x112: {  	v12 =	vmul.f32 v25, v12;
	[tilespmem:s3+$0xFFFFFFE0] =	vst v22  }
0x113: {  	v13 =	vmul.f32 v24, v13;
	[tilespmem:s3+$0x0] =	vst v17  }
0x114: {  	v14 =	vmul.f32 v38, v14;
	[tilespmem:s3+$0x20] =	vst v12  }
0x115: {  	v54 =	vld [tilespmem:s26+$0x70];
	v9 =	vmul.f32 v39, v9;
	[tilespmem:s3+$0x30] =	vst v13  }
0x116: {  	v16 =	vmul.f32 v27, v18;
	[tilespmem:s3+$0x40] =	vst v14  }
0x117: {  	v12 =	vmul.f32 v40, v23;
	[tilespmem:s3+$0x50] =	vst v9;
	v55 =	vpop (erf)  }
0x118: {  	[tilespmem:s3+$0x10] =	vst v16;
	v21 =	vperm.xlane v55, v7;
	v13 =	vpop (erf)  }
0x119: {  	[tilespmem:s3+$0x60] =	vst v12;
	v14 =	vperm.xlane v13, v0  }
0x11a: {  	[tilespmem:s26+$0x80] =	vst v55;
	v18 =	vmul.f32 v21, v54;
	v9 =	vperm.xlane v13, v1  }
0x11b: {  	v12 =	vperm.xlane v13, v2;
	[tilespmem:s26+$0xFFFFFFF0] =	vst v13;
	v10 =	vmul.f32 v14, v10  }
0x11c: {  	[tilespmem:s26+$0x70] =	vst v18;
	v14 =	vperm.xlane v13, v3;
	v9 =	vmul.f32 v9, v11  }
0x11d: {  	v11 =	vperm.xlane v13, v4;
	v12 =	vmul.f32 v12, v15;
	[tilespmem:s26+$0xFFFFFF70] =	vst v10  }
0x11e: {  	v10 =	vperm.xlane v13, v5;
	v14 =	vmul.f32 v14, v19;
	[tilespmem:s26+$0xFFFFFF80] =	vst v9  }
0x11f: {  	v9 =	vperm.xlane v13, v6;
	v11 =	vmul.f32 v11, v20;
	[tilespmem:s26+$0xFFFFFF90] =	vst v12  }
0x120: {  	v12 =	vperm.xlane v13, v7;
	v10 =	vmul.f32 v10, v28;
	[tilespmem:s26+$0xFFFFFFA0] =	vst v14  }
0x121: {  	v13 =	vperm.xlane v55, v0;
	v9 =	vmul.f32 v9, v29;
	[tilespmem:s26+$0xFFFFFFB0] =	vst v11  }
0x122: {  	v11 =	vperm.xlane v55, v1;
	v12 =	vmul.f32 v12, v30;
	[tilespmem:s26+$0xFFFFFFC0] =	vst v10  }
0x123: {  	v13 =	vmul.f32 v13, v31;
	v10 =	vperm.xlane v55, v2;
	[tilespmem:s26+$0xFFFFFFD0] =	vst v9  }
0x124: {  	v9 =	vperm.xlane v55, v3;
	v11 =	vmul.f32 v11, v32;
	[tilespmem:s26+$0xFFFFFFE0] =	vst v12  }
0x125: {  	v12 =	vperm.xlane v55, v4;
	[tilespmem:s26+$0x0] =	vst v13;
	v10 =	vmul.f32 v10, v33  }
0x126: {  	v13 =	vperm.xlane v55, v5;
	v9 =	vmul.f32 v9, v34;
	[tilespmem:s26+$0x10] =	vst v11  }
0x127: {  	v11 =	vperm.xlane v55, v6;
	v12 =	vmul.f32 v12, v35;
	[tilespmem:s26+$0x20] =	vst v10  }
0x128: {  	v10 =	vmul.f32 v13, v36;
	[tilespmem:s26+$0x30] =	vst v9  }
0x129: {  	v9 =	vmul.f32 v11, v37;
	[tilespmem:s26+$0x40] =	vst v12  }
0x12a: {  	[tilespmem:s26+$0x50] =	vst v10  }
0x12b: {  	p0 =	seq.s32 s23, $0x1F;
	[tilespmem:s26+$0x60] =	vst v9  }
0x12c: {  	[spmem:s2] =	stream.indirect.scatter.add.f32 [tilespmem:s8], [sflag:$0xA], $0x90, s28, s25, $0xb8;
	[tilespmem:$0x1CE90] =	vst v63  }
0x12d: {  	s26 =	smul.u32 @!p0 $0x140, s23;
	_ =	swait.ge [sflag:s22], $0x2D00  }
0x12e: {  	s3 =	rddreg [dreg:$0xd]  }
0x12f: {  	s3 =	sadd.s32 @!p0 s26, s3  }
0x130: {  	[sflag:s22] =	ssyncset.done $0x0;
	s3 =	sshrl.u32 @!p0 s3, $0x3  }
0x131: {  	s16 =	simm.s32 @!p0 $0x0;
	[sflag:s22] =	ssyncadd.s32 $0xFFFFD300;
	s3 =	sadd.s32 @!p0 s6, s3  }
0x132: {  	[tilespmem:s16], [sflag:$0x1] =	stream.linear.gather @!p0 [hbm4b:s3+s16], $0x50, $0x38;
	[tilespmem:$0x1CE90] =	vst v63  }
0x133: {  	s17 =	simm.s32 @!p0 $0x50;
	s3 =	sadd.s32 @!p0 $0x9C40, s3  }
0x134: {  	[tilespmem:s17], [sflag:$0x1] =	stream.linear.gather @!p0 [hbm4b:s3+s16], $0x50, $0x38;
	[tilespmem:$0x1CE90] =	vst v63  }
0x135: {  	_ =	swait.ge [sflag:s29], $0x50  }
0x136: {  	[sflag:s29] =	ssyncset.done $0x0  }
0x137: {  	[sflag:s29] =	ssyncadd.s32 $0xFFFFFFB0  }
0x138: {  	_ =	swait.ge [sflag:s29], $0x50  }
0x139: {  	[sflag:s29] =	ssyncset.done $0x0  }
0x13a: {  	s17 =	simm.s32 $0x1E0;
	[sflag:s29] =	ssyncadd.s32 $0xFFFFFFB0  }
0x13b: {  	[tilespmem:s8], [sflag:$0x6] =	stream.indirect.gather [hbm4b:s5+s25], $0x90, s17, s25, $0xb8;
	[tilespmem:$0x1CE90] =	vst v63  }
0x13c: {  	_ = 	snop  }
0x13d: {  	[tilespmem:s10], [sflag:$0x8] =	stream.indirect.gather [hbm4b:s1+s25], $0x10, s20, s25, $0xb8;
	[tilespmem:$0x1CE90] =	vst v63  }
0x13e: {  	_ =	swait.ge [sflag:s13], $0x2D00  }
0x13f: {  	[sflag:s13] =	ssyncset.done $0x0  }
0x140: {  	[sflag:s13] =	ssyncadd.s32 $0xFFFFD300  }
0x141: {  	_ =	swait.ge [sflag:s14], $0x500  }
0x142: {  	[sflag:s14] =	ssyncset.done $0x0  }
0x143: {  	s3 =	simm.s32 $0x310;
	[sflag:s14] =	ssyncadd.s32 $0xFFFFFB00  }
0x144: {  	s18 =	simm.s32 $0x5C90;
	v9 =	vld [tilespmem:s3+$0x80]  }
0x145: {  	v10 =	vld [tilespmem:s18+$0x0]  }
0x146: {  	v11 =	vld [tilespmem:s18+$0xFFFFFFF0]  }
0x147: {  	v12 =	vld [tilespmem:s3+$0xFFFFFFF0]  }
0x148: {  	v35 =	vld [tilespmem:s3+$0xFFFFFF70]  }
0x149: {  	v36 =	vld [tilespmem:s3+$0xFFFFFF80]  }
0x14a: {  	v37 =	vld [tilespmem:s3+$0xFFFFFF90];
	v9 =	vadd.f32 v10, v9  }
0x14b: {  	v44 =	vld [tilespmem:s3+$0xFFFFFFA0]  }
0x14c: {  	v48 =	vld [tilespmem:s3+$0xFFFFFFB0];
	v10 =	vmul.f32 $2.000000030e-01, v9  }
0x14d: {  	v21 =	vld [tilespmem:s3+$0xFFFFFFC0];
	vm0 =	vgt.f32 v9, $0.0e+00  }
0x14e: {  	v16 =	vld [tilespmem:s3+$0xFFFFFFD0];
	v9 =	vsel vm0, v9, v10  }
0x14f: {  	v22 =	vld [tilespmem:s3+$0xFFFFFFE0];
	v11 =	vadd.f32 v11, v12;
	v9 =	vsub.f32 v9, v8  }
0x150: {  	v17 =	vld [tilespmem:s3+$0x0]  }
0x151: {  	v18 =	vld [tilespmem:s3+$0x10];
	v10 =	vmul.f32 $2.000000030e-01, v11;
	v9 =	vmul.f32 $1.442695020e+00, v9  }
0x152: {  	v13 =	vld [tilespmem:s3+$0x30];
	vm13 =	vgt.f32 v11, $0.0e+00  }
0x153: {  	v14 =	vld [tilespmem:s3+$0x40];
	v10 =	vsel vm13, v11, v10;
	(erf) = vpow2.f32 v9  }
0x154: {  	s31 =	simm.s32 $0x430;
	v23 =	vld [tilespmem:s3+$0x60];
	v10 =	vsub.f32 v10, v8  }
0x155: {  	s16 =	simm.s32 $0x5CB0;
	v15 =	vld [tilespmem:s31+$0x80]  }
0x156: {  	v19 =	vld [tilespmem:s16+$0x0];
	v10 =	vmul.f32 $1.442695020e+00, v10  }
0x157: {  	v20 =	vld [tilespmem:s3+$0x70]  }
0x158: {  	v28 =	vld [tilespmem:s16+$0xFFFFFFF0];
	(erf) = vpow2.f32 v10  }
0x159: {  	v29 =	vld [tilespmem:s31+$0xFFFFFFF0]  }
0x15a: {  	v33 =	vld [tilespmem:s31+$0x20]  }
0x15b: {  	v34 =	vld [tilespmem:s31+$0x30]  }
0x15c: {  	v12 =	vld [tilespmem:s3+$0x20];
	v56 =	vpop (erf)  }
0x15d: {  	v31 =	vadd.f32 v19, v15;
	v15 =	vld [tilespmem:s31+$0xFFFFFF90];
	v26 =	vperm.xlane v56, v0;
	v30 =	vperm.xlane v56, v7  }
0x15e: {  	v19 =	vld [tilespmem:s31+$0xFFFFFFA0];
	v27 =	vperm.xlane v56, v1;
	v25 =	vperm.xlane v56, v2  }
0x15f: {  	v60 =	vadd.f32 v28, v29;
	v28 =	vld [tilespmem:s31+$0xFFFFFFC0];
	v57 =	vmul.f32 v30, v20;
	v30 =	vmul.f32 $2.000000030e-01, v31  }
0x160: {  	v29 =	vld [tilespmem:s31+$0xFFFFFFD0];
	vm14 =	vgt.f32 v31, $0.0e+00;
	v24 =	vperm.xlane v56, v3;
	v38 =	vperm.xlane v56, v4  }
0x161: {  	v11 =	vld [tilespmem:s31+$0xFFFFFF80];
	v39 =	vperm.xlane v56, v5;
	v40 =	vperm.xlane v56, v6;
	v58 =	vpop (erf);
	v30 =	vsel vm14, v31, v30  }
0x162: {  	v9 =	vld [tilespmem:s3+$0x50];
	v59 =	vperm.xlane v58, v0;
	v31 =	vmul.f32 $2.000000030e-01, v60;
	v61 =	vsub.f32 v30, v8  }
0x163: {  	vm15 =	vgt.f32 v60, $0.0e+00;
	v10 =	vld [tilespmem:s31+$0xFFFFFF70];
	v49 =	vperm.xlane v58, v1;
	v50 =	vperm.xlane v58, v2  }
0x164: {  	v20 =	vld [tilespmem:s31+$0xFFFFFFB0];
	v51 =	vperm.xlane v58, v3;
	v32 =	vsel vm15, v60, v31;
	v62 =	vmul.f32 $1.442695020e+00, v61  }
0x165: {  	v52 =	vperm.xlane v58, v4;
	v47 =	vmul.f32 v59, v35;
	v35 =	vld [tilespmem:s31+$0x40];
	v63 =	vsub.f32 v32, v8  }
0x166: {  	v41 =	vperm.xlane v58, v5;
	v30 =	vld [tilespmem:s31+$0xFFFFFFE0];
	(erf) = vpow2.f32 v62  }
0x167: {  	[tilespmem:s3+$0x80] =	vst v56;
	v43 =	vperm.xlane v58, v6;
	v31 =	vld [tilespmem:s31+$0x0];
	v53 =	vmul.f32 $1.442695020e+00, v63  }
0x168: {  	v42 =	vperm.xlane v58, v7;
	[tilespmem:s3+$0xFFFFFFF0] =	vst v58;
	v45 =	vmul.f32 v49, v36;
	v32 =	vld [tilespmem:s31+$0x10]  }
0x169: {  	[tilespmem:s3+$0x70] =	vst v57;
	v36 =	vld [tilespmem:s31+$0x50];
	v46 =	vmul.f32 v50, v37;
	(erf) = vpow2.f32 v53  }
0x16a: {  	s17 =	simm.s32 $0x2;
	s18 =	simm.s32 $0x550;
	v37 =	vld [tilespmem:s31+$0x60];
	[tilespmem:s3+$0xFFFFFF70] =	vst v47;
	v47 =	vmul.f32 v51, v44;
	v44 =	vmul.f32 v52, v48  }
.LBB2_9:
0x16b: {  	v48 =	vld [tilespmem:s18+$0x80];
	s16 =	sadd.s32 $0x20, s16;
	[tilespmem:s3+$0xFFFFFF80] =	vst v45;
	v41 =	vmul.f32 v41, v21;
	v43 =	vmul.f32 v43, v16;
	v21 =	vmovc v28;
	v16 =	vmov v29  }
0x16c: {  	s17 =	sadd.s32 $0x2, s17;
	v29 =	vmul.f32 v42, v22;
	v42 =	vmul.f32 v26, v17;
	v22 =	vmovc v30;
	v17 =	vmov v31;
	v28 =	vld [tilespmem:s16+$0x0];
	[tilespmem:s3+$0xFFFFFF90] =	vst v46  }
0x16d: {  	v31 =	vmul.f32 v27, v18;
	v45 =	vmul.f32 v25, v12;
	v18 =	vmovc v32;
	v12 =	vmov v33;
	p1 =	slt.u32 s17, $0x4E;
	v30 =	vld [tilespmem:s31+$0x70];
	[tilespmem:s3+$0xFFFFFFA0] =	vst v47  }
0x16e: {  	v33 =	vmul.f32 v24, v13;
	v38 =	vmul.f32 v38, v14;
	v13 =	vmovc v34;
	v14 =	vmov v35;
	v32 =	vld [tilespmem:s16+$0xFFFFFFF0];
	[tilespmem:s3+$0xFFFFFFB0] =	vst v44  }
0x16f: {  	v39 =	vmul.f32 v39, v9;
	v40 =	vmul.f32 v40, v23;
	v9 =	vmov v36;
	v34 =	vld [tilespmem:s18+$0xFFFFFFF0];
	v35 =	vpop (erf);
	[tilespmem:s3+$0xFFFFFFC0] =	vst v41  }
0x170: {  	v23 =	vmov v37;
	v36 =	vld [tilespmem:s18+$0xFFFFFF70];
	v26 =	vperm.xlane v35, v0;
	v41 =	vperm.xlane v35, v7;
	[tilespmem:s3+$0xFFFFFFD0] =	vst v43  }
0x171: {  	v27 =	vperm.xlane v35, v1;
	v25 =	vperm.xlane v35, v2;
	v37 =	vld [tilespmem:s18+$0xFFFFFF80];
	v43 =	vadd.f32 v28, v48;
	[tilespmem:s3+$0xFFFFFFE0] =	vst v29  }
0x172: {  	v24 =	vperm.xlane v35, v3;
	v44 =	vld [tilespmem:s18+$0xFFFFFF90];
	v28 =	vmul.f32 v41, v30;
	v46 =	vpop (erf);
	[tilespmem:s3+$0x0] =	vst v42  }
0x173: {  	v48 =	vld [tilespmem:s18+$0xFFFFFFA0];
	v29 =	vmul.f32 $2.000000030e-01, v43;
	v47 =	vperm.xlane v46, v0;
	[tilespmem:s3+$0x10] =	vst v31  }
0x174: {  	vm0 =	vgt.f32 v43, $0.0e+00;
	v50 =	vperm.xlane v46, v1;
	v49 =	vld [tilespmem:s18+$0xFFFFFFB0];
	v31 =	vadd.f32 v32, v34;
	[tilespmem:s31+$0x70] =	vst v28  }
0x175: {  	v51 =	vperm.xlane v46, v2;
	v52 =	vperm.xlane v46, v3;
	v28 =	vld [tilespmem:s18+$0xFFFFFFC0];
	v30 =	vsel vm0, v43, v29;
	[tilespmem:s3+$0x20] =	vst v45  }
0x176: {  	v29 =	vld [tilespmem:s18+$0xFFFFFFD0];
	vm0 =	vgt.f32 v31, $0.0e+00;
	v32 =	vmul.f32 $2.000000030e-01, v31;
	v34 =	vsub.f32 v30, v8;
	[tilespmem:s3+$0x30] =	vst v33  }
0x177: {  	v53 =	vperm.xlane v46, v4;
	v41 =	vperm.xlane v46, v5;
	v30 =	vld [tilespmem:s18+$0xFFFFFFE0];
	[tilespmem:s3+$0x40] =	vst v38  }
0x178: {  	v43 =	vperm.xlane v46, v6;
	v32 =	vsel vm0, v31, v32;
	v31 =	vld [tilespmem:s18+$0x0];
	v34 =	vmul.f32 $1.442695020e+00, v34;
	[tilespmem:s3+$0x50] =	vst v39  }
0x179: {  	v42 =	vperm.xlane v46, v7;
	v38 =	vperm.xlane v35, v4;
	v45 =	vsub.f32 v32, v8;
	v32 =	vld [tilespmem:s18+$0x10];
	[tilespmem:s3+$0x60] =	vst v40;
	s3 =	smov.u32 s31;
	s31 =	smov.u32 s18  }
.Ltmp3:
0x17a: {  	v39 =	vperm.xlane v35, v5;
	v33 =	vld [tilespmem:s18+$0x20];
	(erf) = vpow2.f32 v34;
	[tilespmem:s3+$0xFFFFFFF0] =	vst v46;
	(pc) =	sbr.rel @p1 .LBB2_9-.Ltmp3, $4  }
0x17b: {  	v40 =	vperm.xlane v35, v6;
	v46 =	vmul.f32 $1.442695020e+00, v45;
	v34 =	vld [tilespmem:s18+$0x30];
	[tilespmem:s3+$0x80] =	vst v35  }
0x17c: {  	v47 =	vmul.f32 v47, v10;
	v10 =	vmovc v36;
	v45 =	vmul.f32 v50, v11;
	v11 =	vmov v37;
	v35 =	vld [tilespmem:s18+$0x40]  }
0x17d: {  	v36 =	vld [tilespmem:s18+$0x50];
	(erf) = vpow2.f32 v46;
	v46 =	vmul.f32 v51, v15;
	v15 =	vmov v44  }
0x17e: {  	s18 =	sadd.s32 $0x120, s18;
	v44 =	vmul.f32 v53, v20;
	v20 =	vmovc v49;
	v37 =	vld [tilespmem:s31+$0x60];
	[tilespmem:s3+$0xFFFFFF70] =	vst v47;
	v47 =	vmul.f32 v52, v19;
	v19 =	vmov v48  }
0x17f: {  	[tilespmem:s3+$0xFFFFFF80] =	vst v45  }
0x180: {  	[tilespmem:s3+$0xFFFFFF90] =	vst v46  }
0x181: {  	v21 =	vmul.f32 v41, v21;
	[tilespmem:s3+$0xFFFFFFA0] =	vst v47  }
0x182: {  	v16 =	vmul.f32 v43, v16;
	[tilespmem:s3+$0xFFFFFFB0] =	vst v44  }
0x183: {  	v22 =	vmul.f32 v42, v22;
	[tilespmem:s3+$0xFFFFFFC0] =	vst v21  }
0x184: {  	v17 =	vmul.f32 v26, v17;
	[tilespmem:s3+$0xFFFFFFD0] =	vst v16  }
0x185: {  	v12 =	vmul.f32 v25, v12;
	[tilespmem:s3+$0xFFFFFFE0] =	vst v22  }
0x186: {  	v13 =	vmul.f32 v24, v13;
	[tilespmem:s3+$0x0] =	vst v17  }
0x187: {  	v14 =	vmul.f32 v38, v14;
	[tilespmem:s3+$0x20] =	vst v12  }
0x188: {  	v54 =	vld [tilespmem:s31+$0x70];
	v9 =	vmul.f32 v39, v9;
	[tilespmem:s3+$0x30] =	vst v13  }
0x189: {  	v16 =	vmul.f32 v27, v18;
	[tilespmem:s3+$0x40] =	vst v14  }
0x18a: {  	v12 =	vmul.f32 v40, v23;
	[tilespmem:s3+$0x50] =	vst v9;
	v55 =	vpop (erf)  }
0x18b: {  	[tilespmem:s3+$0x10] =	vst v16;
	v21 =	vperm.xlane v55, v7;
	v13 =	vpop (erf)  }
0x18c: {  	[tilespmem:s3+$0x60] =	vst v12;
	v14 =	vperm.xlane v13, v0  }
0x18d: {  	[tilespmem:s31+$0x80] =	vst v55;
	v18 =	vmul.f32 v21, v54;
	v9 =	vperm.xlane v13, v1  }
0x18e: {  	v12 =	vperm.xlane v13, v2;
	[tilespmem:s31+$0xFFFFFFF0] =	vst v13;
	v10 =	vmul.f32 v14, v10  }
0x18f: {  	[tilespmem:s31+$0x70] =	vst v18;
	v14 =	vperm.xlane v13, v3;
	v9 =	vmul.f32 v9, v11  }
0x190: {  	v11 =	vperm.xlane v13, v4;
	v12 =	vmul.f32 v12, v15;
	[tilespmem:s31+$0xFFFFFF70] =	vst v10  }
0x191: {  	v10 =	vperm.xlane v13, v5;
	v14 =	vmul.f32 v14, v19;
	[tilespmem:s31+$0xFFFFFF80] =	vst v9  }
0x192: {  	v9 =	vperm.xlane v13, v6;
	v11 =	vmul.f32 v11, v20;
	[tilespmem:s31+$0xFFFFFF90] =	vst v12  }
0x193: {  	v12 =	vperm.xlane v13, v7;
	v10 =	vmul.f32 v10, v28;
	[tilespmem:s31+$0xFFFFFFA0] =	vst v14  }
0x194: {  	v13 =	vperm.xlane v55, v0;
	v9 =	vmul.f32 v9, v29;
	[tilespmem:s31+$0xFFFFFFB0] =	vst v11  }
0x195: {  	v11 =	vperm.xlane v55, v1;
	v12 =	vmul.f32 v12, v30;
	[tilespmem:s31+$0xFFFFFFC0] =	vst v10  }
0x196: {  	v13 =	vmul.f32 v13, v31;
	v10 =	vperm.xlane v55, v2;
	[tilespmem:s31+$0xFFFFFFD0] =	vst v9  }
0x197: {  	v9 =	vperm.xlane v55, v3;
	v11 =	vmul.f32 v11, v32;
	[tilespmem:s31+$0xFFFFFFE0] =	vst v12  }
0x198: {  	v12 =	vperm.xlane v55, v4;
	[tilespmem:s31+$0x0] =	vst v13;
	v10 =	vmul.f32 v10, v33  }
0x199: {  	v13 =	vperm.xlane v55, v5;
	v9 =	vmul.f32 v9, v34;
	[tilespmem:s31+$0x10] =	vst v11  }
0x19a: {  	v11 =	vperm.xlane v55, v6;
	v12 =	vmul.f32 v12, v35;
	[tilespmem:s31+$0x20] =	vst v10  }
0x19b: {  	v10 =	vmul.f32 v13, v36;
	[tilespmem:s31+$0x30] =	vst v9  }
0x19c: {  	v9 =	vmul.f32 v11, v37;
	[tilespmem:s31+$0x40] =	vst v12  }
0x19d: {  	p2 =	sgt.u32 @!p0 s23, $0x1D;
	[tilespmem:s31+$0x50] =	vst v10  }
0x19e: {  	p1 =	por !p2, p0;
	[tilespmem:s31+$0x60] =	vst v9  }
0x19f: {  	[spmem:s2] =	stream.indirect.scatter.add.f32 [tilespmem:s30], [sflag:$0x9], $0x90, s24, s25, $0xb8;
	[tilespmem:$0x1CE90] =	vst v63  }
0x1a0: {  	p2 =	por p2, p0;
	s3 =	sadd.s32 @!p1 $0xFFFFDA80, s26;
	_ =	swait.ge [sflag:s15], $0x2D00  }
0x1a1: {  	s16 =	simm.s32 @!p1 $0x0;
	s3 =	sshrl.u32 @!p1 s3, $0x3;
	[sflag:s15] =	ssyncset.done $0x0  }
0x1a2: {  	s17 =	simm.s32 @!p1 $0xA0;
	s3 =	sadd.s32 @!p1 s7, s3;
	[sflag:s15] =	ssyncadd.s32 $0xFFFFD300  }
0x1a3: {  	[tilespmem:s17], [sflag:$0x2] =	stream.linear.gather @!p1 [hbm4b:s3+s16], $0x50, $0x38;
	[tilespmem:$0x1CE90] =	vst v63  }
0x1a4: {  	s3 =	sadd.s32 @!p2 s26, s19  }
0x1a5: {  	s16 =	sshrl.u32 @!p2 s3, $0x3  }
0x1a6: {  	s18 =	simm.s32 @!p2 $0xA0;
	s17 =	simm.s32 @!p2 $0x0;
	s16 =	sadd.s32 @!p2 s6, s16  }
0x1a7: {  	[tilespmem:s18], [sflag:$0x2] =	stream.linear.gather @!p2 [hbm4b:s16+s17], $0x50, $0x38;
	[tilespmem:$0x1CE90] =	vst v63  }
0x1a8: {  	s3 =	sadd.s32 @!p2 $0x4E200, s3;
	s16 =	sadd.s32 @!p1 $0xFFFFDB70, s26  }
0x1a9: {  	s16 =	smov.u32 @p1 s3;
	s3 =	smov.u32 s7  }
0x1aa: {  	s3 =	smov.u32 @p1 s6;
	s16 =	sshrl.u32 @!p0 s16, $0x3  }
0x1ab: {  	s17 =	simm.s32 @!p0 $0xF0;
	s3 =	sadd.s32 @!p0 s3, s16;
	s16 =	simm.s32 @!p0 $0x0  }
0x1ac: {  	[tilespmem:s17], [sflag:$0x2] =	stream.linear.gather @!p0 [hbm4b:s3+s16], $0x50, $0x38;
	[tilespmem:$0x1CE90] =	vst v63  }
0x1ad: {  	s3 =	simm.s32 @!p0 $0x1  }
0x1ae: {  	_ =	swait.ge @!p0 [sflag:s3], $0x50  }
0x1af: {  	[sflag:s3] =	ssyncset.done @!p0 $0x0  }
0x1b0: {  	[sflag:s3] =	ssyncadd.s32 @!p0 $0xFFFFFFB0  }
0x1b1: {  	_ =	swait.ge @!p0 [sflag:s3], $0x50  }
0x1b2: {  	[sflag:s3] =	ssyncset.done @!p0 $0x0  }
0x1b3: {  	s17 =	simm.s32 @!p0 $0x280;
	[sflag:s3] =	ssyncadd.s32 @!p0 $0xFFFFFFB0;
	s3 =	simm.s32 @!p0 $0x50  }
0x1b4: {  	[tilespmem:s17], [sflag:$0x5] =	stream.indirect.gather @!p0 [hbm4b:s5+s3], $0x90, s16, s3, $0xb8;
	[tilespmem:$0x1CE90] =	vst v63  }
0x1b5: {  	s16 =	simm.s32 @!p0 $0x5C80  }
0x1b6: {  	[tilespmem:s16], [sflag:$0x7] =	stream.indirect.gather @!p0 [hbm4b:s1+s3], $0x10, s3, s3, $0xb8;
	[tilespmem:$0x1CE90] =	vst v63  }
0x1b7: {  	_ =	swait.ge [sflag:s11], $0x2D00  }
0x1b8: {  	[sflag:s11] =	ssyncset.done $0x0  }
0x1b9: {  	[sflag:s11] =	ssyncadd.s32 $0xFFFFD300  }
0x1ba: {  	_ =	swait.ge [sflag:s12], $0x500  }
0x1bb: {  	[sflag:s12] =	ssyncset.done $0x0  }
0x1bc: {  	s3 =	simm.s32 $0x3010;
	[sflag:s12] =	ssyncadd.s32 $0xFFFFFB00  }
0x1bd: {  	s31 =	simm.s32 $0x6190;
	v9 =	vld [tilespmem:s3+$0x80]  }
0x1be: {  	v10 =	vld [tilespmem:s31+$0x0]  }
0x1bf: {  	v11 =	vld [tilespmem:s31+$0xFFFFFFF0]  }
0x1c0: {  	v12 =	vld [tilespmem:s3+$0xFFFFFFF0]  }
0x1c1: {  	v35 =	vld [tilespmem:s3+$0xFFFFFF70]  }
0x1c2: {  	v36 =	vld [tilespmem:s3+$0xFFFFFF80]  }
0x1c3: {  	v37 =	vld [tilespmem:s3+$0xFFFFFF90];
	v9 =	vadd.f32 v10, v9  }
0x1c4: {  	v44 =	vld [tilespmem:s3+$0xFFFFFFA0]  }
0x1c5: {  	v48 =	vld [tilespmem:s3+$0xFFFFFFB0];
	v10 =	vmul.f32 $2.000000030e-01, v9  }
0x1c6: {  	v21 =	vld [tilespmem:s3+$0xFFFFFFC0];
	vm0 =	vgt.f32 v9, $0.0e+00  }
0x1c7: {  	v16 =	vld [tilespmem:s3+$0xFFFFFFD0];
	v9 =	vsel vm0, v9, v10  }
0x1c8: {  	v22 =	vld [tilespmem:s3+$0xFFFFFFE0];
	v11 =	vadd.f32 v11, v12;
	v9 =	vsub.f32 v9, v8  }
0x1c9: {  	v17 =	vld [tilespmem:s3+$0x0]  }
0x1ca: {  	v18 =	vld [tilespmem:s3+$0x10];
	v10 =	vmul.f32 $2.000000030e-01, v11;
	v9 =	vmul.f32 $1.442695020e+00, v9  }
0x1cb: {  	v13 =	vld [tilespmem:s3+$0x30];
	vm13 =	vgt.f32 v11, $0.0e+00  }
0x1cc: {  	v14 =	vld [tilespmem:s3+$0x40];
	v10 =	vsel vm13, v11, v10;
	(erf) = vpow2.f32 v9  }
0x1cd: {  	s26 =	simm.s32 $0x3130;
	v23 =	vld [tilespmem:s3+$0x60];
	v10 =	vsub.f32 v10, v8  }
0x1ce: {  	s16 =	simm.s32 $0x61B0;
	v15 =	vld [tilespmem:s26+$0x80]  }
0x1cf: {  	v19 =	vld [tilespmem:s16+$0x0];
	v10 =	vmul.f32 $1.442695020e+00, v10  }
0x1d0: {  	v20 =	vld [tilespmem:s3+$0x70]  }
0x1d1: {  	v28 =	vld [tilespmem:s16+$0xFFFFFFF0];
	(erf) = vpow2.f32 v10  }
0x1d2: {  	v29 =	vld [tilespmem:s26+$0xFFFFFFF0]  }
0x1d3: {  	v33 =	vld [tilespmem:s26+$0x20]  }
0x1d4: {  	v34 =	vld [tilespmem:s26+$0x30]  }
0x1d5: {  	v12 =	vld [tilespmem:s3+$0x20];
	v56 =	vpop (erf)  }
0x1d6: {  	v31 =	vadd.f32 v19, v15;
	v15 =	vld [tilespmem:s26+$0xFFFFFF90];
	v26 =	vperm.xlane v56, v0;
	v30 =	vperm.xlane v56, v7  }
0x1d7: {  	v19 =	vld [tilespmem:s26+$0xFFFFFFA0];
	v27 =	vperm.xlane v56, v1;
	v25 =	vperm.xlane v56, v2  }
0x1d8: {  	v60 =	vadd.f32 v28, v29;
	v28 =	vld [tilespmem:s26+$0xFFFFFFC0];
	v57 =	vmul.f32 v30, v20;
	v30 =	vmul.f32 $2.000000030e-01, v31  }
0x1d9: {  	v29 =	vld [tilespmem:s26+$0xFFFFFFD0];
	vm14 =	vgt.f32 v31, $0.0e+00;
	v24 =	vperm.xlane v56, v3;
	v38 =	vperm.xlane v56, v4  }
0x1da: {  	v11 =	vld [tilespmem:s26+$0xFFFFFF80];
	v39 =	vperm.xlane v56, v5;
	v40 =	vperm.xlane v56, v6;
	v58 =	vpop (erf);
	v30 =	vsel vm14, v31, v30  }
0x1db: {  	v9 =	vld [tilespmem:s3+$0x50];
	v59 =	vperm.xlane v58, v0;
	v31 =	vmul.f32 $2.000000030e-01, v60;
	v61 =	vsub.f32 v30, v8  }
0x1dc: {  	vm15 =	vgt.f32 v60, $0.0e+00;
	v10 =	vld [tilespmem:s26+$0xFFFFFF70];
	v49 =	vperm.xlane v58, v1;
	v50 =	vperm.xlane v58, v2  }
0x1dd: {  	v20 =	vld [tilespmem:s26+$0xFFFFFFB0];
	v51 =	vperm.xlane v58, v3;
	v32 =	vsel vm15, v60, v31;
	v62 =	vmul.f32 $1.442695020e+00, v61  }
0x1de: {  	v52 =	vperm.xlane v58, v4;
	v47 =	vmul.f32 v59, v35;
	v35 =	vld [tilespmem:s26+$0x40];
	v63 =	vsub.f32 v32, v8  }
0x1df: {  	v41 =	vperm.xlane v58, v5;
	v30 =	vld [tilespmem:s26+$0xFFFFFFE0];
	(erf) = vpow2.f32 v62  }
0x1e0: {  	[tilespmem:s3+$0x80] =	vst v56;
	v43 =	vperm.xlane v58, v6;
	v31 =	vld [tilespmem:s26+$0x0];
	v53 =	vmul.f32 $1.442695020e+00, v63  }
0x1e1: {  	v42 =	vperm.xlane v58, v7;
	[tilespmem:s3+$0xFFFFFFF0] =	vst v58;
	v45 =	vmul.f32 v49, v36;
	v32 =	vld [tilespmem:s26+$0x10]  }
0x1e2: {  	[tilespmem:s3+$0x70] =	vst v57;
	v36 =	vld [tilespmem:s26+$0x50];
	v46 =	vmul.f32 v50, v37;
	(erf) = vpow2.f32 v53  }
0x1e3: {  	s18 =	simm.s32 $0x3250;
	s17 =	simm.s32 $0x2;
	v37 =	vld [tilespmem:s26+$0x60];
	[tilespmem:s3+$0xFFFFFF70] =	vst v47;
	v47 =	vmul.f32 v51, v44;
	v44 =	vmul.f32 v52, v48  }
.LBB2_11:
0x1e4: {  	v48 =	vld [tilespmem:s18+$0x80];
	s16 =	sadd.s32 $0x20, s16;
	[tilespmem:s3+$0xFFFFFF80] =	vst v45;
	v41 =	vmul.f32 v41, v21;
	v43 =	vmul.f32 v43, v16;
	v21 =	vmovc v28;
	v16 =	vmov v29  }
0x1e5: {  	s17 =	sadd.s32 $0x2, s17;
	v29 =	vmul.f32 v42, v22;
	v42 =	vmul.f32 v26, v17;
	v22 =	vmovc v30;
	v17 =	vmov v31;
	v28 =	vld [tilespmem:s16+$0x0];
	[tilespmem:s3+$0xFFFFFF90] =	vst v46  }
0x1e6: {  	v31 =	vmul.f32 v27, v18;
	v45 =	vmul.f32 v25, v12;
	v18 =	vmovc v32;
	v12 =	vmov v33;
	p0 =	slt.u32 s17, $0x4E;
	v30 =	vld [tilespmem:s26+$0x70];
	[tilespmem:s3+$0xFFFFFFA0] =	vst v47  }
0x1e7: {  	v33 =	vmul.f32 v24, v13;
	v38 =	vmul.f32 v38, v14;
	v13 =	vmovc v34;
	v14 =	vmov v35;
	v32 =	vld [tilespmem:s16+$0xFFFFFFF0];
	[tilespmem:s3+$0xFFFFFFB0] =	vst v44  }
0x1e8: {  	v39 =	vmul.f32 v39, v9;
	v40 =	vmul.f32 v40, v23;
	v9 =	vmov v36;
	v34 =	vld [tilespmem:s18+$0xFFFFFFF0];
	v35 =	vpop (erf);
	[tilespmem:s3+$0xFFFFFFC0] =	vst v41  }
0x1e9: {  	v23 =	vmov v37;
	v36 =	vld [tilespmem:s18+$0xFFFFFF70];
	v26 =	vperm.xlane v35, v0;
	v41 =	vperm.xlane v35, v7;
	[tilespmem:s3+$0xFFFFFFD0] =	vst v43  }
0x1ea: {  	v27 =	vperm.xlane v35, v1;
	v25 =	vperm.xlane v35, v2;
	v37 =	vld [tilespmem:s18+$0xFFFFFF80];
	v43 =	vadd.f32 v28, v48;
	[tilespmem:s3+$0xFFFFFFE0] =	vst v29  }
0x1eb: {  	v24 =	vperm.xlane v35, v3;
	v44 =	vld [tilespmem:s18+$0xFFFFFF90];
	v28 =	vmul.f32 v41, v30;
	v46 =	vpop (erf);
	[tilespmem:s3+$0x0] =	vst v42  }
0x1ec: {  	v48 =	vld [tilespmem:s18+$0xFFFFFFA0];
	v29 =	vmul.f32 $2.000000030e-01, v43;
	v47 =	vperm.xlane v46, v0;
	[tilespmem:s3+$0x10] =	vst v31  }
0x1ed: {  	vm0 =	vgt.f32 v43, $0.0e+00;
	v50 =	vperm.xlane v46, v1;
	v49 =	vld [tilespmem:s18+$0xFFFFFFB0];
	v31 =	vadd.f32 v32, v34;
	[tilespmem:s26+$0x70] =	vst v28  }
0x1ee: {  	v51 =	vperm.xlane v46, v2;
	v52 =	vperm.xlane v46, v3;
	v28 =	vld [tilespmem:s18+$0xFFFFFFC0];
	v30 =	vsel vm0, v43, v29;
	[tilespmem:s3+$0x20] =	vst v45  }
0x1ef: {  	v29 =	vld [tilespmem:s18+$0xFFFFFFD0];
	vm0 =	vgt.f32 v31, $0.0e+00;
	v32 =	vmul.f32 $2.000000030e-01, v31;
	v34 =	vsub.f32 v30, v8;
	[tilespmem:s3+$0x30] =	vst v33  }
0x1f0: {  	v53 =	vperm.xlane v46, v4;
	v41 =	vperm.xlane v46, v5;
	v30 =	vld [tilespmem:s18+$0xFFFFFFE0];
	[tilespmem:s3+$0x40] =	vst v38  }
0x1f1: {  	v43 =	vperm.xlane v46, v6;
	v32 =	vsel vm0, v31, v32;
	v31 =	vld [tilespmem:s18+$0x0];
	v34 =	vmul.f32 $1.442695020e+00, v34;
	[tilespmem:s3+$0x50] =	vst v39  }
0x1f2: {  	v42 =	vperm.xlane v46, v7;
	v38 =	vperm.xlane v35, v4;
	v45 =	vsub.f32 v32, v8;
	v32 =	vld [tilespmem:s18+$0x10];
	[tilespmem:s3+$0x60] =	vst v40;
	s3 =	smov.u32 s26;
	s26 =	smov.u32 s18  }
.Ltmp4:
0x1f3: {  	v39 =	vperm.xlane v35, v5;
	v33 =	vld [tilespmem:s18+$0x20];
	(erf) = vpow2.f32 v34;
	[tilespmem:s3+$0xFFFFFFF0] =	vst v46;
	(pc) =	sbr.rel @p0 .LBB2_11-.Ltmp4, $4  }
0x1f4: {  	v40 =	vperm.xlane v35, v6;
	v46 =	vmul.f32 $1.442695020e+00, v45;
	v34 =	vld [tilespmem:s18+$0x30];
	[tilespmem:s3+$0x80] =	vst v35  }
0x1f5: {  	v47 =	vmul.f32 v47, v10;
	v10 =	vmovc v36;
	v45 =	vmul.f32 v50, v11;
	v11 =	vmov v37;
	v35 =	vld [tilespmem:s18+$0x40]  }
0x1f6: {  	v36 =	vld [tilespmem:s18+$0x50];
	(erf) = vpow2.f32 v46;
	v46 =	vmul.f32 v51, v15;
	v15 =	vmov v44  }
0x1f7: {  	s18 =	sadd.s32 $0x120, s18;
	v44 =	vmul.f32 v53, v20;
	v20 =	vmovc v49;
	v37 =	vld [tilespmem:s26+$0x60];
	[tilespmem:s3+$0xFFFFFF70] =	vst v47;
	v47 =	vmul.f32 v52, v19;
	v19 =	vmov v48  }
0x1f8: {  	[tilespmem:s3+$0xFFFFFF80] =	vst v45  }
0x1f9: {  	[tilespmem:s3+$0xFFFFFF90] =	vst v46  }
0x1fa: {  	v21 =	vmul.f32 v41, v21;
	[tilespmem:s3+$0xFFFFFFA0] =	vst v47  }
0x1fb: {  	v16 =	vmul.f32 v43, v16;
	[tilespmem:s3+$0xFFFFFFB0] =	vst v44  }
0x1fc: {  	v22 =	vmul.f32 v42, v22;
	[tilespmem:s3+$0xFFFFFFC0] =	vst v21  }
0x1fd: {  	v17 =	vmul.f32 v26, v17;
	[tilespmem:s3+$0xFFFFFFD0] =	vst v16  }
0x1fe: {  	v53 =	vmul.f32 v27, v18;
	[tilespmem:s3+$0xFFFFFFE0] =	vst v22  }
0x1ff: {  	v12 =	vmul.f32 v25, v12;
	[tilespmem:s3+$0x0] =	vst v17  }
0x200: {  	v13 =	vmul.f32 v24, v13;
	[tilespmem:s3+$0x10] =	vst v53  }
0x201: {  	v50 =	vld [tilespmem:s26+$0x70];
	v14 =	vmul.f32 v38, v14;
	[tilespmem:s3+$0x20] =	vst v12  }
0x202: {  	v9 =	vmul.f32 v39, v9;
	[tilespmem:s3+$0x30] =	vst v13  }
0x203: {  	v55 =	vmul.f32 v40, v23;
	[tilespmem:s3+$0x40] =	vst v14;
	v51 =	vpop (erf)  }
0x204: {  	[tilespmem:s3+$0x50] =	vst v9;
	v52 =	vperm.xlane v51, v7  }
0x205: {  	[tilespmem:s3+$0x60] =	vst v55;
	v61 =	vperm.xlane v51, v0;
	v56 =	vpop (erf)  }
0x206: {  	[tilespmem:s26+$0x80] =	vst v51;
	v54 =	vmul.f32 v52, v50;
	v57 =	vperm.xlane v56, v0  }
0x207: {  	v13 =	vmul.f32 v61, v31;
	v9 =	vperm.xlane v56, v1;
	[tilespmem:s26+$0xFFFFFFF0] =	vst v56  }
0x208: {  	v58 =	vperm.xlane v56, v2;
	[tilespmem:s26+$0x70] =	vst v54;
	v10 =	vmul.f32 v57, v10  }
0x209: {  	v59 =	vperm.xlane v56, v3;
	[tilespmem:s26+$0x0] =	vst v13;
	v9 =	vmul.f32 v9, v11  }
0x20a: {  	v11 =	vperm.xlane v56, v4;
	v12 =	vmul.f32 v58, v15;
	[tilespmem:s26+$0xFFFFFF70] =	vst v10  }
0x20b: {  	v60 =	vperm.xlane v56, v7;
	v14 =	vmul.f32 v59, v19;
	[tilespmem:s26+$0xFFFFFF80] =	vst v9  }
0x20c: {  	v10 =	vperm.xlane v56, v5;
	v11 =	vmul.f32 v11, v20;
	[tilespmem:s26+$0xFFFFFF90] =	vst v12  }
0x20d: {  	v9 =	vperm.xlane v56, v6;
	[tilespmem:s26+$0xFFFFFFA0] =	vst v14;
	v12 =	vmul.f32 v60, v30  }
0x20e: {  	v62 =	vperm.xlane v51, v4;
	v10 =	vmul.f32 v10, v28;
	[tilespmem:s26+$0xFFFFFFB0] =	vst v11  }
0x20f: {  	v9 =	vmul.f32 v9, v29;
	v11 =	vperm.xlane v51, v1;
	[tilespmem:s26+$0xFFFFFFE0] =	vst v12  }
0x210: {  	v12 =	vmul.f32 v62, v35;
	[tilespmem:s26+$0xFFFFFFC0] =	vst v10;
	v10 =	vperm.xlane v51, v2  }
0x211: {  	[tilespmem:s26+$0xFFFFFFD0] =	vst v9;
	v9 =	vperm.xlane v51, v3;
	v11 =	vmul.f32 v11, v32  }
0x212: {  	s23 =	sadd.s32 $0x1, s23;
	v63 =	vperm.xlane v51, v5;
	[tilespmem:s26+$0x40] =	vst v12;
	v10 =	vmul.f32 v10, v33  }
0x213: {  	p0 =	sne.s32 s23, $0x20;
	v9 =	vmul.f32 v9, v34;
	[tilespmem:s26+$0x10] =	vst v11;
	v11 =	vperm.xlane v51, v6  }
.Ltmp5:
0x214: {  	[tilespmem:s26+$0x20] =	vst v10;
	v10 =	vmul.f32 v63, v36;
	(pc) =	sbr.rel @p0 .LBB2_2-.Ltmp5, $4  }
0x215: {  	[tilespmem:s26+$0x30] =	vst v9;
	v9 =	vmul.f32 v11, v37  }
0x216: {  	[tilespmem:s26+$0x50] =	vst v10  }
0x217: {  	[tilespmem:s26+$0x60] =	vst v9  }
0x218: {  	[spmem:s2] =	stream.indirect.scatter.add.f32 [tilespmem:s8], [sflag:$0xA], $0x90, s20, s25, $0xb8;
	[tilespmem:$0x1CE90] =	vst v63  }
0x219: {  	_ =	swait.ge [sflag:s22], $0x2D00  }
0x21a: {  	[sflag:s22] =	ssyncset.done $0x0  }
0x21b: {  	[sflag:s22] =	ssyncadd.s32 $0xFFFFD300  }
0x21c: {  	[bflag:$0x0] =	sbarrier.arrive $0xFFFF  }
0x21d: {  	s16 =	rddreg [dreg:$0x7]  }
0x21e: {  	s3 =	rddreg [dreg:$0xe]  }
0x21f: {  	s18 =	simm.s32 $0xB;
	s17 =	rddreg [dreg:$0x10]  }
0x220: {  	[hbm:s3], [sflag:s16] =	dma.local [spmem:s17], $0x2D00  }
0x221: {  	_ =	swait.ge [sflag:s18], $0x2D00  }
0x222: {  	s23 =	rddreg [dreg:$0x11]  }
0x223: {  	s31 =	rddreg [dreg:$0xf];
	s23 =	sadd.s32 $0x1, s23  }
0x224: {  	p0 =	sne.s32 s23, s31  }
.Ltmp6:
0x225: {  	_ = 	snop;
	(pc) =	sbr.rel @p0 .LBB2_1-.Ltmp6, $3  }
0x226: {  	_ =	sdelay $0x1  }
0x227: {  	[sflag:s18] =	ssyncset.done $0x0  }
0x228: {  	[sflag:s18] =	ssyncadd.s32 $0xFFFFD300  }
0x229: {  	_ =	sfence.sel $0x180000  }
0x22a: {  	[bflag:$0x0] =	sbarrier.arrive $0xFFFF  }
0x22b: {  	_ =	strace $0x90000047  }
0x22c: {  	s0 =	stileid.u32;
	[bflag:$0x2] =	sbarrier.arrive $0xFFFF  }
0x22d: {  	p0 =	sne.s32 s0, $0x0;
	s0 =	rddreg [dreg:$0x3]  }
0x22e: {  	s0 =	sadd.s32 @!p0 $0x100000, s0  }
0x22f: {  	[sflag:s0] =	ssyncadd.tile.s32 @!p0 $0x1;
	_ =	shalt  }
.Lfunc_end2:
_tile_overlayer_lowered:
.L_overlay_start_2:
0x230: {  	(tag) =	ssettag $0x2  }
0x231: {  	s0 =	rddreg [dreg:$0x0];
	s2 =	stileid.u32  }
0x232: {  	s1 =	rddreg [dreg:$0x1];
	p0 =	sne.s32 s2, $0x0  }
0x233: {  	s3 =	rddreg [dreg:$0x2];
	[bflag:$0x3] =	sbarrier.arrive $0xFFFF;
	s2 =	simm.s32 @!p0 $0x1C0B  }
0x234: {  	[timem:s3], [sflag:s2] =	dma.local @!p0 [hbm:s0], s1  }
0x235: {  	s0 =	simm.s32 @!p0 $0xB  }
0x236: {  	_ =	swait.ge @!p0 [sflag:s0], s1  }
0x237: {  	s1 =	ssub.s32 @!p0 $0x0, s1;
	[sflag:s0] =	ssyncset.done @!p0 $0x0  }
0x238: {  	[sflag:s0] =	ssyncadd.s32 @!p0 s1  }
0x239: {  	[bflag:$0x3] =	sbarrier.arrive $0xFFFF  }
0x23a: {  	_ =	shalt  }

</sc_bundles>
